<compile_context>
chip_gen: v7x
topology: tpu7x:2x2x1
jax: 0.10.2.dev20260603
libtpu: 0.0.44.dev20260713+nightly
codegen_flags: <defaults>
</compile_context>

<pallas_src>
import functools

import jax
import jax.numpy as jnp
from jax import lax
from jax.experimental import pallas as pl
from jax.experimental.pallas import tpu as pltpu
from jax.experimental.pallas import tpu_sc as plsc

N = 10000
E = 320000
D = 128

NC = 2
NS = 16
NW = NC * NS
K = 128
TCH = E // K
CQ = TCH // NW
CR = TCH % NW


def _chunk_range(wid):
    start = wid * CQ + jnp.minimum(wid, CR)
    cnt = CQ + jnp.where(wid < CR, 1, 0)
    return start, cnt
RPT = 624
RPT_LAST = N - (NS - 1) * RPT


def _copy_tile_rows(s, copy_fn):
    base = s * RPT

    @pl.when(s < NS - 1)
    def _():
        copy_fn(base, RPT)

    @pl.when(s == NS - 1)
    def _():
        copy_fn(base, RPT_LAST)

_MESH = plsc.VectorSubcoreMesh(core_axis_name="c", subcore_axis_name="s")


@functools.partial(
    pl.kernel,
    out_type=jax.ShapeDtypeStruct((NC, N, D), jnp.float32),
    mesh=_MESH,
    scratch_types=(
        [pltpu.VMEM((K,), jnp.int32)] * 4
        + [pltpu.VMEM((K, D), jnp.float32)]
        + [pltpu.VMEM_SHARED((N, D), jnp.float32)]
        + [pltpu.SemaphoreType.DMA] * 8
    ),
)
def _sc_degree(eidx_hbm, zeros_hbm, ones_hbm, out_hbm, *scr):
    didx = scr[0:4]
    ones_v = scr[4]
    acc = scr[5]
    isem = scr[6:10]
    ssem = scr[10:14]
    c = lax.axis_index("c")
    s = lax.axis_index("s")
    wid = c * NS + s
    cstart, cnt = _chunk_range(wid)

    def issue_idx(jc, b):
        pltpu.async_copy(eidx_hbm.at[pl.ds(E + (cstart + jc) * K, K)],
                         didx[b], isem[b])

    def wait_idx(b):
        pltpu.make_async_copy(eidx_hbm.at[pl.ds(0, K)], didx[b],
                              isem[b]).wait()

    def issue_scatter(b):
        pltpu.async_copy(ones_v, acc.at[didx[b]], ssem[b], add=True)

    def wait_scatter(b):
        pltpu.make_async_copy(zeros_hbm.at[pl.ds(0, K), :], ones_v,
                              ssem[b]).wait()

    _copy_tile_rows(s, lambda b, n: pltpu.sync_copy(
        zeros_hbm.at[pl.ds(0, n), :], acc.at[pl.ds(b, n), :]))
    pltpu.sync_copy(ones_hbm, ones_v)
    plsc.subcore_barrier()

    for o in range(4):
        issue_idx(o, o)

    def body(j4, _):
        a = 4 * j4
        for o in range(4):
            @pl.when(a + o < cnt)
            def _(o=o):
                wait_idx(o)
                issue_scatter(o)

        for o in range(4):
            @pl.when(a + o + 4 < cnt)
            def _(o=o):
                wait_scatter(o)
                issue_idx(a + o + 4, o)

        return ()

    lax.fori_loop(0, (cnt + 3) // 4, body, (), unroll=False)
    for o in range(4):
        wait_scatter(o)
    plsc.subcore_barrier()
    _copy_tile_rows(s, lambda b, n: pltpu.sync_copy(
        acc.at[pl.ds(b, n), :], out_hbm.at[c, pl.ds(b, n), :]))


@functools.partial(
    pl.kernel,
    out_type=jax.ShapeDtypeStruct((NC, N, D), jnp.float32),
    mesh=_MESH,
    scratch_types=(
        [pltpu.VMEM((K,), jnp.int32)] * 12
        + [pltpu.VMEM((K, D), jnp.float32)] * 3
        + [pltpu.VMEM_SHARED((N, D), jnp.float32)]
        + [pltpu.SemaphoreType.DMA] * 12
    ),
)
def _sc_scatter(g_hbm, eidx_hbm, out_hbm, *scr):
    sidx = scr[0:6]
    didx = scr[6:12]
    rows = scr[12:15]
    acc = scr[15]
    isem = scr[16:22]
    gsem = scr[22:25]
    ssem = scr[25:28]
    c = lax.axis_index("c")
    s = lax.axis_index("s")
    wid = c * NS + s
    cstart, cnt = _chunk_range(wid)

    def issue_idx(jc, b):
        base = (cstart + jc) * K
        pltpu.async_copy(eidx_hbm.at[pl.ds(base, K)], sidx[b], isem[b])
        pltpu.async_copy(eidx_hbm.at[pl.ds(E + base, K)], didx[b], isem[b])

    def wait_idx(b):
        pltpu.make_async_copy(eidx_hbm.at[pl.ds(0, K)], sidx[b],
                              isem[b]).wait()
        pltpu.make_async_copy(eidx_hbm.at[pl.ds(0, K)], didx[b],
                              isem[b]).wait()

    def issue_gather(ib, rb):
        pltpu.async_copy(g_hbm.at[sidx[ib]], rows[rb], gsem[rb])

    def wait_gather(rb):
        pltpu.make_async_copy(g_hbm.at[pl.ds(0, K), :], rows[rb],
                              gsem[rb]).wait()

    def issue_scatter(ib, rb):
        pltpu.async_copy(rows[rb], acc.at[didx[ib]], ssem[rb], add=True)

    def wait_scatter(rb):
        pltpu.make_async_copy(g_hbm.at[pl.ds(0, K), :], rows[rb],
                              ssem[rb]).wait()

    _copy_tile_rows(s, lambda b, n: pltpu.sync_copy(
        g_hbm.at[pl.ds(b, n), :], acc.at[pl.ds(b, n), :]))
    plsc.subcore_barrier()

    for o in range(6):
        issue_idx(o, o)
    for o in range(3):
        wait_idx(o)
        issue_gather(o, o)

    def _tick(a, ib):
        for o in range(3):
            @pl.when(a + o < cnt)
            def _(o=o):
                wait_gather(o)
                issue_scatter(ib + o, o)

        for o in range(3):
            @pl.when(a + o + 3 < cnt)
            def _(o=o):
                wait_scatter(o)
                wait_idx((ib + 3 + o) % 6)
                issue_gather((ib + 3 + o) % 6, o)

            @pl.when(a + o + 6 < cnt)
            def _(o=o):
                issue_idx(a + o + 6, (ib + o) % 6)

    def body(j6, _):
        a = 6 * j6
        _tick(a, 0)
        _tick(a + 3, 3)
        return ()

    lax.fori_loop(0, (cnt + 5) // 6, body, (), unroll=False)
    for o in range(3):
        wait_scatter(o)
    plsc.subcore_barrier()
    _copy_tile_rows(s, lambda b, n: pltpu.sync_copy(
        acc.at[pl.ds(b, n), :], out_hbm.at[c, pl.ds(b, n), :]))


def _tc_mm_body(x_ref, w1_ref, h_ref):
    h_ref[...] = jnp.dot(x_ref[...], w1_ref[...],
                         preferred_element_type=jnp.float32)


def _tc1_body(h_ref, degp_ref, dinv_ref, g1_ref):
    deg = 1.0 + degp_ref[0, :, 0:1] + degp_ref[1, :, 0:1]
    dinv = lax.rsqrt(deg)
    dinv_ref[...] = dinv
    g1_ref[...] = h_ref[...] * dinv


def _tc2_body(scatp_ref, g1_ref, dinv_ref, b1_ref, w2_ref, g2_ref):
    pre = scatp_ref[0] + scatp_ref[1] - g1_ref[...]
    h1 = jnp.maximum(dinv_ref[...] * pre + b1_ref[...], 0.0)
    h2 = jnp.dot(h1, w2_ref[...], preferred_element_type=jnp.float32)
    g2_ref[...] = h2 * dinv_ref[...]


def _tc3_body(scatp_ref, g2_ref, dinv_ref, b2_ref, gamma_ref, beta_ref,
              wf1_ref, bf1_ref, wf2_ref, bf2_ref, out_ref):
    pre = scatp_ref[0] + scatp_ref[1] - g2_ref[...]
    h = dinv_ref[...] * pre + b2_ref[...]
    h = jnp.where(h > 0, h, 0.01 * h)
    mu = jnp.mean(h, axis=0, keepdims=True)
    xc = h - mu
    var = jnp.mean(xc * xc, axis=0, keepdims=True)
    hn = gamma_ref[...] * xc / jnp.sqrt(var + 1e-5) + beta_ref[...]
    t = jnp.dot(hn, wf1_ref[...], preferred_element_type=jnp.float32)
    t = t + bf1_ref[...]
    t = jnp.where(t > 0, t, 0.01 * t)
    res = (jnp.dot(t, wf2_ref[...],
                   preferred_element_type=jnp.float32) + bf2_ref[...])
    out_ref[...] = res[:, :8]


def kernel(x, edge_index, W1, b1, W2, b2, gamma, beta, Wf1, bf1, Wf2, bf2):
    f32 = jnp.float32
    eflat = edge_index.reshape(2 * E)

    zeros_blk = jnp.zeros((RPT_LAST, D), f32)
    ones_blk = jnp.ones((K, D), f32)
    degp = _sc_degree(eflat, zeros_blk, ones_blk)

    h1pre = pl.pallas_call(
        _tc_mm_body,
        out_shape=jax.ShapeDtypeStruct((N, D), f32),
    )(x, W1)

    dinv, g1 = pl.pallas_call(
        _tc1_body,
        out_shape=(jax.ShapeDtypeStruct((N, 1), f32),
                   jax.ShapeDtypeStruct((N, D), f32)),
    )(h1pre, degp)

    scatp1 = _sc_scatter(g1, eflat)

    g2 = pl.pallas_call(
        _tc2_body,
        out_shape=jax.ShapeDtypeStruct((N, D), f32),
    )(scatp1, g1, dinv, b1.reshape(1, D), W2)

    scatp2 = _sc_scatter(g2, eflat)

    Wf1p = jnp.zeros((D, 128), f32).at[:, :Wf1.shape[1]].set(Wf1)
    bf1p = jnp.zeros((1, 128), f32).at[0, :bf1.shape[0]].set(bf1)
    Wf2p = jnp.zeros((128, 128), f32).at[:Wf2.shape[0], :Wf2.shape[1]].set(Wf2)
    bf2p = jnp.zeros((1, 128), f32).at[0, :bf2.shape[0]].set(bf2)

    out8 = pl.pallas_call(
        _tc3_body,
        out_shape=jax.ShapeDtypeStruct((N, 8), f32),
    )(scatp2, g2, dinv, b2.reshape(1, D), gamma.reshape(1, D),
      beta.reshape(1, D), Wf1p, bf1p, Wf2p, bf2p)

    return out8[:, :Wf2.shape[1]]

# --- scband reference (transcript-rebuilt; emitter-appended) ---
"""Pipeline reference for scband-model-deep-71597104824827 (READ-ONLY COPY).

The authoritative reference and input builder live on the scoring server;
editing this copy changes nothing except your own understanding.
"""

import jax, jax.numpy as jnp
import numpy as np

N = 10000
E = 320000
D = 128
H = 128
EMB = 128


def _leaky(x):
    return jnp.where(x > 0, x, 0.01 * x)


def _gcn_conv(x, edge_index, W, b):
    n = x.shape[0]
    src = edge_index[0]
    dst = edge_index[1]
    loop = jnp.arange(n, dtype=src.dtype)
    src_all = jnp.concatenate([src, loop])
    dst_all = jnp.concatenate([dst, loop])
    deg = jnp.zeros((n,), jnp.float32).at[dst_all].add(1.0)
    dinv = jnp.where(deg > 0, 1.0 / jnp.sqrt(deg), 0.0)
    norm = dinv[src_all] * dinv[dst_all]
    h = x @ W
    msg = jnp.take(h, src_all, axis=0) * norm[:, None]
    out = jnp.zeros((n, W.shape[1]), jnp.float32).at[dst_all].add(msg)
    return out + b


def _batchnorm(x, gamma, beta, eps=1e-5):
    mu = jnp.mean(x, axis=0)
    var = jnp.var(x, axis=0)
    return gamma * (x - mu) / jnp.sqrt(var + eps) + beta


def setup_inputs(seed: int = 0):
    key = jax.random.key(seed)
    ks = jax.random.split(key, 12)
    x = jax.random.normal(ks[0], (N, D), dtype=jnp.float32)
    edge_index = jax.random.randint(ks[1], (2, E), 0, N, dtype=jnp.int32)
    W1 = jax.random.normal(ks[2], (D, H), dtype=jnp.float32) * (1.0 / np.sqrt(D))
    b1 = jnp.zeros((H,), jnp.float32)
    W2 = jax.random.normal(ks[3], (H, EMB), dtype=jnp.float32) * (1.0 / np.sqrt(H))
    b2 = jnp.zeros((EMB,), jnp.float32)
    gamma = jnp.ones((EMB,), jnp.float32)
    beta = jnp.zeros((EMB,), jnp.float32)
    Wf1 = jax.random.normal(ks[4], (EMB, 10), dtype=jnp.float32) * (1.0 / np.sqrt(EMB))
    bf1 = jnp.zeros((10,), jnp.float32)
    Wf2 = jax.random.normal(ks[5], (10, 5), dtype=jnp.float32) * (1.0 / np.sqrt(10))
    bf2 = jnp.zeros((5,), jnp.float32)
    return {"x": x, "edge_index": edge_index, "W1": W1, "b1": b1, "W2": W2,
            "b2": b2, "gamma": gamma, "beta": beta, "Wf1": Wf1, "bf1": bf1,
            "Wf2": Wf2, "bf2": bf2}


def reference(x, edge_index, W1, b1, W2, b2, gamma, beta, Wf1, bf1, Wf2, bf2):
    h = jax.nn.relu(_gcn_conv(x, edge_index, W1, b1))
    h = _gcn_conv(h, edge_index, W2, b2)
    h = _leaky(h)
    h = _batchnorm(h, gamma, beta)
    # dropout omitted (deterministic reference; p=0.2 only in training)
    h = _leaky(h @ Wf1 + bf1)
    h = h @ Wf2 + bf2
    return h

if __name__ == "__main__":
    import jax
    _d = setup_inputs()
    print(jax.jit(kernel)(*tuple(_d.values())))

</pallas_src>

<mosaic_0001>
#map = affine_map<(d0, d1) -> (0, 0)>
#map1 = affine_map<(d0, d1) -> (0)>
#map2 = affine_map<(d0, d1) -> (0, 0, 0)>
module attributes {stable_mosaic.version = 14 : i64} {
  func.func @_sc_scatter(%arg0: i32, %arg1: i32, %arg2: memref<10000x128xf32, #tpu.memory_space<hbm>>, %arg3: memref<640000xi32, #tpu.memory_space<hbm>>, %arg4: memref<2x10000x128xf32, #tpu.memory_space<hbm>>, %arg5: memref<128xi32, #tpu.memory_space<vmem>>, %arg6: memref<128xi32, #tpu.memory_space<vmem>>, %arg7: memref<128xi32, #tpu.memory_space<vmem>>, %arg8: memref<128xi32, #tpu.memory_space<vmem>>, %arg9: memref<128xi32, #tpu.memory_space<vmem>>, %arg10: memref<128xi32, #tpu.memory_space<vmem>>, %arg11: memref<128xi32, #tpu.memory_space<vmem>>, %arg12: memref<128xi32, #tpu.memory_space<vmem>>, %arg13: memref<128xi32, #tpu.memory_space<vmem>>, %arg14: memref<128xi32, #tpu.memory_space<vmem>>, %arg15: memref<128xi32, #tpu.memory_space<vmem>>, %arg16: memref<128xi32, #tpu.memory_space<vmem>>, %arg17: memref<128x128xf32, #tpu.memory_space<vmem>>, %arg18: memref<128x128xf32, #tpu.memory_space<vmem>>, %arg19: memref<128x128xf32, #tpu.memory_space<vmem>>, %arg20: memref<10000x128xf32, #tpu.memory_space<vmem_shared>>, %arg21: memref<!tpu.dma_semaphore, #tpu.memory_space<semaphore_mem>>, %arg22: memref<!tpu.dma_semaphore, #tpu.memory_space<semaphore_mem>>, %arg23: memref<!tpu.dma_semaphore, #tpu.memory_space<semaphore_mem>>, %arg24: memref<!tpu.dma_semaphore, #tpu.memory_space<semaphore_mem>>, %arg25: memref<!tpu.dma_semaphore, #tpu.memory_space<semaphore_mem>>, %arg26: memref<!tpu.dma_semaphore, #tpu.memory_space<semaphore_mem>>, %arg27: memref<!tpu.dma_semaphore, #tpu.memory_space<semaphore_mem>>, %arg28: memref<!tpu.dma_semaphore, #tpu.memory_space<semaphore_mem>>, %arg29: memref<!tpu.dma_semaphore, #tpu.memory_space<semaphore_mem>>, %arg30: memref<!tpu.dma_semaphore, #tpu.memory_space<semaphore_mem>>, %arg31: memref<!tpu.dma_semaphore, #tpu.memory_space<semaphore_mem>>, %arg32: memref<!tpu.dma_semaphore, #tpu.memory_space<semaphore_mem>>) attributes {dimension_semantics = [#tpu.dimension_semantics<core_parallel>, #tpu.dimension_semantics<subcore_parallel>], iteration_bounds = array<i64: 2, 16>, scalar_prefetch = 0 : i64, scratch_operands = 28 : i64, tpu.core_type = #tpu.core_type<sc_vector_subcore>, window_params = [{transform_indices = #map}, {transform_indices = #map1}, {transform_indices = #map2}]} {
    %mul3A = arith.constant 16 : i32
    %mul3A_0 = arith.muli %arg0, %mul3A : i32
    %add3A = arith.addi %mul3A_0, %arg1 : i32
    %mul3A_1 = arith.constant 78 : i32
    %mul3A_2 = arith.muli %add3A, %mul3A_1 : i32
    %min3A = arith.constant 4 : i32
    %min3A_3 = arith.minsi %add3A, %min3A : i32
    %add3A_4 = arith.addi %mul3A_2, %min3A_3 : i32
    %lt3A = arith.constant 4 : i32
    %lt3A_5 = arith.cmpi slt, %add3A, %lt3A : i32
    %jit3A = arith.constant 1 : i32
    %jit3A_6 = arith.constant 0 : i32
    %select_n3A = arith.select %lt3A_5, %jit3A, %jit3A_6 : i32
    %add3A_7 = arith.constant 78 : i32
    %add3A_8 = arith.addi %add3A_7, %select_n3A : i32
    %mul3A_9 = arith.constant 624 : i32
    %mul3A_10 = arith.muli %arg1, %mul3A_9 : i32
    %lt3A_11 = arith.constant 15 : i32
    %lt3A_12 = arith.cmpi slt, %arg1, %lt3A_11 : i32
    %convert_element_type3A = arith.extui %lt3A_12 : i1 to i32
    %cond3A = arith.constant 0 : i32
    %cond3A_13 = arith.cmpi ne, %convert_element_type3A, %cond3A : i32
    scf.if %cond3A_13 {
      "tpu.region"() ({
        %run_scoped3A = tpu.sem_alloc : memref<!tpu.dma_semaphore, #tpu.memory_space<semaphore_mem>>
        %dma_start3A_168 = arith.constant 0 : i32
        %dma_start3A_169 = tpu.memref_slice %arg20[%mul3A_10, %dma_start3A_168] : memref<10000x128xf32, #tpu.memory_space<vmem_shared>> -> memref<624x128xf32, #tpu.memory_space<vmem_shared>>
        %dma_start3A_170 = arith.constant 0 : i32
        %dma_start3A_171 = tpu.memref_slice %arg2[%mul3A_10, %dma_start3A_170] : memref<10000x128xf32, #tpu.memory_space<hbm>> -> memref<624x128xf32, #tpu.memory_space<hbm>>
        tpu.enqueue_dma source(%dma_start3A_171 : memref<624x128xf32, #tpu.memory_space<hbm>>) target(%dma_start3A_169 : memref<624x128xf32, #tpu.memory_space<vmem_shared>>) target_semaphore(%run_scoped3A : memref<!tpu.dma_semaphore, #tpu.memory_space<semaphore_mem>>)
        %dma_wait3A_172 = arith.constant 0 : i32
        %dma_wait3A_173 = tpu.memref_slice %arg20[%mul3A_10, %dma_wait3A_172] : memref<10000x128xf32, #tpu.memory_space<vmem_shared>> -> memref<624x128xf32, #tpu.memory_space<vmem_shared>>
        %dma_wait3A_174 = arith.constant 0 : i32
        %dma_wait3A_175 = tpu.memref_slice %arg2[%mul3A_10, %dma_wait3A_174] : memref<10000x128xf32, #tpu.memory_space<hbm>> -> memref<624x128xf32, #tpu.memory_space<hbm>>
        tpu.wait_dma2 semaphore(%run_scoped3A : memref<!tpu.dma_semaphore, #tpu.memory_space<semaphore_mem>>) src(%dma_wait3A_175 : memref<624x128xf32, #tpu.memory_space<hbm>>) dst(%dma_wait3A_173 : memref<624x128xf32, #tpu.memory_space<vmem_shared>>)
        tpu.yield
      }) : () -> ()
    } else {
    }
    %eq3A = arith.constant 15 : i32
    %eq3A_14 = arith.cmpi eq, %arg1, %eq3A : i32
    %convert_element_type3A_15 = arith.extui %eq3A_14 : i1 to i32
    %cond3A_16 = arith.constant 0 : i32
    %cond3A_17 = arith.cmpi ne, %convert_element_type3A_15, %cond3A_16 : i32
    scf.if %cond3A_17 {
      "tpu.region"() ({
        %run_scoped3A = tpu.sem_alloc : memref<!tpu.dma_semaphore, #tpu.memory_space<semaphore_mem>>
        %dma_start3A_168 = arith.constant 0 : i32
        %dma_start3A_169 = tpu.memref_slice %arg20[%mul3A_10, %dma_start3A_168] : memref<10000x128xf32, #tpu.memory_space<vmem_shared>> -> memref<640x128xf32, #tpu.memory_space<vmem_shared>>
        %dma_start3A_170 = arith.constant 0 : i32
        %dma_start3A_171 = tpu.memref_slice %arg2[%mul3A_10, %dma_start3A_170] : memref<10000x128xf32, #tpu.memory_space<hbm>> -> memref<640x128xf32, #tpu.memory_space<hbm>>
        tpu.enqueue_dma source(%dma_start3A_171 : memref<640x128xf32, #tpu.memory_space<hbm>>) target(%dma_start3A_169 : memref<640x128xf32, #tpu.memory_space<vmem_shared>>) target_semaphore(%run_scoped3A : memref<!tpu.dma_semaphore, #tpu.memory_space<semaphore_mem>>)
        %dma_wait3A_172 = arith.constant 0 : i32
        %dma_wait3A_173 = tpu.memref_slice %arg20[%mul3A_10, %dma_wait3A_172] : memref<10000x128xf32, #tpu.memory_space<vmem_shared>> -> memref<640x128xf32, #tpu.memory_space<vmem_shared>>
        %dma_wait3A_174 = arith.constant 0 : i32
        %dma_wait3A_175 = tpu.memref_slice %arg2[%mul3A_10, %dma_wait3A_174] : memref<10000x128xf32, #tpu.memory_space<hbm>> -> memref<640x128xf32, #tpu.memory_space<hbm>>
        tpu.wait_dma2 semaphore(%run_scoped3A : memref<!tpu.dma_semaphore, #tpu.memory_space<semaphore_mem>>) src(%dma_wait3A_175 : memref<640x128xf32, #tpu.memory_space<hbm>>) dst(%dma_wait3A_173 : memref<640x128xf32, #tpu.memory_space<vmem_shared>>)
        tpu.yield
      }) : () -> ()
    } else {
    }
    %barrier3A = arith.constant 0 : index
    tpu.barrier barrier_id(%barrier3A)
    %add3A_18 = arith.constant 0 : i32
    %add3A_19 = arith.addi %add3A_4, %add3A_18 : i32
    %mul3A_20 = arith.constant 128 : i32
    %mul3A_21 = arith.muli %add3A_19, %mul3A_20 : i32
    %dma_start3A = tpu.memref_slice %arg3[%mul3A_21] : memref<640000xi32, #tpu.memory_space<hbm>> -> memref<128xi32, #tpu.memory_space<hbm>>
    %dma_start3A_22 = tpu.memref_slice %arg3[%mul3A_21] : memref<640000xi32, #tpu.memory_space<hbm>> -> memref<128xi32, #tpu.memory_space<hbm>>
    tpu.enqueue_dma source(%dma_start3A_22 : memref<128xi32, #tpu.memory_space<hbm>>) target(%arg5 : memref<128xi32, #tpu.memory_space<vmem>>) target_semaphore(%arg21 : memref<!tpu.dma_semaphore, #tpu.memory_space<semaphore_mem>>)
    %add3A_23 = arith.constant 320000 : i32
    %add3A_24 = arith.addi %add3A_23, %mul3A_21 : i32
    %dma_start3A_25 = tpu.memref_slice %arg3[%add3A_24] : memref<640000xi32, #tpu.memory_space<hbm>> -> memref<128xi32, #tpu.memory_space<hbm>>
    %dma_start3A_26 = tpu.memref_slice %arg3[%add3A_24] : memref<640000xi32, #tpu.memory_space<hbm>> -> memref<128xi32, #tpu.memory_space<hbm>>
    tpu.enqueue_dma source(%dma_start3A_26 : memref<128xi32, #tpu.memory_space<hbm>>) target(%arg11 : memref<128xi32, #tpu.memory_space<vmem>>) target_semaphore(%arg21 : memref<!tpu.dma_semaphore, #tpu.memory_space<semaphore_mem>>)
    %add3A_27 = arith.constant 1 : i32
    %add3A_28 = arith.addi %add3A_4, %add3A_27 : i32
    %mul3A_29 = arith.constant 128 : i32
    %mul3A_30 = arith.muli %add3A_28, %mul3A_29 : i32
    %dma_start3A_31 = tpu.memref_slice %arg3[%mul3A_30] : memref<640000xi32, #tpu.memory_space<hbm>> -> memref<128xi32, #tpu.memory_space<hbm>>
    %dma_start3A_32 = tpu.memref_slice %arg3[%mul3A_30] : memref<640000xi32, #tpu.memory_space<hbm>> -> memref<128xi32, #tpu.memory_space<hbm>>
    tpu.enqueue_dma source(%dma_start3A_32 : memref<128xi32, #tpu.memory_space<hbm>>) target(%arg6 : memref<128xi32, #tpu.memory_space<vmem>>) target_semaphore(%arg22 : memref<!tpu.dma_semaphore, #tpu.memory_space<semaphore_mem>>)
    %add3A_33 = arith.constant 320000 : i32
    %add3A_34 = arith.addi %add3A_33, %mul3A_30 : i32
    %dma_start3A_35 = tpu.memref_slice %arg3[%add3A_34] : memref<640000xi32, #tpu.memory_space<hbm>> -> memref<128xi32, #tpu.memory_space<hbm>>
    %dma_start3A_36 = tpu.memref_slice %arg3[%add3A_34] : memref<640000xi32, #tpu.memory_space<hbm>> -> memref<128xi32, #tpu.memory_space<hbm>>
    tpu.enqueue_dma source(%dma_start3A_36 : memref<128xi32, #tpu.memory_space<hbm>>) target(%arg12 : memref<128xi32, #tpu.memory_space<vmem>>) target_semaphore(%arg22 : memref<!tpu.dma_semaphore, #tpu.memory_space<semaphore_mem>>)
    %add3A_37 = arith.constant 2 : i32
    %add3A_38 = arith.addi %add3A_4, %add3A_37 : i32
    %mul3A_39 = arith.constant 128 : i32
    %mul3A_40 = arith.muli %add3A_38, %mul3A_39 : i32
    %dma_start3A_41 = tpu.memref_slice %arg3[%mul3A_40] : memref<640000xi32, #tpu.memory_space<hbm>> -> memref<128xi32, #tpu.memory_space<hbm>>
    %dma_start3A_42 = tpu.memref_slice %arg3[%mul3A_40] : memref<640000xi32, #tpu.memory_space<hbm>> -> memref<128xi32, #tpu.memory_space<hbm>>
    tpu.enqueue_dma source(%dma_start3A_42 : memref<128xi32, #tpu.memory_space<hbm>>) target(%arg7 : memref<128xi32, #tpu.memory_space<vmem>>) target_semaphore(%arg23 : memref<!tpu.dma_semaphore, #tpu.memory_space<semaphore_mem>>)
    %add3A_43 = arith.constant 320000 : i32
    %add3A_44 = arith.addi %add3A_43, %mul3A_40 : i32
    %dma_start3A_45 = tpu.memref_slice %arg3[%add3A_44] : memref<640000xi32, #tpu.memory_space<hbm>> -> memref<128xi32, #tpu.memory_space<hbm>>
    %dma_start3A_46 = tpu.memref_slice %arg3[%add3A_44] : memref<640000xi32, #tpu.memory_space<hbm>> -> memref<128xi32, #tpu.memory_space<hbm>>
    tpu.enqueue_dma source(%dma_start3A_46 : memref<128xi32, #tpu.memory_space<hbm>>) target(%arg13 : memref<128xi32, #tpu.memory_space<vmem>>) target_semaphore(%arg23 : memref<!tpu.dma_semaphore, #tpu.memory_space<semaphore_mem>>)
    %add3A_47 = arith.constant 3 : i32
    %add3A_48 = arith.addi %add3A_4, %add3A_47 : i32
    %mul3A_49 = arith.constant 128 : i32
    %mul3A_50 = arith.muli %add3A_48, %mul3A_49 : i32
    %dma_start3A_51 = tpu.memref_slice %arg3[%mul3A_50] : memref<640000xi32, #tpu.memory_space<hbm>> -> memref<128xi32, #tpu.memory_space<hbm>>
    %dma_start3A_52 = tpu.memref_slice %arg3[%mul3A_50] : memref<640000xi32, #tpu.memory_space<hbm>> -> memref<128xi32, #tpu.memory_space<hbm>>
    tpu.enqueue_dma source(%dma_start3A_52 : memref<128xi32, #tpu.memory_space<hbm>>) target(%arg8 : memref<128xi32, #tpu.memory_space<vmem>>) target_semaphore(%arg24 : memref<!tpu.dma_semaphore, #tpu.memory_space<semaphore_mem>>)
    %add3A_53 = arith.constant 320000 : i32
    %add3A_54 = arith.addi %add3A_53, %mul3A_50 : i32
    %dma_start3A_55 = tpu.memref_slice %arg3[%add3A_54] : memref<640000xi32, #tpu.memory_space<hbm>> -> memref<128xi32, #tpu.memory_space<hbm>>
    %dma_start3A_56 = tpu.memref_slice %arg3[%add3A_54] : memref<640000xi32, #tpu.memory_space<hbm>> -> memref<128xi32, #tpu.memory_space<hbm>>
    tpu.enqueue_dma source(%dma_start3A_56 : memref<128xi32, #tpu.memory_space<hbm>>) target(%arg14 : memref<128xi32, #tpu.memory_space<vmem>>) target_semaphore(%arg24 : memref<!tpu.dma_semaphore, #tpu.memory_space<semaphore_mem>>)
    %add3A_57 = arith.constant 4 : i32
    %add3A_58 = arith.addi %add3A_4, %add3A_57 : i32
    %mul3A_59 = arith.constant 128 : i32
    %mul3A_60 = arith.muli %add3A_58, %mul3A_59 : i32
    %dma_start3A_61 = tpu.memref_slice %arg3[%mul3A_60] : memref<640000xi32, #tpu.memory_space<hbm>> -> memref<128xi32, #tpu.memory_space<hbm>>
    %dma_start3A_62 = tpu.memref_slice %arg3[%mul3A_60] : memref<640000xi32, #tpu.memory_space<hbm>> -> memref<128xi32, #tpu.memory_space<hbm>>
    tpu.enqueue_dma source(%dma_start3A_62 : memref<128xi32, #tpu.memory_space<hbm>>) target(%arg9 : memref<128xi32, #tpu.memory_space<vmem>>) target_semaphore(%arg25 : memref<!tpu.dma_semaphore, #tpu.memory_space<semaphore_mem>>)
    %add3A_63 = arith.constant 320000 : i32
    %add3A_64 = arith.addi %add3A_63, %mul3A_60 : i32
    %dma_start3A_65 = tpu.memref_slice %arg3[%add3A_64] : memref<640000xi32, #tpu.memory_space<hbm>> -> memref<128xi32, #tpu.memory_space<hbm>>
    %dma_start3A_66 = tpu.memref_slice %arg3[%add3A_64] : memref<640000xi32, #tpu.memory_space<hbm>> -> memref<128xi32, #tpu.memory_space<hbm>>
    tpu.enqueue_dma source(%dma_start3A_66 : memref<128xi32, #tpu.memory_space<hbm>>) target(%arg15 : memref<128xi32, #tpu.memory_space<vmem>>) target_semaphore(%arg25 : memref<!tpu.dma_semaphore, #tpu.memory_space<semaphore_mem>>)
    %add3A_67 = arith.constant 5 : i32
    %add3A_68 = arith.addi %add3A_4, %add3A_67 : i32
    %mul3A_69 = arith.constant 128 : i32
    %mul3A_70 = arith.muli %add3A_68, %mul3A_69 : i32
    %dma_start3A_71 = tpu.memref_slice %arg3[%mul3A_70] : memref<640000xi32, #tpu.memory_space<hbm>> -> memref<128xi32, #tpu.memory_space<hbm>>
    %dma_start3A_72 = tpu.memref_slice %arg3[%mul3A_70] : memref<640000xi32, #tpu.memory_space<hbm>> -> memref<128xi32, #tpu.memory_space<hbm>>
    tpu.enqueue_dma source(%dma_start3A_72 : memref<128xi32, #tpu.memory_space<hbm>>) target(%arg10 : memref<128xi32, #tpu.memory_space<vmem>>) target_semaphore(%arg26 : memref<!tpu.dma_semaphore, #tpu.memory_space<semaphore_mem>>)
    %add3A_73 = arith.constant 320000 : i32
    %add3A_74 = arith.addi %add3A_73, %mul3A_70 : i32
    %dma_start3A_75 = tpu.memref_slice %arg3[%add3A_74] : memref<640000xi32, #tpu.memory_space<hbm>> -> memref<128xi32, #tpu.memory_space<hbm>>
    %dma_start3A_76 = tpu.memref_slice %arg3[%add3A_74] : memref<640000xi32, #tpu.memory_space<hbm>> -> memref<128xi32, #tpu.memory_space<hbm>>
    tpu.enqueue_dma source(%dma_start3A_76 : memref<128xi32, #tpu.memory_space<hbm>>) target(%arg16 : memref<128xi32, #tpu.memory_space<vmem>>) target_semaphore(%arg26 : memref<!tpu.dma_semaphore, #tpu.memory_space<semaphore_mem>>)
    %dma_wait3A = arith.constant 0 : i32
    %dma_wait3A_77 = tpu.memref_slice %arg3[%dma_wait3A] : memref<640000xi32, #tpu.memory_space<hbm>> -> memref<128xi32, #tpu.memory_space<hbm>>
    %dma_wait3A_78 = arith.constant 0 : i32
    %dma_wait3A_79 = tpu.memref_slice %arg3[%dma_wait3A_78] : memref<640000xi32, #tpu.memory_space<hbm>> -> memref<128xi32, #tpu.memory_space<hbm>>
    tpu.wait_dma2 semaphore(%arg21 : memref<!tpu.dma_semaphore, #tpu.memory_space<semaphore_mem>>) src(%dma_wait3A_79 : memref<128xi32, #tpu.memory_space<hbm>>) dst(%arg5 : memref<128xi32, #tpu.memory_space<vmem>>)
    %dma_wait3A_80 = arith.constant 0 : i32
    %dma_wait3A_81 = tpu.memref_slice %arg3[%dma_wait3A_80] : memref<640000xi32, #tpu.memory_space<hbm>> -> memref<128xi32, #tpu.memory_space<hbm>>
    %dma_wait3A_82 = arith.constant 0 : i32
    %dma_wait3A_83 = tpu.memref_slice %arg3[%dma_wait3A_82] : memref<640000xi32, #tpu.memory_space<hbm>> -> memref<128xi32, #tpu.memory_space<hbm>>
    tpu.wait_dma2 semaphore(%arg21 : memref<!tpu.dma_semaphore, #tpu.memory_space<semaphore_mem>>) src(%dma_wait3A_83 : memref<128xi32, #tpu.memory_space<hbm>>) dst(%arg11 : memref<128xi32, #tpu.memory_space<vmem>>)
    %dma_start3A_84 = arith.constant 0 : i32
    %dma_start3A_85 = arith.constant 0 : i32
    %dma_start3A_86 = tpu.memref_slice %arg2[%dma_start3A_84, %dma_start3A_85] : memref<10000x128xf32, #tpu.memory_space<hbm>> -> memref<10000x128xf32, #tpu.memory_space<hbm>>
    tpu.enqueue_indirect_dma source(%dma_start3A_86 : memref<10000x128xf32, #tpu.memory_space<hbm>>) target(%arg17 : memref<128x128xf32, #tpu.memory_space<vmem>>) offsets(%arg5 : memref<128xi32, #tpu.memory_space<vmem>>) semaphore(%arg27 : memref<!tpu.dma_semaphore, #tpu.memory_space<semaphore_mem>>)
    %dma_wait3A_87 = arith.constant 0 : i32
    %dma_wait3A_88 = tpu.memref_slice %arg3[%dma_wait3A_87] : memref<640000xi32, #tpu.memory_space<hbm>> -> memref<128xi32, #tpu.memory_space<hbm>>
    %dma_wait3A_89 = arith.constant 0 : i32
    %dma_wait3A_90 = tpu.memref_slice %arg3[%dma_wait3A_89] : memref<640000xi32, #tpu.memory_space<hbm>> -> memref<128xi32, #tpu.memory_space<hbm>>
    tpu.wait_dma2 semaphore(%arg22 : memref<!tpu.dma_semaphore, #tpu.memory_space<semaphore_mem>>) src(%dma_wait3A_90 : memref<128xi32, #tpu.memory_space<hbm>>) dst(%arg6 : memref<128xi32, #tpu.memory_space<vmem>>)
    %dma_wait3A_91 = arith.constant 0 : i32
    %dma_wait3A_92 = tpu.memref_slice %arg3[%dma_wait3A_91] : memref<640000xi32, #tpu.memory_space<hbm>> -> memref<128xi32, #tpu.memory_space<hbm>>
    %dma_wait3A_93 = arith.constant 0 : i32
    %dma_wait3A_94 = tpu.memref_slice %arg3[%dma_wait3A_93] : memref<640000xi32, #tpu.memory_space<hbm>> -> memref<128xi32, #tpu.memory_space<hbm>>
    tpu.wait_dma2 semaphore(%arg22 : memref<!tpu.dma_semaphore, #tpu.memory_space<semaphore_mem>>) src(%dma_wait3A_94 : memref<128xi32, #tpu.memory_space<hbm>>) dst(%arg12 : memref<128xi32, #tpu.memory_space<vmem>>)
    %dma_start3A_95 = arith.constant 0 : i32
    %dma_start3A_96 = arith.constant 0 : i32
    %dma_start3A_97 = tpu.memref_slice %arg2[%dma_start3A_95, %dma_start3A_96] : memref<10000x128xf32, #tpu.memory_space<hbm>> -> memref<10000x128xf32, #tpu.memory_space<hbm>>
    tpu.enqueue_indirect_dma source(%dma_start3A_97 : memref<10000x128xf32, #tpu.memory_space<hbm>>) target(%arg18 : memref<128x128xf32, #tpu.memory_space<vmem>>) offsets(%arg6 : memref<128xi32, #tpu.memory_space<vmem>>) semaphore(%arg28 : memref<!tpu.dma_semaphore, #tpu.memory_space<semaphore_mem>>)
    %dma_wait3A_98 = arith.constant 0 : i32
    %dma_wait3A_99 = tpu.memref_slice %arg3[%dma_wait3A_98] : memref<640000xi32, #tpu.memory_space<hbm>> -> memref<128xi32, #tpu.memory_space<hbm>>
    %dma_wait3A_100 = arith.constant 0 : i32
    %dma_wait3A_101 = tpu.memref_slice %arg3[%dma_wait3A_100] : memref<640000xi32, #tpu.memory_space<hbm>> -> memref<128xi32, #tpu.memory_space<hbm>>
    tpu.wait_dma2 semaphore(%arg23 : memref<!tpu.dma_semaphore, #tpu.memory_space<semaphore_mem>>) src(%dma_wait3A_101 : memref<128xi32, #tpu.memory_space<hbm>>) dst(%arg7 : memref<128xi32, #tpu.memory_space<vmem>>)
    %dma_wait3A_102 = arith.constant 0 : i32
    %dma_wait3A_103 = tpu.memref_slice %arg3[%dma_wait3A_102] : memref<640000xi32, #tpu.memory_space<hbm>> -> memref<128xi32, #tpu.memory_space<hbm>>
    %dma_wait3A_104 = arith.constant 0 : i32
    %dma_wait3A_105 = tpu.memref_slice %arg3[%dma_wait3A_104] : memref<640000xi32, #tpu.memory_space<hbm>> -> memref<128xi32, #tpu.memory_space<hbm>>
    tpu.wait_dma2 semaphore(%arg23 : memref<!tpu.dma_semaphore, #tpu.memory_space<semaphore_mem>>) src(%dma_wait3A_105 : memref<128xi32, #tpu.memory_space<hbm>>) dst(%arg13 : memref<128xi32, #tpu.memory_space<vmem>>)
    %dma_start3A_106 = arith.constant 0 : i32
    %dma_start3A_107 = arith.constant 0 : i32
    %dma_start3A_108 = tpu.memref_slice %arg2[%dma_start3A_106, %dma_start3A_107] : memref<10000x128xf32, #tpu.memory_space<hbm>> -> memref<10000x128xf32, #tpu.memory_space<hbm>>
    tpu.enqueue_indirect_dma source(%dma_start3A_108 : memref<10000x128xf32, #tpu.memory_space<hbm>>) target(%arg19 : memref<128x128xf32, #tpu.memory_space<vmem>>) offsets(%arg7 : memref<128xi32, #tpu.memory_space<vmem>>) semaphore(%arg29 : memref<!tpu.dma_semaphore, #tpu.memory_space<semaphore_mem>>)
    %add3A_109 = arith.constant 5 : i32
    %add3A_110 = arith.addi %add3A_8, %add3A_109 : i32
    %jit3A_111 = arith.constant 6 : i32
    %div3A = arith.divsi %add3A_110, %jit3A_111 : i32
    %sign3A = arith.constant 0 : i32
    %sign3A_112 = arith.cmpi sgt, %add3A_110, %sign3A : i32
    %sign3A_113 = arith.extui %sign3A_112 : i1 to i32
    %sign3A_114 = arith.constant 0 : i32
    %sign3A_115 = arith.cmpi slt, %add3A_110, %sign3A_114 : i32
    %sign3A_116 = arith.extui %sign3A_115 : i1 to i32
    %sign3A_117 = arith.subi %sign3A_113, %sign3A_116 : i32
    %sign3A_118 = arith.constant 0 : i32
    %sign3A_119 = arith.cmpi sgt, %jit3A_111, %sign3A_118 : i32
    %sign3A_120 = arith.extui %sign3A_119 : i1 to i32
    %sign3A_121 = arith.constant 0 : i32
    %sign3A_122 = arith.cmpi slt, %jit3A_111, %sign3A_121 : i32
    %sign3A_123 = arith.extui %sign3A_122 : i1 to i32
    %sign3A_124 = arith.subi %sign3A_120, %sign3A_123 : i32
    %ne3A = arith.cmpi ne, %sign3A_117, %sign3A_124 : i32
    %rem3A = arith.remsi %add3A_110, %jit3A_111 : i32
    %ne3A_125 = arith.constant 0 : i32
    %ne3A_126 = arith.cmpi ne, %rem3A, %ne3A_125 : i32
    %and3A = arith.andi %ne3A, %ne3A_126 : i1
    %sub3A = arith.constant 1 : i32
    %sub3A_127 = arith.subi %div3A, %sub3A : i32
    %select_n3A_128 = arith.select %and3A, %sub3A_127, %div3A : i32
    %while3A = arith.constant 0 : i32
    %while3A_129 = arith.subi %select_n3A_128, %while3A : i32
    %while3A_130 = arith.addi %while3A, %while3A_129 : i32
    %while3A_131 = arith.constant 1 : i32
    %while3A_132 = arith.divsi %while3A_129, %while3A_131 : i32
    %while3A_133 = arith.muli %while3A_132, %while3A_131 : i32
    %while3A_134 = arith.addi %while3A, %while3A_133 : i32
    %while3A_135 = arith.constant 1 : i32
    scf.for %while3A_168 = %while3A to %while3A_134 step %while3A_135  : i32 {
      %mul3A_169 = arith.constant 6 : i32
      %mul3A_170 = arith.muli %mul3A_169, %while3A_168 : i32
      %add3A_171 = arith.constant 0 : i32
      %add3A_172 = arith.addi %mul3A_170, %add3A_171 : i32
      %lt3A_173 = arith.cmpi slt, %add3A_172, %add3A_8 : i32
      %convert_element_type3A_174 = arith.extui %lt3A_173 : i1 to i32
      %cond3A_175 = arith.constant 0 : i32
      %cond3A_176 = arith.cmpi ne, %convert_element_type3A_174, %cond3A_175 : i32
      scf.if %cond3A_176 {
        %dma_wait3A_305 = arith.constant 0 : i32
        %dma_wait3A_306 = arith.constant 0 : i32
        %dma_wait3A_307 = tpu.memref_slice %arg2[%dma_wait3A_305, %dma_wait3A_306] : memref<10000x128xf32, #tpu.memory_space<hbm>> -> memref<128x128xf32, #tpu.memory_space<hbm>>
        %dma_wait3A_308 = arith.constant 0 : i32
        %dma_wait3A_309 = arith.constant 0 : i32
        %dma_wait3A_310 = tpu.memref_slice %arg2[%dma_wait3A_308, %dma_wait3A_309] : memref<10000x128xf32, #tpu.memory_space<hbm>> -> memref<128x128xf32, #tpu.memory_space<hbm>>
        tpu.wait_dma2 semaphore(%arg27 : memref<!tpu.dma_semaphore, #tpu.memory_space<semaphore_mem>>) src(%dma_wait3A_310 : memref<128x128xf32, #tpu.memory_space<hbm>>) dst(%arg17 : memref<128x128xf32, #tpu.memory_space<vmem>>)
        %dma_start3A_311 = arith.constant 0 : i32
        %dma_start3A_312 = arith.constant 0 : i32
        %dma_start3A_313 = tpu.memref_slice %arg20[%dma_start3A_311, %dma_start3A_312] : memref<10000x128xf32, #tpu.memory_space<vmem_shared>> -> memref<10000x128xf32, #tpu.memory_space<vmem_shared>>
        tpu.enqueue_indirect_dma source(%arg17 : memref<128x128xf32, #tpu.memory_space<vmem>>) target(%dma_start3A_313 : memref<10000x128xf32, #tpu.memory_space<vmem_shared>>) offsets(%arg11 : memref<128xi32, #tpu.memory_space<vmem>>) semaphore(%arg30 : memref<!tpu.dma_semaphore, #tpu.memory_space<semaphore_mem>>) {add = true}
      } else {
      }
      %add3A_177 = arith.constant 1 : i32
      %add3A_178 = arith.addi %mul3A_170, %add3A_177 : i32
      %lt3A_179 = arith.cmpi slt, %add3A_178, %add3A_8 : i32
      %convert_element_type3A_180 = arith.extui %lt3A_179 : i1 to i32
      %cond3A_181 = arith.constant 0 : i32
      %cond3A_182 = arith.cmpi ne, %convert_element_type3A_180, %cond3A_181 : i32
      scf.if %cond3A_182 {
        %dma_wait3A_305 = arith.constant 0 : i32
        %dma_wait3A_306 = arith.constant 0 : i32
        %dma_wait3A_307 = tpu.memref_slice %arg2[%dma_wait3A_305, %dma_wait3A_306] : memref<10000x128xf32, #tpu.memory_space<hbm>> -> memref<128x128xf32, #tpu.memory_space<hbm>>
        %dma_wait3A_308 = arith.constant 0 : i32
        %dma_wait3A_309 = arith.constant 0 : i32
        %dma_wait3A_310 = tpu.memref_slice %arg2[%dma_wait3A_308, %dma_wait3A_309] : memref<10000x128xf32, #tpu.memory_space<hbm>> -> memref<128x128xf32, #tpu.memory_space<hbm>>
        tpu.wait_dma2 semaphore(%arg28 : memref<!tpu.dma_semaphore, #tpu.memory_space<semaphore_mem>>) src(%dma_wait3A_310 : memref<128x128xf32, #tpu.memory_space<hbm>>) dst(%arg18 : memref<128x128xf32, #tpu.memory_space<vmem>>)
        %dma_start3A_311 = arith.constant 0 : i32
        %dma_start3A_312 = arith.constant 0 : i32
        %dma_start3A_313 = tpu.memref_slice %arg20[%dma_start3A_311, %dma_start3A_312] : memref<10000x128xf32, #tpu.memory_space<vmem_shared>> -> memref<10000x128xf32, #tpu.memory_space<vmem_shared>>
        tpu.enqueue_indirect_dma source(%arg18 : memref<128x128xf32, #tpu.memory_space<vmem>>) target(%dma_start3A_313 : memref<10000x128xf32, #tpu.memory_space<vmem_shared>>) offsets(%arg12 : memref<128xi32, #tpu.memory_space<vmem>>) semaphore(%arg31 : memref<!tpu.dma_semaphore, #tpu.memory_space<semaphore_mem>>) {add = true}
      } else {
      }
      %add3A_183 = arith.constant 2 : i32
      %add3A_184 = arith.addi %mul3A_170, %add3A_183 : i32
      %lt3A_185 = arith.cmpi slt, %add3A_184, %add3A_8 : i32
      %convert_element_type3A_186 = arith.extui %lt3A_185 : i1 to i32
      %cond3A_187 = arith.constant 0 : i32
      %cond3A_188 = arith.cmpi ne, %convert_element_type3A_186, %cond3A_187 : i32
      scf.if %cond3A_188 {
        %dma_wait3A_305 = arith.constant 0 : i32
        %dma_wait3A_306 = arith.constant 0 : i32
        %dma_wait3A_307 = tpu.memref_slice %arg2[%dma_wait3A_305, %dma_wait3A_306] : memref<10000x128xf32, #tpu.memory_space<hbm>> -> memref<128x128xf32, #tpu.memory_space<hbm>>
        %dma_wait3A_308 = arith.constant 0 : i32
        %dma_wait3A_309 = arith.constant 0 : i32
        %dma_wait3A_310 = tpu.memref_slice %arg2[%dma_wait3A_308, %dma_wait3A_309] : memref<10000x128xf32, #tpu.memory_space<hbm>> -> memref<128x128xf32, #tpu.memory_space<hbm>>
        tpu.wait_dma2 semaphore(%arg29 : memref<!tpu.dma_semaphore, #tpu.memory_space<semaphore_mem>>) src(%dma_wait3A_310 : memref<128x128xf32, #tpu.memory_space<hbm>>) dst(%arg19 : memref<128x128xf32, #tpu.memory_space<vmem>>)
        %dma_start3A_311 = arith.constant 0 : i32
        %dma_start3A_312 = arith.constant 0 : i32
        %dma_start3A_313 = tpu.memref_slice %arg20[%dma_start3A_311, %dma_start3A_312] : memref<10000x128xf32, #tpu.memory_space<vmem_shared>> -> memref<10000x128xf32, #tpu.memory_space<vmem_shared>>
        tpu.enqueue_indirect_dma source(%arg19 : memref<128x128xf32, #tpu.memory_space<vmem>>) target(%dma_start3A_313 : memref<10000x128xf32, #tpu.memory_space<vmem_shared>>) offsets(%arg13 : memref<128xi32, #tpu.memory_space<vmem>>) semaphore(%arg32 : memref<!tpu.dma_semaphore, #tpu.memory_space<semaphore_mem>>) {add = true}
      } else {
      }
      %add3A_189 = arith.constant 0 : i32
      %add3A_190 = arith.addi %mul3A_170, %add3A_189 : i32
      %add3A_191 = arith.constant 3 : i32
      %add3A_192 = arith.addi %add3A_190, %add3A_191 : i32
      %lt3A_193 = arith.cmpi slt, %add3A_192, %add3A_8 : i32
      %convert_element_type3A_194 = arith.extui %lt3A_193 : i1 to i32
      %cond3A_195 = arith.constant 0 : i32
      %cond3A_196 = arith.cmpi ne, %convert_element_type3A_194, %cond3A_195 : i32
      scf.if %cond3A_196 {
        %dma_wait3A_305 = arith.constant 0 : i32
        %dma_wait3A_306 = arith.constant 0 : i32
        %dma_wait3A_307 = tpu.memref_slice %arg2[%dma_wait3A_305, %dma_wait3A_306] : memref<10000x128xf32, #tpu.memory_space<hbm>> -> memref<128x128xf32, #tpu.memory_space<hbm>>
        %dma_wait3A_308 = arith.constant 0 : i32
        %dma_wait3A_309 = arith.constant 0 : i32
        %dma_wait3A_310 = tpu.memref_slice %arg2[%dma_wait3A_308, %dma_wait3A_309] : memref<10000x128xf32, #tpu.memory_space<hbm>> -> memref<128x128xf32, #tpu.memory_space<hbm>>
        tpu.wait_dma2 semaphore(%arg30 : memref<!tpu.dma_semaphore, #tpu.memory_space<semaphore_mem>>) src(%dma_wait3A_310 : memref<128x128xf32, #tpu.memory_space<hbm>>) dst(%arg17 : memref<128x128xf32, #tpu.memory_space<vmem>>)
        %dma_wait3A_311 = arith.constant 0 : i32
        %dma_wait3A_312 = tpu.memref_slice %arg3[%dma_wait3A_311] : memref<640000xi32, #tpu.memory_space<hbm>> -> memref<128xi32, #tpu.memory_space<hbm>>
        %dma_wait3A_313 = arith.constant 0 : i32
        %dma_wait3A_314 = tpu.memref_slice %arg3[%dma_wait3A_313] : memref<640000xi32, #tpu.memory_space<hbm>> -> memref<128xi32, #tpu.memory_space<hbm>>
        tpu.wait_dma2 semaphore(%arg24 : memref<!tpu.dma_semaphore, #tpu.memory_space<semaphore_mem>>) src(%dma_wait3A_314 : memref<128xi32, #tpu.memory_space<hbm>>) dst(%arg8 : memref<128xi32, #tpu.memory_space<vmem>>)
        %dma_wait3A_315 = arith.constant 0 : i32
        %dma_wait3A_316 = tpu.memref_slice %arg3[%dma_wait3A_315] : memref<640000xi32, #tpu.memory_space<hbm>> -> memref<128xi32, #tpu.memory_space<hbm>>
        %dma_wait3A_317 = arith.constant 0 : i32
        %dma_wait3A_318 = tpu.memref_slice %arg3[%dma_wait3A_317] : memref<640000xi32, #tpu.memory_space<hbm>> -> memref<128xi32, #tpu.memory_space<hbm>>
        tpu.wait_dma2 semaphore(%arg24 : memref<!tpu.dma_semaphore, #tpu.memory_space<semaphore_mem>>) src(%dma_wait3A_318 : memref<128xi32, #tpu.memory_space<hbm>>) dst(%arg14 : memref<128xi32, #tpu.memory_space<vmem>>)
        %dma_start3A_319 = arith.constant 0 : i32
        %dma_start3A_320 = arith.constant 0 : i32
        %dma_start3A_321 = tpu.memref_slice %arg2[%dma_start3A_319, %dma_start3A_320] : memref<10000x128xf32, #tpu.memory_space<hbm>> -> memref<10000x128xf32, #tpu.memory_space<hbm>>
        tpu.enqueue_indirect_dma source(%dma_start3A_321 : memref<10000x128xf32, #tpu.memory_space<hbm>>) target(%arg17 : memref<128x128xf32, #tpu.memory_space<vmem>>) offsets(%arg8 : memref<128xi32, #tpu.memory_space<vmem>>) semaphore(%arg27 : memref<!tpu.dma_semaphore, #tpu.memory_space<semaphore_mem>>)
      } else {
      }
      %add3A_197 = arith.constant 0 : i32
      %add3A_198 = arith.addi %mul3A_170, %add3A_197 : i32
      %add3A_199 = arith.constant 6 : i32
      %add3A_200 = arith.addi %add3A_198, %add3A_199 : i32
      %lt3A_201 = arith.cmpi slt, %add3A_200, %add3A_8 : i32
      %convert_element_type3A_202 = arith.extui %lt3A_201 : i1 to i32
      %cond3A_203 = arith.constant 0 : i32
      %cond3A_204 = arith.cmpi ne, %convert_element_type3A_202, %cond3A_203 : i32
      scf.if %cond3A_204 {
        %add3A_305 = arith.constant 0 : i32
        %add3A_306 = arith.addi %mul3A_170, %add3A_305 : i32
        %add3A_307 = arith.constant 6 : i32
        %add3A_308 = arith.addi %add3A_306, %add3A_307 : i32
        %add3A_309 = arith.addi %add3A_4, %add3A_308 : i32
        %mul3A_310 = arith.constant 128 : i32
        %mul3A_311 = arith.muli %add3A_309, %mul3A_310 : i32
        %dma_start3A_312 = tpu.memref_slice %arg3[%mul3A_311] : memref<640000xi32, #tpu.memory_space<hbm>> -> memref<128xi32, #tpu.memory_space<hbm>>
        %dma_start3A_313 = tpu.memref_slice %arg3[%mul3A_311] : memref<640000xi32, #tpu.memory_space<hbm>> -> memref<128xi32, #tpu.memory_space<hbm>>
        tpu.enqueue_dma source(%dma_start3A_313 : memref<128xi32, #tpu.memory_space<hbm>>) target(%arg5 : memref<128xi32, #tpu.memory_space<vmem>>) target_semaphore(%arg21 : memref<!tpu.dma_semaphore, #tpu.memory_space<semaphore_mem>>)
        %add3A_314 = arith.constant 320000 : i32
        %add3A_315 = arith.addi %add3A_314, %mul3A_311 : i32
        %dma_start3A_316 = tpu.memref_slice %arg3[%add3A_315] : memref<640000xi32, #tpu.memory_space<hbm>> -> memref<128xi32, #tpu.memory_space<hbm>>
        %dma_start3A_317 = tpu.memref_slice %arg3[%add3A_315] : memref<640000xi32, #tpu.memory_space<hbm>> -> memref<128xi32, #tpu.memory_space<hbm>>
        tpu.enqueue_dma source(%dma_start3A_317 : memref<128xi32, #tpu.memory_space<hbm>>) target(%arg11 : memref<128xi32, #tpu.memory_space<vmem>>) target_semaphore(%arg21 : memref<!tpu.dma_semaphore, #tpu.memory_space<semaphore_mem>>)
      } else {
      }
      %add3A_205 = arith.constant 1 : i32
      %add3A_206 = arith.addi %mul3A_170, %add3A_205 : i32
      %add3A_207 = arith.constant 3 : i32
      %add3A_208 = arith.addi %add3A_206, %add3A_207 : i32
      %lt3A_209 = arith.cmpi slt, %add3A_208, %add3A_8 : i32
      %convert_element_type3A_210 = arith.extui %lt3A_209 : i1 to i32
      %cond3A_211 = arith.constant 0 : i32
      %cond3A_212 = arith.cmpi ne, %convert_element_type3A_210, %cond3A_211 : i32
      scf.if %cond3A_212 {
        %dma_wait3A_305 = arith.constant 0 : i32
        %dma_wait3A_306 = arith.constant 0 : i32
        %dma_wait3A_307 = tpu.memref_slice %arg2[%dma_wait3A_305, %dma_wait3A_306] : memref<10000x128xf32, #tpu.memory_space<hbm>> -> memref<128x128xf32, #tpu.memory_space<hbm>>
        %dma_wait3A_308 = arith.constant 0 : i32
        %dma_wait3A_309 = arith.constant 0 : i32
        %dma_wait3A_310 = tpu.memref_slice %arg2[%dma_wait3A_308, %dma_wait3A_309] : memref<10000x128xf32, #tpu.memory_space<hbm>> -> memref<128x128xf32, #tpu.memory_space<hbm>>
        tpu.wait_dma2 semaphore(%arg31 : memref<!tpu.dma_semaphore, #tpu.memory_space<semaphore_mem>>) src(%dma_wait3A_310 : memref<128x128xf32, #tpu.memory_space<hbm>>) dst(%arg18 : memref<128x128xf32, #tpu.memory_space<vmem>>)
        %dma_wait3A_311 = arith.constant 0 : i32
        %dma_wait3A_312 = tpu.memref_slice %arg3[%dma_wait3A_311] : memref<640000xi32, #tpu.memory_space<hbm>> -> memref<128xi32, #tpu.memory_space<hbm>>
        %dma_wait3A_313 = arith.constant 0 : i32
        %dma_wait3A_314 = tpu.memref_slice %arg3[%dma_wait3A_313] : memref<640000xi32, #tpu.memory_space<hbm>> -> memref<128xi32, #tpu.memory_space<hbm>>
        tpu.wait_dma2 semaphore(%arg25 : memref<!tpu.dma_semaphore, #tpu.memory_space<semaphore_mem>>) src(%dma_wait3A_314 : memref<128xi32, #tpu.memory_space<hbm>>) dst(%arg9 : memref<128xi32, #tpu.memory_space<vmem>>)
        %dma_wait3A_315 = arith.constant 0 : i32
        %dma_wait3A_316 = tpu.memref_slice %arg3[%dma_wait3A_315] : memref<640000xi32, #tpu.memory_space<hbm>> -> memref<128xi32, #tpu.memory_space<hbm>>
        %dma_wait3A_317 = arith.constant 0 : i32
        %dma_wait3A_318 = tpu.memref_slice %arg3[%dma_wait3A_317] : memref<640000xi32, #tpu.memory_space<hbm>> -> memref<128xi32, #tpu.memory_space<hbm>>
        tpu.wait_dma2 semaphore(%arg25 : memref<!tpu.dma_semaphore, #tpu.memory_space<semaphore_mem>>) src(%dma_wait3A_318 : memref<128xi32, #tpu.memory_space<hbm>>) dst(%arg15 : memref<128xi32, #tpu.memory_space<vmem>>)
        %dma_start3A_319 = arith.constant 0 : i32
        %dma_start3A_320 = arith.constant 0 : i32
        %dma_start3A_321 = tpu.memref_slice %arg2[%dma_start3A_319, %dma_start3A_320] : memref<10000x128xf32, #tpu.memory_space<hbm>> -> memref<10000x128xf32, #tpu.memory_space<hbm>>
        tpu.enqueue_indirect_dma source(%dma_start3A_321 : memref<10000x128xf32, #tpu.memory_space<hbm>>) target(%arg18 : memref<128x128xf32, #tpu.memory_space<vmem>>) offsets(%arg9 : memref<128xi32, #tpu.memory_space<vmem>>) semaphore(%arg28 : memref<!tpu.dma_semaphore, #tpu.memory_space<semaphore_mem>>)
      } else {
      }
      %add3A_213 = arith.constant 1 : i32
      %add3A_214 = arith.addi %mul3A_170, %add3A_213 : i32
      %add3A_215 = arith.constant 6 : i32
      %add3A_216 = arith.addi %add3A_214, %add3A_215 : i32
      %lt3A_217 = arith.cmpi slt, %add3A_216, %add3A_8 : i32
      %convert_element_type3A_218 = arith.extui %lt3A_217 : i1 to i32
      %cond3A_219 = arith.constant 0 : i32
      %cond3A_220 = arith.cmpi ne, %convert_element_type3A_218, %cond3A_219 : i32
      scf.if %cond3A_220 {
        %add3A_305 = arith.constant 1 : i32
        %add3A_306 = arith.addi %mul3A_170, %add3A_305 : i32
        %add3A_307 = arith.constant 6 : i32
        %add3A_308 = arith.addi %add3A_306, %add3A_307 : i32
        %add3A_309 = arith.addi %add3A_4, %add3A_308 : i32
        %mul3A_310 = arith.constant 128 : i32
        %mul3A_311 = arith.muli %add3A_309, %mul3A_310 : i32
        %dma_start3A_312 = tpu.memref_slice %arg3[%mul3A_311] : memref<640000xi32, #tpu.memory_space<hbm>> -> memref<128xi32, #tpu.memory_space<hbm>>
        %dma_start3A_313 = tpu.memref_slice %arg3[%mul3A_311] : memref<640000xi32, #tpu.memory_space<hbm>> -> memref<128xi32, #tpu.memory_space<hbm>>
        tpu.enqueue_dma source(%dma_start3A_313 : memref<128xi32, #tpu.memory_space<hbm>>) target(%arg6 : memref<128xi32, #tpu.memory_space<vmem>>) target_semaphore(%arg22 : memref<!tpu.dma_semaphore, #tpu.memory_space<semaphore_mem>>)
        %add3A_314 = arith.constant 320000 : i32
        %add3A_315 = arith.addi %add3A_314, %mul3A_311 : i32
        %dma_start3A_316 = tpu.memref_slice %arg3[%add3A_315] : memref<640000xi32, #tpu.memory_space<hbm>> -> memref<128xi32, #tpu.memory_space<hbm>>
        %dma_start3A_317 = tpu.memref_slice %arg3[%add3A_315] : memref<640000xi32, #tpu.memory_space<hbm>> -> memref<128xi32, #tpu.memory_space<hbm>>
        tpu.enqueue_dma source(%dma_start3A_317 : memref<128xi32, #tpu.memory_space<hbm>>) target(%arg12 : memref<128xi32, #tpu.memory_space<vmem>>) target_semaphore(%arg22 : memref<!tpu.dma_semaphore, #tpu.memory_space<semaphore_mem>>)
      } else {
      }
      %add3A_221 = arith.constant 2 : i32
      %add3A_222 = arith.addi %mul3A_170, %add3A_221 : i32
      %add3A_223 = arith.constant 3 : i32
      %add3A_224 = arith.addi %add3A_222, %add3A_223 : i32
      %lt3A_225 = arith.cmpi slt, %add3A_224, %add3A_8 : i32
      %convert_element_type3A_226 = arith.extui %lt3A_225 : i1 to i32
      %cond3A_227 = arith.constant 0 : i32
      %cond3A_228 = arith.cmpi ne, %convert_element_type3A_226, %cond3A_227 : i32
      scf.if %cond3A_228 {
        %dma_wait3A_305 = arith.constant 0 : i32
        %dma_wait3A_306 = arith.constant 0 : i32
        %dma_wait3A_307 = tpu.memref_slice %arg2[%dma_wait3A_305, %dma_wait3A_306] : memref<10000x128xf32, #tpu.memory_space<hbm>> -> memref<128x128xf32, #tpu.memory_space<hbm>>
        %dma_wait3A_308 = arith.constant 0 : i32
        %dma_wait3A_309 = arith.constant 0 : i32
        %dma_wait3A_310 = tpu.memref_slice %arg2[%dma_wait3A_308, %dma_wait3A_309] : memref<10000x128xf32, #tpu.memory_space<hbm>> -> memref<128x128xf32, #tpu.memory_space<hbm>>
        tpu.wait_dma2 semaphore(%arg32 : memref<!tpu.dma_semaphore, #tpu.memory_space<semaphore_mem>>) src(%dma_wait3A_310 : memref<128x128xf32, #tpu.memory_space<hbm>>) dst(%arg19 : memref<128x128xf32, #tpu.memory_space<vmem>>)
        %dma_wait3A_311 = arith.constant 0 : i32
        %dma_wait3A_312 = tpu.memref_slice %arg3[%dma_wait3A_311] : memref<640000xi32, #tpu.memory_space<hbm>> -> memref<128xi32, #tpu.memory_space<hbm>>
        %dma_wait3A_313 = arith.constant 0 : i32
        %dma_wait3A_314 = tpu.memref_slice %arg3[%dma_wait3A_313] : memref<640000xi32, #tpu.memory_space<hbm>> -> memref<128xi32, #tpu.memory_space<hbm>>
        tpu.wait_dma2 semaphore(%arg26 : memref<!tpu.dma_semaphore, #tpu.memory_space<semaphore_mem>>) src(%dma_wait3A_314 : memref<128xi32, #tpu.memory_space<hbm>>) dst(%arg10 : memref<128xi32, #tpu.memory_space<vmem>>)
        %dma_wait3A_315 = arith.constant 0 : i32
        %dma_wait3A_316 = tpu.memref_slice %arg3[%dma_wait3A_315] : memref<640000xi32, #tpu.memory_space<hbm>> -> memref<128xi32, #tpu.memory_space<hbm>>
        %dma_wait3A_317 = arith.constant 0 : i32
        %dma_wait3A_318 = tpu.memref_slice %arg3[%dma_wait3A_317] : memref<640000xi32, #tpu.memory_space<hbm>> -> memref<128xi32, #tpu.memory_space<hbm>>
        tpu.wait_dma2 semaphore(%arg26 : memref<!tpu.dma_semaphore, #tpu.memory_space<semaphore_mem>>) src(%dma_wait3A_318 : memref<128xi32, #tpu.memory_space<hbm>>) dst(%arg16 : memref<128xi32, #tpu.memory_space<vmem>>)
        %dma_start3A_319 = arith.constant 0 : i32
        %dma_start3A_320 = arith.constant 0 : i32
        %dma_start3A_321 = tpu.memref_slice %arg2[%dma_start3A_319, %dma_start3A_320] : memref<10000x128xf32, #tpu.memory_space<hbm>> -> memref<10000x128xf32, #tpu.memory_space<hbm>>
        tpu.enqueue_indirect_dma source(%dma_start3A_321 : memref<10000x128xf32, #tpu.memory_space<hbm>>) target(%arg19 : memref<128x128xf32, #tpu.memory_space<vmem>>) offsets(%arg10 : memref<128xi32, #tpu.memory_space<vmem>>) semaphore(%arg29 : memref<!tpu.dma_semaphore, #tpu.memory_space<semaphore_mem>>)
      } else {
      }
      %add3A_229 = arith.constant 2 : i32
      %add3A_230 = arith.addi %mul3A_170, %add3A_229 : i32
      %add3A_231 = arith.constant 6 : i32
      %add3A_232 = arith.addi %add3A_230, %add3A_231 : i32
      %lt3A_233 = arith.cmpi slt, %add3A_232, %add3A_8 : i32
      %convert_element_type3A_234 = arith.extui %lt3A_233 : i1 to i32
      %cond3A_235 = arith.constant 0 : i32
      %cond3A_236 = arith.cmpi ne, %convert_element_type3A_234, %cond3A_235 : i32
      scf.if %cond3A_236 {
        %add3A_305 = arith.constant 2 : i32
        %add3A_306 = arith.addi %mul3A_170, %add3A_305 : i32
        %add3A_307 = arith.constant 6 : i32
        %add3A_308 = arith.addi %add3A_306, %add3A_307 : i32
        %add3A_309 = arith.addi %add3A_4, %add3A_308 : i32
        %mul3A_310 = arith.constant 128 : i32
        %mul3A_311 = arith.muli %add3A_309, %mul3A_310 : i32
        %dma_start3A_312 = tpu.memref_slice %arg3[%mul3A_311] : memref<640000xi32, #tpu.memory_space<hbm>> -> memref<128xi32, #tpu.memory_space<hbm>>
        %dma_start3A_313 = tpu.memref_slice %arg3[%mul3A_311] : memref<640000xi32, #tpu.memory_space<hbm>> -> memref<128xi32, #tpu.memory_space<hbm>>
        tpu.enqueue_dma source(%dma_start3A_313 : memref<128xi32, #tpu.memory_space<hbm>>) target(%arg7 : memref<128xi32, #tpu.memory_space<vmem>>) target_semaphore(%arg23 : memref<!tpu.dma_semaphore, #tpu.memory_space<semaphore_mem>>)
        %add3A_314 = arith.constant 320000 : i32
        %add3A_315 = arith.addi %add3A_314, %mul3A_311 : i32
        %dma_start3A_316 = tpu.memref_slice %arg3[%add3A_315] : memref<640000xi32, #tpu.memory_space<hbm>> -> memref<128xi32, #tpu.memory_space<hbm>>
        %dma_start3A_317 = tpu.memref_slice %arg3[%add3A_315] : memref<640000xi32, #tpu.memory_space<hbm>> -> memref<128xi32, #tpu.memory_space<hbm>>
        tpu.enqueue_dma source(%dma_start3A_317 : memref<128xi32, #tpu.memory_space<hbm>>) target(%arg13 : memref<128xi32, #tpu.memory_space<vmem>>) target_semaphore(%arg23 : memref<!tpu.dma_semaphore, #tpu.memory_space<semaphore_mem>>)
      } else {
      }
      %add3A_237 = arith.constant 3 : i32
      %add3A_238 = arith.addi %mul3A_170, %add3A_237 : i32
      %add3A_239 = arith.constant 0 : i32
      %add3A_240 = arith.addi %add3A_238, %add3A_239 : i32
      %lt3A_241 = arith.cmpi slt, %add3A_240, %add3A_8 : i32
      %convert_element_type3A_242 = arith.extui %lt3A_241 : i1 to i32
      %cond3A_243 = arith.constant 0 : i32
      %cond3A_244 = arith.cmpi ne, %convert_element_type3A_242, %cond3A_243 : i32
      scf.if %cond3A_244 {
        %dma_wait3A_305 = arith.constant 0 : i32
        %dma_wait3A_306 = arith.constant 0 : i32
        %dma_wait3A_307 = tpu.memref_slice %arg2[%dma_wait3A_305, %dma_wait3A_306] : memref<10000x128xf32, #tpu.memory_space<hbm>> -> memref<128x128xf32, #tpu.memory_space<hbm>>
        %dma_wait3A_308 = arith.constant 0 : i32
        %dma_wait3A_309 = arith.constant 0 : i32
        %dma_wait3A_310 = tpu.memref_slice %arg2[%dma_wait3A_308, %dma_wait3A_309] : memref<10000x128xf32, #tpu.memory_space<hbm>> -> memref<128x128xf32, #tpu.memory_space<hbm>>
        tpu.wait_dma2 semaphore(%arg27 : memref<!tpu.dma_semaphore, #tpu.memory_space<semaphore_mem>>) src(%dma_wait3A_310 : memref<128x128xf32, #tpu.memory_space<hbm>>) dst(%arg17 : memref<128x128xf32, #tpu.memory_space<vmem>>)
        %dma_start3A_311 = arith.constant 0 : i32
        %dma_start3A_312 = arith.constant 0 : i32
        %dma_start3A_313 = tpu.memref_slice %arg20[%dma_start3A_311, %dma_start3A_312] : memref<10000x128xf32, #tpu.memory_space<vmem_shared>> -> memref<10000x128xf32, #tpu.memory_space<vmem_shared>>
        tpu.enqueue_indirect_dma source(%arg17 : memref<128x128xf32, #tpu.memory_space<vmem>>) target(%dma_start3A_313 : memref<10000x128xf32, #tpu.memory_space<vmem_shared>>) offsets(%arg14 : memref<128xi32, #tpu.memory_space<vmem>>) semaphore(%arg30 : memref<!tpu.dma_semaphore, #tpu.memory_space<semaphore_mem>>) {add = true}
      } else {
      }
      %add3A_245 = arith.constant 1 : i32
      %add3A_246 = arith.addi %add3A_238, %add3A_245 : i32
      %lt3A_247 = arith.cmpi slt, %add3A_246, %add3A_8 : i32
      %convert_element_type3A_248 = arith.extui %lt3A_247 : i1 to i32
      %cond3A_249 = arith.constant 0 : i32
      %cond3A_250 = arith.cmpi ne, %convert_element_type3A_248, %cond3A_249 : i32
      scf.if %cond3A_250 {
        %dma_wait3A_305 = arith.constant 0 : i32
        %dma_wait3A_306 = arith.constant 0 : i32
        %dma_wait3A_307 = tpu.memref_slice %arg2[%dma_wait3A_305, %dma_wait3A_306] : memref<10000x128xf32, #tpu.memory_space<hbm>> -> memref<128x128xf32, #tpu.memory_space<hbm>>
        %dma_wait3A_308 = arith.constant 0 : i32
        %dma_wait3A_309 = arith.constant 0 : i32
        %dma_wait3A_310 = tpu.memref_slice %arg2[%dma_wait3A_308, %dma_wait3A_309] : memref<10000x128xf32, #tpu.memory_space<hbm>> -> memref<128x128xf32, #tpu.memory_space<hbm>>
        tpu.wait_dma2 semaphore(%arg28 : memref<!tpu.dma_semaphore, #tpu.memory_space<semaphore_mem>>) src(%dma_wait3A_310 : memref<128x128xf32, #tpu.memory_space<hbm>>) dst(%arg18 : memref<128x128xf32, #tpu.memory_space<vmem>>)
        %dma_start3A_311 = arith.constant 0 : i32
        %dma_start3A_312 = arith.constant 0 : i32
        %dma_start3A_313 = tpu.memref_slice %arg20[%dma_start3A_311, %dma_start3A_312] : memref<10000x128xf32, #tpu.memory_space<vmem_shared>> -> memref<10000x128xf32, #tpu.memory_space<vmem_shared>>
        tpu.enqueue_indirect_dma source(%arg18 : memref<128x128xf32, #tpu.memory_space<vmem>>) target(%dma_start3A_313 : memref<10000x128xf32, #tpu.memory_space<vmem_shared>>) offsets(%arg15 : memref<128xi32, #tpu.memory_space<vmem>>) semaphore(%arg31 : memref<!tpu.dma_semaphore, #tpu.memory_space<semaphore_mem>>) {add = true}
      } else {
      }
      %add3A_251 = arith.constant 2 : i32
      %add3A_252 = arith.addi %add3A_238, %add3A_251 : i32
      %lt3A_253 = arith.cmpi slt, %add3A_252, %add3A_8 : i32
      %convert_element_type3A_254 = arith.extui %lt3A_253 : i1 to i32
      %cond3A_255 = arith.constant 0 : i32
      %cond3A_256 = arith.cmpi ne, %convert_element_type3A_254, %cond3A_255 : i32
      scf.if %cond3A_256 {
        %dma_wait3A_305 = arith.constant 0 : i32
        %dma_wait3A_306 = arith.constant 0 : i32
        %dma_wait3A_307 = tpu.memref_slice %arg2[%dma_wait3A_305, %dma_wait3A_306] : memref<10000x128xf32, #tpu.memory_space<hbm>> -> memref<128x128xf32, #tpu.memory_space<hbm>>
        %dma_wait3A_308 = arith.constant 0 : i32
        %dma_wait3A_309 = arith.constant 0 : i32
        %dma_wait3A_310 = tpu.memref_slice %arg2[%dma_wait3A_308, %dma_wait3A_309] : memref<10000x128xf32, #tpu.memory_space<hbm>> -> memref<128x128xf32, #tpu.memory_space<hbm>>
        tpu.wait_dma2 semaphore(%arg29 : memref<!tpu.dma_semaphore, #tpu.memory_space<semaphore_mem>>) src(%dma_wait3A_310 : memref<128x128xf32, #tpu.memory_space<hbm>>) dst(%arg19 : memref<128x128xf32, #tpu.memory_space<vmem>>)
        %dma_start3A_311 = arith.constant 0 : i32
        %dma_start3A_312 = arith.constant 0 : i32
        %dma_start3A_313 = tpu.memref_slice %arg20[%dma_start3A_311, %dma_start3A_312] : memref<10000x128xf32, #tpu.memory_space<vmem_shared>> -> memref<10000x128xf32, #tpu.memory_space<vmem_shared>>
        tpu.enqueue_indirect_dma source(%arg19 : memref<128x128xf32, #tpu.memory_space<vmem>>) target(%dma_start3A_313 : memref<10000x128xf32, #tpu.memory_space<vmem_shared>>) offsets(%arg16 : memref<128xi32, #tpu.memory_space<vmem>>) semaphore(%arg32 : memref<!tpu.dma_semaphore, #tpu.memory_space<semaphore_mem>>) {add = true}
      } else {
      }
      %add3A_257 = arith.constant 0 : i32
      %add3A_258 = arith.addi %add3A_238, %add3A_257 : i32
      %add3A_259 = arith.constant 3 : i32
      %add3A_260 = arith.addi %add3A_258, %add3A_259 : i32
      %lt3A_261 = arith.cmpi slt, %add3A_260, %add3A_8 : i32
      %convert_element_type3A_262 = arith.extui %lt3A_261 : i1 to i32
      %cond3A_263 = arith.constant 0 : i32
      %cond3A_264 = arith.cmpi ne, %convert_element_type3A_262, %cond3A_263 : i32
      scf.if %cond3A_264 {
        %dma_wait3A_305 = arith.constant 0 : i32
        %dma_wait3A_306 = arith.constant 0 : i32
        %dma_wait3A_307 = tpu.memref_slice %arg2[%dma_wait3A_305, %dma_wait3A_306] : memref<10000x128xf32, #tpu.memory_space<hbm>> -> memref<128x128xf32, #tpu.memory_space<hbm>>
        %dma_wait3A_308 = arith.constant 0 : i32
        %dma_wait3A_309 = arith.constant 0 : i32
        %dma_wait3A_310 = tpu.memref_slice %arg2[%dma_wait3A_308, %dma_wait3A_309] : memref<10000x128xf32, #tpu.memory_space<hbm>> -> memref<128x128xf32, #tpu.memory_space<hbm>>
        tpu.wait_dma2 semaphore(%arg30 : memref<!tpu.dma_semaphore, #tpu.memory_space<semaphore_mem>>) src(%dma_wait3A_310 : memref<128x128xf32, #tpu.memory_space<hbm>>) dst(%arg17 : memref<128x128xf32, #tpu.memory_space<vmem>>)
        %dma_wait3A_311 = arith.constant 0 : i32
        %dma_wait3A_312 = tpu.memref_slice %arg3[%dma_wait3A_311] : memref<640000xi32, #tpu.memory_space<hbm>> -> memref<128xi32, #tpu.memory_space<hbm>>
        %dma_wait3A_313 = arith.constant 0 : i32
        %dma_wait3A_314 = tpu.memref_slice %arg3[%dma_wait3A_313] : memref<640000xi32, #tpu.memory_space<hbm>> -> memref<128xi32, #tpu.memory_space<hbm>>
        tpu.wait_dma2 semaphore(%arg21 : memref<!tpu.dma_semaphore, #tpu.memory_space<semaphore_mem>>) src(%dma_wait3A_314 : memref<128xi32, #tpu.memory_space<hbm>>) dst(%arg5 : memref<128xi32, #tpu.memory_space<vmem>>)
        %dma_wait3A_315 = arith.constant 0 : i32
        %dma_wait3A_316 = tpu.memref_slice %arg3[%dma_wait3A_315] : memref<640000xi32, #tpu.memory_space<hbm>> -> memref<128xi32, #tpu.memory_space<hbm>>
        %dma_wait3A_317 = arith.constant 0 : i32
        %dma_wait3A_318 = tpu.memref_slice %arg3[%dma_wait3A_317] : memref<640000xi32, #tpu.memory_space<hbm>> -> memref<128xi32, #tpu.memory_space<hbm>>
        tpu.wait_dma2 semaphore(%arg21 : memref<!tpu.dma_semaphore, #tpu.memory_space<semaphore_mem>>) src(%dma_wait3A_318 : memref<128xi32, #tpu.memory_space<hbm>>) dst(%arg11 : memref<128xi32, #tpu.memory_space<vmem>>)
        %dma_start3A_319 = arith.constant 0 : i32
        %dma_start3A_320 = arith.constant 0 : i32
        %dma_start3A_321 = tpu.memref_slice %arg2[%dma_start3A_319, %dma_start3A_320] : memref<10000x128xf32, #tpu.memory_space<hbm>> -> memref<10000x128xf32, #tpu.memory_space<hbm>>
        tpu.enqueue_indirect_dma source(%dma_start3A_321 : memref<10000x128xf32, #tpu.memory_space<hbm>>) target(%arg17 : memref<128x128xf32, #tpu.memory_space<vmem>>) offsets(%arg5 : memref<128xi32, #tpu.memory_space<vmem>>) semaphore(%arg27 : memref<!tpu.dma_semaphore, #tpu.memory_space<semaphore_mem>>)
      } else {
      }
      %add3A_265 = arith.constant 0 : i32
      %add3A_266 = arith.addi %add3A_238, %add3A_265 : i32
      %add3A_267 = arith.constant 6 : i32
      %add3A_268 = arith.addi %add3A_266, %add3A_267 : i32
      %lt3A_269 = arith.cmpi slt, %add3A_268, %add3A_8 : i32
      %convert_element_type3A_270 = arith.extui %lt3A_269 : i1 to i32
      %cond3A_271 = arith.constant 0 : i32
      %cond3A_272 = arith.cmpi ne, %convert_element_type3A_270, %cond3A_271 : i32
      scf.if %cond3A_272 {
        %add3A_305 = arith.constant 0 : i32
        %add3A_306 = arith.addi %add3A_238, %add3A_305 : i32
        %add3A_307 = arith.constant 6 : i32
        %add3A_308 = arith.addi %add3A_306, %add3A_307 : i32
        %add3A_309 = arith.addi %add3A_4, %add3A_308 : i32
        %mul3A_310 = arith.constant 128 : i32
        %mul3A_311 = arith.muli %add3A_309, %mul3A_310 : i32
        %dma_start3A_312 = tpu.memref_slice %arg3[%mul3A_311] : memref<640000xi32, #tpu.memory_space<hbm>> -> memref<128xi32, #tpu.memory_space<hbm>>
        %dma_start3A_313 = tpu.memref_slice %arg3[%mul3A_311] : memref<640000xi32, #tpu.memory_space<hbm>> -> memref<128xi32, #tpu.memory_space<hbm>>
        tpu.enqueue_dma source(%dma_start3A_313 : memref<128xi32, #tpu.memory_space<hbm>>) target(%arg8 : memref<128xi32, #tpu.memory_space<vmem>>) target_semaphore(%arg24 : memref<!tpu.dma_semaphore, #tpu.memory_space<semaphore_mem>>)
        %add3A_314 = arith.constant 320000 : i32
        %add3A_315 = arith.addi %add3A_314, %mul3A_311 : i32
        %dma_start3A_316 = tpu.memref_slice %arg3[%add3A_315] : memref<640000xi32, #tpu.memory_space<hbm>> -> memref<128xi32, #tpu.memory_space<hbm>>
        %dma_start3A_317 = tpu.memref_slice %arg3[%add3A_315] : memref<640000xi32, #tpu.memory_space<hbm>> -> memref<128xi32, #tpu.memory_space<hbm>>
        tpu.enqueue_dma source(%dma_start3A_317 : memref<128xi32, #tpu.memory_space<hbm>>) target(%arg14 : memref<128xi32, #tpu.memory_space<vmem>>) target_semaphore(%arg24 : memref<!tpu.dma_semaphore, #tpu.memory_space<semaphore_mem>>)
      } else {
      }
      %add3A_273 = arith.constant 1 : i32
      %add3A_274 = arith.addi %add3A_238, %add3A_273 : i32
      %add3A_275 = arith.constant 3 : i32
      %add3A_276 = arith.addi %add3A_274, %add3A_275 : i32
      %lt3A_277 = arith.cmpi slt, %add3A_276, %add3A_8 : i32
      %convert_element_type3A_278 = arith.extui %lt3A_277 : i1 to i32
      %cond3A_279 = arith.constant 0 : i32
      %cond3A_280 = arith.cmpi ne, %convert_element_type3A_278, %cond3A_279 : i32
      scf.if %cond3A_280 {
        %dma_wait3A_305 = arith.constant 0 : i32
        %dma_wait3A_306 = arith.constant 0 : i32
        %dma_wait3A_307 = tpu.memref_slice %arg2[%dma_wait3A_305, %dma_wait3A_306] : memref<10000x128xf32, #tpu.memory_space<hbm>> -> memref<128x128xf32, #tpu.memory_space<hbm>>
        %dma_wait3A_308 = arith.constant 0 : i32
        %dma_wait3A_309 = arith.constant 0 : i32
        %dma_wait3A_310 = tpu.memref_slice %arg2[%dma_wait3A_308, %dma_wait3A_309] : memref<10000x128xf32, #tpu.memory_space<hbm>> -> memref<128x128xf32, #tpu.memory_space<hbm>>
        tpu.wait_dma2 semaphore(%arg31 : memref<!tpu.dma_semaphore, #tpu.memory_space<semaphore_mem>>) src(%dma_wait3A_310 : memref<128x128xf32, #tpu.memory_space<hbm>>) dst(%arg18 : memref<128x128xf32, #tpu.memory_space<vmem>>)
        %dma_wait3A_311 = arith.constant 0 : i32
        %dma_wait3A_312 = tpu.memref_slice %arg3[%dma_wait3A_311] : memref<640000xi32, #tpu.memory_space<hbm>> -> memref<128xi32, #tpu.memory_space<hbm>>
        %dma_wait3A_313 = arith.constant 0 : i32
        %dma_wait3A_314 = tpu.memref_slice %arg3[%dma_wait3A_313] : memref<640000xi32, #tpu.memory_space<hbm>> -> memref<128xi32, #tpu.memory_space<hbm>>
        tpu.wait_dma2 semaphore(%arg22 : memref<!tpu.dma_semaphore, #tpu.memory_space<semaphore_mem>>) src(%dma_wait3A_314 : memref<128xi32, #tpu.memory_space<hbm>>) dst(%arg6 : memref<128xi32, #tpu.memory_space<vmem>>)
        %dma_wait3A_315 = arith.constant 0 : i32
        %dma_wait3A_316 = tpu.memref_slice %arg3[%dma_wait3A_315] : memref<640000xi32, #tpu.memory_space<hbm>> -> memref<128xi32, #tpu.memory_space<hbm>>
        %dma_wait3A_317 = arith.constant 0 : i32
        %dma_wait3A_318 = tpu.memref_slice %arg3[%dma_wait3A_317] : memref<640000xi32, #tpu.memory_space<hbm>> -> memref<128xi32, #tpu.memory_space<hbm>>
        tpu.wait_dma2 semaphore(%arg22 : memref<!tpu.dma_semaphore, #tpu.memory_space<semaphore_mem>>) src(%dma_wait3A_318 : memref<128xi32, #tpu.memory_space<hbm>>) dst(%arg12 : memref<128xi32, #tpu.memory_space<vmem>>)
        %dma_start3A_319 = arith.constant 0 : i32
        %dma_start3A_320 = arith.constant 0 : i32
        %dma_start3A_321 = tpu.memref_slice %arg2[%dma_start3A_319, %dma_start3A_320] : memref<10000x128xf32, #tpu.memory_space<hbm>> -> memref<10000x128xf32, #tpu.memory_space<hbm>>
        tpu.enqueue_indirect_dma source(%dma_start3A_321 : memref<10000x128xf32, #tpu.memory_space<hbm>>) target(%arg18 : memref<128x128xf32, #tpu.memory_space<vmem>>) offsets(%arg6 : memref<128xi32, #tpu.memory_space<vmem>>) semaphore(%arg28 : memref<!tpu.dma_semaphore, #tpu.memory_space<semaphore_mem>>)
      } else {
      }
      %add3A_281 = arith.constant 1 : i32
      %add3A_282 = arith.addi %add3A_238, %add3A_281 : i32
      %add3A_283 = arith.constant 6 : i32
      %add3A_284 = arith.addi %add3A_282, %add3A_283 : i32
      %lt3A_285 = arith.cmpi slt, %add3A_284, %add3A_8 : i32
      %convert_element_type3A_286 = arith.extui %lt3A_285 : i1 to i32
      %cond3A_287 = arith.constant 0 : i32
      %cond3A_288 = arith.cmpi ne, %convert_element_type3A_286, %cond3A_287 : i32
      scf.if %cond3A_288 {
        %add3A_305 = arith.constant 1 : i32
        %add3A_306 = arith.addi %add3A_238, %add3A_305 : i32
        %add3A_307 = arith.constant 6 : i32
        %add3A_308 = arith.addi %add3A_306, %add3A_307 : i32
        %add3A_309 = arith.addi %add3A_4, %add3A_308 : i32
        %mul3A_310 = arith.constant 128 : i32
        %mul3A_311 = arith.muli %add3A_309, %mul3A_310 : i32
        %dma_start3A_312 = tpu.memref_slice %arg3[%mul3A_311] : memref<640000xi32, #tpu.memory_space<hbm>> -> memref<128xi32, #tpu.memory_space<hbm>>
        %dma_start3A_313 = tpu.memref_slice %arg3[%mul3A_311] : memref<640000xi32, #tpu.memory_space<hbm>> -> memref<128xi32, #tpu.memory_space<hbm>>
        tpu.enqueue_dma source(%dma_start3A_313 : memref<128xi32, #tpu.memory_space<hbm>>) target(%arg9 : memref<128xi32, #tpu.memory_space<vmem>>) target_semaphore(%arg25 : memref<!tpu.dma_semaphore, #tpu.memory_space<semaphore_mem>>)
        %add3A_314 = arith.constant 320000 : i32
        %add3A_315 = arith.addi %add3A_314, %mul3A_311 : i32
        %dma_start3A_316 = tpu.memref_slice %arg3[%add3A_315] : memref<640000xi32, #tpu.memory_space<hbm>> -> memref<128xi32, #tpu.memory_space<hbm>>
        %dma_start3A_317 = tpu.memref_slice %arg3[%add3A_315] : memref<640000xi32, #tpu.memory_space<hbm>> -> memref<128xi32, #tpu.memory_space<hbm>>
        tpu.enqueue_dma source(%dma_start3A_317 : memref<128xi32, #tpu.memory_space<hbm>>) target(%arg15 : memref<128xi32, #tpu.memory_space<vmem>>) target_semaphore(%arg25 : memref<!tpu.dma_semaphore, #tpu.memory_space<semaphore_mem>>)
      } else {
      }
      %add3A_289 = arith.constant 2 : i32
      %add3A_290 = arith.addi %add3A_238, %add3A_289 : i32
      %add3A_291 = arith.constant 3 : i32
      %add3A_292 = arith.addi %add3A_290, %add3A_291 : i32
      %lt3A_293 = arith.cmpi slt, %add3A_292, %add3A_8 : i32
      %convert_element_type3A_294 = arith.extui %lt3A_293 : i1 to i32
      %cond3A_295 = arith.constant 0 : i32
      %cond3A_296 = arith.cmpi ne, %convert_element_type3A_294, %cond3A_295 : i32
      scf.if %cond3A_296 {
        %dma_wait3A_305 = arith.constant 0 : i32
        %dma_wait3A_306 = arith.constant 0 : i32
        %dma_wait3A_307 = tpu.memref_slice %arg2[%dma_wait3A_305, %dma_wait3A_306] : memref<10000x128xf32, #tpu.memory_space<hbm>> -> memref<128x128xf32, #tpu.memory_space<hbm>>
        %dma_wait3A_308 = arith.constant 0 : i32
        %dma_wait3A_309 = arith.constant 0 : i32
        %dma_wait3A_310 = tpu.memref_slice %arg2[%dma_wait3A_308, %dma_wait3A_309] : memref<10000x128xf32, #tpu.memory_space<hbm>> -> memref<128x128xf32, #tpu.memory_space<hbm>>
        tpu.wait_dma2 semaphore(%arg32 : memref<!tpu.dma_semaphore, #tpu.memory_space<semaphore_mem>>) src(%dma_wait3A_310 : memref<128x128xf32, #tpu.memory_space<hbm>>) dst(%arg19 : memref<128x128xf32, #tpu.memory_space<vmem>>)
        %dma_wait3A_311 = arith.constant 0 : i32
        %dma_wait3A_312 = tpu.memref_slice %arg3[%dma_wait3A_311] : memref<640000xi32, #tpu.memory_space<hbm>> -> memref<128xi32, #tpu.memory_space<hbm>>
        %dma_wait3A_313 = arith.constant 0 : i32
        %dma_wait3A_314 = tpu.memref_slice %arg3[%dma_wait3A_313] : memref<640000xi32, #tpu.memory_space<hbm>> -> memref<128xi32, #tpu.memory_space<hbm>>
        tpu.wait_dma2 semaphore(%arg23 : memref<!tpu.dma_semaphore, #tpu.memory_space<semaphore_mem>>) src(%dma_wait3A_314 : memref<128xi32, #tpu.memory_space<hbm>>) dst(%arg7 : memref<128xi32, #tpu.memory_space<vmem>>)
        %dma_wait3A_315 = arith.constant 0 : i32
        %dma_wait3A_316 = tpu.memref_slice %arg3[%dma_wait3A_315] : memref<640000xi32, #tpu.memory_space<hbm>> -> memref<128xi32, #tpu.memory_space<hbm>>
        %dma_wait3A_317 = arith.constant 0 : i32
        %dma_wait3A_318 = tpu.memref_slice %arg3[%dma_wait3A_317] : memref<640000xi32, #tpu.memory_space<hbm>> -> memref<128xi32, #tpu.memory_space<hbm>>
        tpu.wait_dma2 semaphore(%arg23 : memref<!tpu.dma_semaphore, #tpu.memory_space<semaphore_mem>>) src(%dma_wait3A_318 : memref<128xi32, #tpu.memory_space<hbm>>) dst(%arg13 : memref<128xi32, #tpu.memory_space<vmem>>)
        %dma_start3A_319 = arith.constant 0 : i32
        %dma_start3A_320 = arith.constant 0 : i32
        %dma_start3A_321 = tpu.memref_slice %arg2[%dma_start3A_319, %dma_start3A_320] : memref<10000x128xf32, #tpu.memory_space<hbm>> -> memref<10000x128xf32, #tpu.memory_space<hbm>>
        tpu.enqueue_indirect_dma source(%dma_start3A_321 : memref<10000x128xf32, #tpu.memory_space<hbm>>) target(%arg19 : memref<128x128xf32, #tpu.memory_space<vmem>>) offsets(%arg7 : memref<128xi32, #tpu.memory_space<vmem>>) semaphore(%arg29 : memref<!tpu.dma_semaphore, #tpu.memory_space<semaphore_mem>>)
      } else {
      }
      %add3A_297 = arith.constant 2 : i32
      %add3A_298 = arith.addi %add3A_238, %add3A_297 : i32
      %add3A_299 = arith.constant 6 : i32
      %add3A_300 = arith.addi %add3A_298, %add3A_299 : i32
      %lt3A_301 = arith.cmpi slt, %add3A_300, %add3A_8 : i32
      %convert_element_type3A_302 = arith.extui %lt3A_301 : i1 to i32
      %cond3A_303 = arith.constant 0 : i32
      %cond3A_304 = arith.cmpi ne, %convert_element_type3A_302, %cond3A_303 : i32
      scf.if %cond3A_304 {
        %add3A_305 = arith.constant 2 : i32
        %add3A_306 = arith.addi %add3A_238, %add3A_305 : i32
        %add3A_307 = arith.constant 6 : i32
        %add3A_308 = arith.addi %add3A_306, %add3A_307 : i32
        %add3A_309 = arith.addi %add3A_4, %add3A_308 : i32
        %mul3A_310 = arith.constant 128 : i32
        %mul3A_311 = arith.muli %add3A_309, %mul3A_310 : i32
        %dma_start3A_312 = tpu.memref_slice %arg3[%mul3A_311] : memref<640000xi32, #tpu.memory_space<hbm>> -> memref<128xi32, #tpu.memory_space<hbm>>
        %dma_start3A_313 = tpu.memref_slice %arg3[%mul3A_311] : memref<640000xi32, #tpu.memory_space<hbm>> -> memref<128xi32, #tpu.memory_space<hbm>>
        tpu.enqueue_dma source(%dma_start3A_313 : memref<128xi32, #tpu.memory_space<hbm>>) target(%arg10 : memref<128xi32, #tpu.memory_space<vmem>>) target_semaphore(%arg26 : memref<!tpu.dma_semaphore, #tpu.memory_space<semaphore_mem>>)
        %add3A_314 = arith.constant 320000 : i32
        %add3A_315 = arith.addi %add3A_314, %mul3A_311 : i32
        %dma_start3A_316 = tpu.memref_slice %arg3[%add3A_315] : memref<640000xi32, #tpu.memory_space<hbm>> -> memref<128xi32, #tpu.memory_space<hbm>>
        %dma_start3A_317 = tpu.memref_slice %arg3[%add3A_315] : memref<640000xi32, #tpu.memory_space<hbm>> -> memref<128xi32, #tpu.memory_space<hbm>>
        tpu.enqueue_dma source(%dma_start3A_317 : memref<128xi32, #tpu.memory_space<hbm>>) target(%arg16 : memref<128xi32, #tpu.memory_space<vmem>>) target_semaphore(%arg26 : memref<!tpu.dma_semaphore, #tpu.memory_space<semaphore_mem>>)
      } else {
      }
    }
    %while3A_136 = arith.constant 1 : i32
    scf.for %while3A_168 = %while3A_134 to %while3A_130 step %while3A_136  : i32 {
      %mul3A_169 = arith.constant 6 : i32
      %mul3A_170 = arith.muli %mul3A_169, %while3A_168 : i32
      %add3A_171 = arith.constant 0 : i32
      %add3A_172 = arith.addi %mul3A_170, %add3A_171 : i32
      %lt3A_173 = arith.cmpi slt, %add3A_172, %add3A_8 : i32
      %convert_element_type3A_174 = arith.extui %lt3A_173 : i1 to i32
      %cond3A_175 = arith.constant 0 : i32
      %cond3A_176 = arith.cmpi ne, %convert_element_type3A_174, %cond3A_175 : i32
      scf.if %cond3A_176 {
        %dma_wait3A_305 = arith.constant 0 : i32
        %dma_wait3A_306 = arith.constant 0 : i32
        %dma_wait3A_307 = tpu.memref_slice %arg2[%dma_wait3A_305, %dma_wait3A_306] : memref<10000x128xf32, #tpu.memory_space<hbm>> -> memref<128x128xf32, #tpu.memory_space<hbm>>
        %dma_wait3A_308 = arith.constant 0 : i32
        %dma_wait3A_309 = arith.constant 0 : i32
        %dma_wait3A_310 = tpu.memref_slice %arg2[%dma_wait3A_308, %dma_wait3A_309] : memref<10000x128xf32, #tpu.memory_space<hbm>> -> memref<128x128xf32, #tpu.memory_space<hbm>>
        tpu.wait_dma2 semaphore(%arg27 : memref<!tpu.dma_semaphore, #tpu.memory_space<semaphore_mem>>) src(%dma_wait3A_310 : memref<128x128xf32, #tpu.memory_space<hbm>>) dst(%arg17 : memref<128x128xf32, #tpu.memory_space<vmem>>)
        %dma_start3A_311 = arith.constant 0 : i32
        %dma_start3A_312 = arith.constant 0 : i32
        %dma_start3A_313 = tpu.memref_slice %arg20[%dma_start3A_311, %dma_start3A_312] : memref<10000x128xf32, #tpu.memory_space<vmem_shared>> -> memref<10000x128xf32, #tpu.memory_space<vmem_shared>>
        tpu.enqueue_indirect_dma source(%arg17 : memref<128x128xf32, #tpu.memory_space<vmem>>) target(%dma_start3A_313 : memref<10000x128xf32, #tpu.memory_space<vmem_shared>>) offsets(%arg11 : memref<128xi32, #tpu.memory_space<vmem>>) semaphore(%arg30 : memref<!tpu.dma_semaphore, #tpu.memory_space<semaphore_mem>>) {add = true}
      } else {
      }
      %add3A_177 = arith.constant 1 : i32
      %add3A_178 = arith.addi %mul3A_170, %add3A_177 : i32
      %lt3A_179 = arith.cmpi slt, %add3A_178, %add3A_8 : i32
      %convert_element_type3A_180 = arith.extui %lt3A_179 : i1 to i32
      %cond3A_181 = arith.constant 0 : i32
      %cond3A_182 = arith.cmpi ne, %convert_element_type3A_180, %cond3A_181 : i32
      scf.if %cond3A_182 {
        %dma_wait3A_305 = arith.constant 0 : i32
        %dma_wait3A_306 = arith.constant 0 : i32
        %dma_wait3A_307 = tpu.memref_slice %arg2[%dma_wait3A_305, %dma_wait3A_306] : memref<10000x128xf32, #tpu.memory_space<hbm>> -> memref<128x128xf32, #tpu.memory_space<hbm>>
        %dma_wait3A_308 = arith.constant 0 : i32
        %dma_wait3A_309 = arith.constant 0 : i32
        %dma_wait3A_310 = tpu.memref_slice %arg2[%dma_wait3A_308, %dma_wait3A_309] : memref<10000x128xf32, #tpu.memory_space<hbm>> -> memref<128x128xf32, #tpu.memory_space<hbm>>
        tpu.wait_dma2 semaphore(%arg28 : memref<!tpu.dma_semaphore, #tpu.memory_space<semaphore_mem>>) src(%dma_wait3A_310 : memref<128x128xf32, #tpu.memory_space<hbm>>) dst(%arg18 : memref<128x128xf32, #tpu.memory_space<vmem>>)
        %dma_start3A_311 = arith.constant 0 : i32
        %dma_start3A_312 = arith.constant 0 : i32
        %dma_start3A_313 = tpu.memref_slice %arg20[%dma_start3A_311, %dma_start3A_312] : memref<10000x128xf32, #tpu.memory_space<vmem_shared>> -> memref<10000x128xf32, #tpu.memory_space<vmem_shared>>
        tpu.enqueue_indirect_dma source(%arg18 : memref<128x128xf32, #tpu.memory_space<vmem>>) target(%dma_start3A_313 : memref<10000x128xf32, #tpu.memory_space<vmem_shared>>) offsets(%arg12 : memref<128xi32, #tpu.memory_space<vmem>>) semaphore(%arg31 : memref<!tpu.dma_semaphore, #tpu.memory_space<semaphore_mem>>) {add = true}
      } else {
      }
      %add3A_183 = arith.constant 2 : i32
      %add3A_184 = arith.addi %mul3A_170, %add3A_183 : i32
      %lt3A_185 = arith.cmpi slt, %add3A_184, %add3A_8 : i32
      %convert_element_type3A_186 = arith.extui %lt3A_185 : i1 to i32
      %cond3A_187 = arith.constant 0 : i32
      %cond3A_188 = arith.cmpi ne, %convert_element_type3A_186, %cond3A_187 : i32
      scf.if %cond3A_188 {
        %dma_wait3A_305 = arith.constant 0 : i32
        %dma_wait3A_306 = arith.constant 0 : i32
        %dma_wait3A_307 = tpu.memref_slice %arg2[%dma_wait3A_305, %dma_wait3A_306] : memref<10000x128xf32, #tpu.memory_space<hbm>> -> memref<128x128xf32, #tpu.memory_space<hbm>>
        %dma_wait3A_308 = arith.constant 0 : i32
        %dma_wait3A_309 = arith.constant 0 : i32
        %dma_wait3A_310 = tpu.memref_slice %arg2[%dma_wait3A_308, %dma_wait3A_309] : memref<10000x128xf32, #tpu.memory_space<hbm>> -> memref<128x128xf32, #tpu.memory_space<hbm>>
        tpu.wait_dma2 semaphore(%arg29 : memref<!tpu.dma_semaphore, #tpu.memory_space<semaphore_mem>>) src(%dma_wait3A_310 : memref<128x128xf32, #tpu.memory_space<hbm>>) dst(%arg19 : memref<128x128xf32, #tpu.memory_space<vmem>>)
        %dma_start3A_311 = arith.constant 0 : i32
        %dma_start3A_312 = arith.constant 0 : i32
        %dma_start3A_313 = tpu.memref_slice %arg20[%dma_start3A_311, %dma_start3A_312] : memref<10000x128xf32, #tpu.memory_space<vmem_shared>> -> memref<10000x128xf32, #tpu.memory_space<vmem_shared>>
        tpu.enqueue_indirect_dma source(%arg19 : memref<128x128xf32, #tpu.memory_space<vmem>>) target(%dma_start3A_313 : memref<10000x128xf32, #tpu.memory_space<vmem_shared>>) offsets(%arg13 : memref<128xi32, #tpu.memory_space<vmem>>) semaphore(%arg32 : memref<!tpu.dma_semaphore, #tpu.memory_space<semaphore_mem>>) {add = true}
      } else {
      }
      %add3A_189 = arith.constant 0 : i32
      %add3A_190 = arith.addi %mul3A_170, %add3A_189 : i32
      %add3A_191 = arith.constant 3 : i32
      %add3A_192 = arith.addi %add3A_190, %add3A_191 : i32
      %lt3A_193 = arith.cmpi slt, %add3A_192, %add3A_8 : i32
      %convert_element_type3A_194 = arith.extui %lt3A_193 : i1 to i32
      %cond3A_195 = arith.constant 0 : i32
      %cond3A_196 = arith.cmpi ne, %convert_element_type3A_194, %cond3A_195 : i32
      scf.if %cond3A_196 {
        %dma_wait3A_305 = arith.constant 0 : i32
        %dma_wait3A_306 = arith.constant 0 : i32
        %dma_wait3A_307 = tpu.memref_slice %arg2[%dma_wait3A_305, %dma_wait3A_306] : memref<10000x128xf32, #tpu.memory_space<hbm>> -> memref<128x128xf32, #tpu.memory_space<hbm>>
        %dma_wait3A_308 = arith.constant 0 : i32
        %dma_wait3A_309 = arith.constant 0 : i32
        %dma_wait3A_310 = tpu.memref_slice %arg2[%dma_wait3A_308, %dma_wait3A_309] : memref<10000x128xf32, #tpu.memory_space<hbm>> -> memref<128x128xf32, #tpu.memory_space<hbm>>
        tpu.wait_dma2 semaphore(%arg30 : memref<!tpu.dma_semaphore, #tpu.memory_space<semaphore_mem>>) src(%dma_wait3A_310 : memref<128x128xf32, #tpu.memory_space<hbm>>) dst(%arg17 : memref<128x128xf32, #tpu.memory_space<vmem>>)
        %dma_wait3A_311 = arith.constant 0 : i32
        %dma_wait3A_312 = tpu.memref_slice %arg3[%dma_wait3A_311] : memref<640000xi32, #tpu.memory_space<hbm>> -> memref<128xi32, #tpu.memory_space<hbm>>
        %dma_wait3A_313 = arith.constant 0 : i32
        %dma_wait3A_314 = tpu.memref_slice %arg3[%dma_wait3A_313] : memref<640000xi32, #tpu.memory_space<hbm>> -> memref<128xi32, #tpu.memory_space<hbm>>
        tpu.wait_dma2 semaphore(%arg24 : memref<!tpu.dma_semaphore, #tpu.memory_space<semaphore_mem>>) src(%dma_wait3A_314 : memref<128xi32, #tpu.memory_space<hbm>>) dst(%arg8 : memref<128xi32, #tpu.memory_space<vmem>>)
        %dma_wait3A_315 = arith.constant 0 : i32
        %dma_wait3A_316 = tpu.memref_slice %arg3[%dma_wait3A_315] : memref<640000xi32, #tpu.memory_space<hbm>> -> memref<128xi32, #tpu.memory_space<hbm>>
        %dma_wait3A_317 = arith.constant 0 : i32
        %dma_wait3A_318 = tpu.memref_slice %arg3[%dma_wait3A_317] : memref<640000xi32, #tpu.memory_space<hbm>> -> memref<128xi32, #tpu.memory_space<hbm>>
        tpu.wait_dma2 semaphore(%arg24 : memref<!tpu.dma_semaphore, #tpu.memory_space<semaphore_mem>>) src(%dma_wait3A_318 : memref<128xi32, #tpu.memory_space<hbm>>) dst(%arg14 : memref<128xi32, #tpu.memory_space<vmem>>)
        %dma_start3A_319 = arith.constant 0 : i32
        %dma_start3A_320 = arith.constant 0 : i32
        %dma_start3A_321 = tpu.memref_slice %arg2[%dma_start3A_319, %dma_start3A_320] : memref<10000x128xf32, #tpu.memory_space<hbm>> -> memref<10000x128xf32, #tpu.memory_space<hbm>>
        tpu.enqueue_indirect_dma source(%dma_start3A_321 : memref<10000x128xf32, #tpu.memory_space<hbm>>) target(%arg17 : memref<128x128xf32, #tpu.memory_space<vmem>>) offsets(%arg8 : memref<128xi32, #tpu.memory_space<vmem>>) semaphore(%arg27 : memref<!tpu.dma_semaphore, #tpu.memory_space<semaphore_mem>>)
      } else {
      }
      %add3A_197 = arith.constant 0 : i32
      %add3A_198 = arith.addi %mul3A_170, %add3A_197 : i32
      %add3A_199 = arith.constant 6 : i32
      %add3A_200 = arith.addi %add3A_198, %add3A_199 : i32
      %lt3A_201 = arith.cmpi slt, %add3A_200, %add3A_8 : i32
      %convert_element_type3A_202 = arith.extui %lt3A_201 : i1 to i32
      %cond3A_203 = arith.constant 0 : i32
      %cond3A_204 = arith.cmpi ne, %convert_element_type3A_202, %cond3A_203 : i32
      scf.if %cond3A_204 {
        %add3A_305 = arith.constant 0 : i32
        %add3A_306 = arith.addi %mul3A_170, %add3A_305 : i32
        %add3A_307 = arith.constant 6 : i32
        %add3A_308 = arith.addi %add3A_306, %add3A_307 : i32
        %add3A_309 = arith.addi %add3A_4, %add3A_308 : i32
        %mul3A_310 = arith.constant 128 : i32
        %mul3A_311 = arith.muli %add3A_309, %mul3A_310 : i32
        %dma_start3A_312 = tpu.memref_slice %arg3[%mul3A_311] : memref<640000xi32, #tpu.memory_space<hbm>> -> memref<128xi32, #tpu.memory_space<hbm>>
        %dma_start3A_313 = tpu.memref_slice %arg3[%mul3A_311] : memref<640000xi32, #tpu.memory_space<hbm>> -> memref<128xi32, #tpu.memory_space<hbm>>
        tpu.enqueue_dma source(%dma_start3A_313 : memref<128xi32, #tpu.memory_space<hbm>>) target(%arg5 : memref<128xi32, #tpu.memory_space<vmem>>) target_semaphore(%arg21 : memref<!tpu.dma_semaphore, #tpu.memory_space<semaphore_mem>>)
        %add3A_314 = arith.constant 320000 : i32
        %add3A_315 = arith.addi %add3A_314, %mul3A_311 : i32
        %dma_start3A_316 = tpu.memref_slice %arg3[%add3A_315] : memref<640000xi32, #tpu.memory_space<hbm>> -> memref<128xi32, #tpu.memory_space<hbm>>
        %dma_start3A_317 = tpu.memref_slice %arg3[%add3A_315] : memref<640000xi32, #tpu.memory_space<hbm>> -> memref<128xi32, #tpu.memory_space<hbm>>
        tpu.enqueue_dma source(%dma_start3A_317 : memref<128xi32, #tpu.memory_space<hbm>>) target(%arg11 : memref<128xi32, #tpu.memory_space<vmem>>) target_semaphore(%arg21 : memref<!tpu.dma_semaphore, #tpu.memory_space<semaphore_mem>>)
      } else {
      }
      %add3A_205 = arith.constant 1 : i32
      %add3A_206 = arith.addi %mul3A_170, %add3A_205 : i32
      %add3A_207 = arith.constant 3 : i32
      %add3A_208 = arith.addi %add3A_206, %add3A_207 : i32
      %lt3A_209 = arith.cmpi slt, %add3A_208, %add3A_8 : i32
      %convert_element_type3A_210 = arith.extui %lt3A_209 : i1 to i32
      %cond3A_211 = arith.constant 0 : i32
      %cond3A_212 = arith.cmpi ne, %convert_element_type3A_210, %cond3A_211 : i32
      scf.if %cond3A_212 {
        %dma_wait3A_305 = arith.constant 0 : i32
        %dma_wait3A_306 = arith.constant 0 : i32
        %dma_wait3A_307 = tpu.memref_slice %arg2[%dma_wait3A_305, %dma_wait3A_306] : memref<10000x128xf32, #tpu.memory_space<hbm>> -> memref<128x128xf32, #tpu.memory_space<hbm>>
        %dma_wait3A_308 = arith.constant 0 : i32
        %dma_wait3A_309 = arith.constant 0 : i32
        %dma_wait3A_310 = tpu.memref_slice %arg2[%dma_wait3A_308, %dma_wait3A_309] : memref<10000x128xf32, #tpu.memory_space<hbm>> -> memref<128x128xf32, #tpu.memory_space<hbm>>
        tpu.wait_dma2 semaphore(%arg31 : memref<!tpu.dma_semaphore, #tpu.memory_space<semaphore_mem>>) src(%dma_wait3A_310 : memref<128x128xf32, #tpu.memory_space<hbm>>) dst(%arg18 : memref<128x128xf32, #tpu.memory_space<vmem>>)
        %dma_wait3A_311 = arith.constant 0 : i32
        %dma_wait3A_312 = tpu.memref_slice %arg3[%dma_wait3A_311] : memref<640000xi32, #tpu.memory_space<hbm>> -> memref<128xi32, #tpu.memory_space<hbm>>
        %dma_wait3A_313 = arith.constant 0 : i32
        %dma_wait3A_314 = tpu.memref_slice %arg3[%dma_wait3A_313] : memref<640000xi32, #tpu.memory_space<hbm>> -> memref<128xi32, #tpu.memory_space<hbm>>
        tpu.wait_dma2 semaphore(%arg25 : memref<!tpu.dma_semaphore, #tpu.memory_space<semaphore_mem>>) src(%dma_wait3A_314 : memref<128xi32, #tpu.memory_space<hbm>>) dst(%arg9 : memref<128xi32, #tpu.memory_space<vmem>>)
        %dma_wait3A_315 = arith.constant 0 : i32
        %dma_wait3A_316 = tpu.memref_slice %arg3[%dma_wait3A_315] : memref<640000xi32, #tpu.memory_space<hbm>> -> memref<128xi32, #tpu.memory_space<hbm>>
        %dma_wait3A_317 = arith.constant 0 : i32
        %dma_wait3A_318 = tpu.memref_slice %arg3[%dma_wait3A_317] : memref<640000xi32, #tpu.memory_space<hbm>> -> memref<128xi32, #tpu.memory_space<hbm>>
        tpu.wait_dma2 semaphore(%arg25 : memref<!tpu.dma_semaphore, #tpu.memory_space<semaphore_mem>>) src(%dma_wait3A_318 : memref<128xi32, #tpu.memory_space<hbm>>) dst(%arg15 : memref<128xi32, #tpu.memory_space<vmem>>)
        %dma_start3A_319 = arith.constant 0 : i32
        %dma_start3A_320 = arith.constant 0 : i32
        %dma_start3A_321 = tpu.memref_slice %arg2[%dma_start3A_319, %dma_start3A_320] : memref<10000x128xf32, #tpu.memory_space<hbm>> -> memref<10000x128xf32, #tpu.memory_space<hbm>>
        tpu.enqueue_indirect_dma source(%dma_start3A_321 : memref<10000x128xf32, #tpu.memory_space<hbm>>) target(%arg18 : memref<128x128xf32, #tpu.memory_space<vmem>>) offsets(%arg9 : memref<128xi32, #tpu.memory_space<vmem>>) semaphore(%arg28 : memref<!tpu.dma_semaphore, #tpu.memory_space<semaphore_mem>>)
      } else {
      }
      %add3A_213 = arith.constant 1 : i32
      %add3A_214 = arith.addi %mul3A_170, %add3A_213 : i32
      %add3A_215 = arith.constant 6 : i32
      %add3A_216 = arith.addi %add3A_214, %add3A_215 : i32
      %lt3A_217 = arith.cmpi slt, %add3A_216, %add3A_8 : i32
      %convert_element_type3A_218 = arith.extui %lt3A_217 : i1 to i32
      %cond3A_219 = arith.constant 0 : i32
      %cond3A_220 = arith.cmpi ne, %convert_element_type3A_218, %cond3A_219 : i32
      scf.if %cond3A_220 {
        %add3A_305 = arith.constant 1 : i32
        %add3A_306 = arith.addi %mul3A_170, %add3A_305 : i32
        %add3A_307 = arith.constant 6 : i32
        %add3A_308 = arith.addi %add3A_306, %add3A_307 : i32
        %add3A_309 = arith.addi %add3A_4, %add3A_308 : i32
        %mul3A_310 = arith.constant 128 : i32
        %mul3A_311 = arith.muli %add3A_309, %mul3A_310 : i32
        %dma_start3A_312 = tpu.memref_slice %arg3[%mul3A_311] : memref<640000xi32, #tpu.memory_space<hbm>> -> memref<128xi32, #tpu.memory_space<hbm>>
        %dma_start3A_313 = tpu.memref_slice %arg3[%mul3A_311] : memref<640000xi32, #tpu.memory_space<hbm>> -> memref<128xi32, #tpu.memory_space<hbm>>
        tpu.enqueue_dma source(%dma_start3A_313 : memref<128xi32, #tpu.memory_space<hbm>>) target(%arg6 : memref<128xi32, #tpu.memory_space<vmem>>) target_semaphore(%arg22 : memref<!tpu.dma_semaphore, #tpu.memory_space<semaphore_mem>>)
        %add3A_314 = arith.constant 320000 : i32
        %add3A_315 = arith.addi %add3A_314, %mul3A_311 : i32
        %dma_start3A_316 = tpu.memref_slice %arg3[%add3A_315] : memref<640000xi32, #tpu.memory_space<hbm>> -> memref<128xi32, #tpu.memory_space<hbm>>
        %dma_start3A_317 = tpu.memref_slice %arg3[%add3A_315] : memref<640000xi32, #tpu.memory_space<hbm>> -> memref<128xi32, #tpu.memory_space<hbm>>
        tpu.enqueue_dma source(%dma_start3A_317 : memref<128xi32, #tpu.memory_space<hbm>>) target(%arg12 : memref<128xi32, #tpu.memory_space<vmem>>) target_semaphore(%arg22 : memref<!tpu.dma_semaphore, #tpu.memory_space<semaphore_mem>>)
      } else {
      }
      %add3A_221 = arith.constant 2 : i32
      %add3A_222 = arith.addi %mul3A_170, %add3A_221 : i32
      %add3A_223 = arith.constant 3 : i32
      %add3A_224 = arith.addi %add3A_222, %add3A_223 : i32
      %lt3A_225 = arith.cmpi slt, %add3A_224, %add3A_8 : i32
      %convert_element_type3A_226 = arith.extui %lt3A_225 : i1 to i32
      %cond3A_227 = arith.constant 0 : i32
      %cond3A_228 = arith.cmpi ne, %convert_element_type3A_226, %cond3A_227 : i32
      scf.if %cond3A_228 {
        %dma_wait3A_305 = arith.constant 0 : i32
        %dma_wait3A_306 = arith.constant 0 : i32
        %dma_wait3A_307 = tpu.memref_slice %arg2[%dma_wait3A_305, %dma_wait3A_306] : memref<10000x128xf32, #tpu.memory_space<hbm>> -> memref<128x128xf32, #tpu.memory_space<hbm>>
        %dma_wait3A_308 = arith.constant 0 : i32
        %dma_wait3A_309 = arith.constant 0 : i32
        %dma_wait3A_310 = tpu.memref_slice %arg2[%dma_wait3A_308, %dma_wait3A_309] : memref<10000x128xf32, #tpu.memory_space<hbm>> -> memref<128x128xf32, #tpu.memory_space<hbm>>
        tpu.wait_dma2 semaphore(%arg32 : memref<!tpu.dma_semaphore, #tpu.memory_space<semaphore_mem>>) src(%dma_wait3A_310 : memref<128x128xf32, #tpu.memory_space<hbm>>) dst(%arg19 : memref<128x128xf32, #tpu.memory_space<vmem>>)
        %dma_wait3A_311 = arith.constant 0 : i32
        %dma_wait3A_312 = tpu.memref_slice %arg3[%dma_wait3A_311] : memref<640000xi32, #tpu.memory_space<hbm>> -> memref<128xi32, #tpu.memory_space<hbm>>
        %dma_wait3A_313 = arith.constant 0 : i32
        %dma_wait3A_314 = tpu.memref_slice %arg3[%dma_wait3A_313] : memref<640000xi32, #tpu.memory_space<hbm>> -> memref<128xi32, #tpu.memory_space<hbm>>
        tpu.wait_dma2 semaphore(%arg26 : memref<!tpu.dma_semaphore, #tpu.memory_space<semaphore_mem>>) src(%dma_wait3A_314 : memref<128xi32, #tpu.memory_space<hbm>>) dst(%arg10 : memref<128xi32, #tpu.memory_space<vmem>>)
        %dma_wait3A_315 = arith.constant 0 : i32
        %dma_wait3A_316 = tpu.memref_slice %arg3[%dma_wait3A_315] : memref<640000xi32, #tpu.memory_space<hbm>> -> memref<128xi32, #tpu.memory_space<hbm>>
        %dma_wait3A_317 = arith.constant 0 : i32
        %dma_wait3A_318 = tpu.memref_slice %arg3[%dma_wait3A_317] : memref<640000xi32, #tpu.memory_space<hbm>> -> memref<128xi32, #tpu.memory_space<hbm>>
        tpu.wait_dma2 semaphore(%arg26 : memref<!tpu.dma_semaphore, #tpu.memory_space<semaphore_mem>>) src(%dma_wait3A_318 : memref<128xi32, #tpu.memory_space<hbm>>) dst(%arg16 : memref<128xi32, #tpu.memory_space<vmem>>)
        %dma_start3A_319 = arith.constant 0 : i32
        %dma_start3A_320 = arith.constant 0 : i32
        %dma_start3A_321 = tpu.memref_slice %arg2[%dma_start3A_319, %dma_start3A_320] : memref<10000x128xf32, #tpu.memory_space<hbm>> -> memref<10000x128xf32, #tpu.memory_space<hbm>>
        tpu.enqueue_indirect_dma source(%dma_start3A_321 : memref<10000x128xf32, #tpu.memory_space<hbm>>) target(%arg19 : memref<128x128xf32, #tpu.memory_space<vmem>>) offsets(%arg10 : memref<128xi32, #tpu.memory_space<vmem>>) semaphore(%arg29 : memref<!tpu.dma_semaphore, #tpu.memory_space<semaphore_mem>>)
      } else {
      }
      %add3A_229 = arith.constant 2 : i32
      %add3A_230 = arith.addi %mul3A_170, %add3A_229 : i32
      %add3A_231 = arith.constant 6 : i32
      %add3A_232 = arith.addi %add3A_230, %add3A_231 : i32
      %lt3A_233 = arith.cmpi slt, %add3A_232, %add3A_8 : i32
      %convert_element_type3A_234 = arith.extui %lt3A_233 : i1 to i32
      %cond3A_235 = arith.constant 0 : i32
      %cond3A_236 = arith.cmpi ne, %convert_element_type3A_234, %cond3A_235 : i32
      scf.if %cond3A_236 {
        %add3A_305 = arith.constant 2 : i32
        %add3A_306 = arith.addi %mul3A_170, %add3A_305 : i32
        %add3A_307 = arith.constant 6 : i32
        %add3A_308 = arith.addi %add3A_306, %add3A_307 : i32
        %add3A_309 = arith.addi %add3A_4, %add3A_308 : i32
        %mul3A_310 = arith.constant 128 : i32
        %mul3A_311 = arith.muli %add3A_309, %mul3A_310 : i32
        %dma_start3A_312 = tpu.memref_slice %arg3[%mul3A_311] : memref<640000xi32, #tpu.memory_space<hbm>> -> memref<128xi32, #tpu.memory_space<hbm>>
        %dma_start3A_313 = tpu.memref_slice %arg3[%mul3A_311] : memref<640000xi32, #tpu.memory_space<hbm>> -> memref<128xi32, #tpu.memory_space<hbm>>
        tpu.enqueue_dma source(%dma_start3A_313 : memref<128xi32, #tpu.memory_space<hbm>>) target(%arg7 : memref<128xi32, #tpu.memory_space<vmem>>) target_semaphore(%arg23 : memref<!tpu.dma_semaphore, #tpu.memory_space<semaphore_mem>>)
        %add3A_314 = arith.constant 320000 : i32
        %add3A_315 = arith.addi %add3A_314, %mul3A_311 : i32
        %dma_start3A_316 = tpu.memref_slice %arg3[%add3A_315] : memref<640000xi32, #tpu.memory_space<hbm>> -> memref<128xi32, #tpu.memory_space<hbm>>
        %dma_start3A_317 = tpu.memref_slice %arg3[%add3A_315] : memref<640000xi32, #tpu.memory_space<hbm>> -> memref<128xi32, #tpu.memory_space<hbm>>
        tpu.enqueue_dma source(%dma_start3A_317 : memref<128xi32, #tpu.memory_space<hbm>>) target(%arg13 : memref<128xi32, #tpu.memory_space<vmem>>) target_semaphore(%arg23 : memref<!tpu.dma_semaphore, #tpu.memory_space<semaphore_mem>>)
      } else {
      }
      %add3A_237 = arith.constant 3 : i32
      %add3A_238 = arith.addi %mul3A_170, %add3A_237 : i32
      %add3A_239 = arith.constant 0 : i32
      %add3A_240 = arith.addi %add3A_238, %add3A_239 : i32
      %lt3A_241 = arith.cmpi slt, %add3A_240, %add3A_8 : i32
      %convert_element_type3A_242 = arith.extui %lt3A_241 : i1 to i32
      %cond3A_243 = arith.constant 0 : i32
      %cond3A_244 = arith.cmpi ne, %convert_element_type3A_242, %cond3A_243 : i32
      scf.if %cond3A_244 {
        %dma_wait3A_305 = arith.constant 0 : i32
        %dma_wait3A_306 = arith.constant 0 : i32
        %dma_wait3A_307 = tpu.memref_slice %arg2[%dma_wait3A_305, %dma_wait3A_306] : memref<10000x128xf32, #tpu.memory_space<hbm>> -> memref<128x128xf32, #tpu.memory_space<hbm>>
        %dma_wait3A_308 = arith.constant 0 : i32
        %dma_wait3A_309 = arith.constant 0 : i32
        %dma_wait3A_310 = tpu.memref_slice %arg2[%dma_wait3A_308, %dma_wait3A_309] : memref<10000x128xf32, #tpu.memory_space<hbm>> -> memref<128x128xf32, #tpu.memory_space<hbm>>
        tpu.wait_dma2 semaphore(%arg27 : memref<!tpu.dma_semaphore, #tpu.memory_space<semaphore_mem>>) src(%dma_wait3A_310 : memref<128x128xf32, #tpu.memory_space<hbm>>) dst(%arg17 : memref<128x128xf32, #tpu.memory_space<vmem>>)
        %dma_start3A_311 = arith.constant 0 : i32
        %dma_start3A_312 = arith.constant 0 : i32
        %dma_start3A_313 = tpu.memref_slice %arg20[%dma_start3A_311, %dma_start3A_312] : memref<10000x128xf32, #tpu.memory_space<vmem_shared>> -> memref<10000x128xf32, #tpu.memory_space<vmem_shared>>
        tpu.enqueue_indirect_dma source(%arg17 : memref<128x128xf32, #tpu.memory_space<vmem>>) target(%dma_start3A_313 : memref<10000x128xf32, #tpu.memory_space<vmem_shared>>) offsets(%arg14 : memref<128xi32, #tpu.memory_space<vmem>>) semaphore(%arg30 : memref<!tpu.dma_semaphore, #tpu.memory_space<semaphore_mem>>) {add = true}
      } else {
      }
      %add3A_245 = arith.constant 1 : i32
      %add3A_246 = arith.addi %add3A_238, %add3A_245 : i32
      %lt3A_247 = arith.cmpi slt, %add3A_246, %add3A_8 : i32
      %convert_element_type3A_248 = arith.extui %lt3A_247 : i1 to i32
      %cond3A_249 = arith.constant 0 : i32
      %cond3A_250 = arith.cmpi ne, %convert_element_type3A_248, %cond3A_249 : i32
      scf.if %cond3A_250 {
        %dma_wait3A_305 = arith.constant 0 : i32
        %dma_wait3A_306 = arith.constant 0 : i32
        %dma_wait3A_307 = tpu.memref_slice %arg2[%dma_wait3A_305, %dma_wait3A_306] : memref<10000x128xf32, #tpu.memory_space<hbm>> -> memref<128x128xf32, #tpu.memory_space<hbm>>
        %dma_wait3A_308 = arith.constant 0 : i32
        %dma_wait3A_309 = arith.constant 0 : i32
        %dma_wait3A_310 = tpu.memref_slice %arg2[%dma_wait3A_308, %dma_wait3A_309] : memref<10000x128xf32, #tpu.memory_space<hbm>> -> memref<128x128xf32, #tpu.memory_space<hbm>>
        tpu.wait_dma2 semaphore(%arg28 : memref<!tpu.dma_semaphore, #tpu.memory_space<semaphore_mem>>) src(%dma_wait3A_310 : memref<128x128xf32, #tpu.memory_space<hbm>>) dst(%arg18 : memref<128x128xf32, #tpu.memory_space<vmem>>)
        %dma_start3A_311 = arith.constant 0 : i32
        %dma_start3A_312 = arith.constant 0 : i32
        %dma_start3A_313 = tpu.memref_slice %arg20[%dma_start3A_311, %dma_start3A_312] : memref<10000x128xf32, #tpu.memory_space<vmem_shared>> -> memref<10000x128xf32, #tpu.memory_space<vmem_shared>>
        tpu.enqueue_indirect_dma source(%arg18 : memref<128x128xf32, #tpu.memory_space<vmem>>) target(%dma_start3A_313 : memref<10000x128xf32, #tpu.memory_space<vmem_shared>>) offsets(%arg15 : memref<128xi32, #tpu.memory_space<vmem>>) semaphore(%arg31 : memref<!tpu.dma_semaphore, #tpu.memory_space<semaphore_mem>>) {add = true}
      } else {
      }
      %add3A_251 = arith.constant 2 : i32
      %add3A_252 = arith.addi %add3A_238, %add3A_251 : i32
      %lt3A_253 = arith.cmpi slt, %add3A_252, %add3A_8 : i32
      %convert_element_type3A_254 = arith.extui %lt3A_253 : i1 to i32
      %cond3A_255 = arith.constant 0 : i32
      %cond3A_256 = arith.cmpi ne, %convert_element_type3A_254, %cond3A_255 : i32
      scf.if %cond3A_256 {
        %dma_wait3A_305 = arith.constant 0 : i32
        %dma_wait3A_306 = arith.constant 0 : i32
        %dma_wait3A_307 = tpu.memref_slice %arg2[%dma_wait3A_305, %dma_wait3A_306] : memref<10000x128xf32, #tpu.memory_space<hbm>> -> memref<128x128xf32, #tpu.memory_space<hbm>>
        %dma_wait3A_308 = arith.constant 0 : i32
        %dma_wait3A_309 = arith.constant 0 : i32
        %dma_wait3A_310 = tpu.memref_slice %arg2[%dma_wait3A_308, %dma_wait3A_309] : memref<10000x128xf32, #tpu.memory_space<hbm>> -> memref<128x128xf32, #tpu.memory_space<hbm>>
        tpu.wait_dma2 semaphore(%arg29 : memref<!tpu.dma_semaphore, #tpu.memory_space<semaphore_mem>>) src(%dma_wait3A_310 : memref<128x128xf32, #tpu.memory_space<hbm>>) dst(%arg19 : memref<128x128xf32, #tpu.memory_space<vmem>>)
        %dma_start3A_311 = arith.constant 0 : i32
        %dma_start3A_312 = arith.constant 0 : i32
        %dma_start3A_313 = tpu.memref_slice %arg20[%dma_start3A_311, %dma_start3A_312] : memref<10000x128xf32, #tpu.memory_space<vmem_shared>> -> memref<10000x128xf32, #tpu.memory_space<vmem_shared>>
        tpu.enqueue_indirect_dma source(%arg19 : memref<128x128xf32, #tpu.memory_space<vmem>>) target(%dma_start3A_313 : memref<10000x128xf32, #tpu.memory_space<vmem_shared>>) offsets(%arg16 : memref<128xi32, #tpu.memory_space<vmem>>) semaphore(%arg32 : memref<!tpu.dma_semaphore, #tpu.memory_space<semaphore_mem>>) {add = true}
      } else {
      }
      %add3A_257 = arith.constant 0 : i32
      %add3A_258 = arith.addi %add3A_238, %add3A_257 : i32
      %add3A_259 = arith.constant 3 : i32
      %add3A_260 = arith.addi %add3A_258, %add3A_259 : i32
      %lt3A_261 = arith.cmpi slt, %add3A_260, %add3A_8 : i32
      %convert_element_type3A_262 = arith.extui %lt3A_261 : i1 to i32
      %cond3A_263 = arith.constant 0 : i32
      %cond3A_264 = arith.cmpi ne, %convert_element_type3A_262, %cond3A_263 : i32
      scf.if %cond3A_264 {
        %dma_wait3A_305 = arith.constant 0 : i32
        %dma_wait3A_306 = arith.constant 0 : i32
        %dma_wait3A_307 = tpu.memref_slice %arg2[%dma_wait3A_305, %dma_wait3A_306] : memref<10000x128xf32, #tpu.memory_space<hbm>> -> memref<128x128xf32, #tpu.memory_space<hbm>>
        %dma_wait3A_308 = arith.constant 0 : i32
        %dma_wait3A_309 = arith.constant 0 : i32
        %dma_wait3A_310 = tpu.memref_slice %arg2[%dma_wait3A_308, %dma_wait3A_309] : memref<10000x128xf32, #tpu.memory_space<hbm>> -> memref<128x128xf32, #tpu.memory_space<hbm>>
        tpu.wait_dma2 semaphore(%arg30 : memref<!tpu.dma_semaphore, #tpu.memory_space<semaphore_mem>>) src(%dma_wait3A_310 : memref<128x128xf32, #tpu.memory_space<hbm>>) dst(%arg17 : memref<128x128xf32, #tpu.memory_space<vmem>>)
        %dma_wait3A_311 = arith.constant 0 : i32
        %dma_wait3A_312 = tpu.memref_slice %arg3[%dma_wait3A_311] : memref<640000xi32, #tpu.memory_space<hbm>> -> memref<128xi32, #tpu.memory_space<hbm>>
        %dma_wait3A_313 = arith.constant 0 : i32
        %dma_wait3A_314 = tpu.memref_slice %arg3[%dma_wait3A_313] : memref<640000xi32, #tpu.memory_space<hbm>> -> memref<128xi32, #tpu.memory_space<hbm>>
        tpu.wait_dma2 semaphore(%arg21 : memref<!tpu.dma_semaphore, #tpu.memory_space<semaphore_mem>>) src(%dma_wait3A_314 : memref<128xi32, #tpu.memory_space<hbm>>) dst(%arg5 : memref<128xi32, #tpu.memory_space<vmem>>)
        %dma_wait3A_315 = arith.constant 0 : i32
        %dma_wait3A_316 = tpu.memref_slice %arg3[%dma_wait3A_315] : memref<640000xi32, #tpu.memory_space<hbm>> -> memref<128xi32, #tpu.memory_space<hbm>>
        %dma_wait3A_317 = arith.constant 0 : i32
        %dma_wait3A_318 = tpu.memref_slice %arg3[%dma_wait3A_317] : memref<640000xi32, #tpu.memory_space<hbm>> -> memref<128xi32, #tpu.memory_space<hbm>>
        tpu.wait_dma2 semaphore(%arg21 : memref<!tpu.dma_semaphore, #tpu.memory_space<semaphore_mem>>) src(%dma_wait3A_318 : memref<128xi32, #tpu.memory_space<hbm>>) dst(%arg11 : memref<128xi32, #tpu.memory_space<vmem>>)
        %dma_start3A_319 = arith.constant 0 : i32
        %dma_start3A_320 = arith.constant 0 : i32
        %dma_start3A_321 = tpu.memref_slice %arg2[%dma_start3A_319, %dma_start3A_320] : memref<10000x128xf32, #tpu.memory_space<hbm>> -> memref<10000x128xf32, #tpu.memory_space<hbm>>
        tpu.enqueue_indirect_dma source(%dma_start3A_321 : memref<10000x128xf32, #tpu.memory_space<hbm>>) target(%arg17 : memref<128x128xf32, #tpu.memory_space<vmem>>) offsets(%arg5 : memref<128xi32, #tpu.memory_space<vmem>>) semaphore(%arg27 : memref<!tpu.dma_semaphore, #tpu.memory_space<semaphore_mem>>)
      } else {
      }
      %add3A_265 = arith.constant 0 : i32
      %add3A_266 = arith.addi %add3A_238, %add3A_265 : i32
      %add3A_267 = arith.constant 6 : i32
      %add3A_268 = arith.addi %add3A_266, %add3A_267 : i32
      %lt3A_269 = arith.cmpi slt, %add3A_268, %add3A_8 : i32
      %convert_element_type3A_270 = arith.extui %lt3A_269 : i1 to i32
      %cond3A_271 = arith.constant 0 : i32
      %cond3A_272 = arith.cmpi ne, %convert_element_type3A_270, %cond3A_271 : i32
      scf.if %cond3A_272 {
        %add3A_305 = arith.constant 0 : i32
        %add3A_306 = arith.addi %add3A_238, %add3A_305 : i32
        %add3A_307 = arith.constant 6 : i32
        %add3A_308 = arith.addi %add3A_306, %add3A_307 : i32
        %add3A_309 = arith.addi %add3A_4, %add3A_308 : i32
        %mul3A_310 = arith.constant 128 : i32
        %mul3A_311 = arith.muli %add3A_309, %mul3A_310 : i32
        %dma_start3A_312 = tpu.memref_slice %arg3[%mul3A_311] : memref<640000xi32, #tpu.memory_space<hbm>> -> memref<128xi32, #tpu.memory_space<hbm>>
        %dma_start3A_313 = tpu.memref_slice %arg3[%mul3A_311] : memref<640000xi32, #tpu.memory_space<hbm>> -> memref<128xi32, #tpu.memory_space<hbm>>
        tpu.enqueue_dma source(%dma_start3A_313 : memref<128xi32, #tpu.memory_space<hbm>>) target(%arg8 : memref<128xi32, #tpu.memory_space<vmem>>) target_semaphore(%arg24 : memref<!tpu.dma_semaphore, #tpu.memory_space<semaphore_mem>>)
        %add3A_314 = arith.constant 320000 : i32
        %add3A_315 = arith.addi %add3A_314, %mul3A_311 : i32
        %dma_start3A_316 = tpu.memref_slice %arg3[%add3A_315] : memref<640000xi32, #tpu.memory_space<hbm>> -> memref<128xi32, #tpu.memory_space<hbm>>
        %dma_start3A_317 = tpu.memref_slice %arg3[%add3A_315] : memref<640000xi32, #tpu.memory_space<hbm>> -> memref<128xi32, #tpu.memory_space<hbm>>
        tpu.enqueue_dma source(%dma_start3A_317 : memref<128xi32, #tpu.memory_space<hbm>>) target(%arg14 : memref<128xi32, #tpu.memory_space<vmem>>) target_semaphore(%arg24 : memref<!tpu.dma_semaphore, #tpu.memory_space<semaphore_mem>>)
      } else {
      }
      %add3A_273 = arith.constant 1 : i32
      %add3A_274 = arith.addi %add3A_238, %add3A_273 : i32
      %add3A_275 = arith.constant 3 : i32
      %add3A_276 = arith.addi %add3A_274, %add3A_275 : i32
      %lt3A_277 = arith.cmpi slt, %add3A_276, %add3A_8 : i32
      %convert_element_type3A_278 = arith.extui %lt3A_277 : i1 to i32
      %cond3A_279 = arith.constant 0 : i32
      %cond3A_280 = arith.cmpi ne, %convert_element_type3A_278, %cond3A_279 : i32
      scf.if %cond3A_280 {
        %dma_wait3A_305 = arith.constant 0 : i32
        %dma_wait3A_306 = arith.constant 0 : i32
        %dma_wait3A_307 = tpu.memref_slice %arg2[%dma_wait3A_305, %dma_wait3A_306] : memref<10000x128xf32, #tpu.memory_space<hbm>> -> memref<128x128xf32, #tpu.memory_space<hbm>>
        %dma_wait3A_308 = arith.constant 0 : i32
        %dma_wait3A_309 = arith.constant 0 : i32
        %dma_wait3A_310 = tpu.memref_slice %arg2[%dma_wait3A_308, %dma_wait3A_309] : memref<10000x128xf32, #tpu.memory_space<hbm>> -> memref<128x128xf32, #tpu.memory_space<hbm>>
        tpu.wait_dma2 semaphore(%arg31 : memref<!tpu.dma_semaphore, #tpu.memory_space<semaphore_mem>>) src(%dma_wait3A_310 : memref<128x128xf32, #tpu.memory_space<hbm>>) dst(%arg18 : memref<128x128xf32, #tpu.memory_space<vmem>>)
        %dma_wait3A_311 = arith.constant 0 : i32
        %dma_wait3A_312 = tpu.memref_slice %arg3[%dma_wait3A_311] : memref<640000xi32, #tpu.memory_space<hbm>> -> memref<128xi32, #tpu.memory_space<hbm>>
        %dma_wait3A_313 = arith.constant 0 : i32
        %dma_wait3A_314 = tpu.memref_slice %arg3[%dma_wait3A_313] : memref<640000xi32, #tpu.memory_space<hbm>> -> memref<128xi32, #tpu.memory_space<hbm>>
        tpu.wait_dma2 semaphore(%arg22 : memref<!tpu.dma_semaphore, #tpu.memory_space<semaphore_mem>>) src(%dma_wait3A_314 : memref<128xi32, #tpu.memory_space<hbm>>) dst(%arg6 : memref<128xi32, #tpu.memory_space<vmem>>)
        %dma_wait3A_315 = arith.constant 0 : i32
        %dma_wait3A_316 = tpu.memref_slice %arg3[%dma_wait3A_315] : memref<640000xi32, #tpu.memory_space<hbm>> -> memref<128xi32, #tpu.memory_space<hbm>>
        %dma_wait3A_317 = arith.constant 0 : i32
        %dma_wait3A_318 = tpu.memref_slice %arg3[%dma_wait3A_317] : memref<640000xi32, #tpu.memory_space<hbm>> -> memref<128xi32, #tpu.memory_space<hbm>>
        tpu.wait_dma2 semaphore(%arg22 : memref<!tpu.dma_semaphore, #tpu.memory_space<semaphore_mem>>) src(%dma_wait3A_318 : memref<128xi32, #tpu.memory_space<hbm>>) dst(%arg12 : memref<128xi32, #tpu.memory_space<vmem>>)
        %dma_start3A_319 = arith.constant 0 : i32
        %dma_start3A_320 = arith.constant 0 : i32
        %dma_start3A_321 = tpu.memref_slice %arg2[%dma_start3A_319, %dma_start3A_320] : memref<10000x128xf32, #tpu.memory_space<hbm>> -> memref<10000x128xf32, #tpu.memory_space<hbm>>
        tpu.enqueue_indirect_dma source(%dma_start3A_321 : memref<10000x128xf32, #tpu.memory_space<hbm>>) target(%arg18 : memref<128x128xf32, #tpu.memory_space<vmem>>) offsets(%arg6 : memref<128xi32, #tpu.memory_space<vmem>>) semaphore(%arg28 : memref<!tpu.dma_semaphore, #tpu.memory_space<semaphore_mem>>)
      } else {
      }
      %add3A_281 = arith.constant 1 : i32
      %add3A_282 = arith.addi %add3A_238, %add3A_281 : i32
      %add3A_283 = arith.constant 6 : i32
      %add3A_284 = arith.addi %add3A_282, %add3A_283 : i32
      %lt3A_285 = arith.cmpi slt, %add3A_284, %add3A_8 : i32
      %convert_element_type3A_286 = arith.extui %lt3A_285 : i1 to i32
      %cond3A_287 = arith.constant 0 : i32
      %cond3A_288 = arith.cmpi ne, %convert_element_type3A_286, %cond3A_287 : i32
      scf.if %cond3A_288 {
        %add3A_305 = arith.constant 1 : i32
        %add3A_306 = arith.addi %add3A_238, %add3A_305 : i32
        %add3A_307 = arith.constant 6 : i32
        %add3A_308 = arith.addi %add3A_306, %add3A_307 : i32
        %add3A_309 = arith.addi %add3A_4, %add3A_308 : i32
        %mul3A_310 = arith.constant 128 : i32
        %mul3A_311 = arith.muli %add3A_309, %mul3A_310 : i32
        %dma_start3A_312 = tpu.memref_slice %arg3[%mul3A_311] : memref<640000xi32, #tpu.memory_space<hbm>> -> memref<128xi32, #tpu.memory_space<hbm>>
        %dma_start3A_313 = tpu.memref_slice %arg3[%mul3A_311] : memref<640000xi32, #tpu.memory_space<hbm>> -> memref<128xi32, #tpu.memory_space<hbm>>
        tpu.enqueue_dma source(%dma_start3A_313 : memref<128xi32, #tpu.memory_space<hbm>>) target(%arg9 : memref<128xi32, #tpu.memory_space<vmem>>) target_semaphore(%arg25 : memref<!tpu.dma_semaphore, #tpu.memory_space<semaphore_mem>>)
        %add3A_314 = arith.constant 320000 : i32
        %add3A_315 = arith.addi %add3A_314, %mul3A_311 : i32
        %dma_start3A_316 = tpu.memref_slice %arg3[%add3A_315] : memref<640000xi32, #tpu.memory_space<hbm>> -> memref<128xi32, #tpu.memory_space<hbm>>
        %dma_start3A_317 = tpu.memref_slice %arg3[%add3A_315] : memref<640000xi32, #tpu.memory_space<hbm>> -> memref<128xi32, #tpu.memory_space<hbm>>
        tpu.enqueue_dma source(%dma_start3A_317 : memref<128xi32, #tpu.memory_space<hbm>>) target(%arg15 : memref<128xi32, #tpu.memory_space<vmem>>) target_semaphore(%arg25 : memref<!tpu.dma_semaphore, #tpu.memory_space<semaphore_mem>>)
      } else {
      }
      %add3A_289 = arith.constant 2 : i32
      %add3A_290 = arith.addi %add3A_238, %add3A_289 : i32
      %add3A_291 = arith.constant 3 : i32
      %add3A_292 = arith.addi %add3A_290, %add3A_291 : i32
      %lt3A_293 = arith.cmpi slt, %add3A_292, %add3A_8 : i32
      %convert_element_type3A_294 = arith.extui %lt3A_293 : i1 to i32
      %cond3A_295 = arith.constant 0 : i32
      %cond3A_296 = arith.cmpi ne, %convert_element_type3A_294, %cond3A_295 : i32
      scf.if %cond3A_296 {
        %dma_wait3A_305 = arith.constant 0 : i32
        %dma_wait3A_306 = arith.constant 0 : i32
        %dma_wait3A_307 = tpu.memref_slice %arg2[%dma_wait3A_305, %dma_wait3A_306] : memref<10000x128xf32, #tpu.memory_space<hbm>> -> memref<128x128xf32, #tpu.memory_space<hbm>>
        %dma_wait3A_308 = arith.constant 0 : i32
        %dma_wait3A_309 = arith.constant 0 : i32
        %dma_wait3A_310 = tpu.memref_slice %arg2[%dma_wait3A_308, %dma_wait3A_309] : memref<10000x128xf32, #tpu.memory_space<hbm>> -> memref<128x128xf32, #tpu.memory_space<hbm>>
        tpu.wait_dma2 semaphore(%arg32 : memref<!tpu.dma_semaphore, #tpu.memory_space<semaphore_mem>>) src(%dma_wait3A_310 : memref<128x128xf32, #tpu.memory_space<hbm>>) dst(%arg19 : memref<128x128xf32, #tpu.memory_space<vmem>>)
        %dma_wait3A_311 = arith.constant 0 : i32
        %dma_wait3A_312 = tpu.memref_slice %arg3[%dma_wait3A_311] : memref<640000xi32, #tpu.memory_space<hbm>> -> memref<128xi32, #tpu.memory_space<hbm>>
        %dma_wait3A_313 = arith.constant 0 : i32
        %dma_wait3A_314 = tpu.memref_slice %arg3[%dma_wait3A_313] : memref<640000xi32, #tpu.memory_space<hbm>> -> memref<128xi32, #tpu.memory_space<hbm>>
        tpu.wait_dma2 semaphore(%arg23 : memref<!tpu.dma_semaphore, #tpu.memory_space<semaphore_mem>>) src(%dma_wait3A_314 : memref<128xi32, #tpu.memory_space<hbm>>) dst(%arg7 : memref<128xi32, #tpu.memory_space<vmem>>)
        %dma_wait3A_315 = arith.constant 0 : i32
        %dma_wait3A_316 = tpu.memref_slice %arg3[%dma_wait3A_315] : memref<640000xi32, #tpu.memory_space<hbm>> -> memref<128xi32, #tpu.memory_space<hbm>>
        %dma_wait3A_317 = arith.constant 0 : i32
        %dma_wait3A_318 = tpu.memref_slice %arg3[%dma_wait3A_317] : memref<640000xi32, #tpu.memory_space<hbm>> -> memref<128xi32, #tpu.memory_space<hbm>>
        tpu.wait_dma2 semaphore(%arg23 : memref<!tpu.dma_semaphore, #tpu.memory_space<semaphore_mem>>) src(%dma_wait3A_318 : memref<128xi32, #tpu.memory_space<hbm>>) dst(%arg13 : memref<128xi32, #tpu.memory_space<vmem>>)
        %dma_start3A_319 = arith.constant 0 : i32
        %dma_start3A_320 = arith.constant 0 : i32
        %dma_start3A_321 = tpu.memref_slice %arg2[%dma_start3A_319, %dma_start3A_320] : memref<10000x128xf32, #tpu.memory_space<hbm>> -> memref<10000x128xf32, #tpu.memory_space<hbm>>
        tpu.enqueue_indirect_dma source(%dma_start3A_321 : memref<10000x128xf32, #tpu.memory_space<hbm>>) target(%arg19 : memref<128x128xf32, #tpu.memory_space<vmem>>) offsets(%arg7 : memref<128xi32, #tpu.memory_space<vmem>>) semaphore(%arg29 : memref<!tpu.dma_semaphore, #tpu.memory_space<semaphore_mem>>)
      } else {
      }
      %add3A_297 = arith.constant 2 : i32
      %add3A_298 = arith.addi %add3A_238, %add3A_297 : i32
      %add3A_299 = arith.constant 6 : i32
      %add3A_300 = arith.addi %add3A_298, %add3A_299 : i32
      %lt3A_301 = arith.cmpi slt, %add3A_300, %add3A_8 : i32
      %convert_element_type3A_302 = arith.extui %lt3A_301 : i1 to i32
      %cond3A_303 = arith.constant 0 : i32
      %cond3A_304 = arith.cmpi ne, %convert_element_type3A_302, %cond3A_303 : i32
      scf.if %cond3A_304 {
        %add3A_305 = arith.constant 2 : i32
        %add3A_306 = arith.addi %add3A_238, %add3A_305 : i32
        %add3A_307 = arith.constant 6 : i32
        %add3A_308 = arith.addi %add3A_306, %add3A_307 : i32
        %add3A_309 = arith.addi %add3A_4, %add3A_308 : i32
        %mul3A_310 = arith.constant 128 : i32
        %mul3A_311 = arith.muli %add3A_309, %mul3A_310 : i32
        %dma_start3A_312 = tpu.memref_slice %arg3[%mul3A_311] : memref<640000xi32, #tpu.memory_space<hbm>> -> memref<128xi32, #tpu.memory_space<hbm>>
        %dma_start3A_313 = tpu.memref_slice %arg3[%mul3A_311] : memref<640000xi32, #tpu.memory_space<hbm>> -> memref<128xi32, #tpu.memory_space<hbm>>
        tpu.enqueue_dma source(%dma_start3A_313 : memref<128xi32, #tpu.memory_space<hbm>>) target(%arg10 : memref<128xi32, #tpu.memory_space<vmem>>) target_semaphore(%arg26 : memref<!tpu.dma_semaphore, #tpu.memory_space<semaphore_mem>>)
        %add3A_314 = arith.constant 320000 : i32
        %add3A_315 = arith.addi %add3A_314, %mul3A_311 : i32
        %dma_start3A_316 = tpu.memref_slice %arg3[%add3A_315] : memref<640000xi32, #tpu.memory_space<hbm>> -> memref<128xi32, #tpu.memory_space<hbm>>
        %dma_start3A_317 = tpu.memref_slice %arg3[%add3A_315] : memref<640000xi32, #tpu.memory_space<hbm>> -> memref<128xi32, #tpu.memory_space<hbm>>
        tpu.enqueue_dma source(%dma_start3A_317 : memref<128xi32, #tpu.memory_space<hbm>>) target(%arg16 : memref<128xi32, #tpu.memory_space<vmem>>) target_semaphore(%arg26 : memref<!tpu.dma_semaphore, #tpu.memory_space<semaphore_mem>>)
      } else {
      }
    }
    %dma_wait3A_137 = arith.constant 0 : i32
    %dma_wait3A_138 = arith.constant 0 : i32
    %dma_wait3A_139 = tpu.memref_slice %arg2[%dma_wait3A_137, %dma_wait3A_138] : memref<10000x128xf32, #tpu.memory_space<hbm>> -> memref<128x128xf32, #tpu.memory_space<hbm>>
    %dma_wait3A_140 = arith.constant 0 : i32
    %dma_wait3A_141 = arith.constant 0 : i32
    %dma_wait3A_142 = tpu.memref_slice %arg2[%dma_wait3A_140, %dma_wait3A_141] : memref<10000x128xf32, #tpu.memory_space<hbm>> -> memref<128x128xf32, #tpu.memory_space<hbm>>
    tpu.wait_dma2 semaphore(%arg30 : memref<!tpu.dma_semaphore, #tpu.memory_space<semaphore_mem>>) src(%dma_wait3A_142 : memref<128x128xf32, #tpu.memory_space<hbm>>) dst(%arg17 : memref<128x128xf32, #tpu.memory_space<vmem>>)
    %dma_wait3A_143 = arith.constant 0 : i32
    %dma_wait3A_144 = arith.constant 0 : i32
    %dma_wait3A_145 = tpu.memref_slice %arg2[%dma_wait3A_143, %dma_wait3A_144] : memref<10000x128xf32, #tpu.memory_space<hbm>> -> memref<128x128xf32, #tpu.memory_space<hbm>>
    %dma_wait3A_146 = arith.constant 0 : i32
    %dma_wait3A_147 = arith.constant 0 : i32
    %dma_wait3A_148 = tpu.memref_slice %arg2[%dma_wait3A_146, %dma_wait3A_147] : memref<10000x128xf32, #tpu.memory_space<hbm>> -> memref<128x128xf32, #tpu.memory_space<hbm>>
    tpu.wait_dma2 semaphore(%arg31 : memref<!tpu.dma_semaphore, #tpu.memory_space<semaphore_mem>>) src(%dma_wait3A_148 : memref<128x128xf32, #tpu.memory_space<hbm>>) dst(%arg18 : memref<128x128xf32, #tpu.memory_space<vmem>>)
    %dma_wait3A_149 = arith.constant 0 : i32
    %dma_wait3A_150 = arith.constant 0 : i32
    %dma_wait3A_151 = tpu.memref_slice %arg2[%dma_wait3A_149, %dma_wait3A_150] : memref<10000x128xf32, #tpu.memory_space<hbm>> -> memref<128x128xf32, #tpu.memory_space<hbm>>
    %dma_wait3A_152 = arith.constant 0 : i32
    %dma_wait3A_153 = arith.constant 0 : i32
    %dma_wait3A_154 = tpu.memref_slice %arg2[%dma_wait3A_152, %dma_wait3A_153] : memref<10000x128xf32, #tpu.memory_space<hbm>> -> memref<128x128xf32, #tpu.memory_space<hbm>>
    tpu.wait_dma2 semaphore(%arg32 : memref<!tpu.dma_semaphore, #tpu.memory_space<semaphore_mem>>) src(%dma_wait3A_154 : memref<128x128xf32, #tpu.memory_space<hbm>>) dst(%arg19 : memref<128x128xf32, #tpu.memory_space<vmem>>)
    %barrier3A_155 = arith.constant 0 : index
    tpu.barrier barrier_id(%barrier3A_155)
    %mul3A_156 = arith.constant 624 : i32
    %mul3A_157 = arith.muli %arg1, %mul3A_156 : i32
    %lt3A_158 = arith.constant 15 : i32
    %lt3A_159 = arith.cmpi slt, %arg1, %lt3A_158 : i32
    %convert_element_type3A_160 = arith.extui %lt3A_159 : i1 to i32
    %cond3A_161 = arith.constant 0 : i32
    %cond3A_162 = arith.cmpi ne, %convert_element_type3A_160, %cond3A_161 : i32
    scf.if %cond3A_162 {
      "tpu.region"() ({
        %run_scoped3A = tpu.sem_alloc : memref<!tpu.dma_semaphore, #tpu.memory_space<semaphore_mem>>
        %dma_start3A_168 = arith.constant 0 : i32
        %dma_start3A_169 = tpu.memref_slice %arg4[%arg0, %mul3A_157, %dma_start3A_168] : memref<2x10000x128xf32, #tpu.memory_space<hbm>> -> memref<1x624x128xf32, #tpu.memory_space<hbm>>
        %dma_start3A_170 = tpu.memref_squeeze %dma_start3A_169 : memref<1x624x128xf32, #tpu.memory_space<hbm>> -> memref<624x128xf32, #tpu.memory_space<hbm>>
        %dma_start3A_171 = arith.constant 0 : i32
        %dma_start3A_172 = tpu.memref_slice %arg20[%mul3A_157, %dma_start3A_171] : memref<10000x128xf32, #tpu.memory_space<vmem_shared>> -> memref<624x128xf32, #tpu.memory_space<vmem_shared>>
        tpu.enqueue_dma source(%dma_start3A_172 : memref<624x128xf32, #tpu.memory_space<vmem_shared>>) target(%dma_start3A_170 : memref<624x128xf32, #tpu.memory_space<hbm>>) target_semaphore(%run_scoped3A : memref<!tpu.dma_semaphore, #tpu.memory_space<semaphore_mem>>)
        %dma_wait3A_173 = arith.constant 0 : i32
        %dma_wait3A_174 = tpu.memref_slice %arg4[%arg0, %mul3A_157, %dma_wait3A_173] : memref<2x10000x128xf32, #tpu.memory_space<hbm>> -> memref<1x624x128xf32, #tpu.memory_space<hbm>>
        %dma_wait3A_175 = tpu.memref_squeeze %dma_wait3A_174 : memref<1x624x128xf32, #tpu.memory_space<hbm>> -> memref<624x128xf32, #tpu.memory_space<hbm>>
        %dma_wait3A_176 = arith.constant 0 : i32
        %dma_wait3A_177 = tpu.memref_slice %arg20[%mul3A_157, %dma_wait3A_176] : memref<10000x128xf32, #tpu.memory_space<vmem_shared>> -> memref<624x128xf32, #tpu.memory_space<vmem_shared>>
        tpu.wait_dma2 semaphore(%run_scoped3A : memref<!tpu.dma_semaphore, #tpu.memory_space<semaphore_mem>>) src(%dma_wait3A_177 : memref<624x128xf32, #tpu.memory_space<vmem_shared>>) dst(%dma_wait3A_175 : memref<624x128xf32, #tpu.memory_space<hbm>>)
        tpu.yield
      }) : () -> ()
    } else {
    }
    %eq3A_163 = arith.constant 15 : i32
    %eq3A_164 = arith.cmpi eq, %arg1, %eq3A_163 : i32
    %convert_element_type3A_165 = arith.extui %eq3A_164 : i1 to i32
    %cond3A_166 = arith.constant 0 : i32
    %cond3A_167 = arith.cmpi ne, %convert_element_type3A_165, %cond3A_166 : i32
    scf.if %cond3A_167 {
      "tpu.region"() ({
        %run_scoped3A = tpu.sem_alloc : memref<!tpu.dma_semaphore, #tpu.memory_space<semaphore_mem>>
        %dma_start3A_168 = arith.constant 0 : i32
        %dma_start3A_169 = tpu.memref_slice %arg4[%arg0, %mul3A_157, %dma_start3A_168] : memref<2x10000x128xf32, #tpu.memory_space<hbm>> -> memref<1x640x128xf32, #tpu.memory_space<hbm>>
        %dma_start3A_170 = tpu.memref_squeeze %dma_start3A_169 : memref<1x640x128xf32, #tpu.memory_space<hbm>> -> memref<640x128xf32, #tpu.memory_space<hbm>>
        %dma_start3A_171 = arith.constant 0 : i32
        %dma_start3A_172 = tpu.memref_slice %arg20[%mul3A_157, %dma_start3A_171] : memref<10000x128xf32, #tpu.memory_space<vmem_shared>> -> memref<640x128xf32, #tpu.memory_space<vmem_shared>>
        tpu.enqueue_dma source(%dma_start3A_172 : memref<640x128xf32, #tpu.memory_space<vmem_shared>>) target(%dma_start3A_170 : memref<640x128xf32, #tpu.memory_space<hbm>>) target_semaphore(%run_scoped3A : memref<!tpu.dma_semaphore, #tpu.memory_space<semaphore_mem>>)
        %dma_wait3A_173 = arith.constant 0 : i32
        %dma_wait3A_174 = tpu.memref_slice %arg4[%arg0, %mul3A_157, %dma_wait3A_173] : memref<2x10000x128xf32, #tpu.memory_space<hbm>> -> memref<1x640x128xf32, #tpu.memory_space<hbm>>
        %dma_wait3A_175 = tpu.memref_squeeze %dma_wait3A_174 : memref<1x640x128xf32, #tpu.memory_space<hbm>> -> memref<640x128xf32, #tpu.memory_space<hbm>>
        %dma_wait3A_176 = arith.constant 0 : i32
        %dma_wait3A_177 = tpu.memref_slice %arg20[%mul3A_157, %dma_wait3A_176] : memref<10000x128xf32, #tpu.memory_space<vmem_shared>> -> memref<640x128xf32, #tpu.memory_space<vmem_shared>>
        tpu.wait_dma2 semaphore(%run_scoped3A : memref<!tpu.dma_semaphore, #tpu.memory_space<semaphore_mem>>) src(%dma_wait3A_177 : memref<640x128xf32, #tpu.memory_space<vmem_shared>>) dst(%dma_wait3A_175 : memref<640x128xf32, #tpu.memory_space<hbm>>)
        tpu.yield
      }) : () -> ()
    } else {
    }
    return
  }
}

#map = affine_map<(d0, d1) -> (0)>
#map1 = affine_map<(d0, d1) -> (0, 0)>
#map2 = affine_map<(d0, d1) -> (0, 0, 0)>
module attributes {stable_mosaic.version = 14 : i64} {
  func.func @_sc_degree(%arg0: i32, %arg1: i32, %arg2: memref<640000xi32, #tpu.memory_space<hbm>>, %arg3: memref<640x128xf32, #tpu.memory_space<hbm>>, %arg4: memref<128x128xf32, #tpu.memory_space<hbm>>, %arg5: memref<2x10000x128xf32, #tpu.memory_space<hbm>>, %arg6: memref<128xi32, #tpu.memory_space<vmem>>, %arg7: memref<128xi32, #tpu.memory_space<vmem>>, %arg8: memref<128xi32, #tpu.memory_space<vmem>>, %arg9: memref<128xi32, #tpu.memory_space<vmem>>, %arg10: memref<128x128xf32, #tpu.memory_space<vmem>>, %arg11: memref<10000x128xf32, #tpu.memory_space<vmem_shared>>, %arg12: memref<!tpu.dma_semaphore, #tpu.memory_space<semaphore_mem>>, %arg13: memref<!tpu.dma_semaphore, #tpu.memory_space<semaphore_mem>>, %arg14: memref<!tpu.dma_semaphore, #tpu.memory_space<semaphore_mem>>, %arg15: memref<!tpu.dma_semaphore, #tpu.memory_space<semaphore_mem>>, %arg16: memref<!tpu.dma_semaphore, #tpu.memory_space<semaphore_mem>>, %arg17: memref<!tpu.dma_semaphore, #tpu.memory_space<semaphore_mem>>, %arg18: memref<!tpu.dma_semaphore, #tpu.memory_space<semaphore_mem>>, %arg19: memref<!tpu.dma_semaphore, #tpu.memory_space<semaphore_mem>>) attributes {dimension_semantics = [#tpu.dimension_semantics<core_parallel>, #tpu.dimension_semantics<subcore_parallel>], iteration_bounds = array<i64: 2, 16>, scalar_prefetch = 0 : i64, scratch_operands = 14 : i64, tpu.core_type = #tpu.core_type<sc_vector_subcore>, window_params = [{transform_indices = #map}, {transform_indices = #map1}, {transform_indices = #map1}, {transform_indices = #map2}]} {
    %mul3A = arith.constant 16 : i32
    %mul3A_0 = arith.muli %arg0, %mul3A : i32
    %add3A = arith.addi %mul3A_0, %arg1 : i32
    %mul3A_1 = arith.constant 78 : i32
    %mul3A_2 = arith.muli %add3A, %mul3A_1 : i32
    %min3A = arith.constant 4 : i32
    %min3A_3 = arith.minsi %add3A, %min3A : i32
    %add3A_4 = arith.addi %mul3A_2, %min3A_3 : i32
    %lt3A = arith.constant 4 : i32
    %lt3A_5 = arith.cmpi slt, %add3A, %lt3A : i32
    %jit3A = arith.constant 1 : i32
    %jit3A_6 = arith.constant 0 : i32
    %select_n3A = arith.select %lt3A_5, %jit3A, %jit3A_6 : i32
    %add3A_7 = arith.constant 78 : i32
    %add3A_8 = arith.addi %add3A_7, %select_n3A : i32
    %mul3A_9 = arith.constant 624 : i32
    %mul3A_10 = arith.muli %arg1, %mul3A_9 : i32
    %lt3A_11 = arith.constant 15 : i32
    %lt3A_12 = arith.cmpi slt, %arg1, %lt3A_11 : i32
    %convert_element_type3A = arith.extui %lt3A_12 : i1 to i32
    %cond3A = arith.constant 0 : i32
    %cond3A_13 = arith.cmpi ne, %convert_element_type3A, %cond3A : i32
    scf.if %cond3A_13 {
      "tpu.region"() ({
        %run_scoped3A = tpu.sem_alloc : memref<!tpu.dma_semaphore, #tpu.memory_space<semaphore_mem>>
        %dma_start3A_113 = arith.constant 0 : i32
        %dma_start3A_114 = tpu.memref_slice %arg11[%mul3A_10, %dma_start3A_113] : memref<10000x128xf32, #tpu.memory_space<vmem_shared>> -> memref<624x128xf32, #tpu.memory_space<vmem_shared>>
        %dma_start3A_115 = arith.constant 0 : i32
        %dma_start3A_116 = arith.constant 0 : i32
        %dma_start3A_117 = tpu.memref_slice %arg3[%dma_start3A_115, %dma_start3A_116] : memref<640x128xf32, #tpu.memory_space<hbm>> -> memref<624x128xf32, #tpu.memory_space<hbm>>
        tpu.enqueue_dma source(%dma_start3A_117 : memref<624x128xf32, #tpu.memory_space<hbm>>) target(%dma_start3A_114 : memref<624x128xf32, #tpu.memory_space<vmem_shared>>) target_semaphore(%run_scoped3A : memref<!tpu.dma_semaphore, #tpu.memory_space<semaphore_mem>>)
        %dma_wait3A_118 = arith.constant 0 : i32
        %dma_wait3A_119 = tpu.memref_slice %arg11[%mul3A_10, %dma_wait3A_118] : memref<10000x128xf32, #tpu.memory_space<vmem_shared>> -> memref<624x128xf32, #tpu.memory_space<vmem_shared>>
        %dma_wait3A_120 = arith.constant 0 : i32
        %dma_wait3A_121 = arith.constant 0 : i32
        %dma_wait3A_122 = tpu.memref_slice %arg3[%dma_wait3A_120, %dma_wait3A_121] : memref<640x128xf32, #tpu.memory_space<hbm>> -> memref<624x128xf32, #tpu.memory_space<hbm>>
        tpu.wait_dma2 semaphore(%run_scoped3A : memref<!tpu.dma_semaphore, #tpu.memory_space<semaphore_mem>>) src(%dma_wait3A_122 : memref<624x128xf32, #tpu.memory_space<hbm>>) dst(%dma_wait3A_119 : memref<624x128xf32, #tpu.memory_space<vmem_shared>>)
        tpu.yield
      }) : () -> ()
    } else {
    }
    %eq3A = arith.constant 15 : i32
    %eq3A_14 = arith.cmpi eq, %arg1, %eq3A : i32
    %convert_element_type3A_15 = arith.extui %eq3A_14 : i1 to i32
    %cond3A_16 = arith.constant 0 : i32
    %cond3A_17 = arith.cmpi ne, %convert_element_type3A_15, %cond3A_16 : i32
    scf.if %cond3A_17 {
      "tpu.region"() ({
        %run_scoped3A = tpu.sem_alloc : memref<!tpu.dma_semaphore, #tpu.memory_space<semaphore_mem>>
        %dma_start3A_113 = arith.constant 0 : i32
        %dma_start3A_114 = tpu.memref_slice %arg11[%mul3A_10, %dma_start3A_113] : memref<10000x128xf32, #tpu.memory_space<vmem_shared>> -> memref<640x128xf32, #tpu.memory_space<vmem_shared>>
        %dma_start3A_115 = arith.constant 0 : i32
        %dma_start3A_116 = arith.constant 0 : i32
        %dma_start3A_117 = tpu.memref_slice %arg3[%dma_start3A_115, %dma_start3A_116] : memref<640x128xf32, #tpu.memory_space<hbm>> -> memref<640x128xf32, #tpu.memory_space<hbm>>
        tpu.enqueue_dma source(%dma_start3A_117 : memref<640x128xf32, #tpu.memory_space<hbm>>) target(%dma_start3A_114 : memref<640x128xf32, #tpu.memory_space<vmem_shared>>) target_semaphore(%run_scoped3A : memref<!tpu.dma_semaphore, #tpu.memory_space<semaphore_mem>>)
        %dma_wait3A_118 = arith.constant 0 : i32
        %dma_wait3A_119 = tpu.memref_slice %arg11[%mul3A_10, %dma_wait3A_118] : memref<10000x128xf32, #tpu.memory_space<vmem_shared>> -> memref<640x128xf32, #tpu.memory_space<vmem_shared>>
        %dma_wait3A_120 = arith.constant 0 : i32
        %dma_wait3A_121 = arith.constant 0 : i32
        %dma_wait3A_122 = tpu.memref_slice %arg3[%dma_wait3A_120, %dma_wait3A_121] : memref<640x128xf32, #tpu.memory_space<hbm>> -> memref<640x128xf32, #tpu.memory_space<hbm>>
        tpu.wait_dma2 semaphore(%run_scoped3A : memref<!tpu.dma_semaphore, #tpu.memory_space<semaphore_mem>>) src(%dma_wait3A_122 : memref<640x128xf32, #tpu.memory_space<hbm>>) dst(%dma_wait3A_119 : memref<640x128xf32, #tpu.memory_space<vmem_shared>>)
        tpu.yield
      }) : () -> ()
    } else {
    }
    "tpu.region"() ({
      %run_scoped3A = tpu.sem_alloc : memref<!tpu.dma_semaphore, #tpu.memory_space<semaphore_mem>>
      tpu.enqueue_dma source(%arg4 : memref<128x128xf32, #tpu.memory_space<hbm>>) target(%arg10 : memref<128x128xf32, #tpu.memory_space<vmem>>) target_semaphore(%run_scoped3A : memref<!tpu.dma_semaphore, #tpu.memory_space<semaphore_mem>>)
      tpu.wait_dma2 semaphore(%run_scoped3A : memref<!tpu.dma_semaphore, #tpu.memory_space<semaphore_mem>>) src(%arg4 : memref<128x128xf32, #tpu.memory_space<hbm>>) dst(%arg10 : memref<128x128xf32, #tpu.memory_space<vmem>>)
      tpu.yield
    }) : () -> ()
    %barrier3A = arith.constant 0 : index
    tpu.barrier barrier_id(%barrier3A)
    %add3A_18 = arith.constant 0 : i32
    %add3A_19 = arith.addi %add3A_4, %add3A_18 : i32
    %mul3A_20 = arith.constant 128 : i32
    %mul3A_21 = arith.muli %add3A_19, %mul3A_20 : i32
    %add3A_22 = arith.constant 320000 : i32
    %add3A_23 = arith.addi %add3A_22, %mul3A_21 : i32
    %dma_start3A = tpu.memref_slice %arg2[%add3A_23] : memref<640000xi32, #tpu.memory_space<hbm>> -> memref<128xi32, #tpu.memory_space<hbm>>
    %dma_start3A_24 = tpu.memref_slice %arg2[%add3A_23] : memref<640000xi32, #tpu.memory_space<hbm>> -> memref<128xi32, #tpu.memory_space<hbm>>
    tpu.enqueue_dma source(%dma_start3A_24 : memref<128xi32, #tpu.memory_space<hbm>>) target(%arg6 : memref<128xi32, #tpu.memory_space<vmem>>) target_semaphore(%arg12 : memref<!tpu.dma_semaphore, #tpu.memory_space<semaphore_mem>>)
    %add3A_25 = arith.constant 1 : i32
    %add3A_26 = arith.addi %add3A_4, %add3A_25 : i32
    %mul3A_27 = arith.constant 128 : i32
    %mul3A_28 = arith.muli %add3A_26, %mul3A_27 : i32
    %add3A_29 = arith.constant 320000 : i32
    %add3A_30 = arith.addi %add3A_29, %mul3A_28 : i32
    %dma_start3A_31 = tpu.memref_slice %arg2[%add3A_30] : memref<640000xi32, #tpu.memory_space<hbm>> -> memref<128xi32, #tpu.memory_space<hbm>>
    %dma_start3A_32 = tpu.memref_slice %arg2[%add3A_30] : memref<640000xi32, #tpu.memory_space<hbm>> -> memref<128xi32, #tpu.memory_space<hbm>>
    tpu.enqueue_dma source(%dma_start3A_32 : memref<128xi32, #tpu.memory_space<hbm>>) target(%arg7 : memref<128xi32, #tpu.memory_space<vmem>>) target_semaphore(%arg13 : memref<!tpu.dma_semaphore, #tpu.memory_space<semaphore_mem>>)
    %add3A_33 = arith.constant 2 : i32
    %add3A_34 = arith.addi %add3A_4, %add3A_33 : i32
    %mul3A_35 = arith.constant 128 : i32
    %mul3A_36 = arith.muli %add3A_34, %mul3A_35 : i32
    %add3A_37 = arith.constant 320000 : i32
    %add3A_38 = arith.addi %add3A_37, %mul3A_36 : i32
    %dma_start3A_39 = tpu.memref_slice %arg2[%add3A_38] : memref<640000xi32, #tpu.memory_space<hbm>> -> memref<128xi32, #tpu.memory_space<hbm>>
    %dma_start3A_40 = tpu.memref_slice %arg2[%add3A_38] : memref<640000xi32, #tpu.memory_space<hbm>> -> memref<128xi32, #tpu.memory_space<hbm>>
    tpu.enqueue_dma source(%dma_start3A_40 : memref<128xi32, #tpu.memory_space<hbm>>) target(%arg8 : memref<128xi32, #tpu.memory_space<vmem>>) target_semaphore(%arg14 : memref<!tpu.dma_semaphore, #tpu.memory_space<semaphore_mem>>)
    %add3A_41 = arith.constant 3 : i32
    %add3A_42 = arith.addi %add3A_4, %add3A_41 : i32
    %mul3A_43 = arith.constant 128 : i32
    %mul3A_44 = arith.muli %add3A_42, %mul3A_43 : i32
    %add3A_45 = arith.constant 320000 : i32
    %add3A_46 = arith.addi %add3A_45, %mul3A_44 : i32
    %dma_start3A_47 = tpu.memref_slice %arg2[%add3A_46] : memref<640000xi32, #tpu.memory_space<hbm>> -> memref<128xi32, #tpu.memory_space<hbm>>
    %dma_start3A_48 = tpu.memref_slice %arg2[%add3A_46] : memref<640000xi32, #tpu.memory_space<hbm>> -> memref<128xi32, #tpu.memory_space<hbm>>
    tpu.enqueue_dma source(%dma_start3A_48 : memref<128xi32, #tpu.memory_space<hbm>>) target(%arg9 : memref<128xi32, #tpu.memory_space<vmem>>) target_semaphore(%arg15 : memref<!tpu.dma_semaphore, #tpu.memory_space<semaphore_mem>>)
    %add3A_49 = arith.constant 3 : i32
    %add3A_50 = arith.addi %add3A_8, %add3A_49 : i32
    %jit3A_51 = arith.constant 4 : i32
    %div3A = arith.divsi %add3A_50, %jit3A_51 : i32
    %sign3A = arith.constant 0 : i32
    %sign3A_52 = arith.cmpi sgt, %add3A_50, %sign3A : i32
    %sign3A_53 = arith.extui %sign3A_52 : i1 to i32
    %sign3A_54 = arith.constant 0 : i32
    %sign3A_55 = arith.cmpi slt, %add3A_50, %sign3A_54 : i32
    %sign3A_56 = arith.extui %sign3A_55 : i1 to i32
    %sign3A_57 = arith.subi %sign3A_53, %sign3A_56 : i32
    %sign3A_58 = arith.constant 0 : i32
    %sign3A_59 = arith.cmpi sgt, %jit3A_51, %sign3A_58 : i32
    %sign3A_60 = arith.extui %sign3A_59 : i1 to i32
    %sign3A_61 = arith.constant 0 : i32
    %sign3A_62 = arith.cmpi slt, %jit3A_51, %sign3A_61 : i32
    %sign3A_63 = arith.extui %sign3A_62 : i1 to i32
    %sign3A_64 = arith.subi %sign3A_60, %sign3A_63 : i32
    %ne3A = arith.cmpi ne, %sign3A_57, %sign3A_64 : i32
    %rem3A = arith.remsi %add3A_50, %jit3A_51 : i32
    %ne3A_65 = arith.constant 0 : i32
    %ne3A_66 = arith.cmpi ne, %rem3A, %ne3A_65 : i32
    %and3A = arith.andi %ne3A, %ne3A_66 : i1
    %sub3A = arith.constant 1 : i32
    %sub3A_67 = arith.subi %div3A, %sub3A : i32
    %select_n3A_68 = arith.select %and3A, %sub3A_67, %div3A : i32
    %while3A = arith.constant 0 : i32
    %while3A_69 = arith.subi %select_n3A_68, %while3A : i32
    %while3A_70 = arith.addi %while3A, %while3A_69 : i32
    %while3A_71 = arith.constant 1 : i32
    %while3A_72 = arith.divsi %while3A_69, %while3A_71 : i32
    %while3A_73 = arith.muli %while3A_72, %while3A_71 : i32
    %while3A_74 = arith.addi %while3A, %while3A_73 : i32
    %while3A_75 = arith.constant 1 : i32
    scf.for %while3A_113 = %while3A to %while3A_74 step %while3A_75  : i32 {
      %mul3A_114 = arith.constant 4 : i32
      %mul3A_115 = arith.muli %mul3A_114, %while3A_113 : i32
      %add3A_116 = arith.constant 0 : i32
      %add3A_117 = arith.addi %mul3A_115, %add3A_116 : i32
      %lt3A_118 = arith.cmpi slt, %add3A_117, %add3A_8 : i32
      %convert_element_type3A_119 = arith.extui %lt3A_118 : i1 to i32
      %cond3A_120 = arith.constant 0 : i32
      %cond3A_121 = arith.cmpi ne, %convert_element_type3A_119, %cond3A_120 : i32
      scf.if %cond3A_121 {
        %dma_wait3A_172 = arith.constant 0 : i32
        %dma_wait3A_173 = tpu.memref_slice %arg2[%dma_wait3A_172] : memref<640000xi32, #tpu.memory_space<hbm>> -> memref<128xi32, #tpu.memory_space<hbm>>
        %dma_wait3A_174 = arith.constant 0 : i32
        %dma_wait3A_175 = tpu.memref_slice %arg2[%dma_wait3A_174] : memref<640000xi32, #tpu.memory_space<hbm>> -> memref<128xi32, #tpu.memory_space<hbm>>
        tpu.wait_dma2 semaphore(%arg12 : memref<!tpu.dma_semaphore, #tpu.memory_space<semaphore_mem>>) src(%dma_wait3A_175 : memref<128xi32, #tpu.memory_space<hbm>>) dst(%arg6 : memref<128xi32, #tpu.memory_space<vmem>>)
        %dma_start3A_176 = arith.constant 0 : i32
        %dma_start3A_177 = arith.constant 0 : i32
        %dma_start3A_178 = tpu.memref_slice %arg11[%dma_start3A_176, %dma_start3A_177] : memref<10000x128xf32, #tpu.memory_space<vmem_shared>> -> memref<10000x128xf32, #tpu.memory_space<vmem_shared>>
        tpu.enqueue_indirect_dma source(%arg10 : memref<128x128xf32, #tpu.memory_space<vmem>>) target(%dma_start3A_178 : memref<10000x128xf32, #tpu.memory_space<vmem_shared>>) offsets(%arg6 : memref<128xi32, #tpu.memory_space<vmem>>) semaphore(%arg16 : memref<!tpu.dma_semaphore, #tpu.memory_space<semaphore_mem>>) {add = true}
      } else {
      }
      %add3A_122 = arith.constant 1 : i32
      %add3A_123 = arith.addi %mul3A_115, %add3A_122 : i32
      %lt3A_124 = arith.cmpi slt, %add3A_123, %add3A_8 : i32
      %convert_element_type3A_125 = arith.extui %lt3A_124 : i1 to i32
      %cond3A_126 = arith.constant 0 : i32
      %cond3A_127 = arith.cmpi ne, %convert_element_type3A_125, %cond3A_126 : i32
      scf.if %cond3A_127 {
        %dma_wait3A_172 = arith.constant 0 : i32
        %dma_wait3A_173 = tpu.memref_slice %arg2[%dma_wait3A_172] : memref<640000xi32, #tpu.memory_space<hbm>> -> memref<128xi32, #tpu.memory_space<hbm>>
        %dma_wait3A_174 = arith.constant 0 : i32
        %dma_wait3A_175 = tpu.memref_slice %arg2[%dma_wait3A_174] : memref<640000xi32, #tpu.memory_space<hbm>> -> memref<128xi32, #tpu.memory_space<hbm>>
        tpu.wait_dma2 semaphore(%arg13 : memref<!tpu.dma_semaphore, #tpu.memory_space<semaphore_mem>>) src(%dma_wait3A_175 : memref<128xi32, #tpu.memory_space<hbm>>) dst(%arg7 : memref<128xi32, #tpu.memory_space<vmem>>)
        %dma_start3A_176 = arith.constant 0 : i32
        %dma_start3A_177 = arith.constant 0 : i32
        %dma_start3A_178 = tpu.memref_slice %arg11[%dma_start3A_176, %dma_start3A_177] : memref<10000x128xf32, #tpu.memory_space<vmem_shared>> -> memref<10000x128xf32, #tpu.memory_space<vmem_shared>>
        tpu.enqueue_indirect_dma source(%arg10 : memref<128x128xf32, #tpu.memory_space<vmem>>) target(%dma_start3A_178 : memref<10000x128xf32, #tpu.memory_space<vmem_shared>>) offsets(%arg7 : memref<128xi32, #tpu.memory_space<vmem>>) semaphore(%arg17 : memref<!tpu.dma_semaphore, #tpu.memory_space<semaphore_mem>>) {add = true}
      } else {
      }
      %add3A_128 = arith.constant 2 : i32
      %add3A_129 = arith.addi %mul3A_115, %add3A_128 : i32
      %lt3A_130 = arith.cmpi slt, %add3A_129, %add3A_8 : i32
      %convert_element_type3A_131 = arith.extui %lt3A_130 : i1 to i32
      %cond3A_132 = arith.constant 0 : i32
      %cond3A_133 = arith.cmpi ne, %convert_element_type3A_131, %cond3A_132 : i32
      scf.if %cond3A_133 {
        %dma_wait3A_172 = arith.constant 0 : i32
        %dma_wait3A_173 = tpu.memref_slice %arg2[%dma_wait3A_172] : memref<640000xi32, #tpu.memory_space<hbm>> -> memref<128xi32, #tpu.memory_space<hbm>>
        %dma_wait3A_174 = arith.constant 0 : i32
        %dma_wait3A_175 = tpu.memref_slice %arg2[%dma_wait3A_174] : memref<640000xi32, #tpu.memory_space<hbm>> -> memref<128xi32, #tpu.memory_space<hbm>>
        tpu.wait_dma2 semaphore(%arg14 : memref<!tpu.dma_semaphore, #tpu.memory_space<semaphore_mem>>) src(%dma_wait3A_175 : memref<128xi32, #tpu.memory_space<hbm>>) dst(%arg8 : memref<128xi32, #tpu.memory_space<vmem>>)
        %dma_start3A_176 = arith.constant 0 : i32
        %dma_start3A_177 = arith.constant 0 : i32
        %dma_start3A_178 = tpu.memref_slice %arg11[%dma_start3A_176, %dma_start3A_177] : memref<10000x128xf32, #tpu.memory_space<vmem_shared>> -> memref<10000x128xf32, #tpu.memory_space<vmem_shared>>
        tpu.enqueue_indirect_dma source(%arg10 : memref<128x128xf32, #tpu.memory_space<vmem>>) target(%dma_start3A_178 : memref<10000x128xf32, #tpu.memory_space<vmem_shared>>) offsets(%arg8 : memref<128xi32, #tpu.memory_space<vmem>>) semaphore(%arg18 : memref<!tpu.dma_semaphore, #tpu.memory_space<semaphore_mem>>) {add = true}
      } else {
      }
      %add3A_134 = arith.constant 3 : i32
      %add3A_135 = arith.addi %mul3A_115, %add3A_134 : i32
      %lt3A_136 = arith.cmpi slt, %add3A_135, %add3A_8 : i32
      %convert_element_type3A_137 = arith.extui %lt3A_136 : i1 to i32
      %cond3A_138 = arith.constant 0 : i32
      %cond3A_139 = arith.cmpi ne, %convert_element_type3A_137, %cond3A_138 : i32
      scf.if %cond3A_139 {
        %dma_wait3A_172 = arith.constant 0 : i32
        %dma_wait3A_173 = tpu.memref_slice %arg2[%dma_wait3A_172] : memref<640000xi32, #tpu.memory_space<hbm>> -> memref<128xi32, #tpu.memory_space<hbm>>
        %dma_wait3A_174 = arith.constant 0 : i32
        %dma_wait3A_175 = tpu.memref_slice %arg2[%dma_wait3A_174] : memref<640000xi32, #tpu.memory_space<hbm>> -> memref<128xi32, #tpu.memory_space<hbm>>
        tpu.wait_dma2 semaphore(%arg15 : memref<!tpu.dma_semaphore, #tpu.memory_space<semaphore_mem>>) src(%dma_wait3A_175 : memref<128xi32, #tpu.memory_space<hbm>>) dst(%arg9 : memref<128xi32, #tpu.memory_space<vmem>>)
        %dma_start3A_176 = arith.constant 0 : i32
        %dma_start3A_177 = arith.constant 0 : i32
        %dma_start3A_178 = tpu.memref_slice %arg11[%dma_start3A_176, %dma_start3A_177] : memref<10000x128xf32, #tpu.memory_space<vmem_shared>> -> memref<10000x128xf32, #tpu.memory_space<vmem_shared>>
        tpu.enqueue_indirect_dma source(%arg10 : memref<128x128xf32, #tpu.memory_space<vmem>>) target(%dma_start3A_178 : memref<10000x128xf32, #tpu.memory_space<vmem_shared>>) offsets(%arg9 : memref<128xi32, #tpu.memory_space<vmem>>) semaphore(%arg19 : memref<!tpu.dma_semaphore, #tpu.memory_space<semaphore_mem>>) {add = true}
      } else {
      }
      %add3A_140 = arith.constant 0 : i32
      %add3A_141 = arith.addi %mul3A_115, %add3A_140 : i32
      %add3A_142 = arith.constant 4 : i32
      %add3A_143 = arith.addi %add3A_141, %add3A_142 : i32
      %lt3A_144 = arith.cmpi slt, %add3A_143, %add3A_8 : i32
      %convert_element_type3A_145 = arith.extui %lt3A_144 : i1 to i32
      %cond3A_146 = arith.constant 0 : i32
      %cond3A_147 = arith.cmpi ne, %convert_element_type3A_145, %cond3A_146 : i32
      scf.if %cond3A_147 {
        %dma_wait3A_172 = arith.constant 0 : i32
        %dma_wait3A_173 = arith.constant 0 : i32
        %dma_wait3A_174 = tpu.memref_slice %arg3[%dma_wait3A_172, %dma_wait3A_173] : memref<640x128xf32, #tpu.memory_space<hbm>> -> memref<128x128xf32, #tpu.memory_space<hbm>>
        %dma_wait3A_175 = arith.constant 0 : i32
        %dma_wait3A_176 = arith.constant 0 : i32
        %dma_wait3A_177 = tpu.memref_slice %arg3[%dma_wait3A_175, %dma_wait3A_176] : memref<640x128xf32, #tpu.memory_space<hbm>> -> memref<128x128xf32, #tpu.memory_space<hbm>>
        tpu.wait_dma2 semaphore(%arg16 : memref<!tpu.dma_semaphore, #tpu.memory_space<semaphore_mem>>) src(%dma_wait3A_177 : memref<128x128xf32, #tpu.memory_space<hbm>>) dst(%arg10 : memref<128x128xf32, #tpu.memory_space<vmem>>)
        %add3A_178 = arith.constant 0 : i32
        %add3A_179 = arith.addi %mul3A_115, %add3A_178 : i32
        %add3A_180 = arith.constant 4 : i32
        %add3A_181 = arith.addi %add3A_179, %add3A_180 : i32
        %add3A_182 = arith.addi %add3A_4, %add3A_181 : i32
        %mul3A_183 = arith.constant 128 : i32
        %mul3A_184 = arith.muli %add3A_182, %mul3A_183 : i32
        %add3A_185 = arith.constant 320000 : i32
        %add3A_186 = arith.addi %add3A_185, %mul3A_184 : i32
        %dma_start3A_187 = tpu.memref_slice %arg2[%add3A_186] : memref<640000xi32, #tpu.memory_space<hbm>> -> memref<128xi32, #tpu.memory_space<hbm>>
        %dma_start3A_188 = tpu.memref_slice %arg2[%add3A_186] : memref<640000xi32, #tpu.memory_space<hbm>> -> memref<128xi32, #tpu.memory_space<hbm>>
        tpu.enqueue_dma source(%dma_start3A_188 : memref<128xi32, #tpu.memory_space<hbm>>) target(%arg6 : memref<128xi32, #tpu.memory_space<vmem>>) target_semaphore(%arg12 : memref<!tpu.dma_semaphore, #tpu.memory_space<semaphore_mem>>)
      } else {
      }
      %add3A_148 = arith.constant 1 : i32
      %add3A_149 = arith.addi %mul3A_115, %add3A_148 : i32
      %add3A_150 = arith.constant 4 : i32
      %add3A_151 = arith.addi %add3A_149, %add3A_150 : i32
      %lt3A_152 = arith.cmpi slt, %add3A_151, %add3A_8 : i32
      %convert_element_type3A_153 = arith.extui %lt3A_152 : i1 to i32
      %cond3A_154 = arith.constant 0 : i32
      %cond3A_155 = arith.cmpi ne, %convert_element_type3A_153, %cond3A_154 : i32
      scf.if %cond3A_155 {
        %dma_wait3A_172 = arith.constant 0 : i32
        %dma_wait3A_173 = arith.constant 0 : i32
        %dma_wait3A_174 = tpu.memref_slice %arg3[%dma_wait3A_172, %dma_wait3A_173] : memref<640x128xf32, #tpu.memory_space<hbm>> -> memref<128x128xf32, #tpu.memory_space<hbm>>
        %dma_wait3A_175 = arith.constant 0 : i32
        %dma_wait3A_176 = arith.constant 0 : i32
        %dma_wait3A_177 = tpu.memref_slice %arg3[%dma_wait3A_175, %dma_wait3A_176] : memref<640x128xf32, #tpu.memory_space<hbm>> -> memref<128x128xf32, #tpu.memory_space<hbm>>
        tpu.wait_dma2 semaphore(%arg17 : memref<!tpu.dma_semaphore, #tpu.memory_space<semaphore_mem>>) src(%dma_wait3A_177 : memref<128x128xf32, #tpu.memory_space<hbm>>) dst(%arg10 : memref<128x128xf32, #tpu.memory_space<vmem>>)
        %add3A_178 = arith.constant 1 : i32
        %add3A_179 = arith.addi %mul3A_115, %add3A_178 : i32
        %add3A_180 = arith.constant 4 : i32
        %add3A_181 = arith.addi %add3A_179, %add3A_180 : i32
        %add3A_182 = arith.addi %add3A_4, %add3A_181 : i32
        %mul3A_183 = arith.constant 128 : i32
        %mul3A_184 = arith.muli %add3A_182, %mul3A_183 : i32
        %add3A_185 = arith.constant 320000 : i32
        %add3A_186 = arith.addi %add3A_185, %mul3A_184 : i32
        %dma_start3A_187 = tpu.memref_slice %arg2[%add3A_186] : memref<640000xi32, #tpu.memory_space<hbm>> -> memref<128xi32, #tpu.memory_space<hbm>>
        %dma_start3A_188 = tpu.memref_slice %arg2[%add3A_186] : memref<640000xi32, #tpu.memory_space<hbm>> -> memref<128xi32, #tpu.memory_space<hbm>>
        tpu.enqueue_dma source(%dma_start3A_188 : memref<128xi32, #tpu.memory_space<hbm>>) target(%arg7 : memref<128xi32, #tpu.memory_space<vmem>>) target_semaphore(%arg13 : memref<!tpu.dma_semaphore, #tpu.memory_space<semaphore_mem>>)
      } else {
      }
      %add3A_156 = arith.constant 2 : i32
      %add3A_157 = arith.addi %mul3A_115, %add3A_156 : i32
      %add3A_158 = arith.constant 4 : i32
      %add3A_159 = arith.addi %add3A_157, %add3A_158 : i32
      %lt3A_160 = arith.cmpi slt, %add3A_159, %add3A_8 : i32
      %convert_element_type3A_161 = arith.extui %lt3A_160 : i1 to i32
      %cond3A_162 = arith.constant 0 : i32
      %cond3A_163 = arith.cmpi ne, %convert_element_type3A_161, %cond3A_162 : i32
      scf.if %cond3A_163 {
        %dma_wait3A_172 = arith.constant 0 : i32
        %dma_wait3A_173 = arith.constant 0 : i32
        %dma_wait3A_174 = tpu.memref_slice %arg3[%dma_wait3A_172, %dma_wait3A_173] : memref<640x128xf32, #tpu.memory_space<hbm>> -> memref<128x128xf32, #tpu.memory_space<hbm>>
        %dma_wait3A_175 = arith.constant 0 : i32
        %dma_wait3A_176 = arith.constant 0 : i32
        %dma_wait3A_177 = tpu.memref_slice %arg3[%dma_wait3A_175, %dma_wait3A_176] : memref<640x128xf32, #tpu.memory_space<hbm>> -> memref<128x128xf32, #tpu.memory_space<hbm>>
        tpu.wait_dma2 semaphore(%arg18 : memref<!tpu.dma_semaphore, #tpu.memory_space<semaphore_mem>>) src(%dma_wait3A_177 : memref<128x128xf32, #tpu.memory_space<hbm>>) dst(%arg10 : memref<128x128xf32, #tpu.memory_space<vmem>>)
        %add3A_178 = arith.constant 2 : i32
        %add3A_179 = arith.addi %mul3A_115, %add3A_178 : i32
        %add3A_180 = arith.constant 4 : i32
        %add3A_181 = arith.addi %add3A_179, %add3A_180 : i32
        %add3A_182 = arith.addi %add3A_4, %add3A_181 : i32
        %mul3A_183 = arith.constant 128 : i32
        %mul3A_184 = arith.muli %add3A_182, %mul3A_183 : i32
        %add3A_185 = arith.constant 320000 : i32
        %add3A_186 = arith.addi %add3A_185, %mul3A_184 : i32
        %dma_start3A_187 = tpu.memref_slice %arg2[%add3A_186] : memref<640000xi32, #tpu.memory_space<hbm>> -> memref<128xi32, #tpu.memory_space<hbm>>
        %dma_start3A_188 = tpu.memref_slice %arg2[%add3A_186] : memref<640000xi32, #tpu.memory_space<hbm>> -> memref<128xi32, #tpu.memory_space<hbm>>
        tpu.enqueue_dma source(%dma_start3A_188 : memref<128xi32, #tpu.memory_space<hbm>>) target(%arg8 : memref<128xi32, #tpu.memory_space<vmem>>) target_semaphore(%arg14 : memref<!tpu.dma_semaphore, #tpu.memory_space<semaphore_mem>>)
      } else {
      }
      %add3A_164 = arith.constant 3 : i32
      %add3A_165 = arith.addi %mul3A_115, %add3A_164 : i32
      %add3A_166 = arith.constant 4 : i32
      %add3A_167 = arith.addi %add3A_165, %add3A_166 : i32
      %lt3A_168 = arith.cmpi slt, %add3A_167, %add3A_8 : i32
      %convert_element_type3A_169 = arith.extui %lt3A_168 : i1 to i32
      %cond3A_170 = arith.constant 0 : i32
      %cond3A_171 = arith.cmpi ne, %convert_element_type3A_169, %cond3A_170 : i32
      scf.if %cond3A_171 {
        %dma_wait3A_172 = arith.constant 0 : i32
        %dma_wait3A_173 = arith.constant 0 : i32
        %dma_wait3A_174 = tpu.memref_slice %arg3[%dma_wait3A_172, %dma_wait3A_173] : memref<640x128xf32, #tpu.memory_space<hbm>> -> memref<128x128xf32, #tpu.memory_space<hbm>>
        %dma_wait3A_175 = arith.constant 0 : i32
        %dma_wait3A_176 = arith.constant 0 : i32
        %dma_wait3A_177 = tpu.memref_slice %arg3[%dma_wait3A_175, %dma_wait3A_176] : memref<640x128xf32, #tpu.memory_space<hbm>> -> memref<128x128xf32, #tpu.memory_space<hbm>>
        tpu.wait_dma2 semaphore(%arg19 : memref<!tpu.dma_semaphore, #tpu.memory_space<semaphore_mem>>) src(%dma_wait3A_177 : memref<128x128xf32, #tpu.memory_space<hbm>>) dst(%arg10 : memref<128x128xf32, #tpu.memory_space<vmem>>)
        %add3A_178 = arith.constant 3 : i32
        %add3A_179 = arith.addi %mul3A_115, %add3A_178 : i32
        %add3A_180 = arith.constant 4 : i32
        %add3A_181 = arith.addi %add3A_179, %add3A_180 : i32
        %add3A_182 = arith.addi %add3A_4, %add3A_181 : i32
        %mul3A_183 = arith.constant 128 : i32
        %mul3A_184 = arith.muli %add3A_182, %mul3A_183 : i32
        %add3A_185 = arith.constant 320000 : i32
        %add3A_186 = arith.addi %add3A_185, %mul3A_184 : i32
        %dma_start3A_187 = tpu.memref_slice %arg2[%add3A_186] : memref<640000xi32, #tpu.memory_space<hbm>> -> memref<128xi32, #tpu.memory_space<hbm>>
        %dma_start3A_188 = tpu.memref_slice %arg2[%add3A_186] : memref<640000xi32, #tpu.memory_space<hbm>> -> memref<128xi32, #tpu.memory_space<hbm>>
        tpu.enqueue_dma source(%dma_start3A_188 : memref<128xi32, #tpu.memory_space<hbm>>) target(%arg9 : memref<128xi32, #tpu.memory_space<vmem>>) target_semaphore(%arg15 : memref<!tpu.dma_semaphore, #tpu.memory_space<semaphore_mem>>)
      } else {
      }
    }
    %while3A_76 = arith.constant 1 : i32
    scf.for %while3A_113 = %while3A_74 to %while3A_70 step %while3A_76  : i32 {
      %mul3A_114 = arith.constant 4 : i32
      %mul3A_115 = arith.muli %mul3A_114, %while3A_113 : i32
      %add3A_116 = arith.constant 0 : i32
      %add3A_117 = arith.addi %mul3A_115, %add3A_116 : i32
      %lt3A_118 = arith.cmpi slt, %add3A_117, %add3A_8 : i32
      %convert_element_type3A_119 = arith.extui %lt3A_118 : i1 to i32
      %cond3A_120 = arith.constant 0 : i32
      %cond3A_121 = arith.cmpi ne, %convert_element_type3A_119, %cond3A_120 : i32
      scf.if %cond3A_121 {
        %dma_wait3A_172 = arith.constant 0 : i32
        %dma_wait3A_173 = tpu.memref_slice %arg2[%dma_wait3A_172] : memref<640000xi32, #tpu.memory_space<hbm>> -> memref<128xi32, #tpu.memory_space<hbm>>
        %dma_wait3A_174 = arith.constant 0 : i32
        %dma_wait3A_175 = tpu.memref_slice %arg2[%dma_wait3A_174] : memref<640000xi32, #tpu.memory_space<hbm>> -> memref<128xi32, #tpu.memory_space<hbm>>
        tpu.wait_dma2 semaphore(%arg12 : memref<!tpu.dma_semaphore, #tpu.memory_space<semaphore_mem>>) src(%dma_wait3A_175 : memref<128xi32, #tpu.memory_space<hbm>>) dst(%arg6 : memref<128xi32, #tpu.memory_space<vmem>>)
        %dma_start3A_176 = arith.constant 0 : i32
        %dma_start3A_177 = arith.constant 0 : i32
        %dma_start3A_178 = tpu.memref_slice %arg11[%dma_start3A_176, %dma_start3A_177] : memref<10000x128xf32, #tpu.memory_space<vmem_shared>> -> memref<10000x128xf32, #tpu.memory_space<vmem_shared>>
        tpu.enqueue_indirect_dma source(%arg10 : memref<128x128xf32, #tpu.memory_space<vmem>>) target(%dma_start3A_178 : memref<10000x128xf32, #tpu.memory_space<vmem_shared>>) offsets(%arg6 : memref<128xi32, #tpu.memory_space<vmem>>) semaphore(%arg16 : memref<!tpu.dma_semaphore, #tpu.memory_space<semaphore_mem>>) {add = true}
      } else {
      }
      %add3A_122 = arith.constant 1 : i32
      %add3A_123 = arith.addi %mul3A_115, %add3A_122 : i32
      %lt3A_124 = arith.cmpi slt, %add3A_123, %add3A_8 : i32
      %convert_element_type3A_125 = arith.extui %lt3A_124 : i1 to i32
      %cond3A_126 = arith.constant 0 : i32
      %cond3A_127 = arith.cmpi ne, %convert_element_type3A_125, %cond3A_126 : i32
      scf.if %cond3A_127 {
        %dma_wait3A_172 = arith.constant 0 : i32
        %dma_wait3A_173 = tpu.memref_slice %arg2[%dma_wait3A_172] : memref<640000xi32, #tpu.memory_space<hbm>> -> memref<128xi32, #tpu.memory_space<hbm>>
        %dma_wait3A_174 = arith.constant 0 : i32
        %dma_wait3A_175 = tpu.memref_slice %arg2[%dma_wait3A_174] : memref<640000xi32, #tpu.memory_space<hbm>> -> memref<128xi32, #tpu.memory_space<hbm>>
        tpu.wait_dma2 semaphore(%arg13 : memref<!tpu.dma_semaphore, #tpu.memory_space<semaphore_mem>>) src(%dma_wait3A_175 : memref<128xi32, #tpu.memory_space<hbm>>) dst(%arg7 : memref<128xi32, #tpu.memory_space<vmem>>)
        %dma_start3A_176 = arith.constant 0 : i32
        %dma_start3A_177 = arith.constant 0 : i32
        %dma_start3A_178 = tpu.memref_slice %arg11[%dma_start3A_176, %dma_start3A_177] : memref<10000x128xf32, #tpu.memory_space<vmem_shared>> -> memref<10000x128xf32, #tpu.memory_space<vmem_shared>>
        tpu.enqueue_indirect_dma source(%arg10 : memref<128x128xf32, #tpu.memory_space<vmem>>) target(%dma_start3A_178 : memref<10000x128xf32, #tpu.memory_space<vmem_shared>>) offsets(%arg7 : memref<128xi32, #tpu.memory_space<vmem>>) semaphore(%arg17 : memref<!tpu.dma_semaphore, #tpu.memory_space<semaphore_mem>>) {add = true}
      } else {
      }
      %add3A_128 = arith.constant 2 : i32
      %add3A_129 = arith.addi %mul3A_115, %add3A_128 : i32
      %lt3A_130 = arith.cmpi slt, %add3A_129, %add3A_8 : i32
      %convert_element_type3A_131 = arith.extui %lt3A_130 : i1 to i32
      %cond3A_132 = arith.constant 0 : i32
      %cond3A_133 = arith.cmpi ne, %convert_element_type3A_131, %cond3A_132 : i32
      scf.if %cond3A_133 {
        %dma_wait3A_172 = arith.constant 0 : i32
        %dma_wait3A_173 = tpu.memref_slice %arg2[%dma_wait3A_172] : memref<640000xi32, #tpu.memory_space<hbm>> -> memref<128xi32, #tpu.memory_space<hbm>>
        %dma_wait3A_174 = arith.constant 0 : i32
        %dma_wait3A_175 = tpu.memref_slice %arg2[%dma_wait3A_174] : memref<640000xi32, #tpu.memory_space<hbm>> -> memref<128xi32, #tpu.memory_space<hbm>>
        tpu.wait_dma2 semaphore(%arg14 : memref<!tpu.dma_semaphore, #tpu.memory_space<semaphore_mem>>) src(%dma_wait3A_175 : memref<128xi32, #tpu.memory_space<hbm>>) dst(%arg8 : memref<128xi32, #tpu.memory_space<vmem>>)
        %dma_start3A_176 = arith.constant 0 : i32
        %dma_start3A_177 = arith.constant 0 : i32
        %dma_start3A_178 = tpu.memref_slice %arg11[%dma_start3A_176, %dma_start3A_177] : memref<10000x128xf32, #tpu.memory_space<vmem_shared>> -> memref<10000x128xf32, #tpu.memory_space<vmem_shared>>
        tpu.enqueue_indirect_dma source(%arg10 : memref<128x128xf32, #tpu.memory_space<vmem>>) target(%dma_start3A_178 : memref<10000x128xf32, #tpu.memory_space<vmem_shared>>) offsets(%arg8 : memref<128xi32, #tpu.memory_space<vmem>>) semaphore(%arg18 : memref<!tpu.dma_semaphore, #tpu.memory_space<semaphore_mem>>) {add = true}
      } else {
      }
      %add3A_134 = arith.constant 3 : i32
      %add3A_135 = arith.addi %mul3A_115, %add3A_134 : i32
      %lt3A_136 = arith.cmpi slt, %add3A_135, %add3A_8 : i32
      %convert_element_type3A_137 = arith.extui %lt3A_136 : i1 to i32
      %cond3A_138 = arith.constant 0 : i32
      %cond3A_139 = arith.cmpi ne, %convert_element_type3A_137, %cond3A_138 : i32
      scf.if %cond3A_139 {
        %dma_wait3A_172 = arith.constant 0 : i32
        %dma_wait3A_173 = tpu.memref_slice %arg2[%dma_wait3A_172] : memref<640000xi32, #tpu.memory_space<hbm>> -> memref<128xi32, #tpu.memory_space<hbm>>
        %dma_wait3A_174 = arith.constant 0 : i32
        %dma_wait3A_175 = tpu.memref_slice %arg2[%dma_wait3A_174] : memref<640000xi32, #tpu.memory_space<hbm>> -> memref<128xi32, #tpu.memory_space<hbm>>
        tpu.wait_dma2 semaphore(%arg15 : memref<!tpu.dma_semaphore, #tpu.memory_space<semaphore_mem>>) src(%dma_wait3A_175 : memref<128xi32, #tpu.memory_space<hbm>>) dst(%arg9 : memref<128xi32, #tpu.memory_space<vmem>>)
        %dma_start3A_176 = arith.constant 0 : i32
        %dma_start3A_177 = arith.constant 0 : i32
        %dma_start3A_178 = tpu.memref_slice %arg11[%dma_start3A_176, %dma_start3A_177] : memref<10000x128xf32, #tpu.memory_space<vmem_shared>> -> memref<10000x128xf32, #tpu.memory_space<vmem_shared>>
        tpu.enqueue_indirect_dma source(%arg10 : memref<128x128xf32, #tpu.memory_space<vmem>>) target(%dma_start3A_178 : memref<10000x128xf32, #tpu.memory_space<vmem_shared>>) offsets(%arg9 : memref<128xi32, #tpu.memory_space<vmem>>) semaphore(%arg19 : memref<!tpu.dma_semaphore, #tpu.memory_space<semaphore_mem>>) {add = true}
      } else {
      }
      %add3A_140 = arith.constant 0 : i32
      %add3A_141 = arith.addi %mul3A_115, %add3A_140 : i32
      %add3A_142 = arith.constant 4 : i32
      %add3A_143 = arith.addi %add3A_141, %add3A_142 : i32
      %lt3A_144 = arith.cmpi slt, %add3A_143, %add3A_8 : i32
      %convert_element_type3A_145 = arith.extui %lt3A_144 : i1 to i32
      %cond3A_146 = arith.constant 0 : i32
      %cond3A_147 = arith.cmpi ne, %convert_element_type3A_145, %cond3A_146 : i32
      scf.if %cond3A_147 {
        %dma_wait3A_172 = arith.constant 0 : i32
        %dma_wait3A_173 = arith.constant 0 : i32
        %dma_wait3A_174 = tpu.memref_slice %arg3[%dma_wait3A_172, %dma_wait3A_173] : memref<640x128xf32, #tpu.memory_space<hbm>> -> memref<128x128xf32, #tpu.memory_space<hbm>>
        %dma_wait3A_175 = arith.constant 0 : i32
        %dma_wait3A_176 = arith.constant 0 : i32
        %dma_wait3A_177 = tpu.memref_slice %arg3[%dma_wait3A_175, %dma_wait3A_176] : memref<640x128xf32, #tpu.memory_space<hbm>> -> memref<128x128xf32, #tpu.memory_space<hbm>>
        tpu.wait_dma2 semaphore(%arg16 : memref<!tpu.dma_semaphore, #tpu.memory_space<semaphore_mem>>) src(%dma_wait3A_177 : memref<128x128xf32, #tpu.memory_space<hbm>>) dst(%arg10 : memref<128x128xf32, #tpu.memory_space<vmem>>)
        %add3A_178 = arith.constant 0 : i32
        %add3A_179 = arith.addi %mul3A_115, %add3A_178 : i32
        %add3A_180 = arith.constant 4 : i32
        %add3A_181 = arith.addi %add3A_179, %add3A_180 : i32
        %add3A_182 = arith.addi %add3A_4, %add3A_181 : i32
        %mul3A_183 = arith.constant 128 : i32
        %mul3A_184 = arith.muli %add3A_182, %mul3A_183 : i32
        %add3A_185 = arith.constant 320000 : i32
        %add3A_186 = arith.addi %add3A_185, %mul3A_184 : i32
        %dma_start3A_187 = tpu.memref_slice %arg2[%add3A_186] : memref<640000xi32, #tpu.memory_space<hbm>> -> memref<128xi32, #tpu.memory_space<hbm>>
        %dma_start3A_188 = tpu.memref_slice %arg2[%add3A_186] : memref<640000xi32, #tpu.memory_space<hbm>> -> memref<128xi32, #tpu.memory_space<hbm>>
        tpu.enqueue_dma source(%dma_start3A_188 : memref<128xi32, #tpu.memory_space<hbm>>) target(%arg6 : memref<128xi32, #tpu.memory_space<vmem>>) target_semaphore(%arg12 : memref<!tpu.dma_semaphore, #tpu.memory_space<semaphore_mem>>)
      } else {
      }
      %add3A_148 = arith.constant 1 : i32
      %add3A_149 = arith.addi %mul3A_115, %add3A_148 : i32
      %add3A_150 = arith.constant 4 : i32
      %add3A_151 = arith.addi %add3A_149, %add3A_150 : i32
      %lt3A_152 = arith.cmpi slt, %add3A_151, %add3A_8 : i32
      %convert_element_type3A_153 = arith.extui %lt3A_152 : i1 to i32
      %cond3A_154 = arith.constant 0 : i32
      %cond3A_155 = arith.cmpi ne, %convert_element_type3A_153, %cond3A_154 : i32
      scf.if %cond3A_155 {
        %dma_wait3A_172 = arith.constant 0 : i32
        %dma_wait3A_173 = arith.constant 0 : i32
        %dma_wait3A_174 = tpu.memref_slice %arg3[%dma_wait3A_172, %dma_wait3A_173] : memref<640x128xf32, #tpu.memory_space<hbm>> -> memref<128x128xf32, #tpu.memory_space<hbm>>
        %dma_wait3A_175 = arith.constant 0 : i32
        %dma_wait3A_176 = arith.constant 0 : i32
        %dma_wait3A_177 = tpu.memref_slice %arg3[%dma_wait3A_175, %dma_wait3A_176] : memref<640x128xf32, #tpu.memory_space<hbm>> -> memref<128x128xf32, #tpu.memory_space<hbm>>
        tpu.wait_dma2 semaphore(%arg17 : memref<!tpu.dma_semaphore, #tpu.memory_space<semaphore_mem>>) src(%dma_wait3A_177 : memref<128x128xf32, #tpu.memory_space<hbm>>) dst(%arg10 : memref<128x128xf32, #tpu.memory_space<vmem>>)
        %add3A_178 = arith.constant 1 : i32
        %add3A_179 = arith.addi %mul3A_115, %add3A_178 : i32
        %add3A_180 = arith.constant 4 : i32
        %add3A_181 = arith.addi %add3A_179, %add3A_180 : i32
        %add3A_182 = arith.addi %add3A_4, %add3A_181 : i32
        %mul3A_183 = arith.constant 128 : i32
        %mul3A_184 = arith.muli %add3A_182, %mul3A_183 : i32
        %add3A_185 = arith.constant 320000 : i32
        %add3A_186 = arith.addi %add3A_185, %mul3A_184 : i32
        %dma_start3A_187 = tpu.memref_slice %arg2[%add3A_186] : memref<640000xi32, #tpu.memory_space<hbm>> -> memref<128xi32, #tpu.memory_space<hbm>>
        %dma_start3A_188 = tpu.memref_slice %arg2[%add3A_186] : memref<640000xi32, #tpu.memory_space<hbm>> -> memref<128xi32, #tpu.memory_space<hbm>>
        tpu.enqueue_dma source(%dma_start3A_188 : memref<128xi32, #tpu.memory_space<hbm>>) target(%arg7 : memref<128xi32, #tpu.memory_space<vmem>>) target_semaphore(%arg13 : memref<!tpu.dma_semaphore, #tpu.memory_space<semaphore_mem>>)
      } else {
      }
      %add3A_156 = arith.constant 2 : i32
      %add3A_157 = arith.addi %mul3A_115, %add3A_156 : i32
      %add3A_158 = arith.constant 4 : i32
      %add3A_159 = arith.addi %add3A_157, %add3A_158 : i32
      %lt3A_160 = arith.cmpi slt, %add3A_159, %add3A_8 : i32
      %convert_element_type3A_161 = arith.extui %lt3A_160 : i1 to i32
      %cond3A_162 = arith.constant 0 : i32
      %cond3A_163 = arith.cmpi ne, %convert_element_type3A_161, %cond3A_162 : i32
      scf.if %cond3A_163 {
        %dma_wait3A_172 = arith.constant 0 : i32
        %dma_wait3A_173 = arith.constant 0 : i32
        %dma_wait3A_174 = tpu.memref_slice %arg3[%dma_wait3A_172, %dma_wait3A_173] : memref<640x128xf32, #tpu.memory_space<hbm>> -> memref<128x128xf32, #tpu.memory_space<hbm>>
        %dma_wait3A_175 = arith.constant 0 : i32
        %dma_wait3A_176 = arith.constant 0 : i32
        %dma_wait3A_177 = tpu.memref_slice %arg3[%dma_wait3A_175, %dma_wait3A_176] : memref<640x128xf32, #tpu.memory_space<hbm>> -> memref<128x128xf32, #tpu.memory_space<hbm>>
        tpu.wait_dma2 semaphore(%arg18 : memref<!tpu.dma_semaphore, #tpu.memory_space<semaphore_mem>>) src(%dma_wait3A_177 : memref<128x128xf32, #tpu.memory_space<hbm>>) dst(%arg10 : memref<128x128xf32, #tpu.memory_space<vmem>>)
        %add3A_178 = arith.constant 2 : i32
        %add3A_179 = arith.addi %mul3A_115, %add3A_178 : i32
        %add3A_180 = arith.constant 4 : i32
        %add3A_181 = arith.addi %add3A_179, %add3A_180 : i32
        %add3A_182 = arith.addi %add3A_4, %add3A_181 : i32
        %mul3A_183 = arith.constant 128 : i32
        %mul3A_184 = arith.muli %add3A_182, %mul3A_183 : i32
        %add3A_185 = arith.constant 320000 : i32
        %add3A_186 = arith.addi %add3A_185, %mul3A_184 : i32
        %dma_start3A_187 = tpu.memref_slice %arg2[%add3A_186] : memref<640000xi32, #tpu.memory_space<hbm>> -> memref<128xi32, #tpu.memory_space<hbm>>
        %dma_start3A_188 = tpu.memref_slice %arg2[%add3A_186] : memref<640000xi32, #tpu.memory_space<hbm>> -> memref<128xi32, #tpu.memory_space<hbm>>
        tpu.enqueue_dma source(%dma_start3A_188 : memref<128xi32, #tpu.memory_space<hbm>>) target(%arg8 : memref<128xi32, #tpu.memory_space<vmem>>) target_semaphore(%arg14 : memref<!tpu.dma_semaphore, #tpu.memory_space<semaphore_mem>>)
      } else {
      }
      %add3A_164 = arith.constant 3 : i32
      %add3A_165 = arith.addi %mul3A_115, %add3A_164 : i32
      %add3A_166 = arith.constant 4 : i32
      %add3A_167 = arith.addi %add3A_165, %add3A_166 : i32
      %lt3A_168 = arith.cmpi slt, %add3A_167, %add3A_8 : i32
      %convert_element_type3A_169 = arith.extui %lt3A_168 : i1 to i32
      %cond3A_170 = arith.constant 0 : i32
      %cond3A_171 = arith.cmpi ne, %convert_element_type3A_169, %cond3A_170 : i32
      scf.if %cond3A_171 {
        %dma_wait3A_172 = arith.constant 0 : i32
        %dma_wait3A_173 = arith.constant 0 : i32
        %dma_wait3A_174 = tpu.memref_slice %arg3[%dma_wait3A_172, %dma_wait3A_173] : memref<640x128xf32, #tpu.memory_space<hbm>> -> memref<128x128xf32, #tpu.memory_space<hbm>>
        %dma_wait3A_175 = arith.constant 0 : i32
        %dma_wait3A_176 = arith.constant 0 : i32
        %dma_wait3A_177 = tpu.memref_slice %arg3[%dma_wait3A_175, %dma_wait3A_176] : memref<640x128xf32, #tpu.memory_space<hbm>> -> memref<128x128xf32, #tpu.memory_space<hbm>>
        tpu.wait_dma2 semaphore(%arg19 : memref<!tpu.dma_semaphore, #tpu.memory_space<semaphore_mem>>) src(%dma_wait3A_177 : memref<128x128xf32, #tpu.memory_space<hbm>>) dst(%arg10 : memref<128x128xf32, #tpu.memory_space<vmem>>)
        %add3A_178 = arith.constant 3 : i32
        %add3A_179 = arith.addi %mul3A_115, %add3A_178 : i32
        %add3A_180 = arith.constant 4 : i32
        %add3A_181 = arith.addi %add3A_179, %add3A_180 : i32
        %add3A_182 = arith.addi %add3A_4, %add3A_181 : i32
        %mul3A_183 = arith.constant 128 : i32
        %mul3A_184 = arith.muli %add3A_182, %mul3A_183 : i32
        %add3A_185 = arith.constant 320000 : i32
        %add3A_186 = arith.addi %add3A_185, %mul3A_184 : i32
        %dma_start3A_187 = tpu.memref_slice %arg2[%add3A_186] : memref<640000xi32, #tpu.memory_space<hbm>> -> memref<128xi32, #tpu.memory_space<hbm>>
        %dma_start3A_188 = tpu.memref_slice %arg2[%add3A_186] : memref<640000xi32, #tpu.memory_space<hbm>> -> memref<128xi32, #tpu.memory_space<hbm>>
        tpu.enqueue_dma source(%dma_start3A_188 : memref<128xi32, #tpu.memory_space<hbm>>) target(%arg9 : memref<128xi32, #tpu.memory_space<vmem>>) target_semaphore(%arg15 : memref<!tpu.dma_semaphore, #tpu.memory_space<semaphore_mem>>)
      } else {
      }
    }
    %dma_wait3A = arith.constant 0 : i32
    %dma_wait3A_77 = arith.constant 0 : i32
    %dma_wait3A_78 = tpu.memref_slice %arg3[%dma_wait3A, %dma_wait3A_77] : memref<640x128xf32, #tpu.memory_space<hbm>> -> memref<128x128xf32, #tpu.memory_space<hbm>>
    %dma_wait3A_79 = arith.constant 0 : i32
    %dma_wait3A_80 = arith.constant 0 : i32
    %dma_wait3A_81 = tpu.memref_slice %arg3[%dma_wait3A_79, %dma_wait3A_80] : memref<640x128xf32, #tpu.memory_space<hbm>> -> memref<128x128xf32, #tpu.memory_space<hbm>>
    tpu.wait_dma2 semaphore(%arg16 : memref<!tpu.dma_semaphore, #tpu.memory_space<semaphore_mem>>) src(%dma_wait3A_81 : memref<128x128xf32, #tpu.memory_space<hbm>>) dst(%arg10 : memref<128x128xf32, #tpu.memory_space<vmem>>)
    %dma_wait3A_82 = arith.constant 0 : i32
    %dma_wait3A_83 = arith.constant 0 : i32
    %dma_wait3A_84 = tpu.memref_slice %arg3[%dma_wait3A_82, %dma_wait3A_83] : memref<640x128xf32, #tpu.memory_space<hbm>> -> memref<128x128xf32, #tpu.memory_space<hbm>>
    %dma_wait3A_85 = arith.constant 0 : i32
    %dma_wait3A_86 = arith.constant 0 : i32
    %dma_wait3A_87 = tpu.memref_slice %arg3[%dma_wait3A_85, %dma_wait3A_86] : memref<640x128xf32, #tpu.memory_space<hbm>> -> memref<128x128xf32, #tpu.memory_space<hbm>>
    tpu.wait_dma2 semaphore(%arg17 : memref<!tpu.dma_semaphore, #tpu.memory_space<semaphore_mem>>) src(%dma_wait3A_87 : memref<128x128xf32, #tpu.memory_space<hbm>>) dst(%arg10 : memref<128x128xf32, #tpu.memory_space<vmem>>)
    %dma_wait3A_88 = arith.constant 0 : i32
    %dma_wait3A_89 = arith.constant 0 : i32
    %dma_wait3A_90 = tpu.memref_slice %arg3[%dma_wait3A_88, %dma_wait3A_89] : memref<640x128xf32, #tpu.memory_space<hbm>> -> memref<128x128xf32, #tpu.memory_space<hbm>>
    %dma_wait3A_91 = arith.constant 0 : i32
    %dma_wait3A_92 = arith.constant 0 : i32
    %dma_wait3A_93 = tpu.memref_slice %arg3[%dma_wait3A_91, %dma_wait3A_92] : memref<640x128xf32, #tpu.memory_space<hbm>> -> memref<128x128xf32, #tpu.memory_space<hbm>>
    tpu.wait_dma2 semaphore(%arg18 : memref<!tpu.dma_semaphore, #tpu.memory_space<semaphore_mem>>) src(%dma_wait3A_93 : memref<128x128xf32, #tpu.memory_space<hbm>>) dst(%arg10 : memref<128x128xf32, #tpu.memory_space<vmem>>)
    %dma_wait3A_94 = arith.constant 0 : i32
    %dma_wait3A_95 = arith.constant 0 : i32
    %dma_wait3A_96 = tpu.memref_slice %arg3[%dma_wait3A_94, %dma_wait3A_95] : memref<640x128xf32, #tpu.memory_space<hbm>> -> memref<128x128xf32, #tpu.memory_space<hbm>>
    %dma_wait3A_97 = arith.constant 0 : i32
    %dma_wait3A_98 = arith.constant 0 : i32
    %dma_wait3A_99 = tpu.memref_slice %arg3[%dma_wait3A_97, %dma_wait3A_98] : memref<640x128xf32, #tpu.memory_space<hbm>> -> memref<128x128xf32, #tpu.memory_space<hbm>>
    tpu.wait_dma2 semaphore(%arg19 : memref<!tpu.dma_semaphore, #tpu.memory_space<semaphore_mem>>) src(%dma_wait3A_99 : memref<128x128xf32, #tpu.memory_space<hbm>>) dst(%arg10 : memref<128x128xf32, #tpu.memory_space<vmem>>)
    %barrier3A_100 = arith.constant 0 : index
    tpu.barrier barrier_id(%barrier3A_100)
    %mul3A_101 = arith.constant 624 : i32
    %mul3A_102 = arith.muli %arg1, %mul3A_101 : i32
    %lt3A_103 = arith.constant 15 : i32
    %lt3A_104 = arith.cmpi slt, %arg1, %lt3A_103 : i32
    %convert_element_type3A_105 = arith.extui %lt3A_104 : i1 to i32
    %cond3A_106 = arith.constant 0 : i32
    %cond3A_107 = arith.cmpi ne, %convert_element_type3A_105, %cond3A_106 : i32
    scf.if %cond3A_107 {
      "tpu.region"() ({
        %run_scoped3A = tpu.sem_alloc : memref<!tpu.dma_semaphore, #tpu.memory_space<semaphore_mem>>
        %dma_start3A_113 = arith.constant 0 : i32
        %dma_start3A_114 = tpu.memref_slice %arg5[%arg0, %mul3A_102, %dma_start3A_113] : memref<2x10000x128xf32, #tpu.memory_space<hbm>> -> memref<1x624x128xf32, #tpu.memory_space<hbm>>
        %dma_start3A_115 = tpu.memref_squeeze %dma_start3A_114 : memref<1x624x128xf32, #tpu.memory_space<hbm>> -> memref<624x128xf32, #tpu.memory_space<hbm>>
        %dma_start3A_116 = arith.constant 0 : i32
        %dma_start3A_117 = tpu.memref_slice %arg11[%mul3A_102, %dma_start3A_116] : memref<10000x128xf32, #tpu.memory_space<vmem_shared>> -> memref<624x128xf32, #tpu.memory_space<vmem_shared>>
        tpu.enqueue_dma source(%dma_start3A_117 : memref<624x128xf32, #tpu.memory_space<vmem_shared>>) target(%dma_start3A_115 : memref<624x128xf32, #tpu.memory_space<hbm>>) target_semaphore(%run_scoped3A : memref<!tpu.dma_semaphore, #tpu.memory_space<semaphore_mem>>)
        %dma_wait3A_118 = arith.constant 0 : i32
        %dma_wait3A_119 = tpu.memref_slice %arg5[%arg0, %mul3A_102, %dma_wait3A_118] : memref<2x10000x128xf32, #tpu.memory_space<hbm>> -> memref<1x624x128xf32, #tpu.memory_space<hbm>>
        %dma_wait3A_120 = tpu.memref_squeeze %dma_wait3A_119 : memref<1x624x128xf32, #tpu.memory_space<hbm>> -> memref<624x128xf32, #tpu.memory_space<hbm>>
        %dma_wait3A_121 = arith.constant 0 : i32
        %dma_wait3A_122 = tpu.memref_slice %arg11[%mul3A_102, %dma_wait3A_121] : memref<10000x128xf32, #tpu.memory_space<vmem_shared>> -> memref<624x128xf32, #tpu.memory_space<vmem_shared>>
        tpu.wait_dma2 semaphore(%run_scoped3A : memref<!tpu.dma_semaphore, #tpu.memory_space<semaphore_mem>>) src(%dma_wait3A_122 : memref<624x128xf32, #tpu.memory_space<vmem_shared>>) dst(%dma_wait3A_120 : memref<624x128xf32, #tpu.memory_space<hbm>>)
        tpu.yield
      }) : () -> ()
    } else {
    }
    %eq3A_108 = arith.constant 15 : i32
    %eq3A_109 = arith.cmpi eq, %arg1, %eq3A_108 : i32
    %convert_element_type3A_110 = arith.extui %eq3A_109 : i1 to i32
    %cond3A_111 = arith.constant 0 : i32
    %cond3A_112 = arith.cmpi ne, %convert_element_type3A_110, %cond3A_111 : i32
    scf.if %cond3A_112 {
      "tpu.region"() ({
        %run_scoped3A = tpu.sem_alloc : memref<!tpu.dma_semaphore, #tpu.memory_space<semaphore_mem>>
        %dma_start3A_113 = arith.constant 0 : i32
        %dma_start3A_114 = tpu.memref_slice %arg5[%arg0, %mul3A_102, %dma_start3A_113] : memref<2x10000x128xf32, #tpu.memory_space<hbm>> -> memref<1x640x128xf32, #tpu.memory_space<hbm>>
        %dma_start3A_115 = tpu.memref_squeeze %dma_start3A_114 : memref<1x640x128xf32, #tpu.memory_space<hbm>> -> memref<640x128xf32, #tpu.memory_space<hbm>>
        %dma_start3A_116 = arith.constant 0 : i32
        %dma_start3A_117 = tpu.memref_slice %arg11[%mul3A_102, %dma_start3A_116] : memref<10000x128xf32, #tpu.memory_space<vmem_shared>> -> memref<640x128xf32, #tpu.memory_space<vmem_shared>>
        tpu.enqueue_dma source(%dma_start3A_117 : memref<640x128xf32, #tpu.memory_space<vmem_shared>>) target(%dma_start3A_115 : memref<640x128xf32, #tpu.memory_space<hbm>>) target_semaphore(%run_scoped3A : memref<!tpu.dma_semaphore, #tpu.memory_space<semaphore_mem>>)
        %dma_wait3A_118 = arith.constant 0 : i32
        %dma_wait3A_119 = tpu.memref_slice %arg5[%arg0, %mul3A_102, %dma_wait3A_118] : memref<2x10000x128xf32, #tpu.memory_space<hbm>> -> memref<1x640x128xf32, #tpu.memory_space<hbm>>
        %dma_wait3A_120 = tpu.memref_squeeze %dma_wait3A_119 : memref<1x640x128xf32, #tpu.memory_space<hbm>> -> memref<640x128xf32, #tpu.memory_space<hbm>>
        %dma_wait3A_121 = arith.constant 0 : i32
        %dma_wait3A_122 = tpu.memref_slice %arg11[%mul3A_102, %dma_wait3A_121] : memref<10000x128xf32, #tpu.memory_space<vmem_shared>> -> memref<640x128xf32, #tpu.memory_space<vmem_shared>>
        tpu.wait_dma2 semaphore(%run_scoped3A : memref<!tpu.dma_semaphore, #tpu.memory_space<semaphore_mem>>) src(%dma_wait3A_122 : memref<640x128xf32, #tpu.memory_space<vmem_shared>>) dst(%dma_wait3A_120 : memref<640x128xf32, #tpu.memory_space<hbm>>)
        tpu.yield
      }) : () -> ()
    } else {
    }
    return
  }
}

#map = affine_map<(d0, d1) -> (0, 0)>
#map1 = affine_map<(d0, d1) -> (0)>
#map2 = affine_map<(d0, d1) -> (0, 0, 0)>
module attributes {stable_mosaic.version = 14 : i64} {
  func.func @_sc_scatter(%arg0: i32, %arg1: i32, %arg2: memref<10000x128xf32, #tpu.memory_space<hbm>>, %arg3: memref<640000xi32, #tpu.memory_space<hbm>>, %arg4: memref<2x10000x128xf32, #tpu.memory_space<hbm>>, %arg5: memref<128xi32, #tpu.memory_space<vmem>>, %arg6: memref<128xi32, #tpu.memory_space<vmem>>, %arg7: memref<128xi32, #tpu.memory_space<vmem>>, %arg8: memref<128xi32, #tpu.memory_space<vmem>>, %arg9: memref<128xi32, #tpu.memory_space<vmem>>, %arg10: memref<128xi32, #tpu.memory_space<vmem>>, %arg11: memref<128xi32, #tpu.memory_space<vmem>>, %arg12: memref<128xi32, #tpu.memory_space<vmem>>, %arg13: memref<128xi32, #tpu.memory_space<vmem>>, %arg14: memref<128xi32, #tpu.memory_space<vmem>>, %arg15: memref<128xi32, #tpu.memory_space<vmem>>, %arg16: memref<128xi32, #tpu.memory_space<vmem>>, %arg17: memref<128x128xf32, #tpu.memory_space<vmem>>, %arg18: memref<128x128xf32, #tpu.memory_space<vmem>>, %arg19: memref<128x128xf32, #tpu.memory_space<vmem>>, %arg20: memref<10000x128xf32, #tpu.memory_space<vmem_shared>>, %arg21: memref<!tpu.dma_semaphore, #tpu.memory_space<semaphore_mem>>, %arg22: memref<!tpu.dma_semaphore, #tpu.memory_space<semaphore_mem>>, %arg23: memref<!tpu.dma_semaphore, #tpu.memory_space<semaphore_mem>>, %arg24: memref<!tpu.dma_semaphore, #tpu.memory_space<semaphore_mem>>, %arg25: memref<!tpu.dma_semaphore, #tpu.memory_space<semaphore_mem>>, %arg26: memref<!tpu.dma_semaphore, #tpu.memory_space<semaphore_mem>>, %arg27: memref<!tpu.dma_semaphore, #tpu.memory_space<semaphore_mem>>, %arg28: memref<!tpu.dma_semaphore, #tpu.memory_space<semaphore_mem>>, %arg29: memref<!tpu.dma_semaphore, #tpu.memory_space<semaphore_mem>>, %arg30: memref<!tpu.dma_semaphore, #tpu.memory_space<semaphore_mem>>, %arg31: memref<!tpu.dma_semaphore, #tpu.memory_space<semaphore_mem>>, %arg32: memref<!tpu.dma_semaphore, #tpu.memory_space<semaphore_mem>>) attributes {dimension_semantics = [#tpu.dimension_semantics<core_parallel>, #tpu.dimension_semantics<subcore_parallel>], iteration_bounds = array<i64: 2, 16>, scalar_prefetch = 0 : i64, scratch_operands = 28 : i64, tpu.core_type = #tpu.core_type<sc_vector_subcore>, window_params = [{transform_indices = #map}, {transform_indices = #map1}, {transform_indices = #map2}]} {
    %mul3A = arith.constant 16 : i32
    %mul3A_0 = arith.muli %arg0, %mul3A : i32
    %add3A = arith.addi %mul3A_0, %arg1 : i32
    %mul3A_1 = arith.constant 78 : i32
    %mul3A_2 = arith.muli %add3A, %mul3A_1 : i32
    %min3A = arith.constant 4 : i32
    %min3A_3 = arith.minsi %add3A, %min3A : i32
    %add3A_4 = arith.addi %mul3A_2, %min3A_3 : i32
    %lt3A = arith.constant 4 : i32
    %lt3A_5 = arith.cmpi slt, %add3A, %lt3A : i32
    %jit3A = arith.constant 1 : i32
    %jit3A_6 = arith.constant 0 : i32
    %select_n3A = arith.select %lt3A_5, %jit3A, %jit3A_6 : i32
    %add3A_7 = arith.constant 78 : i32
    %add3A_8 = arith.addi %add3A_7, %select_n3A : i32
    %mul3A_9 = arith.constant 624 : i32
    %mul3A_10 = arith.muli %arg1, %mul3A_9 : i32
    %lt3A_11 = arith.constant 15 : i32
    %lt3A_12 = arith.cmpi slt, %arg1, %lt3A_11 : i32
    %convert_element_type3A = arith.extui %lt3A_12 : i1 to i32
    %cond3A = arith.constant 0 : i32
    %cond3A_13 = arith.cmpi ne, %convert_element_type3A, %cond3A : i32
    scf.if %cond3A_13 {
      "tpu.region"() ({
        %run_scoped3A = tpu.sem_alloc : memref<!tpu.dma_semaphore, #tpu.memory_space<semaphore_mem>>
        %dma_start3A_168 = arith.constant 0 : i32
        %dma_start3A_169 = tpu.memref_slice %arg20[%mul3A_10, %dma_start3A_168] : memref<10000x128xf32, #tpu.memory_space<vmem_shared>> -> memref<624x128xf32, #tpu.memory_space<vmem_shared>>
        %dma_start3A_170 = arith.constant 0 : i32
        %dma_start3A_171 = tpu.memref_slice %arg2[%mul3A_10, %dma_start3A_170] : memref<10000x128xf32, #tpu.memory_space<hbm>> -> memref<624x128xf32, #tpu.memory_space<hbm>>
        tpu.enqueue_dma source(%dma_start3A_171 : memref<624x128xf32, #tpu.memory_space<hbm>>) target(%dma_start3A_169 : memref<624x128xf32, #tpu.memory_space<vmem_shared>>) target_semaphore(%run_scoped3A : memref<!tpu.dma_semaphore, #tpu.memory_space<semaphore_mem>>)
        %dma_wait3A_172 = arith.constant 0 : i32
        %dma_wait3A_173 = tpu.memref_slice %arg20[%mul3A_10, %dma_wait3A_172] : memref<10000x128xf32, #tpu.memory_space<vmem_shared>> -> memref<624x128xf32, #tpu.memory_space<vmem_shared>>
        %dma_wait3A_174 = arith.constant 0 : i32
        %dma_wait3A_175 = tpu.memref_slice %arg2[%mul3A_10, %dma_wait3A_174] : memref<10000x128xf32, #tpu.memory_space<hbm>> -> memref<624x128xf32, #tpu.memory_space<hbm>>
        tpu.wait_dma2 semaphore(%run_scoped3A : memref<!tpu.dma_semaphore, #tpu.memory_space<semaphore_mem>>) src(%dma_wait3A_175 : memref<624x128xf32, #tpu.memory_space<hbm>>) dst(%dma_wait3A_173 : memref<624x128xf32, #tpu.memory_space<vmem_shared>>)
        tpu.yield
      }) : () -> ()
    } else {
    }
    %eq3A = arith.constant 15 : i32
    %eq3A_14 = arith.cmpi eq, %arg1, %eq3A : i32
    %convert_element_type3A_15 = arith.extui %eq3A_14 : i1 to i32
    %cond3A_16 = arith.constant 0 : i32
    %cond3A_17 = arith.cmpi ne, %convert_element_type3A_15, %cond3A_16 : i32
    scf.if %cond3A_17 {
      "tpu.region"() ({
        %run_scoped3A = tpu.sem_alloc : memref<!tpu.dma_semaphore, #tpu.memory_space<semaphore_mem>>
        %dma_start3A_168 = arith.constant 0 : i32
        %dma_start3A_169 = tpu.memref_slice %arg20[%mul3A_10, %dma_start3A_168] : memref<10000x128xf32, #tpu.memory_space<vmem_shared>> -> memref<640x128xf32, #tpu.memory_space<vmem_shared>>
        %dma_start3A_170 = arith.constant 0 : i32
        %dma_start3A_171 = tpu.memref_slice %arg2[%mul3A_10, %dma_start3A_170] : memref<10000x128xf32, #tpu.memory_space<hbm>> -> memref<640x128xf32, #tpu.memory_space<hbm>>
        tpu.enqueue_dma source(%dma_start3A_171 : memref<640x128xf32, #tpu.memory_space<hbm>>) target(%dma_start3A_169 : memref<640x128xf32, #tpu.memory_space<vmem_shared>>) target_semaphore(%run_scoped3A : memref<!tpu.dma_semaphore, #tpu.memory_space<semaphore_mem>>)
        %dma_wait3A_172 = arith.constant 0 : i32
        %dma_wait3A_173 = tpu.memref_slice %arg20[%mul3A_10, %dma_wait3A_172] : memref<10000x128xf32, #tpu.memory_space<vmem_shared>> -> memref<640x128xf32, #tpu.memory_space<vmem_shared>>
        %dma_wait3A_174 = arith.constant 0 : i32
        %dma_wait3A_175 = tpu.memref_slice %arg2[%mul3A_10, %dma_wait3A_174] : memref<10000x128xf32, #tpu.memory_space<hbm>> -> memref<640x128xf32, #tpu.memory_space<hbm>>
        tpu.wait_dma2 semaphore(%run_scoped3A : memref<!tpu.dma_semaphore, #tpu.memory_space<semaphore_mem>>) src(%dma_wait3A_175 : memref<640x128xf32, #tpu.memory_space<hbm>>) dst(%dma_wait3A_173 : memref<640x128xf32, #tpu.memory_space<vmem_shared>>)
        tpu.yield
      }) : () -> ()
    } else {
    }
    %barrier3A = arith.constant 0 : index
    tpu.barrier barrier_id(%barrier3A)
    %add3A_18 = arith.constant 0 : i32
    %add3A_19 = arith.addi %add3A_4, %add3A_18 : i32
    %mul3A_20 = arith.constant 128 : i32
    %mul3A_21 = arith.muli %add3A_19, %mul3A_20 : i32
    %dma_start3A = tpu.memref_slice %arg3[%mul3A_21] : memref<640000xi32, #tpu.memory_space<hbm>> -> memref<128xi32, #tpu.memory_space<hbm>>
    %dma_start3A_22 = tpu.memref_slice %arg3[%mul3A_21] : memref<640000xi32, #tpu.memory_space<hbm>> -> memref<128xi32, #tpu.memory_space<hbm>>
    tpu.enqueue_dma source(%dma_start3A_22 : memref<128xi32, #tpu.memory_space<hbm>>) target(%arg5 : memref<128xi32, #tpu.memory_space<vmem>>) target_semaphore(%arg21 : memref<!tpu.dma_semaphore, #tpu.memory_space<semaphore_mem>>)
    %add3A_23 = arith.constant 320000 : i32
    %add3A_24 = arith.addi %add3A_23, %mul3A_21 : i32
    %dma_start3A_25 = tpu.memref_slice %arg3[%add3A_24] : memref<640000xi32, #tpu.memory_space<hbm>> -> memref<128xi32, #tpu.memory_space<hbm>>
    %dma_start3A_26 = tpu.memref_slice %arg3[%add3A_24] : memref<640000xi32, #tpu.memory_space<hbm>> -> memref<128xi32, #tpu.memory_space<hbm>>
    tpu.enqueue_dma source(%dma_start3A_26 : memref<128xi32, #tpu.memory_space<hbm>>) target(%arg11 : memref<128xi32, #tpu.memory_space<vmem>>) target_semaphore(%arg21 : memref<!tpu.dma_semaphore, #tpu.memory_space<semaphore_mem>>)
    %add3A_27 = arith.constant 1 : i32
    %add3A_28 = arith.addi %add3A_4, %add3A_27 : i32
    %mul3A_29 = arith.constant 128 : i32
    %mul3A_30 = arith.muli %add3A_28, %mul3A_29 : i32
    %dma_start3A_31 = tpu.memref_slice %arg3[%mul3A_30] : memref<640000xi32, #tpu.memory_space<hbm>> -> memref<128xi32, #tpu.memory_space<hbm>>
    %dma_start3A_32 = tpu.memref_slice %arg3[%mul3A_30] : memref<640000xi32, #tpu.memory_space<hbm>> -> memref<128xi32, #tpu.memory_space<hbm>>
    tpu.enqueue_dma source(%dma_start3A_32 : memref<128xi32, #tpu.memory_space<hbm>>) target(%arg6 : memref<128xi32, #tpu.memory_space<vmem>>) target_semaphore(%arg22 : memref<!tpu.dma_semaphore, #tpu.memory_space<semaphore_mem>>)
    %add3A_33 = arith.constant 320000 : i32
    %add3A_34 = arith.addi %add3A_33, %mul3A_30 : i32
    %dma_start3A_35 = tpu.memref_slice %arg3[%add3A_34] : memref<640000xi32, #tpu.memory_space<hbm>> -> memref<128xi32, #tpu.memory_space<hbm>>
    %dma_start3A_36 = tpu.memref_slice %arg3[%add3A_34] : memref<640000xi32, #tpu.memory_space<hbm>> -> memref<128xi32, #tpu.memory_space<hbm>>
    tpu.enqueue_dma source(%dma_start3A_36 : memref<128xi32, #tpu.memory_space<hbm>>) target(%arg12 : memref<128xi32, #tpu.memory_space<vmem>>) target_semaphore(%arg22 : memref<!tpu.dma_semaphore, #tpu.memory_space<semaphore_mem>>)
    %add3A_37 = arith.constant 2 : i32
    %add3A_38 = arith.addi %add3A_4, %add3A_37 : i32
    %mul3A_39 = arith.constant 128 : i32
    %mul3A_40 = arith.muli %add3A_38, %mul3A_39 : i32
    %dma_start3A_41 = tpu.memref_slice %arg3[%mul3A_40] : memref<640000xi32, #tpu.memory_space<hbm>> -> memref<128xi32, #tpu.memory_space<hbm>>
    %dma_start3A_42 = tpu.memref_slice %arg3[%mul3A_40] : memref<640000xi32, #tpu.memory_space<hbm>> -> memref<128xi32, #tpu.memory_space<hbm>>
    tpu.enqueue_dma source(%dma_start3A_42 : memref<128xi32, #tpu.memory_space<hbm>>) target(%arg7 : memref<128xi32, #tpu.memory_space<vmem>>) target_semaphore(%arg23 : memref<!tpu.dma_semaphore, #tpu.memory_space<semaphore_mem>>)
    %add3A_43 = arith.constant 320000 : i32
    %add3A_44 = arith.addi %add3A_43, %mul3A_40 : i32
    %dma_start3A_45 = tpu.memref_slice %arg3[%add3A_44] : memref<640000xi32, #tpu.memory_space<hbm>> -> memref<128xi32, #tpu.memory_space<hbm>>
    %dma_start3A_46 = tpu.memref_slice %arg3[%add3A_44] : memref<640000xi32, #tpu.memory_space<hbm>> -> memref<128xi32, #tpu.memory_space<hbm>>
    tpu.enqueue_dma source(%dma_start3A_46 : memref<128xi32, #tpu.memory_space<hbm>>) target(%arg13 : memref<128xi32, #tpu.memory_space<vmem>>) target_semaphore(%arg23 : memref<!tpu.dma_semaphore, #tpu.memory_space<semaphore_mem>>)
    %add3A_47 = arith.constant 3 : i32
    %add3A_48 = arith.addi %add3A_4, %add3A_47 : i32
    %mul3A_49 = arith.constant 128 : i32
    %mul3A_50 = arith.muli %add3A_48, %mul3A_49 : i32
    %dma_start3A_51 = tpu.memref_slice %arg3[%mul3A_50] : memref<640000xi32, #tpu.memory_space<hbm>> -> memref<128xi32, #tpu.memory_space<hbm>>
    %dma_start3A_52 = tpu.memref_slice %arg3[%mul3A_50] : memref<640000xi32, #tpu.memory_space<hbm>> -> memref<128xi32, #tpu.memory_space<hbm>>
    tpu.enqueue_dma source(%dma_start3A_52 : memref<128xi32, #tpu.memory_space<hbm>>) target(%arg8 : memref<128xi32, #tpu.memory_space<vmem>>) target_semaphore(%arg24 : memref<!tpu.dma_semaphore, #tpu.memory_space<semaphore_mem>>)
    %add3A_53 = arith.constant 320000 : i32
    %add3A_54 = arith.addi %add3A_53, %mul3A_50 : i32
    %dma_start3A_55 = tpu.memref_slice %arg3[%add3A_54] : memref<640000xi32, #tpu.memory_space<hbm>> -> memref<128xi32, #tpu.memory_space<hbm>>
    %dma_start3A_56 = tpu.memref_slice %arg3[%add3A_54] : memref<640000xi32, #tpu.memory_space<hbm>> -> memref<128xi32, #tpu.memory_space<hbm>>
    tpu.enqueue_dma source(%dma_start3A_56 : memref<128xi32, #tpu.memory_space<hbm>>) target(%arg14 : memref<128xi32, #tpu.memory_space<vmem>>) target_semaphore(%arg24 : memref<!tpu.dma_semaphore, #tpu.memory_space<semaphore_mem>>)
    %add3A_57 = arith.constant 4 : i32
    %add3A_58 = arith.addi %add3A_4, %add3A_57 : i32
    %mul3A_59 = arith.constant 128 : i32
    %mul3A_60 = arith.muli %add3A_58, %mul3A_59 : i32
    %dma_start3A_61 = tpu.memref_slice %arg3[%mul3A_60] : memref<640000xi32, #tpu.memory_space<hbm>> -> memref<128xi32, #tpu.memory_space<hbm>>
    %dma_start3A_62 = tpu.memref_slice %arg3[%mul3A_60] : memref<640000xi32, #tpu.memory_space<hbm>> -> memref<128xi32, #tpu.memory_space<hbm>>
    tpu.enqueue_dma source(%dma_start3A_62 : memref<128xi32, #tpu.memory_space<hbm>>) target(%arg9 : memref<128xi32, #tpu.memory_space<vmem>>) target_semaphore(%arg25 : memref<!tpu.dma_semaphore, #tpu.memory_space<semaphore_mem>>)
    %add3A_63 = arith.constant 320000 : i32
    %add3A_64 = arith.addi %add3A_63, %mul3A_60 : i32
    %dma_start3A_65 = tpu.memref_slice %arg3[%add3A_64] : memref<640000xi32, #tpu.memory_space<hbm>> -> memref<128xi32, #tpu.memory_space<hbm>>
    %dma_start3A_66 = tpu.memref_slice %arg3[%add3A_64] : memref<640000xi32, #tpu.memory_space<hbm>> -> memref<128xi32, #tpu.memory_space<hbm>>
    tpu.enqueue_dma source(%dma_start3A_66 : memref<128xi32, #tpu.memory_space<hbm>>) target(%arg15 : memref<128xi32, #tpu.memory_space<vmem>>) target_semaphore(%arg25 : memref<!tpu.dma_semaphore, #tpu.memory_space<semaphore_mem>>)
    %add3A_67 = arith.constant 5 : i32
    %add3A_68 = arith.addi %add3A_4, %add3A_67 : i32
    %mul3A_69 = arith.constant 128 : i32
    %mul3A_70 = arith.muli %add3A_68, %mul3A_69 : i32
    %dma_start3A_71 = tpu.memref_slice %arg3[%mul3A_70] : memref<640000xi32, #tpu.memory_space<hbm>> -> memref<128xi32, #tpu.memory_space<hbm>>
    %dma_start3A_72 = tpu.memref_slice %arg3[%mul3A_70] : memref<640000xi32, #tpu.memory_space<hbm>> -> memref<128xi32, #tpu.memory_space<hbm>>
    tpu.enqueue_dma source(%dma_start3A_72 : memref<128xi32, #tpu.memory_space<hbm>>) target(%arg10 : memref<128xi32, #tpu.memory_space<vmem>>) target_semaphore(%arg26 : memref<!tpu.dma_semaphore, #tpu.memory_space<semaphore_mem>>)
    %add3A_73 = arith.constant 320000 : i32
    %add3A_74 = arith.addi %add3A_73, %mul3A_70 : i32
    %dma_start3A_75 = tpu.memref_slice %arg3[%add3A_74] : memref<640000xi32, #tpu.memory_space<hbm>> -> memref<128xi32, #tpu.memory_space<hbm>>
    %dma_start3A_76 = tpu.memref_slice %arg3[%add3A_74] : memref<640000xi32, #tpu.memory_space<hbm>> -> memref<128xi32, #tpu.memory_space<hbm>>
    tpu.enqueue_dma source(%dma_start3A_76 : memref<128xi32, #tpu.memory_space<hbm>>) target(%arg16 : memref<128xi32, #tpu.memory_space<vmem>>) target_semaphore(%arg26 : memref<!tpu.dma_semaphore, #tpu.memory_space<semaphore_mem>>)
    %dma_wait3A = arith.constant 0 : i32
    %dma_wait3A_77 = tpu.memref_slice %arg3[%dma_wait3A] : memref<640000xi32, #tpu.memory_space<hbm>> -> memref<128xi32, #tpu.memory_space<hbm>>
    %dma_wait3A_78 = arith.constant 0 : i32
    %dma_wait3A_79 = tpu.memref_slice %arg3[%dma_wait3A_78] : memref<640000xi32, #tpu.memory_space<hbm>> -> memref<128xi32, #tpu.memory_space<hbm>>
    tpu.wait_dma2 semaphore(%arg21 : memref<!tpu.dma_semaphore, #tpu.memory_space<semaphore_mem>>) src(%dma_wait3A_79 : memref<128xi32, #tpu.memory_space<hbm>>) dst(%arg5 : memref<128xi32, #tpu.memory_space<vmem>>)
    %dma_wait3A_80 = arith.constant 0 : i32
    %dma_wait3A_81 = tpu.memref_slice %arg3[%dma_wait3A_80] : memref<640000xi32, #tpu.memory_space<hbm>> -> memref<128xi32, #tpu.memory_space<hbm>>
    %dma_wait3A_82 = arith.constant 0 : i32
    %dma_wait3A_83 = tpu.memref_slice %arg3[%dma_wait3A_82] : memref<640000xi32, #tpu.memory_space<hbm>> -> memref<128xi32, #tpu.memory_space<hbm>>
    tpu.wait_dma2 semaphore(%arg21 : memref<!tpu.dma_semaphore, #tpu.memory_space<semaphore_mem>>) src(%dma_wait3A_83 : memref<128xi32, #tpu.memory_space<hbm>>) dst(%arg11 : memref<128xi32, #tpu.memory_space<vmem>>)
    %dma_start3A_84 = arith.constant 0 : i32
    %dma_start3A_85 = arith.constant 0 : i32
    %dma_start3A_86 = tpu.memref_slice %arg2[%dma_start3A_84, %dma_start3A_85] : memref<10000x128xf32, #tpu.memory_space<hbm>> -> memref<10000x128xf32, #tpu.memory_space<hbm>>
    tpu.enqueue_indirect_dma source(%dma_start3A_86 : memref<10000x128xf32, #tpu.memory_space<hbm>>) target(%arg17 : memref<128x128xf32, #tpu.memory_space<vmem>>) offsets(%arg5 : memref<128xi32, #tpu.memory_space<vmem>>) semaphore(%arg27 : memref<!tpu.dma_semaphore, #tpu.memory_space<semaphore_mem>>)
    %dma_wait3A_87 = arith.constant 0 : i32
    %dma_wait3A_88 = tpu.memref_slice %arg3[%dma_wait3A_87] : memref<640000xi32, #tpu.memory_space<hbm>> -> memref<128xi32, #tpu.memory_space<hbm>>
    %dma_wait3A_89 = arith.constant 0 : i32
    %dma_wait3A_90 = tpu.memref_slice %arg3[%dma_wait3A_89] : memref<640000xi32, #tpu.memory_space<hbm>> -> memref<128xi32, #tpu.memory_space<hbm>>
    tpu.wait_dma2 semaphore(%arg22 : memref<!tpu.dma_semaphore, #tpu.memory_space<semaphore_mem>>) src(%dma_wait3A_90 : memref<128xi32, #tpu.memory_space<hbm>>) dst(%arg6 : memref<128xi32, #tpu.memory_space<vmem>>)
    %dma_wait3A_91 = arith.constant 0 : i32
    %dma_wait3A_92 = tpu.memref_slice %arg3[%dma_wait3A_91] : memref<640000xi32, #tpu.memory_space<hbm>> -> memref<128xi32, #tpu.memory_space<hbm>>
    %dma_wait3A_93 = arith.constant 0 : i32
    %dma_wait3A_94 = tpu.memref_slice %arg3[%dma_wait3A_93] : memref<640000xi32, #tpu.memory_space<hbm>> -> memref<128xi32, #tpu.memory_space<hbm>>
    tpu.wait_dma2 semaphore(%arg22 : memref<!tpu.dma_semaphore, #tpu.memory_space<semaphore_mem>>) src(%dma_wait3A_94 : memref<128xi32, #tpu.memory_space<hbm>>) dst(%arg12 : memref<128xi32, #tpu.memory_space<vmem>>)
    %dma_start3A_95 = arith.constant 0 : i32
    %dma_start3A_96 = arith.constant 0 : i32
    %dma_start3A_97 = tpu.memref_slice %arg2[%dma_start3A_95, %dma_start3A_96] : memref<10000x128xf32, #tpu.memory_space<hbm>> -> memref<10000x128xf32, #tpu.memory_space<hbm>>
    tpu.enqueue_indirect_dma source(%dma_start3A_97 : memref<10000x128xf32, #tpu.memory_space<hbm>>) target(%arg18 : memref<128x128xf32, #tpu.memory_space<vmem>>) offsets(%arg6 : memref<128xi32, #tpu.memory_space<vmem>>) semaphore(%arg28 : memref<!tpu.dma_semaphore, #tpu.memory_space<semaphore_mem>>)
    %dma_wait3A_98 = arith.constant 0 : i32
    %dma_wait3A_99 = tpu.memref_slice %arg3[%dma_wait3A_98] : memref<640000xi32, #tpu.memory_space<hbm>> -> memref<128xi32, #tpu.memory_space<hbm>>
    %dma_wait3A_100 = arith.constant 0 : i32
    %dma_wait3A_101 = tpu.memref_slice %arg3[%dma_wait3A_100] : memref<640000xi32, #tpu.memory_space<hbm>> -> memref<128xi32, #tpu.memory_space<hbm>>
    tpu.wait_dma2 semaphore(%arg23 : memref<!tpu.dma_semaphore, #tpu.memory_space<semaphore_mem>>) src(%dma_wait3A_101 : memref<128xi32, #tpu.memory_space<hbm>>) dst(%arg7 : memref<128xi32, #tpu.memory_space<vmem>>)
    %dma_wait3A_102 = arith.constant 0 : i32
    %dma_wait3A_103 = tpu.memref_slice %arg3[%dma_wait3A_102] : memref<640000xi32, #tpu.memory_space<hbm>> -> memref<128xi32, #tpu.memory_space<hbm>>
    %dma_wait3A_104 = arith.constant 0 : i32
    %dma_wait3A_105 = tpu.memref_slice %arg3[%dma_wait3A_104] : memref<640000xi32, #tpu.memory_space<hbm>> -> memref<128xi32, #tpu.memory_space<hbm>>
    tpu.wait_dma2 semaphore(%arg23 : memref<!tpu.dma_semaphore, #tpu.memory_space<semaphore_mem>>) src(%dma_wait3A_105 : memref<128xi32, #tpu.memory_space<hbm>>) dst(%arg13 : memref<128xi32, #tpu.memory_space<vmem>>)
    %dma_start3A_106 = arith.constant 0 : i32
    %dma_start3A_107 = arith.constant 0 : i32
    %dma_start3A_108 = tpu.memref_slice %arg2[%dma_start3A_106, %dma_start3A_107] : memref<10000x128xf32, #tpu.memory_space<hbm>> -> memref<10000x128xf32, #tpu.memory_space<hbm>>
    tpu.enqueue_indirect_dma source(%dma_start3A_108 : memref<10000x128xf32, #tpu.memory_space<hbm>>) target(%arg19 : memref<128x128xf32, #tpu.memory_space<vmem>>) offsets(%arg7 : memref<128xi32, #tpu.memory_space<vmem>>) semaphore(%arg29 : memref<!tpu.dma_semaphore, #tpu.memory_space<semaphore_mem>>)
    %add3A_109 = arith.constant 5 : i32
    %add3A_110 = arith.addi %add3A_8, %add3A_109 : i32
    %jit3A_111 = arith.constant 6 : i32
    %div3A = arith.divsi %add3A_110, %jit3A_111 : i32
    %sign3A = arith.constant 0 : i32
    %sign3A_112 = arith.cmpi sgt, %add3A_110, %sign3A : i32
    %sign3A_113 = arith.extui %sign3A_112 : i1 to i32
    %sign3A_114 = arith.constant 0 : i32
    %sign3A_115 = arith.cmpi slt, %add3A_110, %sign3A_114 : i32
    %sign3A_116 = arith.extui %sign3A_115 : i1 to i32
    %sign3A_117 = arith.subi %sign3A_113, %sign3A_116 : i32
    %sign3A_118 = arith.constant 0 : i32
    %sign3A_119 = arith.cmpi sgt, %jit3A_111, %sign3A_118 : i32
    %sign3A_120 = arith.extui %sign3A_119 : i1 to i32
    %sign3A_121 = arith.constant 0 : i32
    %sign3A_122 = arith.cmpi slt, %jit3A_111, %sign3A_121 : i32
    %sign3A_123 = arith.extui %sign3A_122 : i1 to i32
    %sign3A_124 = arith.subi %sign3A_120, %sign3A_123 : i32
    %ne3A = arith.cmpi ne, %sign3A_117, %sign3A_124 : i32
    %rem3A = arith.remsi %add3A_110, %jit3A_111 : i32
    %ne3A_125 = arith.constant 0 : i32
    %ne3A_126 = arith.cmpi ne, %rem3A, %ne3A_125 : i32
    %and3A = arith.andi %ne3A, %ne3A_126 : i1
    %sub3A = arith.constant 1 : i32
    %sub3A_127 = arith.subi %div3A, %sub3A : i32
    %select_n3A_128 = arith.select %and3A, %sub3A_127, %div3A : i32
    %while3A = arith.constant 0 : i32
    %while3A_129 = arith.subi %select_n3A_128, %while3A : i32
    %while3A_130 = arith.addi %while3A, %while3A_129 : i32
    %while3A_131 = arith.constant 1 : i32
    %while3A_132 = arith.divsi %while3A_129, %while3A_131 : i32
    %while3A_133 = arith.muli %while3A_132, %while3A_131 : i32
    %while3A_134 = arith.addi %while3A, %while3A_133 : i32
    %while3A_135 = arith.constant 1 : i32
    scf.for %while3A_168 = %while3A to %while3A_134 step %while3A_135  : i32 {
      %mul3A_169 = arith.constant 6 : i32
      %mul3A_170 = arith.muli %mul3A_169, %while3A_168 : i32
      %add3A_171 = arith.constant 0 : i32
      %add3A_172 = arith.addi %mul3A_170, %add3A_171 : i32
      %lt3A_173 = arith.cmpi slt, %add3A_172, %add3A_8 : i32
      %convert_element_type3A_174 = arith.extui %lt3A_173 : i1 to i32
      %cond3A_175 = arith.constant 0 : i32
      %cond3A_176 = arith.cmpi ne, %convert_element_type3A_174, %cond3A_175 : i32
      scf.if %cond3A_176 {
        %dma_wait3A_305 = arith.constant 0 : i32
        %dma_wait3A_306 = arith.constant 0 : i32
        %dma_wait3A_307 = tpu.memref_slice %arg2[%dma_wait3A_305, %dma_wait3A_306] : memref<10000x128xf32, #tpu.memory_space<hbm>> -> memref<128x128xf32, #tpu.memory_space<hbm>>
        %dma_wait3A_308 = arith.constant 0 : i32
        %dma_wait3A_309 = arith.constant 0 : i32
        %dma_wait3A_310 = tpu.memref_slice %arg2[%dma_wait3A_308, %dma_wait3A_309] : memref<10000x128xf32, #tpu.memory_space<hbm>> -> memref<128x128xf32, #tpu.memory_space<hbm>>
        tpu.wait_dma2 semaphore(%arg27 : memref<!tpu.dma_semaphore, #tpu.memory_space<semaphore_mem>>) src(%dma_wait3A_310 : memref<128x128xf32, #tpu.memory_space<hbm>>) dst(%arg17 : memref<128x128xf32, #tpu.memory_space<vmem>>)
        %dma_start3A_311 = arith.constant 0 : i32
        %dma_start3A_312 = arith.constant 0 : i32
        %dma_start3A_313 = tpu.memref_slice %arg20[%dma_start3A_311, %dma_start3A_312] : memref<10000x128xf32, #tpu.memory_space<vmem_shared>> -> memref<10000x128xf32, #tpu.memory_space<vmem_shared>>
        tpu.enqueue_indirect_dma source(%arg17 : memref<128x128xf32, #tpu.memory_space<vmem>>) target(%dma_start3A_313 : memref<10000x128xf32, #tpu.memory_space<vmem_shared>>) offsets(%arg11 : memref<128xi32, #tpu.memory_space<vmem>>) semaphore(%arg30 : memref<!tpu.dma_semaphore, #tpu.memory_space<semaphore_mem>>) {add = true}
      } else {
      }
      %add3A_177 = arith.constant 1 : i32
      %add3A_178 = arith.addi %mul3A_170, %add3A_177 : i32
      %lt3A_179 = arith.cmpi slt, %add3A_178, %add3A_8 : i32
      %convert_element_type3A_180 = arith.extui %lt3A_179 : i1 to i32
      %cond3A_181 = arith.constant 0 : i32
      %cond3A_182 = arith.cmpi ne, %convert_element_type3A_180, %cond3A_181 : i32
      scf.if %cond3A_182 {
        %dma_wait3A_305 = arith.constant 0 : i32
        %dma_wait3A_306 = arith.constant 0 : i32
        %dma_wait3A_307 = tpu.memref_slice %arg2[%dma_wait3A_305, %dma_wait3A_306] : memref<10000x128xf32, #tpu.memory_space<hbm>> -> memref<128x128xf32, #tpu.memory_space<hbm>>
        %dma_wait3A_308 = arith.constant 0 : i32
        %dma_wait3A_309 = arith.constant 0 : i32
        %dma_wait3A_310 = tpu.memref_slice %arg2[%dma_wait3A_308, %dma_wait3A_309] : memref<10000x128xf32, #tpu.memory_space<hbm>> -> memref<128x128xf32, #tpu.memory_space<hbm>>
        tpu.wait_dma2 semaphore(%arg28 : memref<!tpu.dma_semaphore, #tpu.memory_space<semaphore_mem>>) src(%dma_wait3A_310 : memref<128x128xf32, #tpu.memory_space<hbm>>) dst(%arg18 : memref<128x128xf32, #tpu.memory_space<vmem>>)
        %dma_start3A_311 = arith.constant 0 : i32
        %dma_start3A_312 = arith.constant 0 : i32
        %dma_start3A_313 = tpu.memref_slice %arg20[%dma_start3A_311, %dma_start3A_312] : memref<10000x128xf32, #tpu.memory_space<vmem_shared>> -> memref<10000x128xf32, #tpu.memory_space<vmem_shared>>
        tpu.enqueue_indirect_dma source(%arg18 : memref<128x128xf32, #tpu.memory_space<vmem>>) target(%dma_start3A_313 : memref<10000x128xf32, #tpu.memory_space<vmem_shared>>) offsets(%arg12 : memref<128xi32, #tpu.memory_space<vmem>>) semaphore(%arg31 : memref<!tpu.dma_semaphore, #tpu.memory_space<semaphore_mem>>) {add = true}
      } else {
      }
      %add3A_183 = arith.constant 2 : i32
      %add3A_184 = arith.addi %mul3A_170, %add3A_183 : i32
      %lt3A_185 = arith.cmpi slt, %add3A_184, %add3A_8 : i32
      %convert_element_type3A_186 = arith.extui %lt3A_185 : i1 to i32
      %cond3A_187 = arith.constant 0 : i32
      %cond3A_188 = arith.cmpi ne, %convert_element_type3A_186, %cond3A_187 : i32
      scf.if %cond3A_188 {
        %dma_wait3A_305 = arith.constant 0 : i32
        %dma_wait3A_306 = arith.constant 0 : i32
        %dma_wait3A_307 = tpu.memref_slice %arg2[%dma_wait3A_305, %dma_wait3A_306] : memref<10000x128xf32, #tpu.memory_space<hbm>> -> memref<128x128xf32, #tpu.memory_space<hbm>>
        %dma_wait3A_308 = arith.constant 0 : i32
        %dma_wait3A_309 = arith.constant 0 : i32
        %dma_wait3A_310 = tpu.memref_slice %arg2[%dma_wait3A_308, %dma_wait3A_309] : memref<10000x128xf32, #tpu.memory_space<hbm>> -> memref<128x128xf32, #tpu.memory_space<hbm>>
        tpu.wait_dma2 semaphore(%arg29 : memref<!tpu.dma_semaphore, #tpu.memory_space<semaphore_mem>>) src(%dma_wait3A_310 : memref<128x128xf32, #tpu.memory_space<hbm>>) dst(%arg19 : memref<128x128xf32, #tpu.memory_space<vmem>>)
        %dma_start3A_311 = arith.constant 0 : i32
        %dma_start3A_312 = arith.constant 0 : i32
        %dma_start3A_313 = tpu.memref_slice %arg20[%dma_start3A_311, %dma_start3A_312] : memref<10000x128xf32, #tpu.memory_space<vmem_shared>> -> memref<10000x128xf32, #tpu.memory_space<vmem_shared>>
        tpu.enqueue_indirect_dma source(%arg19 : memref<128x128xf32, #tpu.memory_space<vmem>>) target(%dma_start3A_313 : memref<10000x128xf32, #tpu.memory_space<vmem_shared>>) offsets(%arg13 : memref<128xi32, #tpu.memory_space<vmem>>) semaphore(%arg32 : memref<!tpu.dma_semaphore, #tpu.memory_space<semaphore_mem>>) {add = true}
      } else {
      }
      %add3A_189 = arith.constant 0 : i32
      %add3A_190 = arith.addi %mul3A_170, %add3A_189 : i32
      %add3A_191 = arith.constant 3 : i32
      %add3A_192 = arith.addi %add3A_190, %add3A_191 : i32
      %lt3A_193 = arith.cmpi slt, %add3A_192, %add3A_8 : i32
      %convert_element_type3A_194 = arith.extui %lt3A_193 : i1 to i32
      %cond3A_195 = arith.constant 0 : i32
      %cond3A_196 = arith.cmpi ne, %convert_element_type3A_194, %cond3A_195 : i32
      scf.if %cond3A_196 {
        %dma_wait3A_305 = arith.constant 0 : i32
        %dma_wait3A_306 = arith.constant 0 : i32
        %dma_wait3A_307 = tpu.memref_slice %arg2[%dma_wait3A_305, %dma_wait3A_306] : memref<10000x128xf32, #tpu.memory_space<hbm>> -> memref<128x128xf32, #tpu.memory_space<hbm>>
        %dma_wait3A_308 = arith.constant 0 : i32
        %dma_wait3A_309 = arith.constant 0 : i32
        %dma_wait3A_310 = tpu.memref_slice %arg2[%dma_wait3A_308, %dma_wait3A_309] : memref<10000x128xf32, #tpu.memory_space<hbm>> -> memref<128x128xf32, #tpu.memory_space<hbm>>
        tpu.wait_dma2 semaphore(%arg30 : memref<!tpu.dma_semaphore, #tpu.memory_space<semaphore_mem>>) src(%dma_wait3A_310 : memref<128x128xf32, #tpu.memory_space<hbm>>) dst(%arg17 : memref<128x128xf32, #tpu.memory_space<vmem>>)
        %dma_wait3A_311 = arith.constant 0 : i32
        %dma_wait3A_312 = tpu.memref_slice %arg3[%dma_wait3A_311] : memref<640000xi32, #tpu.memory_space<hbm>> -> memref<128xi32, #tpu.memory_space<hbm>>
        %dma_wait3A_313 = arith.constant 0 : i32
        %dma_wait3A_314 = tpu.memref_slice %arg3[%dma_wait3A_313] : memref<640000xi32, #tpu.memory_space<hbm>> -> memref<128xi32, #tpu.memory_space<hbm>>
        tpu.wait_dma2 semaphore(%arg24 : memref<!tpu.dma_semaphore, #tpu.memory_space<semaphore_mem>>) src(%dma_wait3A_314 : memref<128xi32, #tpu.memory_space<hbm>>) dst(%arg8 : memref<128xi32, #tpu.memory_space<vmem>>)
        %dma_wait3A_315 = arith.constant 0 : i32
        %dma_wait3A_316 = tpu.memref_slice %arg3[%dma_wait3A_315] : memref<640000xi32, #tpu.memory_space<hbm>> -> memref<128xi32, #tpu.memory_space<hbm>>
        %dma_wait3A_317 = arith.constant 0 : i32
        %dma_wait3A_318 = tpu.memref_slice %arg3[%dma_wait3A_317] : memref<640000xi32, #tpu.memory_space<hbm>> -> memref<128xi32, #tpu.memory_space<hbm>>
        tpu.wait_dma2 semaphore(%arg24 : memref<!tpu.dma_semaphore, #tpu.memory_space<semaphore_mem>>) src(%dma_wait3A_318 : memref<128xi32, #tpu.memory_space<hbm>>) dst(%arg14 : memref<128xi32, #tpu.memory_space<vmem>>)
        %dma_start3A_319 = arith.constant 0 : i32
        %dma_start3A_320 = arith.constant 0 : i32
        %dma_start3A_321 = tpu.memref_slice %arg2[%dma_start3A_319, %dma_start3A_320] : memref<10000x128xf32, #tpu.memory_space<hbm>> -> memref<10000x128xf32, #tpu.memory_space<hbm>>
        tpu.enqueue_indirect_dma source(%dma_start3A_321 : memref<10000x128xf32, #tpu.memory_space<hbm>>) target(%arg17 : memref<128x128xf32, #tpu.memory_space<vmem>>) offsets(%arg8 : memref<128xi32, #tpu.memory_space<vmem>>) semaphore(%arg27 : memref<!tpu.dma_semaphore, #tpu.memory_space<semaphore_mem>>)
      } else {
      }
      %add3A_197 = arith.constant 0 : i32
      %add3A_198 = arith.addi %mul3A_170, %add3A_197 : i32
      %add3A_199 = arith.constant 6 : i32
      %add3A_200 = arith.addi %add3A_198, %add3A_199 : i32
      %lt3A_201 = arith.cmpi slt, %add3A_200, %add3A_8 : i32
      %convert_element_type3A_202 = arith.extui %lt3A_201 : i1 to i32
      %cond3A_203 = arith.constant 0 : i32
      %cond3A_204 = arith.cmpi ne, %convert_element_type3A_202, %cond3A_203 : i32
      scf.if %cond3A_204 {
        %add3A_305 = arith.constant 0 : i32
        %add3A_306 = arith.addi %mul3A_170, %add3A_305 : i32
        %add3A_307 = arith.constant 6 : i32
        %add3A_308 = arith.addi %add3A_306, %add3A_307 : i32
        %add3A_309 = arith.addi %add3A_4, %add3A_308 : i32
        %mul3A_310 = arith.constant 128 : i32
        %mul3A_311 = arith.muli %add3A_309, %mul3A_310 : i32
        %dma_start3A_312 = tpu.memref_slice %arg3[%mul3A_311] : memref<640000xi32, #tpu.memory_space<hbm>> -> memref<128xi32, #tpu.memory_space<hbm>>
        %dma_start3A_313 = tpu.memref_slice %arg3[%mul3A_311] : memref<640000xi32, #tpu.memory_space<hbm>> -> memref<128xi32, #tpu.memory_space<hbm>>
        tpu.enqueue_dma source(%dma_start3A_313 : memref<128xi32, #tpu.memory_space<hbm>>) target(%arg5 : memref<128xi32, #tpu.memory_space<vmem>>) target_semaphore(%arg21 : memref<!tpu.dma_semaphore, #tpu.memory_space<semaphore_mem>>)
        %add3A_314 = arith.constant 320000 : i32
        %add3A_315 = arith.addi %add3A_314, %mul3A_311 : i32
        %dma_start3A_316 = tpu.memref_slice %arg3[%add3A_315] : memref<640000xi32, #tpu.memory_space<hbm>> -> memref<128xi32, #tpu.memory_space<hbm>>
        %dma_start3A_317 = tpu.memref_slice %arg3[%add3A_315] : memref<640000xi32, #tpu.memory_space<hbm>> -> memref<128xi32, #tpu.memory_space<hbm>>
        tpu.enqueue_dma source(%dma_start3A_317 : memref<128xi32, #tpu.memory_space<hbm>>) target(%arg11 : memref<128xi32, #tpu.memory_space<vmem>>) target_semaphore(%arg21 : memref<!tpu.dma_semaphore, #tpu.memory_space<semaphore_mem>>)
      } else {
      }
      %add3A_205 = arith.constant 1 : i32
      %add3A_206 = arith.addi %mul3A_170, %add3A_205 : i32
      %add3A_207 = arith.constant 3 : i32
      %add3A_208 = arith.addi %add3A_206, %add3A_207 : i32
      %lt3A_209 = arith.cmpi slt, %add3A_208, %add3A_8 : i32
      %convert_element_type3A_210 = arith.extui %lt3A_209 : i1 to i32
      %cond3A_211 = arith.constant 0 : i32
      %cond3A_212 = arith.cmpi ne, %convert_element_type3A_210, %cond3A_211 : i32
      scf.if %cond3A_212 {
        %dma_wait3A_305 = arith.constant 0 : i32
        %dma_wait3A_306 = arith.constant 0 : i32
        %dma_wait3A_307 = tpu.memref_slice %arg2[%dma_wait3A_305, %dma_wait3A_306] : memref<10000x128xf32, #tpu.memory_space<hbm>> -> memref<128x128xf32, #tpu.memory_space<hbm>>
        %dma_wait3A_308 = arith.constant 0 : i32
        %dma_wait3A_309 = arith.constant 0 : i32
        %dma_wait3A_310 = tpu.memref_slice %arg2[%dma_wait3A_308, %dma_wait3A_309] : memref<10000x128xf32, #tpu.memory_space<hbm>> -> memref<128x128xf32, #tpu.memory_space<hbm>>
        tpu.wait_dma2 semaphore(%arg31 : memref<!tpu.dma_semaphore, #tpu.memory_space<semaphore_mem>>) src(%dma_wait3A_310 : memref<128x128xf32, #tpu.memory_space<hbm>>) dst(%arg18 : memref<128x128xf32, #tpu.memory_space<vmem>>)
        %dma_wait3A_311 = arith.constant 0 : i32
        %dma_wait3A_312 = tpu.memref_slice %arg3[%dma_wait3A_311] : memref<640000xi32, #tpu.memory_space<hbm>> -> memref<128xi32, #tpu.memory_space<hbm>>
        %dma_wait3A_313 = arith.constant 0 : i32
        %dma_wait3A_314 = tpu.memref_slice %arg3[%dma_wait3A_313] : memref<640000xi32, #tpu.memory_space<hbm>> -> memref<128xi32, #tpu.memory_space<hbm>>
        tpu.wait_dma2 semaphore(%arg25 : memref<!tpu.dma_semaphore, #tpu.memory_space<semaphore_mem>>) src(%dma_wait3A_314 : memref<128xi32, #tpu.memory_space<hbm>>) dst(%arg9 : memref<128xi32, #tpu.memory_space<vmem>>)
        %dma_wait3A_315 = arith.constant 0 : i32
        %dma_wait3A_316 = tpu.memref_slice %arg3[%dma_wait3A_315] : memref<640000xi32, #tpu.memory_space<hbm>> -> memref<128xi32, #tpu.memory_space<hbm>>
        %dma_wait3A_317 = arith.constant 0 : i32
        %dma_wait3A_318 = tpu.memref_slice %arg3[%dma_wait3A_317] : memref<640000xi32, #tpu.memory_space<hbm>> -> memref<128xi32, #tpu.memory_space<hbm>>
        tpu.wait_dma2 semaphore(%arg25 : memref<!tpu.dma_semaphore, #tpu.memory_space<semaphore_mem>>) src(%dma_wait3A_318 : memref<128xi32, #tpu.memory_space<hbm>>) dst(%arg15 : memref<128xi32, #tpu.memory_space<vmem>>)
        %dma_start3A_319 = arith.constant 0 : i32
        %dma_start3A_320 = arith.constant 0 : i32
        %dma_start3A_321 = tpu.memref_slice %arg2[%dma_start3A_319, %dma_start3A_320] : memref<10000x128xf32, #tpu.memory_space<hbm>> -> memref<10000x128xf32, #tpu.memory_space<hbm>>
        tpu.enqueue_indirect_dma source(%dma_start3A_321 : memref<10000x128xf32, #tpu.memory_space<hbm>>) target(%arg18 : memref<128x128xf32, #tpu.memory_space<vmem>>) offsets(%arg9 : memref<128xi32, #tpu.memory_space<vmem>>) semaphore(%arg28 : memref<!tpu.dma_semaphore, #tpu.memory_space<semaphore_mem>>)
      } else {
      }
      %add3A_213 = arith.constant 1 : i32
      %add3A_214 = arith.addi %mul3A_170, %add3A_213 : i32
      %add3A_215 = arith.constant 6 : i32
      %add3A_216 = arith.addi %add3A_214, %add3A_215 : i32
      %lt3A_217 = arith.cmpi slt, %add3A_216, %add3A_8 : i32
      %convert_element_type3A_218 = arith.extui %lt3A_217 : i1 to i32
      %cond3A_219 = arith.constant 0 : i32
      %cond3A_220 = arith.cmpi ne, %convert_element_type3A_218, %cond3A_219 : i32
      scf.if %cond3A_220 {
        %add3A_305 = arith.constant 1 : i32
        %add3A_306 = arith.addi %mul3A_170, %add3A_305 : i32
        %add3A_307 = arith.constant 6 : i32
        %add3A_308 = arith.addi %add3A_306, %add3A_307 : i32
        %add3A_309 = arith.addi %add3A_4, %add3A_308 : i32
        %mul3A_310 = arith.constant 128 : i32
        %mul3A_311 = arith.muli %add3A_309, %mul3A_310 : i32
        %dma_start3A_312 = tpu.memref_slice %arg3[%mul3A_311] : memref<640000xi32, #tpu.memory_space<hbm>> -> memref<128xi32, #tpu.memory_space<hbm>>
        %dma_start3A_313 = tpu.memref_slice %arg3[%mul3A_311] : memref<640000xi32, #tpu.memory_space<hbm>> -> memref<128xi32, #tpu.memory_space<hbm>>
        tpu.enqueue_dma source(%dma_start3A_313 : memref<128xi32, #tpu.memory_space<hbm>>) target(%arg6 : memref<128xi32, #tpu.memory_space<vmem>>) target_semaphore(%arg22 : memref<!tpu.dma_semaphore, #tpu.memory_space<semaphore_mem>>)
        %add3A_314 = arith.constant 320000 : i32
        %add3A_315 = arith.addi %add3A_314, %mul3A_311 : i32
        %dma_start3A_316 = tpu.memref_slice %arg3[%add3A_315] : memref<640000xi32, #tpu.memory_space<hbm>> -> memref<128xi32, #tpu.memory_space<hbm>>
        %dma_start3A_317 = tpu.memref_slice %arg3[%add3A_315] : memref<640000xi32, #tpu.memory_space<hbm>> -> memref<128xi32, #tpu.memory_space<hbm>>
        tpu.enqueue_dma source(%dma_start3A_317 : memref<128xi32, #tpu.memory_space<hbm>>) target(%arg12 : memref<128xi32, #tpu.memory_space<vmem>>) target_semaphore(%arg22 : memref<!tpu.dma_semaphore, #tpu.memory_space<semaphore_mem>>)
      } else {
      }
      %add3A_221 = arith.constant 2 : i32
      %add3A_222 = arith.addi %mul3A_170, %add3A_221 : i32
      %add3A_223 = arith.constant 3 : i32
      %add3A_224 = arith.addi %add3A_222, %add3A_223 : i32
      %lt3A_225 = arith.cmpi slt, %add3A_224, %add3A_8 : i32
      %convert_element_type3A_226 = arith.extui %lt3A_225 : i1 to i32
      %cond3A_227 = arith.constant 0 : i32
      %cond3A_228 = arith.cmpi ne, %convert_element_type3A_226, %cond3A_227 : i32
      scf.if %cond3A_228 {
        %dma_wait3A_305 = arith.constant 0 : i32
        %dma_wait3A_306 = arith.constant 0 : i32
        %dma_wait3A_307 = tpu.memref_slice %arg2[%dma_wait3A_305, %dma_wait3A_306] : memref<10000x128xf32, #tpu.memory_space<hbm>> -> memref<128x128xf32, #tpu.memory_space<hbm>>
        %dma_wait3A_308 = arith.constant 0 : i32
        %dma_wait3A_309 = arith.constant 0 : i32
        %dma_wait3A_310 = tpu.memref_slice %arg2[%dma_wait3A_308, %dma_wait3A_309] : memref<10000x128xf32, #tpu.memory_space<hbm>> -> memref<128x128xf32, #tpu.memory_space<hbm>>
        tpu.wait_dma2 semaphore(%arg32 : memref<!tpu.dma_semaphore, #tpu.memory_space<semaphore_mem>>) src(%dma_wait3A_310 : memref<128x128xf32, #tpu.memory_space<hbm>>) dst(%arg19 : memref<128x128xf32, #tpu.memory_space<vmem>>)
        %dma_wait3A_311 = arith.constant 0 : i32
        %dma_wait3A_312 = tpu.memref_slice %arg3[%dma_wait3A_311] : memref<640000xi32, #tpu.memory_space<hbm>> -> memref<128xi32, #tpu.memory_space<hbm>>
        %dma_wait3A_313 = arith.constant 0 : i32
        %dma_wait3A_314 = tpu.memref_slice %arg3[%dma_wait3A_313] : memref<640000xi32, #tpu.memory_space<hbm>> -> memref<128xi32, #tpu.memory_space<hbm>>
        tpu.wait_dma2 semaphore(%arg26 : memref<!tpu.dma_semaphore, #tpu.memory_space<semaphore_mem>>) src(%dma_wait3A_314 : memref<128xi32, #tpu.memory_space<hbm>>) dst(%arg10 : memref<128xi32, #tpu.memory_space<vmem>>)
        %dma_wait3A_315 = arith.constant 0 : i32
        %dma_wait3A_316 = tpu.memref_slice %arg3[%dma_wait3A_315] : memref<640000xi32, #tpu.memory_space<hbm>> -> memref<128xi32, #tpu.memory_space<hbm>>
        %dma_wait3A_317 = arith.constant 0 : i32
        %dma_wait3A_318 = tpu.memref_slice %arg3[%dma_wait3A_317] : memref<640000xi32, #tpu.memory_space<hbm>> -> memref<128xi32, #tpu.memory_space<hbm>>
        tpu.wait_dma2 semaphore(%arg26 : memref<!tpu.dma_semaphore, #tpu.memory_space<semaphore_mem>>) src(%dma_wait3A_318 : memref<128xi32, #tpu.memory_space<hbm>>) dst(%arg16 : memref<128xi32, #tpu.memory_space<vmem>>)
        %dma_start3A_319 = arith.constant 0 : i32
        %dma_start3A_320 = arith.constant 0 : i32
        %dma_start3A_321 = tpu.memref_slice %arg2[%dma_start3A_319, %dma_start3A_320] : memref<10000x128xf32, #tpu.memory_space<hbm>> -> memref<10000x128xf32, #tpu.memory_space<hbm>>
        tpu.enqueue_indirect_dma source(%dma_start3A_321 : memref<10000x128xf32, #tpu.memory_space<hbm>>) target(%arg19 : memref<128x128xf32, #tpu.memory_space<vmem>>) offsets(%arg10 : memref<128xi32, #tpu.memory_space<vmem>>) semaphore(%arg29 : memref<!tpu.dma_semaphore, #tpu.memory_space<semaphore_mem>>)
      } else {
      }
      %add3A_229 = arith.constant 2 : i32
      %add3A_230 = arith.addi %mul3A_170, %add3A_229 : i32
      %add3A_231 = arith.constant 6 : i32
      %add3A_232 = arith.addi %add3A_230, %add3A_231 : i32
      %lt3A_233 = arith.cmpi slt, %add3A_232, %add3A_8 : i32
      %convert_element_type3A_234 = arith.extui %lt3A_233 : i1 to i32
      %cond3A_235 = arith.constant 0 : i32
      %cond3A_236 = arith.cmpi ne, %convert_element_type3A_234, %cond3A_235 : i32
      scf.if %cond3A_236 {
        %add3A_305 = arith.constant 2 : i32
        %add3A_306 = arith.addi %mul3A_170, %add3A_305 : i32
        %add3A_307 = arith.constant 6 : i32
        %add3A_308 = arith.addi %add3A_306, %add3A_307 : i32
        %add3A_309 = arith.addi %add3A_4, %add3A_308 : i32
        %mul3A_310 = arith.constant 128 : i32
        %mul3A_311 = arith.muli %add3A_309, %mul3A_310 : i32
        %dma_start3A_312 = tpu.memref_slice %arg3[%mul3A_311] : memref<640000xi32, #tpu.memory_space<hbm>> -> memref<128xi32, #tpu.memory_space<hbm>>
        %dma_start3A_313 = tpu.memref_slice %arg3[%mul3A_311] : memref<640000xi32, #tpu.memory_space<hbm>> -> memref<128xi32, #tpu.memory_space<hbm>>
        tpu.enqueue_dma source(%dma_start3A_313 : memref<128xi32, #tpu.memory_space<hbm>>) target(%arg7 : memref<128xi32, #tpu.memory_space<vmem>>) target_semaphore(%arg23 : memref<!tpu.dma_semaphore, #tpu.memory_space<semaphore_mem>>)
        %add3A_314 = arith.constant 320000 : i32
        %add3A_315 = arith.addi %add3A_314, %mul3A_311 : i32
        %dma_start3A_316 = tpu.memref_slice %arg3[%add3A_315] : memref<640000xi32, #tpu.memory_space<hbm>> -> memref<128xi32, #tpu.memory_space<hbm>>
        %dma_start3A_317 = tpu.memref_slice %arg3[%add3A_315] : memref<640000xi32, #tpu.memory_space<hbm>> -> memref<128xi32, #tpu.memory_space<hbm>>
        tpu.enqueue_dma source(%dma_start3A_317 : memref<128xi32, #tpu.memory_space<hbm>>) target(%arg13 : memref<128xi32, #tpu.memory_space<vmem>>) target_semaphore(%arg23 : memref<!tpu.dma_semaphore, #tpu.memory_space<semaphore_mem>>)
      } else {
      }
      %add3A_237 = arith.constant 3 : i32
      %add3A_238 = arith.addi %mul3A_170, %add3A_237 : i32
      %add3A_239 = arith.constant 0 : i32
      %add3A_240 = arith.addi %add3A_238, %add3A_239 : i32
      %lt3A_241 = arith.cmpi slt, %add3A_240, %add3A_8 : i32
      %convert_element_type3A_242 = arith.extui %lt3A_241 : i1 to i32
      %cond3A_243 = arith.constant 0 : i32
      %cond3A_244 = arith.cmpi ne, %convert_element_type3A_242, %cond3A_243 : i32
      scf.if %cond3A_244 {
        %dma_wait3A_305 = arith.constant 0 : i32
        %dma_wait3A_306 = arith.constant 0 : i32
        %dma_wait3A_307 = tpu.memref_slice %arg2[%dma_wait3A_305, %dma_wait3A_306] : memref<10000x128xf32, #tpu.memory_space<hbm>> -> memref<128x128xf32, #tpu.memory_space<hbm>>
        %dma_wait3A_308 = arith.constant 0 : i32
        %dma_wait3A_309 = arith.constant 0 : i32
        %dma_wait3A_310 = tpu.memref_slice %arg2[%dma_wait3A_308, %dma_wait3A_309] : memref<10000x128xf32, #tpu.memory_space<hbm>> -> memref<128x128xf32, #tpu.memory_space<hbm>>
        tpu.wait_dma2 semaphore(%arg27 : memref<!tpu.dma_semaphore, #tpu.memory_space<semaphore_mem>>) src(%dma_wait3A_310 : memref<128x128xf32, #tpu.memory_space<hbm>>) dst(%arg17 : memref<128x128xf32, #tpu.memory_space<vmem>>)
        %dma_start3A_311 = arith.constant 0 : i32
        %dma_start3A_312 = arith.constant 0 : i32
        %dma_start3A_313 = tpu.memref_slice %arg20[%dma_start3A_311, %dma_start3A_312] : memref<10000x128xf32, #tpu.memory_space<vmem_shared>> -> memref<10000x128xf32, #tpu.memory_space<vmem_shared>>
        tpu.enqueue_indirect_dma source(%arg17 : memref<128x128xf32, #tpu.memory_space<vmem>>) target(%dma_start3A_313 : memref<10000x128xf32, #tpu.memory_space<vmem_shared>>) offsets(%arg14 : memref<128xi32, #tpu.memory_space<vmem>>) semaphore(%arg30 : memref<!tpu.dma_semaphore, #tpu.memory_space<semaphore_mem>>) {add = true}
      } else {
      }
      %add3A_245 = arith.constant 1 : i32
      %add3A_246 = arith.addi %add3A_238, %add3A_245 : i32
      %lt3A_247 = arith.cmpi slt, %add3A_246, %add3A_8 : i32
      %convert_element_type3A_248 = arith.extui %lt3A_247 : i1 to i32
      %cond3A_249 = arith.constant 0 : i32
      %cond3A_250 = arith.cmpi ne, %convert_element_type3A_248, %cond3A_249 : i32
      scf.if %cond3A_250 {
        %dma_wait3A_305 = arith.constant 0 : i32
        %dma_wait3A_306 = arith.constant 0 : i32
        %dma_wait3A_307 = tpu.memref_slice %arg2[%dma_wait3A_305, %dma_wait3A_306] : memref<10000x128xf32, #tpu.memory_space<hbm>> -> memref<128x128xf32, #tpu.memory_space<hbm>>
        %dma_wait3A_308 = arith.constant 0 : i32
        %dma_wait3A_309 = arith.constant 0 : i32
        %dma_wait3A_310 = tpu.memref_slice %arg2[%dma_wait3A_308, %dma_wait3A_309] : memref<10000x128xf32, #tpu.memory_space<hbm>> -> memref<128x128xf32, #tpu.memory_space<hbm>>
        tpu.wait_dma2 semaphore(%arg28 : memref<!tpu.dma_semaphore, #tpu.memory_space<semaphore_mem>>) src(%dma_wait3A_310 : memref<128x128xf32, #tpu.memory_space<hbm>>) dst(%arg18 : memref<128x128xf32, #tpu.memory_space<vmem>>)
        %dma_start3A_311 = arith.constant 0 : i32
        %dma_start3A_312 = arith.constant 0 : i32
        %dma_start3A_313 = tpu.memref_slice %arg20[%dma_start3A_311, %dma_start3A_312] : memref<10000x128xf32, #tpu.memory_space<vmem_shared>> -> memref<10000x128xf32, #tpu.memory_space<vmem_shared>>
        tpu.enqueue_indirect_dma source(%arg18 : memref<128x128xf32, #tpu.memory_space<vmem>>) target(%dma_start3A_313 : memref<10000x128xf32, #tpu.memory_space<vmem_shared>>) offsets(%arg15 : memref<128xi32, #tpu.memory_space<vmem>>) semaphore(%arg31 : memref<!tpu.dma_semaphore, #tpu.memory_space<semaphore_mem>>) {add = true}
      } else {
      }
      %add3A_251 = arith.constant 2 : i32
      %add3A_252 = arith.addi %add3A_238, %add3A_251 : i32
      %lt3A_253 = arith.cmpi slt, %add3A_252, %add3A_8 : i32
      %convert_element_type3A_254 = arith.extui %lt3A_253 : i1 to i32
      %cond3A_255 = arith.constant 0 : i32
      %cond3A_256 = arith.cmpi ne, %convert_element_type3A_254, %cond3A_255 : i32
      scf.if %cond3A_256 {
        %dma_wait3A_305 = arith.constant 0 : i32
        %dma_wait3A_306 = arith.constant 0 : i32
        %dma_wait3A_307 = tpu.memref_slice %arg2[%dma_wait3A_305, %dma_wait3A_306] : memref<10000x128xf32, #tpu.memory_space<hbm>> -> memref<128x128xf32, #tpu.memory_space<hbm>>
        %dma_wait3A_308 = arith.constant 0 : i32
        %dma_wait3A_309 = arith.constant 0 : i32
        %dma_wait3A_310 = tpu.memref_slice %arg2[%dma_wait3A_308, %dma_wait3A_309] : memref<10000x128xf32, #tpu.memory_space<hbm>> -> memref<128x128xf32, #tpu.memory_space<hbm>>
        tpu.wait_dma2 semaphore(%arg29 : memref<!tpu.dma_semaphore, #tpu.memory_space<semaphore_mem>>) src(%dma_wait3A_310 : memref<128x128xf32, #tpu.memory_space<hbm>>) dst(%arg19 : memref<128x128xf32, #tpu.memory_space<vmem>>)
        %dma_start3A_311 = arith.constant 0 : i32
        %dma_start3A_312 = arith.constant 0 : i32
        %dma_start3A_313 = tpu.memref_slice %arg20[%dma_start3A_311, %dma_start3A_312] : memref<10000x128xf32, #tpu.memory_space<vmem_shared>> -> memref<10000x128xf32, #tpu.memory_space<vmem_shared>>
        tpu.enqueue_indirect_dma source(%arg19 : memref<128x128xf32, #tpu.memory_space<vmem>>) target(%dma_start3A_313 : memref<10000x128xf32, #tpu.memory_space<vmem_shared>>) offsets(%arg16 : memref<128xi32, #tpu.memory_space<vmem>>) semaphore(%arg32 : memref<!tpu.dma_semaphore, #tpu.memory_space<semaphore_mem>>) {add = true}
      } else {
      }
      %add3A_257 = arith.constant 0 : i32
      %add3A_258 = arith.addi %add3A_238, %add3A_257 : i32
      %add3A_259 = arith.constant 3 : i32
      %add3A_260 = arith.addi %add3A_258, %add3A_259 : i32
      %lt3A_261 = arith.cmpi slt, %add3A_260, %add3A_8 : i32
      %convert_element_type3A_262 = arith.extui %lt3A_261 : i1 to i32
      %cond3A_263 = arith.constant 0 : i32
      %cond3A_264 = arith.cmpi ne, %convert_element_type3A_262, %cond3A_263 : i32
      scf.if %cond3A_264 {
        %dma_wait3A_305 = arith.constant 0 : i32
        %dma_wait3A_306 = arith.constant 0 : i32
        %dma_wait3A_307 = tpu.memref_slice %arg2[%dma_wait3A_305, %dma_wait3A_306] : memref<10000x128xf32, #tpu.memory_space<hbm>> -> memref<128x128xf32, #tpu.memory_space<hbm>>
        %dma_wait3A_308 = arith.constant 0 : i32
        %dma_wait3A_309 = arith.constant 0 : i32
        %dma_wait3A_310 = tpu.memref_slice %arg2[%dma_wait3A_308, %dma_wait3A_309] : memref<10000x128xf32, #tpu.memory_space<hbm>> -> memref<128x128xf32, #tpu.memory_space<hbm>>
        tpu.wait_dma2 semaphore(%arg30 : memref<!tpu.dma_semaphore, #tpu.memory_space<semaphore_mem>>) src(%dma_wait3A_310 : memref<128x128xf32, #tpu.memory_space<hbm>>) dst(%arg17 : memref<128x128xf32, #tpu.memory_space<vmem>>)
        %dma_wait3A_311 = arith.constant 0 : i32
        %dma_wait3A_312 = tpu.memref_slice %arg3[%dma_wait3A_311] : memref<640000xi32, #tpu.memory_space<hbm>> -> memref<128xi32, #tpu.memory_space<hbm>>
        %dma_wait3A_313 = arith.constant 0 : i32
        %dma_wait3A_314 = tpu.memref_slice %arg3[%dma_wait3A_313] : memref<640000xi32, #tpu.memory_space<hbm>> -> memref<128xi32, #tpu.memory_space<hbm>>
        tpu.wait_dma2 semaphore(%arg21 : memref<!tpu.dma_semaphore, #tpu.memory_space<semaphore_mem>>) src(%dma_wait3A_314 : memref<128xi32, #tpu.memory_space<hbm>>) dst(%arg5 : memref<128xi32, #tpu.memory_space<vmem>>)
        %dma_wait3A_315 = arith.constant 0 : i32
        %dma_wait3A_316 = tpu.memref_slice %arg3[%dma_wait3A_315] : memref<640000xi32, #tpu.memory_space<hbm>> -> memref<128xi32, #tpu.memory_space<hbm>>
        %dma_wait3A_317 = arith.constant 0 : i32
        %dma_wait3A_318 = tpu.memref_slice %arg3[%dma_wait3A_317] : memref<640000xi32, #tpu.memory_space<hbm>> -> memref<128xi32, #tpu.memory_space<hbm>>
        tpu.wait_dma2 semaphore(%arg21 : memref<!tpu.dma_semaphore, #tpu.memory_space<semaphore_mem>>) src(%dma_wait3A_318 : memref<128xi32, #tpu.memory_space<hbm>>) dst(%arg11 : memref<128xi32, #tpu.memory_space<vmem>>)
        %dma_start3A_319 = arith.constant 0 : i32
        %dma_start3A_320 = arith.constant 0 : i32
        %dma_start3A_321 = tpu.memref_slice %arg2[%dma_start3A_319, %dma_start3A_320] : memref<10000x128xf32, #tpu.memory_space<hbm>> -> memref<10000x128xf32, #tpu.memory_space<hbm>>
        tpu.enqueue_indirect_dma source(%dma_start3A_321 : memref<10000x128xf32, #tpu.memory_space<hbm>>) target(%arg17 : memref<128x128xf32, #tpu.memory_space<vmem>>) offsets(%arg5 : memref<128xi32, #tpu.memory_space<vmem>>) semaphore(%arg27 : memref<!tpu.dma_semaphore, #tpu.memory_space<semaphore_mem>>)
      } else {
      }
      %add3A_265 = arith.constant 0 : i32
      %add3A_266 = arith.addi %add3A_238, %add3A_265 : i32
      %add3A_267 = arith.constant 6 : i32
      %add3A_268 = arith.addi %add3A_266, %add3A_267 : i32
      %lt3A_269 = arith.cmpi slt, %add3A_268, %add3A_8 : i32
      %convert_element_type3A_270 = arith.extui %lt3A_269 : i1 to i32
      %cond3A_271 = arith.constant 0 : i32
      %cond3A_272 = arith.cmpi ne, %convert_element_type3A_270, %cond3A_271 : i32
      scf.if %cond3A_272 {
        %add3A_305 = arith.constant 0 : i32
        %add3A_306 = arith.addi %add3A_238, %add3A_305 : i32
        %add3A_307 = arith.constant 6 : i32
        %add3A_308 = arith.addi %add3A_306, %add3A_307 : i32
        %add3A_309 = arith.addi %add3A_4, %add3A_308 : i32
        %mul3A_310 = arith.constant 128 : i32
        %mul3A_311 = arith.muli %add3A_309, %mul3A_310 : i32
        %dma_start3A_312 = tpu.memref_slice %arg3[%mul3A_311] : memref<640000xi32, #tpu.memory_space<hbm>> -> memref<128xi32, #tpu.memory_space<hbm>>
        %dma_start3A_313 = tpu.memref_slice %arg3[%mul3A_311] : memref<640000xi32, #tpu.memory_space<hbm>> -> memref<128xi32, #tpu.memory_space<hbm>>
        tpu.enqueue_dma source(%dma_start3A_313 : memref<128xi32, #tpu.memory_space<hbm>>) target(%arg8 : memref<128xi32, #tpu.memory_space<vmem>>) target_semaphore(%arg24 : memref<!tpu.dma_semaphore, #tpu.memory_space<semaphore_mem>>)
        %add3A_314 = arith.constant 320000 : i32
        %add3A_315 = arith.addi %add3A_314, %mul3A_311 : i32
        %dma_start3A_316 = tpu.memref_slice %arg3[%add3A_315] : memref<640000xi32, #tpu.memory_space<hbm>> -> memref<128xi32, #tpu.memory_space<hbm>>
        %dma_start3A_317 = tpu.memref_slice %arg3[%add3A_315] : memref<640000xi32, #tpu.memory_space<hbm>> -> memref<128xi32, #tpu.memory_space<hbm>>
        tpu.enqueue_dma source(%dma_start3A_317 : memref<128xi32, #tpu.memory_space<hbm>>) target(%arg14 : memref<128xi32, #tpu.memory_space<vmem>>) target_semaphore(%arg24 : memref<!tpu.dma_semaphore, #tpu.memory_space<semaphore_mem>>)
      } else {
      }
      %add3A_273 = arith.constant 1 : i32
      %add3A_274 = arith.addi %add3A_238, %add3A_273 : i32
      %add3A_275 = arith.constant 3 : i32
      %add3A_276 = arith.addi %add3A_274, %add3A_275 : i32
      %lt3A_277 = arith.cmpi slt, %add3A_276, %add3A_8 : i32
      %convert_element_type3A_278 = arith.extui %lt3A_277 : i1 to i32
      %cond3A_279 = arith.constant 0 : i32
      %cond3A_280 = arith.cmpi ne, %convert_element_type3A_278, %cond3A_279 : i32
      scf.if %cond3A_280 {
        %dma_wait3A_305 = arith.constant 0 : i32
        %dma_wait3A_306 = arith.constant 0 : i32
        %dma_wait3A_307 = tpu.memref_slice %arg2[%dma_wait3A_305, %dma_wait3A_306] : memref<10000x128xf32, #tpu.memory_space<hbm>> -> memref<128x128xf32, #tpu.memory_space<hbm>>
        %dma_wait3A_308 = arith.constant 0 : i32
        %dma_wait3A_309 = arith.constant 0 : i32
        %dma_wait3A_310 = tpu.memref_slice %arg2[%dma_wait3A_308, %dma_wait3A_309] : memref<10000x128xf32, #tpu.memory_space<hbm>> -> memref<128x128xf32, #tpu.memory_space<hbm>>
        tpu.wait_dma2 semaphore(%arg31 : memref<!tpu.dma_semaphore, #tpu.memory_space<semaphore_mem>>) src(%dma_wait3A_310 : memref<128x128xf32, #tpu.memory_space<hbm>>) dst(%arg18 : memref<128x128xf32, #tpu.memory_space<vmem>>)
        %dma_wait3A_311 = arith.constant 0 : i32
        %dma_wait3A_312 = tpu.memref_slice %arg3[%dma_wait3A_311] : memref<640000xi32, #tpu.memory_space<hbm>> -> memref<128xi32, #tpu.memory_space<hbm>>
        %dma_wait3A_313 = arith.constant 0 : i32
        %dma_wait3A_314 = tpu.memref_slice %arg3[%dma_wait3A_313] : memref<640000xi32, #tpu.memory_space<hbm>> -> memref<128xi32, #tpu.memory_space<hbm>>
        tpu.wait_dma2 semaphore(%arg22 : memref<!tpu.dma_semaphore, #tpu.memory_space<semaphore_mem>>) src(%dma_wait3A_314 : memref<128xi32, #tpu.memory_space<hbm>>) dst(%arg6 : memref<128xi32, #tpu.memory_space<vmem>>)
        %dma_wait3A_315 = arith.constant 0 : i32
        %dma_wait3A_316 = tpu.memref_slice %arg3[%dma_wait3A_315] : memref<640000xi32, #tpu.memory_space<hbm>> -> memref<128xi32, #tpu.memory_space<hbm>>
        %dma_wait3A_317 = arith.constant 0 : i32
        %dma_wait3A_318 = tpu.memref_slice %arg3[%dma_wait3A_317] : memref<640000xi32, #tpu.memory_space<hbm>> -> memref<128xi32, #tpu.memory_space<hbm>>
        tpu.wait_dma2 semaphore(%arg22 : memref<!tpu.dma_semaphore, #tpu.memory_space<semaphore_mem>>) src(%dma_wait3A_318 : memref<128xi32, #tpu.memory_space<hbm>>) dst(%arg12 : memref<128xi32, #tpu.memory_space<vmem>>)
        %dma_start3A_319 = arith.constant 0 : i32
        %dma_start3A_320 = arith.constant 0 : i32
        %dma_start3A_321 = tpu.memref_slice %arg2[%dma_start3A_319, %dma_start3A_320] : memref<10000x128xf32, #tpu.memory_space<hbm>> -> memref<10000x128xf32, #tpu.memory_space<hbm>>
        tpu.enqueue_indirect_dma source(%dma_start3A_321 : memref<10000x128xf32, #tpu.memory_space<hbm>>) target(%arg18 : memref<128x128xf32, #tpu.memory_space<vmem>>) offsets(%arg6 : memref<128xi32, #tpu.memory_space<vmem>>) semaphore(%arg28 : memref<!tpu.dma_semaphore, #tpu.memory_space<semaphore_mem>>)
      } else {
      }
      %add3A_281 = arith.constant 1 : i32
      %add3A_282 = arith.addi %add3A_238, %add3A_281 : i32
      %add3A_283 = arith.constant 6 : i32
      %add3A_284 = arith.addi %add3A_282, %add3A_283 : i32
      %lt3A_285 = arith.cmpi slt, %add3A_284, %add3A_8 : i32
      %convert_element_type3A_286 = arith.extui %lt3A_285 : i1 to i32
      %cond3A_287 = arith.constant 0 : i32
      %cond3A_288 = arith.cmpi ne, %convert_element_type3A_286, %cond3A_287 : i32
      scf.if %cond3A_288 {
        %add3A_305 = arith.constant 1 : i32
        %add3A_306 = arith.addi %add3A_238, %add3A_305 : i32
        %add3A_307 = arith.constant 6 : i32
        %add3A_308 = arith.addi %add3A_306, %add3A_307 : i32
        %add3A_309 = arith.addi %add3A_4, %add3A_308 : i32
        %mul3A_310 = arith.constant 128 : i32
        %mul3A_311 = arith.muli %add3A_309, %mul3A_310 : i32
        %dma_start3A_312 = tpu.memref_slice %arg3[%mul3A_311] : memref<640000xi32, #tpu.memory_space<hbm>> -> memref<128xi32, #tpu.memory_space<hbm>>
        %dma_start3A_313 = tpu.memref_slice %arg3[%mul3A_311] : memref<640000xi32, #tpu.memory_space<hbm>> -> memref<128xi32, #tpu.memory_space<hbm>>
        tpu.enqueue_dma source(%dma_start3A_313 : memref<128xi32, #tpu.memory_space<hbm>>) target(%arg9 : memref<128xi32, #tpu.memory_space<vmem>>) target_semaphore(%arg25 : memref<!tpu.dma_semaphore, #tpu.memory_space<semaphore_mem>>)
        %add3A_314 = arith.constant 320000 : i32
        %add3A_315 = arith.addi %add3A_314, %mul3A_311 : i32
        %dma_start3A_316 = tpu.memref_slice %arg3[%add3A_315] : memref<640000xi32, #tpu.memory_space<hbm>> -> memref<128xi32, #tpu.memory_space<hbm>>
        %dma_start3A_317 = tpu.memref_slice %arg3[%add3A_315] : memref<640000xi32, #tpu.memory_space<hbm>> -> memref<128xi32, #tpu.memory_space<hbm>>
        tpu.enqueue_dma source(%dma_start3A_317 : memref<128xi32, #tpu.memory_space<hbm>>) target(%arg15 : memref<128xi32, #tpu.memory_space<vmem>>) target_semaphore(%arg25 : memref<!tpu.dma_semaphore, #tpu.memory_space<semaphore_mem>>)
      } else {
      }
      %add3A_289 = arith.constant 2 : i32
      %add3A_290 = arith.addi %add3A_238, %add3A_289 : i32
      %add3A_291 = arith.constant 3 : i32
      %add3A_292 = arith.addi %add3A_290, %add3A_291 : i32
      %lt3A_293 = arith.cmpi slt, %add3A_292, %add3A_8 : i32
      %convert_element_type3A_294 = arith.extui %lt3A_293 : i1 to i32
      %cond3A_295 = arith.constant 0 : i32
      %cond3A_296 = arith.cmpi ne, %convert_element_type3A_294, %cond3A_295 : i32
      scf.if %cond3A_296 {
        %dma_wait3A_305 = arith.constant 0 : i32
        %dma_wait3A_306 = arith.constant 0 : i32
        %dma_wait3A_307 = tpu.memref_slice %arg2[%dma_wait3A_305, %dma_wait3A_306] : memref<10000x128xf32, #tpu.memory_space<hbm>> -> memref<128x128xf32, #tpu.memory_space<hbm>>
        %dma_wait3A_308 = arith.constant 0 : i32
        %dma_wait3A_309 = arith.constant 0 : i32
        %dma_wait3A_310 = tpu.memref_slice %arg2[%dma_wait3A_308, %dma_wait3A_309] : memref<10000x128xf32, #tpu.memory_space<hbm>> -> memref<128x128xf32, #tpu.memory_space<hbm>>
        tpu.wait_dma2 semaphore(%arg32 : memref<!tpu.dma_semaphore, #tpu.memory_space<semaphore_mem>>) src(%dma_wait3A_310 : memref<128x128xf32, #tpu.memory_space<hbm>>) dst(%arg19 : memref<128x128xf32, #tpu.memory_space<vmem>>)
        %dma_wait3A_311 = arith.constant 0 : i32
        %dma_wait3A_312 = tpu.memref_slice %arg3[%dma_wait3A_311] : memref<640000xi32, #tpu.memory_space<hbm>> -> memref<128xi32, #tpu.memory_space<hbm>>
        %dma_wait3A_313 = arith.constant 0 : i32
        %dma_wait3A_314 = tpu.memref_slice %arg3[%dma_wait3A_313] : memref<640000xi32, #tpu.memory_space<hbm>> -> memref<128xi32, #tpu.memory_space<hbm>>
        tpu.wait_dma2 semaphore(%arg23 : memref<!tpu.dma_semaphore, #tpu.memory_space<semaphore_mem>>) src(%dma_wait3A_314 : memref<128xi32, #tpu.memory_space<hbm>>) dst(%arg7 : memref<128xi32, #tpu.memory_space<vmem>>)
        %dma_wait3A_315 = arith.constant 0 : i32
        %dma_wait3A_316 = tpu.memref_slice %arg3[%dma_wait3A_315] : memref<640000xi32, #tpu.memory_space<hbm>> -> memref<128xi32, #tpu.memory_space<hbm>>
        %dma_wait3A_317 = arith.constant 0 : i32
        %dma_wait3A_318 = tpu.memref_slice %arg3[%dma_wait3A_317] : memref<640000xi32, #tpu.memory_space<hbm>> -> memref<128xi32, #tpu.memory_space<hbm>>
        tpu.wait_dma2 semaphore(%arg23 : memref<!tpu.dma_semaphore, #tpu.memory_space<semaphore_mem>>) src(%dma_wait3A_318 : memref<128xi32, #tpu.memory_space<hbm>>) dst(%arg13 : memref<128xi32, #tpu.memory_space<vmem>>)
        %dma_start3A_319 = arith.constant 0 : i32
        %dma_start3A_320 = arith.constant 0 : i32
        %dma_start3A_321 = tpu.memref_slice %arg2[%dma_start3A_319, %dma_start3A_320] : memref<10000x128xf32, #tpu.memory_space<hbm>> -> memref<10000x128xf32, #tpu.memory_space<hbm>>
        tpu.enqueue_indirect_dma source(%dma_start3A_321 : memref<10000x128xf32, #tpu.memory_space<hbm>>) target(%arg19 : memref<128x128xf32, #tpu.memory_space<vmem>>) offsets(%arg7 : memref<128xi32, #tpu.memory_space<vmem>>) semaphore(%arg29 : memref<!tpu.dma_semaphore, #tpu.memory_space<semaphore_mem>>)
      } else {
      }
      %add3A_297 = arith.constant 2 : i32
      %add3A_298 = arith.addi %add3A_238, %add3A_297 : i32
      %add3A_299 = arith.constant 6 : i32
      %add3A_300 = arith.addi %add3A_298, %add3A_299 : i32
      %lt3A_301 = arith.cmpi slt, %add3A_300, %add3A_8 : i32
      %convert_element_type3A_302 = arith.extui %lt3A_301 : i1 to i32
      %cond3A_303 = arith.constant 0 : i32
      %cond3A_304 = arith.cmpi ne, %convert_element_type3A_302, %cond3A_303 : i32
      scf.if %cond3A_304 {
        %add3A_305 = arith.constant 2 : i32
        %add3A_306 = arith.addi %add3A_238, %add3A_305 : i32
        %add3A_307 = arith.constant 6 : i32
        %add3A_308 = arith.addi %add3A_306, %add3A_307 : i32
        %add3A_309 = arith.addi %add3A_4, %add3A_308 : i32
        %mul3A_310 = arith.constant 128 : i32
        %mul3A_311 = arith.muli %add3A_309, %mul3A_310 : i32
        %dma_start3A_312 = tpu.memref_slice %arg3[%mul3A_311] : memref<640000xi32, #tpu.memory_space<hbm>> -> memref<128xi32, #tpu.memory_space<hbm>>
        %dma_start3A_313 = tpu.memref_slice %arg3[%mul3A_311] : memref<640000xi32, #tpu.memory_space<hbm>> -> memref<128xi32, #tpu.memory_space<hbm>>
        tpu.enqueue_dma source(%dma_start3A_313 : memref<128xi32, #tpu.memory_space<hbm>>) target(%arg10 : memref<128xi32, #tpu.memory_space<vmem>>) target_semaphore(%arg26 : memref<!tpu.dma_semaphore, #tpu.memory_space<semaphore_mem>>)
        %add3A_314 = arith.constant 320000 : i32
        %add3A_315 = arith.addi %add3A_314, %mul3A_311 : i32
        %dma_start3A_316 = tpu.memref_slice %arg3[%add3A_315] : memref<640000xi32, #tpu.memory_space<hbm>> -> memref<128xi32, #tpu.memory_space<hbm>>
        %dma_start3A_317 = tpu.memref_slice %arg3[%add3A_315] : memref<640000xi32, #tpu.memory_space<hbm>> -> memref<128xi32, #tpu.memory_space<hbm>>
        tpu.enqueue_dma source(%dma_start3A_317 : memref<128xi32, #tpu.memory_space<hbm>>) target(%arg16 : memref<128xi32, #tpu.memory_space<vmem>>) target_semaphore(%arg26 : memref<!tpu.dma_semaphore, #tpu.memory_space<semaphore_mem>>)
      } else {
      }
    }
    %while3A_136 = arith.constant 1 : i32
    scf.for %while3A_168 = %while3A_134 to %while3A_130 step %while3A_136  : i32 {
      %mul3A_169 = arith.constant 6 : i32
      %mul3A_170 = arith.muli %mul3A_169, %while3A_168 : i32
      %add3A_171 = arith.constant 0 : i32
      %add3A_172 = arith.addi %mul3A_170, %add3A_171 : i32
      %lt3A_173 = arith.cmpi slt, %add3A_172, %add3A_8 : i32
      %convert_element_type3A_174 = arith.extui %lt3A_173 : i1 to i32
      %cond3A_175 = arith.constant 0 : i32
      %cond3A_176 = arith.cmpi ne, %convert_element_type3A_174, %cond3A_175 : i32
      scf.if %cond3A_176 {
        %dma_wait3A_305 = arith.constant 0 : i32
        %dma_wait3A_306 = arith.constant 0 : i32
        %dma_wait3A_307 = tpu.memref_slice %arg2[%dma_wait3A_305, %dma_wait3A_306] : memref<10000x128xf32, #tpu.memory_space<hbm>> -> memref<128x128xf32, #tpu.memory_space<hbm>>
        %dma_wait3A_308 = arith.constant 0 : i32
        %dma_wait3A_309 = arith.constant 0 : i32
        %dma_wait3A_310 = tpu.memref_slice %arg2[%dma_wait3A_308, %dma_wait3A_309] : memref<10000x128xf32, #tpu.memory_space<hbm>> -> memref<128x128xf32, #tpu.memory_space<hbm>>
        tpu.wait_dma2 semaphore(%arg27 : memref<!tpu.dma_semaphore, #tpu.memory_space<semaphore_mem>>) src(%dma_wait3A_310 : memref<128x128xf32, #tpu.memory_space<hbm>>) dst(%arg17 : memref<128x128xf32, #tpu.memory_space<vmem>>)
        %dma_start3A_311 = arith.constant 0 : i32
        %dma_start3A_312 = arith.constant 0 : i32
        %dma_start3A_313 = tpu.memref_slice %arg20[%dma_start3A_311, %dma_start3A_312] : memref<10000x128xf32, #tpu.memory_space<vmem_shared>> -> memref<10000x128xf32, #tpu.memory_space<vmem_shared>>
        tpu.enqueue_indirect_dma source(%arg17 : memref<128x128xf32, #tpu.memory_space<vmem>>) target(%dma_start3A_313 : memref<10000x128xf32, #tpu.memory_space<vmem_shared>>) offsets(%arg11 : memref<128xi32, #tpu.memory_space<vmem>>) semaphore(%arg30 : memref<!tpu.dma_semaphore, #tpu.memory_space<semaphore_mem>>) {add = true}
      } else {
      }
      %add3A_177 = arith.constant 1 : i32
      %add3A_178 = arith.addi %mul3A_170, %add3A_177 : i32
      %lt3A_179 = arith.cmpi slt, %add3A_178, %add3A_8 : i32
      %convert_element_type3A_180 = arith.extui %lt3A_179 : i1 to i32
      %cond3A_181 = arith.constant 0 : i32
      %cond3A_182 = arith.cmpi ne, %convert_element_type3A_180, %cond3A_181 : i32
      scf.if %cond3A_182 {
        %dma_wait3A_305 = arith.constant 0 : i32
        %dma_wait3A_306 = arith.constant 0 : i32
        %dma_wait3A_307 = tpu.memref_slice %arg2[%dma_wait3A_305, %dma_wait3A_306] : memref<10000x128xf32, #tpu.memory_space<hbm>> -> memref<128x128xf32, #tpu.memory_space<hbm>>
        %dma_wait3A_308 = arith.constant 0 : i32
        %dma_wait3A_309 = arith.constant 0 : i32
        %dma_wait3A_310 = tpu.memref_slice %arg2[%dma_wait3A_308, %dma_wait3A_309] : memref<10000x128xf32, #tpu.memory_space<hbm>> -> memref<128x128xf32, #tpu.memory_space<hbm>>
        tpu.wait_dma2 semaphore(%arg28 : memref<!tpu.dma_semaphore, #tpu.memory_space<semaphore_mem>>) src(%dma_wait3A_310 : memref<128x128xf32, #tpu.memory_space<hbm>>) dst(%arg18 : memref<128x128xf32, #tpu.memory_space<vmem>>)
        %dma_start3A_311 = arith.constant 0 : i32
        %dma_start3A_312 = arith.constant 0 : i32
        %dma_start3A_313 = tpu.memref_slice %arg20[%dma_start3A_311, %dma_start3A_312] : memref<10000x128xf32, #tpu.memory_space<vmem_shared>> -> memref<10000x128xf32, #tpu.memory_space<vmem_shared>>
        tpu.enqueue_indirect_dma source(%arg18 : memref<128x128xf32, #tpu.memory_space<vmem>>) target(%dma_start3A_313 : memref<10000x128xf32, #tpu.memory_space<vmem_shared>>) offsets(%arg12 : memref<128xi32, #tpu.memory_space<vmem>>) semaphore(%arg31 : memref<!tpu.dma_semaphore, #tpu.memory_space<semaphore_mem>>) {add = true}
      } else {
      }
      %add3A_183 = arith.constant 2 : i32
      %add3A_184 = arith.addi %mul3A_170, %add3A_183 : i32
      %lt3A_185 = arith.cmpi slt, %add3A_184, %add3A_8 : i32
      %convert_element_type3A_186 = arith.extui %lt3A_185 : i1 to i32
      %cond3A_187 = arith.constant 0 : i32
      %cond3A_188 = arith.cmpi ne, %convert_element_type3A_186, %cond3A_187 : i32
      scf.if %cond3A_188 {
        %dma_wait3A_305 = arith.constant 0 : i32
        %dma_wait3A_306 = arith.constant 0 : i32
        %dma_wait3A_307 = tpu.memref_slice %arg2[%dma_wait3A_305, %dma_wait3A_306] : memref<10000x128xf32, #tpu.memory_space<hbm>> -> memref<128x128xf32, #tpu.memory_space<hbm>>
        %dma_wait3A_308 = arith.constant 0 : i32
        %dma_wait3A_309 = arith.constant 0 : i32
        %dma_wait3A_310 = tpu.memref_slice %arg2[%dma_wait3A_308, %dma_wait3A_309] : memref<10000x128xf32, #tpu.memory_space<hbm>> -> memref<128x128xf32, #tpu.memory_space<hbm>>
        tpu.wait_dma2 semaphore(%arg29 : memref<!tpu.dma_semaphore, #tpu.memory_space<semaphore_mem>>) src(%dma_wait3A_310 : memref<128x128xf32, #tpu.memory_space<hbm>>) dst(%arg19 : memref<128x128xf32, #tpu.memory_space<vmem>>)
        %dma_start3A_311 = arith.constant 0 : i32
        %dma_start3A_312 = arith.constant 0 : i32
        %dma_start3A_313 = tpu.memref_slice %arg20[%dma_start3A_311, %dma_start3A_312] : memref<10000x128xf32, #tpu.memory_space<vmem_shared>> -> memref<10000x128xf32, #tpu.memory_space<vmem_shared>>
        tpu.enqueue_indirect_dma source(%arg19 : memref<128x128xf32, #tpu.memory_space<vmem>>) target(%dma_start3A_313 : memref<10000x128xf32, #tpu.memory_space<vmem_shared>>) offsets(%arg13 : memref<128xi32, #tpu.memory_space<vmem>>) semaphore(%arg32 : memref<!tpu.dma_semaphore, #tpu.memory_space<semaphore_mem>>) {add = true}
      } else {
      }
      %add3A_189 = arith.constant 0 : i32
      %add3A_190 = arith.addi %mul3A_170, %add3A_189 : i32
      %add3A_191 = arith.constant 3 : i32
      %add3A_192 = arith.addi %add3A_190, %add3A_191 : i32
      %lt3A_193 = arith.cmpi slt, %add3A_192, %add3A_8 : i32
      %convert_element_type3A_194 = arith.extui %lt3A_193 : i1 to i32
      %cond3A_195 = arith.constant 0 : i32
      %cond3A_196 = arith.cmpi ne, %convert_element_type3A_194, %cond3A_195 : i32
      scf.if %cond3A_196 {
        %dma_wait3A_305 = arith.constant 0 : i32
        %dma_wait3A_306 = arith.constant 0 : i32
        %dma_wait3A_307 = tpu.memref_slice %arg2[%dma_wait3A_305, %dma_wait3A_306] : memref<10000x128xf32, #tpu.memory_space<hbm>> -> memref<128x128xf32, #tpu.memory_space<hbm>>
        %dma_wait3A_308 = arith.constant 0 : i32
        %dma_wait3A_309 = arith.constant 0 : i32
        %dma_wait3A_310 = tpu.memref_slice %arg2[%dma_wait3A_308, %dma_wait3A_309] : memref<10000x128xf32, #tpu.memory_space<hbm>> -> memref<128x128xf32, #tpu.memory_space<hbm>>
        tpu.wait_dma2 semaphore(%arg30 : memref<!tpu.dma_semaphore, #tpu.memory_space<semaphore_mem>>) src(%dma_wait3A_310 : memref<128x128xf32, #tpu.memory_space<hbm>>) dst(%arg17 : memref<128x128xf32, #tpu.memory_space<vmem>>)
        %dma_wait3A_311 = arith.constant 0 : i32
        %dma_wait3A_312 = tpu.memref_slice %arg3[%dma_wait3A_311] : memref<640000xi32, #tpu.memory_space<hbm>> -> memref<128xi32, #tpu.memory_space<hbm>>
        %dma_wait3A_313 = arith.constant 0 : i32
        %dma_wait3A_314 = tpu.memref_slice %arg3[%dma_wait3A_313] : memref<640000xi32, #tpu.memory_space<hbm>> -> memref<128xi32, #tpu.memory_space<hbm>>
        tpu.wait_dma2 semaphore(%arg24 : memref<!tpu.dma_semaphore, #tpu.memory_space<semaphore_mem>>) src(%dma_wait3A_314 : memref<128xi32, #tpu.memory_space<hbm>>) dst(%arg8 : memref<128xi32, #tpu.memory_space<vmem>>)
        %dma_wait3A_315 = arith.constant 0 : i32
        %dma_wait3A_316 = tpu.memref_slice %arg3[%dma_wait3A_315] : memref<640000xi32, #tpu.memory_space<hbm>> -> memref<128xi32, #tpu.memory_space<hbm>>
        %dma_wait3A_317 = arith.constant 0 : i32
        %dma_wait3A_318 = tpu.memref_slice %arg3[%dma_wait3A_317] : memref<640000xi32, #tpu.memory_space<hbm>> -> memref<128xi32, #tpu.memory_space<hbm>>
        tpu.wait_dma2 semaphore(%arg24 : memref<!tpu.dma_semaphore, #tpu.memory_space<semaphore_mem>>) src(%dma_wait3A_318 : memref<128xi32, #tpu.memory_space<hbm>>) dst(%arg14 : memref<128xi32, #tpu.memory_space<vmem>>)
        %dma_start3A_319 = arith.constant 0 : i32
        %dma_start3A_320 = arith.constant 0 : i32
        %dma_start3A_321 = tpu.memref_slice %arg2[%dma_start3A_319, %dma_start3A_320] : memref<10000x128xf32, #tpu.memory_space<hbm>> -> memref<10000x128xf32, #tpu.memory_space<hbm>>
        tpu.enqueue_indirect_dma source(%dma_start3A_321 : memref<10000x128xf32, #tpu.memory_space<hbm>>) target(%arg17 : memref<128x128xf32, #tpu.memory_space<vmem>>) offsets(%arg8 : memref<128xi32, #tpu.memory_space<vmem>>) semaphore(%arg27 : memref<!tpu.dma_semaphore, #tpu.memory_space<semaphore_mem>>)
      } else {
      }
      %add3A_197 = arith.constant 0 : i32
      %add3A_198 = arith.addi %mul3A_170, %add3A_197 : i32
      %add3A_199 = arith.constant 6 : i32
      %add3A_200 = arith.addi %add3A_198, %add3A_199 : i32
      %lt3A_201 = arith.cmpi slt, %add3A_200, %add3A_8 : i32
      %convert_element_type3A_202 = arith.extui %lt3A_201 : i1 to i32
      %cond3A_203 = arith.constant 0 : i32
      %cond3A_204 = arith.cmpi ne, %convert_element_type3A_202, %cond3A_203 : i32
      scf.if %cond3A_204 {
        %add3A_305 = arith.constant 0 : i32
        %add3A_306 = arith.addi %mul3A_170, %add3A_305 : i32
        %add3A_307 = arith.constant 6 : i32
        %add3A_308 = arith.addi %add3A_306, %add3A_307 : i32
        %add3A_309 = arith.addi %add3A_4, %add3A_308 : i32
        %mul3A_310 = arith.constant 128 : i32
        %mul3A_311 = arith.muli %add3A_309, %mul3A_310 : i32
        %dma_start3A_312 = tpu.memref_slice %arg3[%mul3A_311] : memref<640000xi32, #tpu.memory_space<hbm>> -> memref<128xi32, #tpu.memory_space<hbm>>
        %dma_start3A_313 = tpu.memref_slice %arg3[%mul3A_311] : memref<640000xi32, #tpu.memory_space<hbm>> -> memref<128xi32, #tpu.memory_space<hbm>>
        tpu.enqueue_dma source(%dma_start3A_313 : memref<128xi32, #tpu.memory_space<hbm>>) target(%arg5 : memref<128xi32, #tpu.memory_space<vmem>>) target_semaphore(%arg21 : memref<!tpu.dma_semaphore, #tpu.memory_space<semaphore_mem>>)
        %add3A_314 = arith.constant 320000 : i32
        %add3A_315 = arith.addi %add3A_314, %mul3A_311 : i32
        %dma_start3A_316 = tpu.memref_slice %arg3[%add3A_315] : memref<640000xi32, #tpu.memory_space<hbm>> -> memref<128xi32, #tpu.memory_space<hbm>>
        %dma_start3A_317 = tpu.memref_slice %arg3[%add3A_315] : memref<640000xi32, #tpu.memory_space<hbm>> -> memref<128xi32, #tpu.memory_space<hbm>>
        tpu.enqueue_dma source(%dma_start3A_317 : memref<128xi32, #tpu.memory_space<hbm>>) target(%arg11 : memref<128xi32, #tpu.memory_space<vmem>>) target_semaphore(%arg21 : memref<!tpu.dma_semaphore, #tpu.memory_space<semaphore_mem>>)
      } else {
      }
      %add3A_205 = arith.constant 1 : i32
      %add3A_206 = arith.addi %mul3A_170, %add3A_205 : i32
      %add3A_207 = arith.constant 3 : i32
      %add3A_208 = arith.addi %add3A_206, %add3A_207 : i32
      %lt3A_209 = arith.cmpi slt, %add3A_208, %add3A_8 : i32
      %convert_element_type3A_210 = arith.extui %lt3A_209 : i1 to i32
      %cond3A_211 = arith.constant 0 : i32
      %cond3A_212 = arith.cmpi ne, %convert_element_type3A_210, %cond3A_211 : i32
      scf.if %cond3A_212 {
        %dma_wait3A_305 = arith.constant 0 : i32
        %dma_wait3A_306 = arith.constant 0 : i32
        %dma_wait3A_307 = tpu.memref_slice %arg2[%dma_wait3A_305, %dma_wait3A_306] : memref<10000x128xf32, #tpu.memory_space<hbm>> -> memref<128x128xf32, #tpu.memory_space<hbm>>
        %dma_wait3A_308 = arith.constant 0 : i32
        %dma_wait3A_309 = arith.constant 0 : i32
        %dma_wait3A_310 = tpu.memref_slice %arg2[%dma_wait3A_308, %dma_wait3A_309] : memref<10000x128xf32, #tpu.memory_space<hbm>> -> memref<128x128xf32, #tpu.memory_space<hbm>>
        tpu.wait_dma2 semaphore(%arg31 : memref<!tpu.dma_semaphore, #tpu.memory_space<semaphore_mem>>) src(%dma_wait3A_310 : memref<128x128xf32, #tpu.memory_space<hbm>>) dst(%arg18 : memref<128x128xf32, #tpu.memory_space<vmem>>)
        %dma_wait3A_311 = arith.constant 0 : i32
        %dma_wait3A_312 = tpu.memref_slice %arg3[%dma_wait3A_311] : memref<640000xi32, #tpu.memory_space<hbm>> -> memref<128xi32, #tpu.memory_space<hbm>>
        %dma_wait3A_313 = arith.constant 0 : i32
        %dma_wait3A_314 = tpu.memref_slice %arg3[%dma_wait3A_313] : memref<640000xi32, #tpu.memory_space<hbm>> -> memref<128xi32, #tpu.memory_space<hbm>>
        tpu.wait_dma2 semaphore(%arg25 : memref<!tpu.dma_semaphore, #tpu.memory_space<semaphore_mem>>) src(%dma_wait3A_314 : memref<128xi32, #tpu.memory_space<hbm>>) dst(%arg9 : memref<128xi32, #tpu.memory_space<vmem>>)
        %dma_wait3A_315 = arith.constant 0 : i32
        %dma_wait3A_316 = tpu.memref_slice %arg3[%dma_wait3A_315] : memref<640000xi32, #tpu.memory_space<hbm>> -> memref<128xi32, #tpu.memory_space<hbm>>
        %dma_wait3A_317 = arith.constant 0 : i32
        %dma_wait3A_318 = tpu.memref_slice %arg3[%dma_wait3A_317] : memref<640000xi32, #tpu.memory_space<hbm>> -> memref<128xi32, #tpu.memory_space<hbm>>
        tpu.wait_dma2 semaphore(%arg25 : memref<!tpu.dma_semaphore, #tpu.memory_space<semaphore_mem>>) src(%dma_wait3A_318 : memref<128xi32, #tpu.memory_space<hbm>>) dst(%arg15 : memref<128xi32, #tpu.memory_space<vmem>>)
        %dma_start3A_319 = arith.constant 0 : i32
        %dma_start3A_320 = arith.constant 0 : i32
        %dma_start3A_321 = tpu.memref_slice %arg2[%dma_start3A_319, %dma_start3A_320] : memref<10000x128xf32, #tpu.memory_space<hbm>> -> memref<10000x128xf32, #tpu.memory_space<hbm>>
        tpu.enqueue_indirect_dma source(%dma_start3A_321 : memref<10000x128xf32, #tpu.memory_space<hbm>>) target(%arg18 : memref<128x128xf32, #tpu.memory_space<vmem>>) offsets(%arg9 : memref<128xi32, #tpu.memory_space<vmem>>) semaphore(%arg28 : memref<!tpu.dma_semaphore, #tpu.memory_space<semaphore_mem>>)
      } else {
      }
      %add3A_213 = arith.constant 1 : i32
      %add3A_214 = arith.addi %mul3A_170, %add3A_213 : i32
      %add3A_215 = arith.constant 6 : i32
      %add3A_216 = arith.addi %add3A_214, %add3A_215 : i32
      %lt3A_217 = arith.cmpi slt, %add3A_216, %add3A_8 : i32
      %convert_element_type3A_218 = arith.extui %lt3A_217 : i1 to i32
      %cond3A_219 = arith.constant 0 : i32
      %cond3A_220 = arith.cmpi ne, %convert_element_type3A_218, %cond3A_219 : i32
      scf.if %cond3A_220 {
        %add3A_305 = arith.constant 1 : i32
        %add3A_306 = arith.addi %mul3A_170, %add3A_305 : i32
        %add3A_307 = arith.constant 6 : i32
        %add3A_308 = arith.addi %add3A_306, %add3A_307 : i32
        %add3A_309 = arith.addi %add3A_4, %add3A_308 : i32
        %mul3A_310 = arith.constant 128 : i32
        %mul3A_311 = arith.muli %add3A_309, %mul3A_310 : i32
        %dma_start3A_312 = tpu.memref_slice %arg3[%mul3A_311] : memref<640000xi32, #tpu.memory_space<hbm>> -> memref<128xi32, #tpu.memory_space<hbm>>
        %dma_start3A_313 = tpu.memref_slice %arg3[%mul3A_311] : memref<640000xi32, #tpu.memory_space<hbm>> -> memref<128xi32, #tpu.memory_space<hbm>>
        tpu.enqueue_dma source(%dma_start3A_313 : memref<128xi32, #tpu.memory_space<hbm>>) target(%arg6 : memref<128xi32, #tpu.memory_space<vmem>>) target_semaphore(%arg22 : memref<!tpu.dma_semaphore, #tpu.memory_space<semaphore_mem>>)
        %add3A_314 = arith.constant 320000 : i32
        %add3A_315 = arith.addi %add3A_314, %mul3A_311 : i32
        %dma_start3A_316 = tpu.memref_slice %arg3[%add3A_315] : memref<640000xi32, #tpu.memory_space<hbm>> -> memref<128xi32, #tpu.memory_space<hbm>>
        %dma_start3A_317 = tpu.memref_slice %arg3[%add3A_315] : memref<640000xi32, #tpu.memory_space<hbm>> -> memref<128xi32, #tpu.memory_space<hbm>>
        tpu.enqueue_dma source(%dma_start3A_317 : memref<128xi32, #tpu.memory_space<hbm>>) target(%arg12 : memref<128xi32, #tpu.memory_space<vmem>>) target_semaphore(%arg22 : memref<!tpu.dma_semaphore, #tpu.memory_space<semaphore_mem>>)
      } else {
      }
      %add3A_221 = arith.constant 2 : i32
      %add3A_222 = arith.addi %mul3A_170, %add3A_221 : i32
      %add3A_223 = arith.constant 3 : i32
      %add3A_224 = arith.addi %add3A_222, %add3A_223 : i32
      %lt3A_225 = arith.cmpi slt, %add3A_224, %add3A_8 : i32
      %convert_element_type3A_226 = arith.extui %lt3A_225 : i1 to i32
      %cond3A_227 = arith.constant 0 : i32
      %cond3A_228 = arith.cmpi ne, %convert_element_type3A_226, %cond3A_227 : i32
      scf.if %cond3A_228 {
        %dma_wait3A_305 = arith.constant 0 : i32
        %dma_wait3A_306 = arith.constant 0 : i32
        %dma_wait3A_307 = tpu.memref_slice %arg2[%dma_wait3A_305, %dma_wait3A_306] : memref<10000x128xf32, #tpu.memory_space<hbm>> -> memref<128x128xf32, #tpu.memory_space<hbm>>
        %dma_wait3A_308 = arith.constant 0 : i32
        %dma_wait3A_309 = arith.constant 0 : i32
        %dma_wait3A_310 = tpu.memref_slice %arg2[%dma_wait3A_308, %dma_wait3A_309] : memref<10000x128xf32, #tpu.memory_space<hbm>> -> memref<128x128xf32, #tpu.memory_space<hbm>>
        tpu.wait_dma2 semaphore(%arg32 : memref<!tpu.dma_semaphore, #tpu.memory_space<semaphore_mem>>) src(%dma_wait3A_310 : memref<128x128xf32, #tpu.memory_space<hbm>>) dst(%arg19 : memref<128x128xf32, #tpu.memory_space<vmem>>)
        %dma_wait3A_311 = arith.constant 0 : i32
        %dma_wait3A_312 = tpu.memref_slice %arg3[%dma_wait3A_311] : memref<640000xi32, #tpu.memory_space<hbm>> -> memref<128xi32, #tpu.memory_space<hbm>>
        %dma_wait3A_313 = arith.constant 0 : i32
        %dma_wait3A_314 = tpu.memref_slice %arg3[%dma_wait3A_313] : memref<640000xi32, #tpu.memory_space<hbm>> -> memref<128xi32, #tpu.memory_space<hbm>>
        tpu.wait_dma2 semaphore(%arg26 : memref<!tpu.dma_semaphore, #tpu.memory_space<semaphore_mem>>) src(%dma_wait3A_314 : memref<128xi32, #tpu.memory_space<hbm>>) dst(%arg10 : memref<128xi32, #tpu.memory_space<vmem>>)
        %dma_wait3A_315 = arith.constant 0 : i32
        %dma_wait3A_316 = tpu.memref_slice %arg3[%dma_wait3A_315] : memref<640000xi32, #tpu.memory_space<hbm>> -> memref<128xi32, #tpu.memory_space<hbm>>
        %dma_wait3A_317 = arith.constant 0 : i32
        %dma_wait3A_318 = tpu.memref_slice %arg3[%dma_wait3A_317] : memref<640000xi32, #tpu.memory_space<hbm>> -> memref<128xi32, #tpu.memory_space<hbm>>
        tpu.wait_dma2 semaphore(%arg26 : memref<!tpu.dma_semaphore, #tpu.memory_space<semaphore_mem>>) src(%dma_wait3A_318 : memref<128xi32, #tpu.memory_space<hbm>>) dst(%arg16 : memref<128xi32, #tpu.memory_space<vmem>>)
        %dma_start3A_319 = arith.constant 0 : i32
        %dma_start3A_320 = arith.constant 0 : i32
        %dma_start3A_321 = tpu.memref_slice %arg2[%dma_start3A_319, %dma_start3A_320] : memref<10000x128xf32, #tpu.memory_space<hbm>> -> memref<10000x128xf32, #tpu.memory_space<hbm>>
        tpu.enqueue_indirect_dma source(%dma_start3A_321 : memref<10000x128xf32, #tpu.memory_space<hbm>>) target(%arg19 : memref<128x128xf32, #tpu.memory_space<vmem>>) offsets(%arg10 : memref<128xi32, #tpu.memory_space<vmem>>) semaphore(%arg29 : memref<!tpu.dma_semaphore, #tpu.memory_space<semaphore_mem>>)
      } else {
      }
      %add3A_229 = arith.constant 2 : i32
      %add3A_230 = arith.addi %mul3A_170, %add3A_229 : i32
      %add3A_231 = arith.constant 6 : i32
      %add3A_232 = arith.addi %add3A_230, %add3A_231 : i32
      %lt3A_233 = arith.cmpi slt, %add3A_232, %add3A_8 : i32
      %convert_element_type3A_234 = arith.extui %lt3A_233 : i1 to i32
      %cond3A_235 = arith.constant 0 : i32
      %cond3A_236 = arith.cmpi ne, %convert_element_type3A_234, %cond3A_235 : i32
      scf.if %cond3A_236 {
        %add3A_305 = arith.constant 2 : i32
        %add3A_306 = arith.addi %mul3A_170, %add3A_305 : i32
        %add3A_307 = arith.constant 6 : i32
        %add3A_308 = arith.addi %add3A_306, %add3A_307 : i32
        %add3A_309 = arith.addi %add3A_4, %add3A_308 : i32
        %mul3A_310 = arith.constant 128 : i32
        %mul3A_311 = arith.muli %add3A_309, %mul3A_310 : i32
        %dma_start3A_312 = tpu.memref_slice %arg3[%mul3A_311] : memref<640000xi32, #tpu.memory_space<hbm>> -> memref<128xi32, #tpu.memory_space<hbm>>
        %dma_start3A_313 = tpu.memref_slice %arg3[%mul3A_311] : memref<640000xi32, #tpu.memory_space<hbm>> -> memref<128xi32, #tpu.memory_space<hbm>>
        tpu.enqueue_dma source(%dma_start3A_313 : memref<128xi32, #tpu.memory_space<hbm>>) target(%arg7 : memref<128xi32, #tpu.memory_space<vmem>>) target_semaphore(%arg23 : memref<!tpu.dma_semaphore, #tpu.memory_space<semaphore_mem>>)
        %add3A_314 = arith.constant 320000 : i32
        %add3A_315 = arith.addi %add3A_314, %mul3A_311 : i32
        %dma_start3A_316 = tpu.memref_slice %arg3[%add3A_315] : memref<640000xi32, #tpu.memory_space<hbm>> -> memref<128xi32, #tpu.memory_space<hbm>>
        %dma_start3A_317 = tpu.memref_slice %arg3[%add3A_315] : memref<640000xi32, #tpu.memory_space<hbm>> -> memref<128xi32, #tpu.memory_space<hbm>>
        tpu.enqueue_dma source(%dma_start3A_317 : memref<128xi32, #tpu.memory_space<hbm>>) target(%arg13 : memref<128xi32, #tpu.memory_space<vmem>>) target_semaphore(%arg23 : memref<!tpu.dma_semaphore, #tpu.memory_space<semaphore_mem>>)
      } else {
      }
      %add3A_237 = arith.constant 3 : i32
      %add3A_238 = arith.addi %mul3A_170, %add3A_237 : i32
      %add3A_239 = arith.constant 0 : i32
      %add3A_240 = arith.addi %add3A_238, %add3A_239 : i32
      %lt3A_241 = arith.cmpi slt, %add3A_240, %add3A_8 : i32
      %convert_element_type3A_242 = arith.extui %lt3A_241 : i1 to i32
      %cond3A_243 = arith.constant 0 : i32
      %cond3A_244 = arith.cmpi ne, %convert_element_type3A_242, %cond3A_243 : i32
      scf.if %cond3A_244 {
        %dma_wait3A_305 = arith.constant 0 : i32
        %dma_wait3A_306 = arith.constant 0 : i32
        %dma_wait3A_307 = tpu.memref_slice %arg2[%dma_wait3A_305, %dma_wait3A_306] : memref<10000x128xf32, #tpu.memory_space<hbm>> -> memref<128x128xf32, #tpu.memory_space<hbm>>
        %dma_wait3A_308 = arith.constant 0 : i32
        %dma_wait3A_309 = arith.constant 0 : i32
        %dma_wait3A_310 = tpu.memref_slice %arg2[%dma_wait3A_308, %dma_wait3A_309] : memref<10000x128xf32, #tpu.memory_space<hbm>> -> memref<128x128xf32, #tpu.memory_space<hbm>>
        tpu.wait_dma2 semaphore(%arg27 : memref<!tpu.dma_semaphore, #tpu.memory_space<semaphore_mem>>) src(%dma_wait3A_310 : memref<128x128xf32, #tpu.memory_space<hbm>>) dst(%arg17 : memref<128x128xf32, #tpu.memory_space<vmem>>)
        %dma_start3A_311 = arith.constant 0 : i32
        %dma_start3A_312 = arith.constant 0 : i32
        %dma_start3A_313 = tpu.memref_slice %arg20[%dma_start3A_311, %dma_start3A_312] : memref<10000x128xf32, #tpu.memory_space<vmem_shared>> -> memref<10000x128xf32, #tpu.memory_space<vmem_shared>>
        tpu.enqueue_indirect_dma source(%arg17 : memref<128x128xf32, #tpu.memory_space<vmem>>) target(%dma_start3A_313 : memref<10000x128xf32, #tpu.memory_space<vmem_shared>>) offsets(%arg14 : memref<128xi32, #tpu.memory_space<vmem>>) semaphore(%arg30 : memref<!tpu.dma_semaphore, #tpu.memory_space<semaphore_mem>>) {add = true}
      } else {
      }
      %add3A_245 = arith.constant 1 : i32
      %add3A_246 = arith.addi %add3A_238, %add3A_245 : i32
      %lt3A_247 = arith.cmpi slt, %add3A_246, %add3A_8 : i32
      %convert_element_type3A_248 = arith.extui %lt3A_247 : i1 to i32
      %cond3A_249 = arith.constant 0 : i32
      %cond3A_250 = arith.cmpi ne, %convert_element_type3A_248, %cond3A_249 : i32
      scf.if %cond3A_250 {
        %dma_wait3A_305 = arith.constant 0 : i32
        %dma_wait3A_306 = arith.constant 0 : i32
        %dma_wait3A_307 = tpu.memref_slice %arg2[%dma_wait3A_305, %dma_wait3A_306] : memref<10000x128xf32, #tpu.memory_space<hbm>> -> memref<128x128xf32, #tpu.memory_space<hbm>>
        %dma_wait3A_308 = arith.constant 0 : i32
        %dma_wait3A_309 = arith.constant 0 : i32
        %dma_wait3A_310 = tpu.memref_slice %arg2[%dma_wait3A_308, %dma_wait3A_309] : memref<10000x128xf32, #tpu.memory_space<hbm>> -> memref<128x128xf32, #tpu.memory_space<hbm>>
        tpu.wait_dma2 semaphore(%arg28 : memref<!tpu.dma_semaphore, #tpu.memory_space<semaphore_mem>>) src(%dma_wait3A_310 : memref<128x128xf32, #tpu.memory_space<hbm>>) dst(%arg18 : memref<128x128xf32, #tpu.memory_space<vmem>>)
        %dma_start3A_311 = arith.constant 0 : i32
        %dma_start3A_312 = arith.constant 0 : i32
        %dma_start3A_313 = tpu.memref_slice %arg20[%dma_start3A_311, %dma_start3A_312] : memref<10000x128xf32, #tpu.memory_space<vmem_shared>> -> memref<10000x128xf32, #tpu.memory_space<vmem_shared>>
        tpu.enqueue_indirect_dma source(%arg18 : memref<128x128xf32, #tpu.memory_space<vmem>>) target(%dma_start3A_313 : memref<10000x128xf32, #tpu.memory_space<vmem_shared>>) offsets(%arg15 : memref<128xi32, #tpu.memory_space<vmem>>) semaphore(%arg31 : memref<!tpu.dma_semaphore, #tpu.memory_space<semaphore_mem>>) {add = true}
      } else {
      }
      %add3A_251 = arith.constant 2 : i32
      %add3A_252 = arith.addi %add3A_238, %add3A_251 : i32
      %lt3A_253 = arith.cmpi slt, %add3A_252, %add3A_8 : i32
      %convert_element_type3A_254 = arith.extui %lt3A_253 : i1 to i32
      %cond3A_255 = arith.constant 0 : i32
      %cond3A_256 = arith.cmpi ne, %convert_element_type3A_254, %cond3A_255 : i32
      scf.if %cond3A_256 {
        %dma_wait3A_305 = arith.constant 0 : i32
        %dma_wait3A_306 = arith.constant 0 : i32
        %dma_wait3A_307 = tpu.memref_slice %arg2[%dma_wait3A_305, %dma_wait3A_306] : memref<10000x128xf32, #tpu.memory_space<hbm>> -> memref<128x128xf32, #tpu.memory_space<hbm>>
        %dma_wait3A_308 = arith.constant 0 : i32
        %dma_wait3A_309 = arith.constant 0 : i32
        %dma_wait3A_310 = tpu.memref_slice %arg2[%dma_wait3A_308, %dma_wait3A_309] : memref<10000x128xf32, #tpu.memory_space<hbm>> -> memref<128x128xf32, #tpu.memory_space<hbm>>
        tpu.wait_dma2 semaphore(%arg29 : memref<!tpu.dma_semaphore, #tpu.memory_space<semaphore_mem>>) src(%dma_wait3A_310 : memref<128x128xf32, #tpu.memory_space<hbm>>) dst(%arg19 : memref<128x128xf32, #tpu.memory_space<vmem>>)
        %dma_start3A_311 = arith.constant 0 : i32
        %dma_start3A_312 = arith.constant 0 : i32
        %dma_start3A_313 = tpu.memref_slice %arg20[%dma_start3A_311, %dma_start3A_312] : memref<10000x128xf32, #tpu.memory_space<vmem_shared>> -> memref<10000x128xf32, #tpu.memory_space<vmem_shared>>
        tpu.enqueue_indirect_dma source(%arg19 : memref<128x128xf32, #tpu.memory_space<vmem>>) target(%dma_start3A_313 : memref<10000x128xf32, #tpu.memory_space<vmem_shared>>) offsets(%arg16 : memref<128xi32, #tpu.memory_space<vmem>>) semaphore(%arg32 : memref<!tpu.dma_semaphore, #tpu.memory_space<semaphore_mem>>) {add = true}
      } else {
      }
      %add3A_257 = arith.constant 0 : i32
      %add3A_258 = arith.addi %add3A_238, %add3A_257 : i32
      %add3A_259 = arith.constant 3 : i32
      %add3A_260 = arith.addi %add3A_258, %add3A_259 : i32
      %lt3A_261 = arith.cmpi slt, %add3A_260, %add3A_8 : i32
      %convert_element_type3A_262 = arith.extui %lt3A_261 : i1 to i32
      %cond3A_263 = arith.constant 0 : i32
      %cond3A_264 = arith.cmpi ne, %convert_element_type3A_262, %cond3A_263 : i32
      scf.if %cond3A_264 {
        %dma_wait3A_305 = arith.constant 0 : i32
        %dma_wait3A_306 = arith.constant 0 : i32
        %dma_wait3A_307 = tpu.memref_slice %arg2[%dma_wait3A_305, %dma_wait3A_306] : memref<10000x128xf32, #tpu.memory_space<hbm>> -> memref<128x128xf32, #tpu.memory_space<hbm>>
        %dma_wait3A_308 = arith.constant 0 : i32
        %dma_wait3A_309 = arith.constant 0 : i32
        %dma_wait3A_310 = tpu.memref_slice %arg2[%dma_wait3A_308, %dma_wait3A_309] : memref<10000x128xf32, #tpu.memory_space<hbm>> -> memref<128x128xf32, #tpu.memory_space<hbm>>
        tpu.wait_dma2 semaphore(%arg30 : memref<!tpu.dma_semaphore, #tpu.memory_space<semaphore_mem>>) src(%dma_wait3A_310 : memref<128x128xf32, #tpu.memory_space<hbm>>) dst(%arg17 : memref<128x128xf32, #tpu.memory_space<vmem>>)
        %dma_wait3A_311 = arith.constant 0 : i32
        %dma_wait3A_312 = tpu.memref_slice %arg3[%dma_wait3A_311] : memref<640000xi32, #tpu.memory_space<hbm>> -> memref<128xi32, #tpu.memory_space<hbm>>
        %dma_wait3A_313 = arith.constant 0 : i32
        %dma_wait3A_314 = tpu.memref_slice %arg3[%dma_wait3A_313] : memref<640000xi32, #tpu.memory_space<hbm>> -> memref<128xi32, #tpu.memory_space<hbm>>
        tpu.wait_dma2 semaphore(%arg21 : memref<!tpu.dma_semaphore, #tpu.memory_space<semaphore_mem>>) src(%dma_wait3A_314 : memref<128xi32, #tpu.memory_space<hbm>>) dst(%arg5 : memref<128xi32, #tpu.memory_space<vmem>>)
        %dma_wait3A_315 = arith.constant 0 : i32
        %dma_wait3A_316 = tpu.memref_slice %arg3[%dma_wait3A_315] : memref<640000xi32, #tpu.memory_space<hbm>> -> memref<128xi32, #tpu.memory_space<hbm>>
        %dma_wait3A_317 = arith.constant 0 : i32
        %dma_wait3A_318 = tpu.memref_slice %arg3[%dma_wait3A_317] : memref<640000xi32, #tpu.memory_space<hbm>> -> memref<128xi32, #tpu.memory_space<hbm>>
        tpu.wait_dma2 semaphore(%arg21 : memref<!tpu.dma_semaphore, #tpu.memory_space<semaphore_mem>>) src(%dma_wait3A_318 : memref<128xi32, #tpu.memory_space<hbm>>) dst(%arg11 : memref<128xi32, #tpu.memory_space<vmem>>)
        %dma_start3A_319 = arith.constant 0 : i32
        %dma_start3A_320 = arith.constant 0 : i32
        %dma_start3A_321 = tpu.memref_slice %arg2[%dma_start3A_319, %dma_start3A_320] : memref<10000x128xf32, #tpu.memory_space<hbm>> -> memref<10000x128xf32, #tpu.memory_space<hbm>>
        tpu.enqueue_indirect_dma source(%dma_start3A_321 : memref<10000x128xf32, #tpu.memory_space<hbm>>) target(%arg17 : memref<128x128xf32, #tpu.memory_space<vmem>>) offsets(%arg5 : memref<128xi32, #tpu.memory_space<vmem>>) semaphore(%arg27 : memref<!tpu.dma_semaphore, #tpu.memory_space<semaphore_mem>>)
      } else {
      }
      %add3A_265 = arith.constant 0 : i32
      %add3A_266 = arith.addi %add3A_238, %add3A_265 : i32
      %add3A_267 = arith.constant 6 : i32
      %add3A_268 = arith.addi %add3A_266, %add3A_267 : i32
      %lt3A_269 = arith.cmpi slt, %add3A_268, %add3A_8 : i32
      %convert_element_type3A_270 = arith.extui %lt3A_269 : i1 to i32
      %cond3A_271 = arith.constant 0 : i32
      %cond3A_272 = arith.cmpi ne, %convert_element_type3A_270, %cond3A_271 : i32
      scf.if %cond3A_272 {
        %add3A_305 = arith.constant 0 : i32
        %add3A_306 = arith.addi %add3A_238, %add3A_305 : i32
        %add3A_307 = arith.constant 6 : i32
        %add3A_308 = arith.addi %add3A_306, %add3A_307 : i32
        %add3A_309 = arith.addi %add3A_4, %add3A_308 : i32
        %mul3A_310 = arith.constant 128 : i32
        %mul3A_311 = arith.muli %add3A_309, %mul3A_310 : i32
        %dma_start3A_312 = tpu.memref_slice %arg3[%mul3A_311] : memref<640000xi32, #tpu.memory_space<hbm>> -> memref<128xi32, #tpu.memory_space<hbm>>
        %dma_start3A_313 = tpu.memref_slice %arg3[%mul3A_311] : memref<640000xi32, #tpu.memory_space<hbm>> -> memref<128xi32, #tpu.memory_space<hbm>>
        tpu.enqueue_dma source(%dma_start3A_313 : memref<128xi32, #tpu.memory_space<hbm>>) target(%arg8 : memref<128xi32, #tpu.memory_space<vmem>>) target_semaphore(%arg24 : memref<!tpu.dma_semaphore, #tpu.memory_space<semaphore_mem>>)
        %add3A_314 = arith.constant 320000 : i32
        %add3A_315 = arith.addi %add3A_314, %mul3A_311 : i32
        %dma_start3A_316 = tpu.memref_slice %arg3[%add3A_315] : memref<640000xi32, #tpu.memory_space<hbm>> -> memref<128xi32, #tpu.memory_space<hbm>>
        %dma_start3A_317 = tpu.memref_slice %arg3[%add3A_315] : memref<640000xi32, #tpu.memory_space<hbm>> -> memref<128xi32, #tpu.memory_space<hbm>>
        tpu.enqueue_dma source(%dma_start3A_317 : memref<128xi32, #tpu.memory_space<hbm>>) target(%arg14 : memref<128xi32, #tpu.memory_space<vmem>>) target_semaphore(%arg24 : memref<!tpu.dma_semaphore, #tpu.memory_space<semaphore_mem>>)
      } else {
      }
      %add3A_273 = arith.constant 1 : i32
      %add3A_274 = arith.addi %add3A_238, %add3A_273 : i32
      %add3A_275 = arith.constant 3 : i32
      %add3A_276 = arith.addi %add3A_274, %add3A_275 : i32
      %lt3A_277 = arith.cmpi slt, %add3A_276, %add3A_8 : i32
      %convert_element_type3A_278 = arith.extui %lt3A_277 : i1 to i32
      %cond3A_279 = arith.constant 0 : i32
      %cond3A_280 = arith.cmpi ne, %convert_element_type3A_278, %cond3A_279 : i32
      scf.if %cond3A_280 {
        %dma_wait3A_305 = arith.constant 0 : i32
        %dma_wait3A_306 = arith.constant 0 : i32
        %dma_wait3A_307 = tpu.memref_slice %arg2[%dma_wait3A_305, %dma_wait3A_306] : memref<10000x128xf32, #tpu.memory_space<hbm>> -> memref<128x128xf32, #tpu.memory_space<hbm>>
        %dma_wait3A_308 = arith.constant 0 : i32
        %dma_wait3A_309 = arith.constant 0 : i32
        %dma_wait3A_310 = tpu.memref_slice %arg2[%dma_wait3A_308, %dma_wait3A_309] : memref<10000x128xf32, #tpu.memory_space<hbm>> -> memref<128x128xf32, #tpu.memory_space<hbm>>
        tpu.wait_dma2 semaphore(%arg31 : memref<!tpu.dma_semaphore, #tpu.memory_space<semaphore_mem>>) src(%dma_wait3A_310 : memref<128x128xf32, #tpu.memory_space<hbm>>) dst(%arg18 : memref<128x128xf32, #tpu.memory_space<vmem>>)
        %dma_wait3A_311 = arith.constant 0 : i32
        %dma_wait3A_312 = tpu.memref_slice %arg3[%dma_wait3A_311] : memref<640000xi32, #tpu.memory_space<hbm>> -> memref<128xi32, #tpu.memory_space<hbm>>
        %dma_wait3A_313 = arith.constant 0 : i32
        %dma_wait3A_314 = tpu.memref_slice %arg3[%dma_wait3A_313] : memref<640000xi32, #tpu.memory_space<hbm>> -> memref<128xi32, #tpu.memory_space<hbm>>
        tpu.wait_dma2 semaphore(%arg22 : memref<!tpu.dma_semaphore, #tpu.memory_space<semaphore_mem>>) src(%dma_wait3A_314 : memref<128xi32, #tpu.memory_space<hbm>>) dst(%arg6 : memref<128xi32, #tpu.memory_space<vmem>>)
        %dma_wait3A_315 = arith.constant 0 : i32
        %dma_wait3A_316 = tpu.memref_slice %arg3[%dma_wait3A_315] : memref<640000xi32, #tpu.memory_space<hbm>> -> memref<128xi32, #tpu.memory_space<hbm>>
        %dma_wait3A_317 = arith.constant 0 : i32
        %dma_wait3A_318 = tpu.memref_slice %arg3[%dma_wait3A_317] : memref<640000xi32, #tpu.memory_space<hbm>> -> memref<128xi32, #tpu.memory_space<hbm>>
        tpu.wait_dma2 semaphore(%arg22 : memref<!tpu.dma_semaphore, #tpu.memory_space<semaphore_mem>>) src(%dma_wait3A_318 : memref<128xi32, #tpu.memory_space<hbm>>) dst(%arg12 : memref<128xi32, #tpu.memory_space<vmem>>)
        %dma_start3A_319 = arith.constant 0 : i32
        %dma_start3A_320 = arith.constant 0 : i32
        %dma_start3A_321 = tpu.memref_slice %arg2[%dma_start3A_319, %dma_start3A_320] : memref<10000x128xf32, #tpu.memory_space<hbm>> -> memref<10000x128xf32, #tpu.memory_space<hbm>>
        tpu.enqueue_indirect_dma source(%dma_start3A_321 : memref<10000x128xf32, #tpu.memory_space<hbm>>) target(%arg18 : memref<128x128xf32, #tpu.memory_space<vmem>>) offsets(%arg6 : memref<128xi32, #tpu.memory_space<vmem>>) semaphore(%arg28 : memref<!tpu.dma_semaphore, #tpu.memory_space<semaphore_mem>>)
      } else {
      }
      %add3A_281 = arith.constant 1 : i32
      %add3A_282 = arith.addi %add3A_238, %add3A_281 : i32
      %add3A_283 = arith.constant 6 : i32
      %add3A_284 = arith.addi %add3A_282, %add3A_283 : i32
      %lt3A_285 = arith.cmpi slt, %add3A_284, %add3A_8 : i32
      %convert_element_type3A_286 = arith.extui %lt3A_285 : i1 to i32
      %cond3A_287 = arith.constant 0 : i32
      %cond3A_288 = arith.cmpi ne, %convert_element_type3A_286, %cond3A_287 : i32
      scf.if %cond3A_288 {
        %add3A_305 = arith.constant 1 : i32
        %add3A_306 = arith.addi %add3A_238, %add3A_305 : i32
        %add3A_307 = arith.constant 6 : i32
        %add3A_308 = arith.addi %add3A_306, %add3A_307 : i32
        %add3A_309 = arith.addi %add3A_4, %add3A_308 : i32
        %mul3A_310 = arith.constant 128 : i32
        %mul3A_311 = arith.muli %add3A_309, %mul3A_310 : i32
        %dma_start3A_312 = tpu.memref_slice %arg3[%mul3A_311] : memref<640000xi32, #tpu.memory_space<hbm>> -> memref<128xi32, #tpu.memory_space<hbm>>
        %dma_start3A_313 = tpu.memref_slice %arg3[%mul3A_311] : memref<640000xi32, #tpu.memory_space<hbm>> -> memref<128xi32, #tpu.memory_space<hbm>>
        tpu.enqueue_dma source(%dma_start3A_313 : memref<128xi32, #tpu.memory_space<hbm>>) target(%arg9 : memref<128xi32, #tpu.memory_space<vmem>>) target_semaphore(%arg25 : memref<!tpu.dma_semaphore, #tpu.memory_space<semaphore_mem>>)
        %add3A_314 = arith.constant 320000 : i32
        %add3A_315 = arith.addi %add3A_314, %mul3A_311 : i32
        %dma_start3A_316 = tpu.memref_slice %arg3[%add3A_315] : memref<640000xi32, #tpu.memory_space<hbm>> -> memref<128xi32, #tpu.memory_space<hbm>>
        %dma_start3A_317 = tpu.memref_slice %arg3[%add3A_315] : memref<640000xi32, #tpu.memory_space<hbm>> -> memref<128xi32, #tpu.memory_space<hbm>>
        tpu.enqueue_dma source(%dma_start3A_317 : memref<128xi32, #tpu.memory_space<hbm>>) target(%arg15 : memref<128xi32, #tpu.memory_space<vmem>>) target_semaphore(%arg25 : memref<!tpu.dma_semaphore, #tpu.memory_space<semaphore_mem>>)
      } else {
      }
      %add3A_289 = arith.constant 2 : i32
      %add3A_290 = arith.addi %add3A_238, %add3A_289 : i32
      %add3A_291 = arith.constant 3 : i32
      %add3A_292 = arith.addi %add3A_290, %add3A_291 : i32
      %lt3A_293 = arith.cmpi slt, %add3A_292, %add3A_8 : i32
      %convert_element_type3A_294 = arith.extui %lt3A_293 : i1 to i32
      %cond3A_295 = arith.constant 0 : i32
      %cond3A_296 = arith.cmpi ne, %convert_element_type3A_294, %cond3A_295 : i32
      scf.if %cond3A_296 {
        %dma_wait3A_305 = arith.constant 0 : i32
        %dma_wait3A_306 = arith.constant 0 : i32
        %dma_wait3A_307 = tpu.memref_slice %arg2[%dma_wait3A_305, %dma_wait3A_306] : memref<10000x128xf32, #tpu.memory_space<hbm>> -> memref<128x128xf32, #tpu.memory_space<hbm>>
        %dma_wait3A_308 = arith.constant 0 : i32
        %dma_wait3A_309 = arith.constant 0 : i32
        %dma_wait3A_310 = tpu.memref_slice %arg2[%dma_wait3A_308, %dma_wait3A_309] : memref<10000x128xf32, #tpu.memory_space<hbm>> -> memref<128x128xf32, #tpu.memory_space<hbm>>
        tpu.wait_dma2 semaphore(%arg32 : memref<!tpu.dma_semaphore, #tpu.memory_space<semaphore_mem>>) src(%dma_wait3A_310 : memref<128x128xf32, #tpu.memory_space<hbm>>) dst(%arg19 : memref<128x128xf32, #tpu.memory_space<vmem>>)
        %dma_wait3A_311 = arith.constant 0 : i32
        %dma_wait3A_312 = tpu.memref_slice %arg3[%dma_wait3A_311] : memref<640000xi32, #tpu.memory_space<hbm>> -> memref<128xi32, #tpu.memory_space<hbm>>
        %dma_wait3A_313 = arith.constant 0 : i32
        %dma_wait3A_314 = tpu.memref_slice %arg3[%dma_wait3A_313] : memref<640000xi32, #tpu.memory_space<hbm>> -> memref<128xi32, #tpu.memory_space<hbm>>
        tpu.wait_dma2 semaphore(%arg23 : memref<!tpu.dma_semaphore, #tpu.memory_space<semaphore_mem>>) src(%dma_wait3A_314 : memref<128xi32, #tpu.memory_space<hbm>>) dst(%arg7 : memref<128xi32, #tpu.memory_space<vmem>>)
        %dma_wait3A_315 = arith.constant 0 : i32
        %dma_wait3A_316 = tpu.memref_slice %arg3[%dma_wait3A_315] : memref<640000xi32, #tpu.memory_space<hbm>> -> memref<128xi32, #tpu.memory_space<hbm>>
        %dma_wait3A_317 = arith.constant 0 : i32
        %dma_wait3A_318 = tpu.memref_slice %arg3[%dma_wait3A_317] : memref<640000xi32, #tpu.memory_space<hbm>> -> memref<128xi32, #tpu.memory_space<hbm>>
        tpu.wait_dma2 semaphore(%arg23 : memref<!tpu.dma_semaphore, #tpu.memory_space<semaphore_mem>>) src(%dma_wait3A_318 : memref<128xi32, #tpu.memory_space<hbm>>) dst(%arg13 : memref<128xi32, #tpu.memory_space<vmem>>)
        %dma_start3A_319 = arith.constant 0 : i32
        %dma_start3A_320 = arith.constant 0 : i32
        %dma_start3A_321 = tpu.memref_slice %arg2[%dma_start3A_319, %dma_start3A_320] : memref<10000x128xf32, #tpu.memory_space<hbm>> -> memref<10000x128xf32, #tpu.memory_space<hbm>>
        tpu.enqueue_indirect_dma source(%dma_start3A_321 : memref<10000x128xf32, #tpu.memory_space<hbm>>) target(%arg19 : memref<128x128xf32, #tpu.memory_space<vmem>>) offsets(%arg7 : memref<128xi32, #tpu.memory_space<vmem>>) semaphore(%arg29 : memref<!tpu.dma_semaphore, #tpu.memory_space<semaphore_mem>>)
      } else {
      }
      %add3A_297 = arith.constant 2 : i32
      %add3A_298 = arith.addi %add3A_238, %add3A_297 : i32
      %add3A_299 = arith.constant 6 : i32
      %add3A_300 = arith.addi %add3A_298, %add3A_299 : i32
      %lt3A_301 = arith.cmpi slt, %add3A_300, %add3A_8 : i32
      %convert_element_type3A_302 = arith.extui %lt3A_301 : i1 to i32
      %cond3A_303 = arith.constant 0 : i32
      %cond3A_304 = arith.cmpi ne, %convert_element_type3A_302, %cond3A_303 : i32
      scf.if %cond3A_304 {
        %add3A_305 = arith.constant 2 : i32
        %add3A_306 = arith.addi %add3A_238, %add3A_305 : i32
        %add3A_307 = arith.constant 6 : i32
        %add3A_308 = arith.addi %add3A_306, %add3A_307 : i32
        %add3A_309 = arith.addi %add3A_4, %add3A_308 : i32
        %mul3A_310 = arith.constant 128 : i32
        %mul3A_311 = arith.muli %add3A_309, %mul3A_310 : i32
        %dma_start3A_312 = tpu.memref_slice %arg3[%mul3A_311] : memref<640000xi32, #tpu.memory_space<hbm>> -> memref<128xi32, #tpu.memory_space<hbm>>
        %dma_start3A_313 = tpu.memref_slice %arg3[%mul3A_311] : memref<640000xi32, #tpu.memory_space<hbm>> -> memref<128xi32, #tpu.memory_space<hbm>>
        tpu.enqueue_dma source(%dma_start3A_313 : memref<128xi32, #tpu.memory_space<hbm>>) target(%arg10 : memref<128xi32, #tpu.memory_space<vmem>>) target_semaphore(%arg26 : memref<!tpu.dma_semaphore, #tpu.memory_space<semaphore_mem>>)
        %add3A_314 = arith.constant 320000 : i32
        %add3A_315 = arith.addi %add3A_314, %mul3A_311 : i32
        %dma_start3A_316 = tpu.memref_slice %arg3[%add3A_315] : memref<640000xi32, #tpu.memory_space<hbm>> -> memref<128xi32, #tpu.memory_space<hbm>>
        %dma_start3A_317 = tpu.memref_slice %arg3[%add3A_315] : memref<640000xi32, #tpu.memory_space<hbm>> -> memref<128xi32, #tpu.memory_space<hbm>>
        tpu.enqueue_dma source(%dma_start3A_317 : memref<128xi32, #tpu.memory_space<hbm>>) target(%arg16 : memref<128xi32, #tpu.memory_space<vmem>>) target_semaphore(%arg26 : memref<!tpu.dma_semaphore, #tpu.memory_space<semaphore_mem>>)
      } else {
      }
    }
    %dma_wait3A_137 = arith.constant 0 : i32
    %dma_wait3A_138 = arith.constant 0 : i32
    %dma_wait3A_139 = tpu.memref_slice %arg2[%dma_wait3A_137, %dma_wait3A_138] : memref<10000x128xf32, #tpu.memory_space<hbm>> -> memref<128x128xf32, #tpu.memory_space<hbm>>
    %dma_wait3A_140 = arith.constant 0 : i32
    %dma_wait3A_141 = arith.constant 0 : i32
    %dma_wait3A_142 = tpu.memref_slice %arg2[%dma_wait3A_140, %dma_wait3A_141] : memref<10000x128xf32, #tpu.memory_space<hbm>> -> memref<128x128xf32, #tpu.memory_space<hbm>>
    tpu.wait_dma2 semaphore(%arg30 : memref<!tpu.dma_semaphore, #tpu.memory_space<semaphore_mem>>) src(%dma_wait3A_142 : memref<128x128xf32, #tpu.memory_space<hbm>>) dst(%arg17 : memref<128x128xf32, #tpu.memory_space<vmem>>)
    %dma_wait3A_143 = arith.constant 0 : i32
    %dma_wait3A_144 = arith.constant 0 : i32
    %dma_wait3A_145 = tpu.memref_slice %arg2[%dma_wait3A_143, %dma_wait3A_144] : memref<10000x128xf32, #tpu.memory_space<hbm>> -> memref<128x128xf32, #tpu.memory_space<hbm>>
    %dma_wait3A_146 = arith.constant 0 : i32
    %dma_wait3A_147 = arith.constant 0 : i32
    %dma_wait3A_148 = tpu.memref_slice %arg2[%dma_wait3A_146, %dma_wait3A_147] : memref<10000x128xf32, #tpu.memory_space<hbm>> -> memref<128x128xf32, #tpu.memory_space<hbm>>
    tpu.wait_dma2 semaphore(%arg31 : memref<!tpu.dma_semaphore, #tpu.memory_space<semaphore_mem>>) src(%dma_wait3A_148 : memref<128x128xf32, #tpu.memory_space<hbm>>) dst(%arg18 : memref<128x128xf32, #tpu.memory_space<vmem>>)
    %dma_wait3A_149 = arith.constant 0 : i32
    %dma_wait3A_150 = arith.constant 0 : i32
    %dma_wait3A_151 = tpu.memref_slice %arg2[%dma_wait3A_149, %dma_wait3A_150] : memref<10000x128xf32, #tpu.memory_space<hbm>> -> memref<128x128xf32, #tpu.memory_space<hbm>>
    %dma_wait3A_152 = arith.constant 0 : i32
    %dma_wait3A_153 = arith.constant 0 : i32
    %dma_wait3A_154 = tpu.memref_slice %arg2[%dma_wait3A_152, %dma_wait3A_153] : memref<10000x128xf32, #tpu.memory_space<hbm>> -> memref<128x128xf32, #tpu.memory_space<hbm>>
    tpu.wait_dma2 semaphore(%arg32 : memref<!tpu.dma_semaphore, #tpu.memory_space<semaphore_mem>>) src(%dma_wait3A_154 : memref<128x128xf32, #tpu.memory_space<hbm>>) dst(%arg19 : memref<128x128xf32, #tpu.memory_space<vmem>>)
    %barrier3A_155 = arith.constant 0 : index
    tpu.barrier barrier_id(%barrier3A_155)
    %mul3A_156 = arith.constant 624 : i32
    %mul3A_157 = arith.muli %arg1, %mul3A_156 : i32
    %lt3A_158 = arith.constant 15 : i32
    %lt3A_159 = arith.cmpi slt, %arg1, %lt3A_158 : i32
    %convert_element_type3A_160 = arith.extui %lt3A_159 : i1 to i32
    %cond3A_161 = arith.constant 0 : i32
    %cond3A_162 = arith.cmpi ne, %convert_element_type3A_160, %cond3A_161 : i32
    scf.if %cond3A_162 {
      "tpu.region"() ({
        %run_scoped3A = tpu.sem_alloc : memref<!tpu.dma_semaphore, #tpu.memory_space<semaphore_mem>>
        %dma_start3A_168 = arith.constant 0 : i32
        %dma_start3A_169 = tpu.memref_slice %arg4[%arg0, %mul3A_157, %dma_start3A_168] : memref<2x10000x128xf32, #tpu.memory_space<hbm>> -> memref<1x624x128xf32, #tpu.memory_space<hbm>>
        %dma_start3A_170 = tpu.memref_squeeze %dma_start3A_169 : memref<1x624x128xf32, #tpu.memory_space<hbm>> -> memref<624x128xf32, #tpu.memory_space<hbm>>
        %dma_start3A_171 = arith.constant 0 : i32
        %dma_start3A_172 = tpu.memref_slice %arg20[%mul3A_157, %dma_start3A_171] : memref<10000x128xf32, #tpu.memory_space<vmem_shared>> -> memref<624x128xf32, #tpu.memory_space<vmem_shared>>
        tpu.enqueue_dma source(%dma_start3A_172 : memref<624x128xf32, #tpu.memory_space<vmem_shared>>) target(%dma_start3A_170 : memref<624x128xf32, #tpu.memory_space<hbm>>) target_semaphore(%run_scoped3A : memref<!tpu.dma_semaphore, #tpu.memory_space<semaphore_mem>>)
        %dma_wait3A_173 = arith.constant 0 : i32
        %dma_wait3A_174 = tpu.memref_slice %arg4[%arg0, %mul3A_157, %dma_wait3A_173] : memref<2x10000x128xf32, #tpu.memory_space<hbm>> -> memref<1x624x128xf32, #tpu.memory_space<hbm>>
        %dma_wait3A_175 = tpu.memref_squeeze %dma_wait3A_174 : memref<1x624x128xf32, #tpu.memory_space<hbm>> -> memref<624x128xf32, #tpu.memory_space<hbm>>
        %dma_wait3A_176 = arith.constant 0 : i32
        %dma_wait3A_177 = tpu.memref_slice %arg20[%mul3A_157, %dma_wait3A_176] : memref<10000x128xf32, #tpu.memory_space<vmem_shared>> -> memref<624x128xf32, #tpu.memory_space<vmem_shared>>
        tpu.wait_dma2 semaphore(%run_scoped3A : memref<!tpu.dma_semaphore, #tpu.memory_space<semaphore_mem>>) src(%dma_wait3A_177 : memref<624x128xf32, #tpu.memory_space<vmem_shared>>) dst(%dma_wait3A_175 : memref<624x128xf32, #tpu.memory_space<hbm>>)
        tpu.yield
      }) : () -> ()
    } else {
    }
    %eq3A_163 = arith.constant 15 : i32
    %eq3A_164 = arith.cmpi eq, %arg1, %eq3A_163 : i32
    %convert_element_type3A_165 = arith.extui %eq3A_164 : i1 to i32
    %cond3A_166 = arith.constant 0 : i32
    %cond3A_167 = arith.cmpi ne, %convert_element_type3A_165, %cond3A_166 : i32
    scf.if %cond3A_167 {
      "tpu.region"() ({
        %run_scoped3A = tpu.sem_alloc : memref<!tpu.dma_semaphore, #tpu.memory_space<semaphore_mem>>
        %dma_start3A_168 = arith.constant 0 : i32
        %dma_start3A_169 = tpu.memref_slice %arg4[%arg0, %mul3A_157, %dma_start3A_168] : memref<2x10000x128xf32, #tpu.memory_space<hbm>> -> memref<1x640x128xf32, #tpu.memory_space<hbm>>
        %dma_start3A_170 = tpu.memref_squeeze %dma_start3A_169 : memref<1x640x128xf32, #tpu.memory_space<hbm>> -> memref<640x128xf32, #tpu.memory_space<hbm>>
        %dma_start3A_171 = arith.constant 0 : i32
        %dma_start3A_172 = tpu.memref_slice %arg20[%mul3A_157, %dma_start3A_171] : memref<10000x128xf32, #tpu.memory_space<vmem_shared>> -> memref<640x128xf32, #tpu.memory_space<vmem_shared>>
        tpu.enqueue_dma source(%dma_start3A_172 : memref<640x128xf32, #tpu.memory_space<vmem_shared>>) target(%dma_start3A_170 : memref<640x128xf32, #tpu.memory_space<hbm>>) target_semaphore(%run_scoped3A : memref<!tpu.dma_semaphore, #tpu.memory_space<semaphore_mem>>)
        %dma_wait3A_173 = arith.constant 0 : i32
        %dma_wait3A_174 = tpu.memref_slice %arg4[%arg0, %mul3A_157, %dma_wait3A_173] : memref<2x10000x128xf32, #tpu.memory_space<hbm>> -> memref<1x640x128xf32, #tpu.memory_space<hbm>>
        %dma_wait3A_175 = tpu.memref_squeeze %dma_wait3A_174 : memref<1x640x128xf32, #tpu.memory_space<hbm>> -> memref<640x128xf32, #tpu.memory_space<hbm>>
        %dma_wait3A_176 = arith.constant 0 : i32
        %dma_wait3A_177 = tpu.memref_slice %arg20[%mul3A_157, %dma_wait3A_176] : memref<10000x128xf32, #tpu.memory_space<vmem_shared>> -> memref<640x128xf32, #tpu.memory_space<vmem_shared>>
        tpu.wait_dma2 semaphore(%run_scoped3A : memref<!tpu.dma_semaphore, #tpu.memory_space<semaphore_mem>>) src(%dma_wait3A_177 : memref<640x128xf32, #tpu.memory_space<vmem_shared>>) dst(%dma_wait3A_175 : memref<640x128xf32, #tpu.memory_space<hbm>>)
        tpu.yield
      }) : () -> ()
    } else {
    }
    return
  }
}

module attributes {stable_mosaic.version = 14 : i64} {
  func.func @_tc1_body(%arg0: memref<10000x128xf32, #tpu.memory_space<vmem>>, %arg1: memref<2x10000x128xf32, #tpu.memory_space<vmem>>, %arg2: memref<10000x1xf32, #tpu.memory_space<vmem>>, %arg3: memref<10000x128xf32, #tpu.memory_space<vmem>>) attributes {dimension_semantics = [], scalar_prefetch = 0 : i64, scratch_operands = 0 : i64, tpu.core_type = #tpu.core_type<tc>} {
    %get3A = arith.constant 0 : index
    %get3A_0 = arith.constant 0 : index
    %get3A_1 = arith.constant 0 : index
    %get3A_2 = vector.load %arg1[%get3A, %get3A_0, %get3A_1] : memref<2x10000x128xf32, #tpu.memory_space<vmem>>, vector<1x10000x1xf32>
    %get3A_3 = vector.shape_cast %get3A_2 : vector<1x10000x1xf32> to vector<10000x1xf32>
    %add3A = arith.constant 1.000000e+00 : f32
    %add3A_4 = vector.broadcast %add3A : f32 to vector<10000x1xf32>
    %add3A_5 = arith.addf %add3A_4, %get3A_3 : vector<10000x1xf32>
    %get3A_6 = arith.constant 1 : index
    %get3A_7 = arith.constant 0 : index
    %get3A_8 = arith.constant 0 : index
    %get3A_9 = vector.load %arg1[%get3A_6, %get3A_7, %get3A_8] : memref<2x10000x128xf32, #tpu.memory_space<vmem>>, vector<1x10000x1xf32>
    %get3A_10 = vector.shape_cast %get3A_9 : vector<1x10000x1xf32> to vector<10000x1xf32>
    %add3A_11 = arith.addf %add3A_5, %get3A_10 : vector<10000x1xf32>
    %rsqrt3A = math.rsqrt %add3A_11 : vector<10000x1xf32>
    %swap3A = arith.constant 0 : index
    %swap3A_12 = arith.constant 0 : index
    %swap3A_13 = vector.load %arg2[%swap3A, %swap3A_12] : memref<10000x1xf32, #tpu.memory_space<vmem>>, vector<10000x1xf32>
    tpu.vector_store %arg2[%swap3A, %swap3A_12], %rsqrt3A {strides = array<i32>} : memref<10000x1xf32, #tpu.memory_space<vmem>>, vector<10000x1xf32>,
    %get3A_14 = arith.constant 0 : index
    %get3A_15 = arith.constant 0 : index
    %get3A_16 = vector.load %arg0[%get3A_14, %get3A_15] : memref<10000x128xf32, #tpu.memory_space<vmem>>, vector<10000x128xf32>
    %mul3A = vector.broadcast %rsqrt3A : vector<10000x1xf32> to vector<10000x128xf32>
    %mul3A_17 = arith.mulf %get3A_16, %mul3A : vector<10000x128xf32>
    %swap3A_18 = arith.constant 0 : index
    %swap3A_19 = arith.constant 0 : index
    %swap3A_20 = vector.load %arg3[%swap3A_18, %swap3A_19] : memref<10000x128xf32, #tpu.memory_space<vmem>>, vector<10000x128xf32>
    tpu.vector_store %arg3[%swap3A_18, %swap3A_19], %mul3A_17 {strides = array<i32>} : memref<10000x128xf32, #tpu.memory_space<vmem>>, vector<10000x128xf32>,
    return
  }
}

module attributes {stable_mosaic.version = 14 : i64} {
  func.func @_tc_mm_body(%arg0: memref<10000x128xf32, #tpu.memory_space<vmem>>, %arg1: memref<128x128xf32, #tpu.memory_space<vmem>>, %arg2: memref<10000x128xf32, #tpu.memory_space<vmem>>) attributes {dimension_semantics = [], scalar_prefetch = 0 : i64, scratch_operands = 0 : i64, tpu.core_type = #tpu.core_type<tc>} {
    %get3A = arith.constant 0 : index
    %get3A_0 = arith.constant 0 : index
    %get3A_1 = vector.load %arg0[%get3A, %get3A_0] : memref<10000x128xf32, #tpu.memory_space<vmem>>, vector<10000x128xf32>
    %get3A_2 = arith.constant 0 : index
    %get3A_3 = arith.constant 0 : index
    %get3A_4 = vector.load %arg1[%get3A_2, %get3A_3] : memref<128x128xf32, #tpu.memory_space<vmem>>, vector<128x128xf32>
    %dot_general3A = arith.constant dense<0.000000e+00> : vector<10000x128xf32>
    %dot_general3A_5 = tpu.matmul %get3A_1, %get3A_4, %dot_general3A {dimension_numbers = #tpu.dot_dimension_numbers<[1], [0], [0], [1], [0, 0, 1, 1], [], []>, transpose_lhs_hint = false} : vector<10000x128xf32>, vector<128x128xf32>, vector<10000x128xf32> -> vector<10000x128xf32>
    %swap3A = arith.constant 0 : index
    %swap3A_6 = arith.constant 0 : index
    %swap3A_7 = vector.load %arg2[%swap3A, %swap3A_6] : memref<10000x128xf32, #tpu.memory_space<vmem>>, vector<10000x128xf32>
    tpu.vector_store %arg2[%swap3A, %swap3A_6], %dot_general3A_5 {strides = array<i32>} : memref<10000x128xf32, #tpu.memory_space<vmem>>, vector<10000x128xf32>,
    return
  }
}

module attributes {stable_mosaic.version = 14 : i64} {
  func.func @_tc2_body(%arg0: memref<2x10000x128xf32, #tpu.memory_space<vmem>>, %arg1: memref<10000x128xf32, #tpu.memory_space<vmem>>, %arg2: memref<10000x1xf32, #tpu.memory_space<vmem>>, %arg3: memref<1x128xf32, #tpu.memory_space<vmem>>, %arg4: memref<128x128xf32, #tpu.memory_space<vmem>>, %arg5: memref<10000x128xf32, #tpu.memory_space<vmem>>) attributes {dimension_semantics = [], scalar_prefetch = 0 : i64, scratch_operands = 0 : i64, tpu.core_type = #tpu.core_type<tc>} {
    %get3A = arith.constant 0 : index
    %get3A_0 = arith.constant 0 : index
    %get3A_1 = arith.constant 0 : index
    %get3A_2 = vector.load %arg0[%get3A, %get3A_0, %get3A_1] : memref<2x10000x128xf32, #tpu.memory_space<vmem>>, vector<1x10000x128xf32>
    %get3A_3 = vector.shape_cast %get3A_2 : vector<1x10000x128xf32> to vector<10000x128xf32>
    %get3A_4 = arith.constant 1 : index
    %get3A_5 = arith.constant 0 : index
    %get3A_6 = arith.constant 0 : index
    %get3A_7 = vector.load %arg0[%get3A_4, %get3A_5, %get3A_6] : memref<2x10000x128xf32, #tpu.memory_space<vmem>>, vector<1x10000x128xf32>
    %get3A_8 = vector.shape_cast %get3A_7 : vector<1x10000x128xf32> to vector<10000x128xf32>
    %add3A = arith.addf %get3A_3, %get3A_8 : vector<10000x128xf32>
    %get3A_9 = arith.constant 0 : index
    %get3A_10 = arith.constant 0 : index
    %get3A_11 = vector.load %arg1[%get3A_9, %get3A_10] : memref<10000x128xf32, #tpu.memory_space<vmem>>, vector<10000x128xf32>
    %sub3A = arith.subf %add3A, %get3A_11 : vector<10000x128xf32>
    %get3A_12 = arith.constant 0 : index
    %get3A_13 = arith.constant 0 : index
    %get3A_14 = vector.load %arg2[%get3A_12, %get3A_13] : memref<10000x1xf32, #tpu.memory_space<vmem>>, vector<10000x1xf32>
    %mul3A = vector.broadcast %get3A_14 : vector<10000x1xf32> to vector<10000x128xf32>
    %mul3A_15 = arith.mulf %mul3A, %sub3A : vector<10000x128xf32>
    %get3A_16 = arith.constant 0 : index
    %get3A_17 = arith.constant 0 : index
    %get3A_18 = vector.load %arg3[%get3A_16, %get3A_17] : memref<1x128xf32, #tpu.memory_space<vmem>>, vector<1x128xf32>
    %add3A_19 = vector.broadcast %get3A_18 : vector<1x128xf32> to vector<10000x128xf32>
    %add3A_20 = arith.addf %mul3A_15, %add3A_19 : vector<10000x128xf32>
    %max3A = arith.constant 0.000000e+00 : f32
    %max3A_21 = vector.broadcast %max3A : f32 to vector<10000x128xf32>
    %max3A_22 = arith.maximumf %add3A_20, %max3A_21 : vector<10000x128xf32>
    %get3A_23 = arith.constant 0 : index
    %get3A_24 = arith.constant 0 : index
    %get3A_25 = vector.load %arg4[%get3A_23, %get3A_24] : memref<128x128xf32, #tpu.memory_space<vmem>>, vector<128x128xf32>
    %dot_general3A = arith.constant dense<0.000000e+00> : vector<10000x128xf32>
    %dot_general3A_26 = tpu.matmul %max3A_22, %get3A_25, %dot_general3A {dimension_numbers = #tpu.dot_dimension_numbers<[1], [0], [0], [1], [0, 0, 1, 1], [], []>, transpose_lhs_hint = false} : vector<10000x128xf32>, vector<128x128xf32>, vector<10000x128xf32> -> vector<10000x128xf32>
    %get3A_27 = arith.constant 0 : index
    %get3A_28 = arith.constant 0 : index
    %get3A_29 = vector.load %arg2[%get3A_27, %get3A_28] : memref<10000x1xf32, #tpu.memory_space<vmem>>, vector<10000x1xf32>
    %mul3A_30 = vector.broadcast %get3A_29 : vector<10000x1xf32> to vector<10000x128xf32>
    %mul3A_31 = arith.mulf %dot_general3A_26, %mul3A_30 : vector<10000x128xf32>
    %swap3A = arith.constant 0 : index
    %swap3A_32 = arith.constant 0 : index
    %swap3A_33 = vector.load %arg5[%swap3A, %swap3A_32] : memref<10000x128xf32, #tpu.memory_space<vmem>>, vector<10000x128xf32>
    tpu.vector_store %arg5[%swap3A, %swap3A_32], %mul3A_31 {strides = array<i32>} : memref<10000x128xf32, #tpu.memory_space<vmem>>, vector<10000x128xf32>,
    return
  }
}

module attributes {stable_mosaic.version = 14 : i64} {
  func.func @_tc3_body(%arg0: memref<2x10000x128xf32, #tpu.memory_space<vmem>>, %arg1: memref<10000x128xf32, #tpu.memory_space<vmem>>, %arg2: memref<10000x1xf32, #tpu.memory_space<vmem>>, %arg3: memref<1x128xf32, #tpu.memory_space<vmem>>, %arg4: memref<1x128xf32, #tpu.memory_space<vmem>>, %arg5: memref<1x128xf32, #tpu.memory_space<vmem>>, %arg6: memref<128x128xf32, #tpu.memory_space<vmem>>, %arg7: memref<1x128xf32, #tpu.memory_space<vmem>>, %arg8: memref<128x128xf32, #tpu.memory_space<vmem>>, %arg9: memref<1x128xf32, #tpu.memory_space<vmem>>, %arg10: memref<10000x8xf32, #tpu.memory_space<vmem>>) attributes {dimension_semantics = [], scalar_prefetch = 0 : i64, scratch_operands = 0 : i64, tpu.core_type = #tpu.core_type<tc>} {
    %get3A = arith.constant 0 : index
    %get3A_0 = arith.constant 0 : index
    %get3A_1 = arith.constant 0 : index
    %get3A_2 = vector.load %arg0[%get3A, %get3A_0, %get3A_1] : memref<2x10000x128xf32, #tpu.memory_space<vmem>>, vector<1x10000x128xf32>
    %get3A_3 = vector.shape_cast %get3A_2 : vector<1x10000x128xf32> to vector<10000x128xf32>
    %get3A_4 = arith.constant 1 : index
    %get3A_5 = arith.constant 0 : index
    %get3A_6 = arith.constant 0 : index
    %get3A_7 = vector.load %arg0[%get3A_4, %get3A_5, %get3A_6] : memref<2x10000x128xf32, #tpu.memory_space<vmem>>, vector<1x10000x128xf32>
    %get3A_8 = vector.shape_cast %get3A_7 : vector<1x10000x128xf32> to vector<10000x128xf32>
    %add3A = arith.addf %get3A_3, %get3A_8 : vector<10000x128xf32>
    %get3A_9 = arith.constant 0 : index
    %get3A_10 = arith.constant 0 : index
    %get3A_11 = vector.load %arg1[%get3A_9, %get3A_10] : memref<10000x128xf32, #tpu.memory_space<vmem>>, vector<10000x128xf32>
    %sub3A = arith.subf %add3A, %get3A_11 : vector<10000x128xf32>
    %get3A_12 = arith.constant 0 : index
    %get3A_13 = arith.constant 0 : index
    %get3A_14 = vector.load %arg2[%get3A_12, %get3A_13] : memref<10000x1xf32, #tpu.memory_space<vmem>>, vector<10000x1xf32>
    %mul3A = vector.broadcast %get3A_14 : vector<10000x1xf32> to vector<10000x128xf32>
    %mul3A_15 = arith.mulf %mul3A, %sub3A : vector<10000x128xf32>
    %get3A_16 = arith.constant 0 : index
    %get3A_17 = arith.constant 0 : index
    %get3A_18 = vector.load %arg3[%get3A_16, %get3A_17] : memref<1x128xf32, #tpu.memory_space<vmem>>, vector<1x128xf32>
    %add3A_19 = vector.broadcast %get3A_18 : vector<1x128xf32> to vector<10000x128xf32>
    %add3A_20 = arith.addf %mul3A_15, %add3A_19 : vector<10000x128xf32>
    %gt3A = arith.constant 0.000000e+00 : f32
    %gt3A_21 = vector.broadcast %gt3A : f32 to vector<10000x128xf32>
    %gt3A_22 = arith.cmpf ogt, %add3A_20, %gt3A_21 : vector<10000x128xf32>
    %mul3A_23 = arith.constant 0.00999999977 : f32
    %mul3A_24 = vector.broadcast %mul3A_23 : f32 to vector<10000x128xf32>
    %mul3A_25 = arith.mulf %mul3A_24, %add3A_20 : vector<10000x128xf32>
    %select_n3A = arith.select %gt3A_22, %add3A_20, %mul3A_25 : vector<10000x128xi1>, vector<10000x128xf32>
    %reduce_sum3A = arith.constant dense<0.000000e+00> : vector<128xf32>
    %reduce_sum3A_26 = vector.multi_reduction <add>, %select_n3A, %reduce_sum3A [0] : vector<10000x128xf32> to vector<128xf32>
    %broadcast_in_dim3A = vector.shape_cast %reduce_sum3A_26 : vector<128xf32> to vector<1x128xf32>
    %div3A = arith.constant 1.000000e+04 : f32
    %div3A_27 = vector.broadcast %div3A : f32 to vector<1x128xf32>
    %div3A_28 = arith.divf %broadcast_in_dim3A, %div3A_27 : vector<1x128xf32>
    %sub3A_29 = vector.broadcast %div3A_28 : vector<1x128xf32> to vector<10000x128xf32>
    %sub3A_30 = arith.subf %select_n3A, %sub3A_29 : vector<10000x128xf32>
    %mul3A_31 = arith.mulf %sub3A_30, %sub3A_30 : vector<10000x128xf32>
    %reduce_sum3A_32 = arith.constant dense<0.000000e+00> : vector<128xf32>
    %reduce_sum3A_33 = vector.multi_reduction <add>, %mul3A_31, %reduce_sum3A_32 [0] : vector<10000x128xf32> to vector<128xf32>
    %broadcast_in_dim3A_34 = vector.shape_cast %reduce_sum3A_33 : vector<128xf32> to vector<1x128xf32>
    %div3A_35 = arith.constant 1.000000e+04 : f32
    %div3A_36 = vector.broadcast %div3A_35 : f32 to vector<1x128xf32>
    %div3A_37 = arith.divf %broadcast_in_dim3A_34, %div3A_36 : vector<1x128xf32>
    %get3A_38 = arith.constant 0 : index
    %get3A_39 = arith.constant 0 : index
    %get3A_40 = vector.load %arg4[%get3A_38, %get3A_39] : memref<1x128xf32, #tpu.memory_space<vmem>>, vector<1x128xf32>
    %mul3A_41 = vector.broadcast %get3A_40 : vector<1x128xf32> to vector<10000x128xf32>
    %mul3A_42 = arith.mulf %mul3A_41, %sub3A_30 : vector<10000x128xf32>
    %add3A_43 = arith.constant 9.99999974E-6 : f32
    %add3A_44 = vector.broadcast %add3A_43 : f32 to vector<1x128xf32>
    %add3A_45 = arith.addf %div3A_37, %add3A_44 : vector<1x128xf32>
    %sqrt3A = math.sqrt %add3A_45 : vector<1x128xf32>
    %div3A_46 = vector.broadcast %sqrt3A : vector<1x128xf32> to vector<10000x128xf32>
    %div3A_47 = arith.divf %mul3A_42, %div3A_46 : vector<10000x128xf32>
    %get3A_48 = arith.constant 0 : index
    %get3A_49 = arith.constant 0 : index
    %get3A_50 = vector.load %arg5[%get3A_48, %get3A_49] : memref<1x128xf32, #tpu.memory_space<vmem>>, vector<1x128xf32>
    %add3A_51 = vector.broadcast %get3A_50 : vector<1x128xf32> to vector<10000x128xf32>
    %add3A_52 = arith.addf %div3A_47, %add3A_51 : vector<10000x128xf32>
    %get3A_53 = arith.constant 0 : index
    %get3A_54 = arith.constant 0 : index
    %get3A_55 = vector.load %arg6[%get3A_53, %get3A_54] : memref<128x128xf32, #tpu.memory_space<vmem>>, vector<128x128xf32>
    %dot_general3A = arith.constant dense<0.000000e+00> : vector<10000x128xf32>
    %dot_general3A_56 = tpu.matmul %add3A_52, %get3A_55, %dot_general3A {dimension_numbers = #tpu.dot_dimension_numbers<[1], [0], [0], [1], [0, 0, 1, 1], [], []>, transpose_lhs_hint = false} : vector<10000x128xf32>, vector<128x128xf32>, vector<10000x128xf32> -> vector<10000x128xf32>
    %get3A_57 = arith.constant 0 : index
    %get3A_58 = arith.constant 0 : index
    %get3A_59 = vector.load %arg7[%get3A_57, %get3A_58] : memref<1x128xf32, #tpu.memory_space<vmem>>, vector<1x128xf32>
    %add3A_60 = vector.broadcast %get3A_59 : vector<1x128xf32> to vector<10000x128xf32>
    %add3A_61 = arith.addf %dot_general3A_56, %add3A_60 : vector<10000x128xf32>
    %gt3A_62 = arith.constant 0.000000e+00 : f32
    %gt3A_63 = vector.broadcast %gt3A_62 : f32 to vector<10000x128xf32>
    %gt3A_64 = arith.cmpf ogt, %add3A_61, %gt3A_63 : vector<10000x128xf32>
    %mul3A_65 = arith.constant 0.00999999977 : f32
    %mul3A_66 = vector.broadcast %mul3A_65 : f32 to vector<10000x128xf32>
    %mul3A_67 = arith.mulf %mul3A_66, %add3A_61 : vector<10000x128xf32>
    %select_n3A_68 = arith.select %gt3A_64, %add3A_61, %mul3A_67 : vector<10000x128xi1>, vector<10000x128xf32>
    %get3A_69 = arith.constant 0 : index
    %get3A_70 = arith.constant 0 : index
    %get3A_71 = vector.load %arg8[%get3A_69, %get3A_70] : memref<128x128xf32, #tpu.memory_space<vmem>>, vector<128x128xf32>
    %dot_general3A_72 = arith.constant dense<0.000000e+00> : vector<10000x128xf32>
    %dot_general3A_73 = tpu.matmul %select_n3A_68, %get3A_71, %dot_general3A_72 {dimension_numbers = #tpu.dot_dimension_numbers<[1], [0], [0], [1], [0, 0, 1, 1], [], []>, transpose_lhs_hint = false} : vector<10000x128xf32>, vector<128x128xf32>, vector<10000x128xf32> -> vector<10000x128xf32>
    %get3A_74 = arith.constant 0 : index
    %get3A_75 = arith.constant 0 : index
    %get3A_76 = vector.load %arg9[%get3A_74, %get3A_75] : memref<1x128xf32, #tpu.memory_space<vmem>>, vector<1x128xf32>
    %add3A_77 = vector.broadcast %get3A_76 : vector<1x128xf32> to vector<10000x128xf32>
    %add3A_78 = arith.addf %dot_general3A_73, %add3A_77 : vector<10000x128xf32>
    %slice3A = vector.extract_strided_slice %add3A_78 {offsets = [0, 0], sizes = [10000, 8], strides = [1, 1]} : vector<10000x128xf32> to vector<10000x8xf32>
    %swap3A = arith.constant 0 : index
    %swap3A_79 = arith.constant 0 : index
    %swap3A_80 = vector.load %arg10[%swap3A, %swap3A_79] : memref<10000x8xf32, #tpu.memory_space<vmem>>, vector<10000x8xf32>
    tpu.vector_store %arg10[%swap3A, %swap3A_79], %slice3A {strides = array<i32>} : memref<10000x8xf32, #tpu.memory_space<vmem>>, vector<10000x8xf32>,
    return
  }
}

</mosaic_0001>

<sc_bundles>
// kernel: kernel.12.cloned.1.call-start
scs
__scs_entry_jumppad:
0x0: {  	(pc) =	sbr.rel $0x88, $3  }
0x1: {  	(tag) =	ssettag $0x0;
	lr =	simm.s32 $0x1  }
0x2: {  	[smem:$0x3F95] =	sst lr;
	_ =	strace $0xD0000000  }
0x3: {  	_ = 	snop  }
0x4: {  	_ = 	snop  }
0x5: {  	_ = 	snop  }
0x6: {  	_ = 	snop  }
0x7: {  	_ = 	snop  }
__scs_overlays_trampoline_lowered:
0x8: {  	[smem:$0x3FA4] =	sst s0  }
0x9: {  	[smem:$0x3FA5] =	sst s1  }
0xa: {  	[smem:$0x3FA6] =	sst s2  }
0xb: {  	[smem:$0x3FA7] =	sst s3  }
0xc: {  	[smem:$0x3FA8] =	sst s4  }
0xd: {  	[smem:$0x3FA9] =	sst s5  }
0xe: {  	[smem:$0x3FAA] =	sst s6  }
0xf: {  	[smem:$0x3FAB] =	sst s7  }
0x10: {  	[smem:$0x3FAC] =	sst s8  }
0x11: {  	[smem:$0x3FAD] =	sst s9;
	s0 =	simm.s32 @!p0 $0x0  }
0x12: {  	s1 =	sld [smem:$0x3F93];
	s0 =	simm.s32 @p0 $0x1  }
0x13: {  	[smem:$0x3FAE] =	sst s0;
	s0 =	simm.s32 @!p1 $0x0  }
0x14: {  	s2 =	sld [smem:$0x3F92];
	s0 =	simm.s32 @p1 $0x1  }
0x15: {  	[smem:$0x3FAF] =	sst s0;
	s0 =	simm.s32 @!p2 $0x0  }
0x16: {  	s3 =	sld [smem:$0x3FDB];
	s0 =	simm.s32 @p2 $0x1  }
0x17: {  	s4 =	simm.s32 $0x1BF5;
	[smem:$0x3FB1] =	sst s0  }
0x18: {  	s0 =	sld [smem:$0x3F94];
	_ =	swait.ge [sflag:s4], $0x0  }
0x19: {  	s7 =	sld [smem:$0x3F95]  }
0x1a: {  	s8 =	sadd.s32 $0xFFFFE003, lr  }
0x1b: {  	s9 =	sadd.s32 $0xFFFFFEF7, lr;
	s5 =	simm.s32 $0xFFFFFFFF;
	p2 =	slt.u32 s8, $0xFFFFF086  }
0x1c: {  	p1 =	slt.u32 s9, $0xF7A;
	s5 =	simm.s32 @!p2 $0x0  }
0x1d: {  	s5 =	simm.s32 @p1 $0x1;
	p0 =	seq.s32 s7, s2  }
0x1e: {  	s7 =	smul.u32 @!p0 $0xF7A, s2;
	p2 =	seq.s32 @!p0 s5, $0x0  }
0x1f: {  	s9 =	smul.u32 $0xF7A, s1;
	s8 =	simm.s32 @!p0 $0x1BF5;
	p2 =	por !p2, p0  }
0x20: {  	[sflag:s8] =	ssyncset.s32 @!p0 $0xFFFFF086;
	s6 =	sadd.s32 @!p0 s3, s7;
	s7 =	simm.s32 @!p0 $0x108  }
0x21: {  	s3 =	sadd.s32 s3, s9;
	s6 =	sadd.s32 @!p0 $0x88, s6;
	s7 =	simm.s32 @p2 $0x1082  }
0x22: {  	[simem:s7], [sflag:s8] =	dma.local @!p0 [hbm:s6], $0xF7A  }
0x23: {  	s9 =	sor.u32 $0xD0000000, s2;
	s6 =	simm.s32 $0x108;
	_ =	swait.ge @!p0 [sflag:s8], $0x0  }
0x24: {  	s3 =	sadd.s32 $0x88, s3;
	s6 =	simm.s32 @!p1 $0x1082;
	[sflag:s4] =	ssyncset.s32 $0xFFFFF086  }
0x25: {  	[simem:s6], [sflag:s4] =	dma.local [hbm:s3], $0xF7A  }
0x26: {  	[smem:$0x3F95] =	sst s1;
	(tag) =	ssettag s2;
	_ =	strace s9  }
0x27: {  	s1 =	sld [smem:$0x3FA5]  }
0x28: {  	s2 =	sld [smem:$0x3FA6]  }
0x29: {  	s4 =	sld [smem:$0x3FA8]  }
0x2a: {  	p0 =	seq.s32 s5, $0x0;
	s5 =	sld [smem:$0x3FA9]  }
0x2b: {  	s6 =	sld [smem:$0x3FAA]  }
0x2c: {  	s7 =	sld [smem:$0x3FAB]  }
0x2d: {  	s3 =	simm.s32 $0x108;
	s8 =	sld [smem:$0x3FAC]  }
0x2e: {  	s3 =	simm.s32 @!p0 $0x1082;
	s9 =	sld [smem:$0x3FAD]  }
0x2f: {  	lr =	sadd.s32 s0, s3;
	s0 =	sld [smem:$0x3FA4]  }
0x30: {  	s3 =	sld [smem:$0x3FA7]  }
0x31: {  	[smem:$0x3FB0] =	sst s10  }
0x32: {  	s10 =	sld [smem:$0x3FAE];
	_ =	sdelay $0x3  }
0x33: {  	p0 =	seq.s32 s10, $0x1;
	s10 =	sld [smem:$0x3FB0];
	_ =	sdelay $0x3  }
0x34: {  	[smem:$0x3FB0] =	sst s10  }
0x35: {  	s10 =	sld [smem:$0x3FAF];
	_ =	sdelay $0x3  }
0x36: {  	p1 =	seq.s32 s10, $0x1;
	s10 =	sld [smem:$0x3FB0];
	_ =	sdelay $0x3  }
0x37: {  	[smem:$0x3FB0] =	sst s10  }
0x38: {  	s10 =	sld [smem:$0x3FB1]  }
0x39: {  	_ = 	snop;
	(pc) =	sbr.ind lr, $3  }
0x3a: {  	_ = 	snop  }
0x3b: {  	_ = 	snop  }
0x3c: {  	p2 =	seq.s32 s10, $0x1;
	s10 =	sld [smem:$0x3FB0]  }
0x3d: {  	_ =	shalt  }
0x3e: {  	_ =	shalt  }
0x3f: {  	_ =	shalt  }
0x40: {  	_ =	shalt  }
0x41: {  	_ =	shalt  }
0x42: {  	_ =	shalt  }
0x43: {  	_ =	shalt  }
0x44: {  	_ =	shalt  }
0x45: {  	_ =	shalt  }
0x46: {  	_ =	shalt  }
0x47: {  	_ =	shalt  }
0x48: {  	_ =	shalt  }
0x49: {  	_ =	shalt  }
0x4a: {  	_ =	shalt  }
0x4b: {  	_ =	shalt  }
0x4c: {  	_ =	shalt  }
0x4d: {  	_ =	shalt  }
0x4e: {  	_ =	shalt  }
0x4f: {  	_ =	shalt  }
0x50: {  	_ =	shalt  }
0x51: {  	_ =	shalt  }
0x52: {  	_ =	shalt  }
0x53: {  	_ =	shalt  }
0x54: {  	_ =	shalt  }
0x55: {  	_ =	shalt  }
0x56: {  	_ =	shalt  }
0x57: {  	_ =	shalt  }
0x58: {  	_ =	shalt  }
0x59: {  	_ =	shalt  }
0x5a: {  	_ =	shalt  }
0x5b: {  	_ =	shalt  }
0x5c: {  	_ =	shalt  }
0x5d: {  	_ =	shalt  }
0x5e: {  	_ =	shalt  }
0x5f: {  	_ =	shalt  }
0x60: {  	_ =	shalt  }
0x61: {  	_ =	shalt  }
0x62: {  	_ =	shalt  }
0x63: {  	_ =	shalt  }
0x64: {  	_ =	shalt  }
0x65: {  	_ =	shalt  }
0x66: {  	_ =	shalt  }
0x67: {  	_ =	shalt  }
0x68: {  	_ =	shalt  }
0x69: {  	_ =	shalt  }
0x6a: {  	_ =	shalt  }
0x6b: {  	_ =	shalt  }
0x6c: {  	_ =	shalt  }
0x6d: {  	_ =	shalt  }
0x6e: {  	_ =	shalt  }
0x6f: {  	_ =	shalt  }
0x70: {  	_ =	shalt  }
0x71: {  	_ =	shalt  }
0x72: {  	_ =	shalt  }
0x73: {  	_ =	shalt  }
0x74: {  	_ =	shalt  }
0x75: {  	_ =	shalt  }
0x76: {  	_ =	shalt  }
0x77: {  	_ =	shalt  }
0x78: {  	_ =	shalt  }
0x79: {  	_ =	shalt  }
0x7a: {  	_ =	shalt  }
0x7b: {  	_ =	shalt  }
0x7c: {  	_ =	shalt  }
0x7d: {  	_ =	shalt  }
0x7e: {  	_ =	shalt  }
0x7f: {  	_ =	shalt  }
0x80: {  	_ =	shalt  }
0x81: {  	_ =	shalt  }
0x82: {  	_ =	shalt  }
0x83: {  	_ =	shalt  }
0x84: {  	_ =	shalt  }
0x85: {  	_ =	shalt  }
0x86: {  	_ =	shalt  }
0x87: {  	_ =	shalt  }
.Lfunc_end0:
.L_simem_size_0:
called_computation.1_lowered:
.L_overlay_start_0:
0x88: {  	s2 =	sld [smem:$0x3FD9]  }
0x89: {  	s3 =	sld [smem:$0x3FFE];
	_ =	sdelay $0x1  }
0x8a: {  	s1 =	srdreg.scid  }
0x8b: {  	s0 =	sand.u32 $0x1, s1  }
0x8c: {  	s16 =	sshll.u32 s0, $0xA;
	s2 =	sadd.s32 s3, s2  }
0x8d: {  	s2 =	sadd.s32 s2, s16  }
0x8e: {  	[smem:$0x3FBC] =	sst s2  }
0x8f: {  	_ = 	snop  }
0x90: {  	(tm) =	ssettm $0x1  }
0x91: {  	s17 =	sld [smem:$0x3FFB];
	_ =	sdelay $0x3  }
0x92: {  	_ =	strace s17  }
0x93: {  	s2 =	sld [smem:$0x3FFC];
	_ =	sdelay $0x3  }
0x94: {  	_ =	strace s2  }
0x95: {  	s2 =	sld [smem:$0x3FFD];
	_ =	sdelay $0x3  }
0x96: {  	_ =	strace s2  }
0x97: {  	_ =	strace $0x8FFFFFFF  }
0x98: {  	s18 =	sld [smem:$0x3FDB];
	_ =	sdelay $0x1  }
0x99: {  	s19 =	simm.s32 $_scs_section_size  }
0x9a: {  	s4 =	simm.s32 $_size__tile_overlayer_lowered;
	s5 =	simm.s32 $_tile_overlayer_lowered  }
0x9b: {  	s22 =	simm.s32 $0x1BFF;
	s21 =	sshll.u32 s5, $0x1;
	s2 =	sadd.s32 s19, s18  }
0x9c: {  	s6 =	simm.s32 $0x0;
	s20 =	sshll.u32 s4, $0x1;
	s4 =	sadd.s32 s21, s2  }
0x9d: {  	[timem:s6], [sflag:s22] =	dma.local [hbm:s4], s20  }
0x9e: {  	_ =	swait.ge [sflag:s22], s20  }
0x9f: {  	s3 =	ssub.s32 $0x0, s20;
	[sflag:s22] =	ssyncset.done $0x0  }
0xa0: {  	[sflag:s22] =	ssyncadd.s32 s3;
	_ =	sdelay $0x1  }
0xa1: {  	s23 =	simm.s32 $0x1B8B  }
0xa2: {  	_ =	swait.ge [sflag:s23], $0x1  }
0xa3: {  	[sflag:s23] =	ssyncset.done $0x0  }
0xa4: {  	s25 =	simm.s32 $0x1B8E;
	s24 =	sld [smem:$0x3FFE];
	[sflag:s23] =	ssyncadd.s32 $0xFFFFFFFF  }
0xa5: {  	s26 =	simm.s32 $execute0_lowered;
	[smem:$0x3FD2] =	sst s25  }
0xa6: {  	s4 =	sshll.u32 s26, $0x1;
	_ =	strace $0x80000049;
	[dreg:$0x1] =	wrdreg $0xFFFFFFFF  }
0xa7: {  	s28 =	simm.s32 $_size_execute0_lowered;
	s2 =	sadd.s32 s2, s4;
	[dreg:$0x0] =	wrdreg $0x0  }
0xa8: {  	s4 =	sshll.u32 s28, $0x1;
	[dreg:$0x2] =	wrdreg s2  }
0xa9: {  	[dreg:$0x3] =	wrdreg s4  }
0xaa: {  	[dreg:$0x4] =	wrdreg $0xC0  }
0xab: {  	_ =	task [dreg:s6], $0x5FFFF  }
0xac: {  	[dreg:$0x1] =	wrdreg $0xFFFFFFFF  }
0xad: {  	[dreg:$0x0] =	wrdreg $0x60  }
0xae: {  	[dreg:$0x2] =	wrdreg s24  }
0xaf: {  	[dreg:$0x3] =	wrdreg $0xC6000  }
0xb0: {  	[dreg:$0x4] =	wrdreg $0x9  }
0xb1: {  	_ =	task.clear_ibuf [dreg:s6], $0x5FFFF;
	_ =	strace $0x90000049  }
0xb2: {  	s29 =	simm.s32 $0x9;
	_ =	strace $0x8000004B  }
0xb3: {  	_ =	swait.ge [sflag:s29], $0x1  }
0xb4: {  	[sflag:s29] =	ssyncadd.s32 $0xFFFFFFFF  }
0xb5: {  	_ =	strace $0x9000004B  }
0xb6: {  	_ =	sfence  }
0xb7: {  	s30 =	sld [smem:$0x0];
	_ =	sdelay $0x2  }
0xb8: {  	s31 =	sshll.u32 s1, $0xD;
	s1 =	sshrl.u32 s1, $0x2  }
0xb9: {  	s3 =	sand.u32 $0x4000, s31;
	s1 =	sadd.s32 s1, s30  }
0xba: {  	s0 =	sor.u32 s3, s0;
	s1 =	sshll.u32 s1, $0x11  }
0xbb: {  	s0 =	sor.u32 s1, s0  }
0xbc: {  	s0 =	sadd.s32 $0x8F2B, s0  }
0xbd: {  	[sflag:s0] =	ssyncadd.remote.s32 $0x1  }
0xbe: {  	_ =	sfence.sel $0xFFFF  }
0xbf: {  	[dreg:$0x0] =	wrdreg $0xFFFFFFFF;
	(pc) =	sbr.abs _section_cstart, $3  }
0xc0: {  	[dreg:$0x1] =	wrdreg $0xFFFFFFFF  }
0xc1: {  	_ =	task.clear_ibuf [dreg:s6], $0x2FFFF;
	_ =	strace $0x9FFFFFFF  }
0xc2: {  	(tm) =	ssettm $0x7FFFFFFF  }
0xc3: {  	_ =	shalt  }
tec
execute0_lowered:
.L_overlay_start_1:
0x0: {  	(tag) =	ssettag $0x1  }
0x1: {  	s7 =	rddreg [dreg:$0x0]  }
0x2: {  	s1 =	rddreg [dreg:$0x1]  }
0x3: {  	s2 =	simm.s32 $0x0;
	s0 =	srdreg.scid;
	s15 =	stileid.u32  }
0x4: {  	s31 =	simm.s32 $0x1;
	s28 =	simm.s32 $0x3;
	s30 =	simm.s32 $0xC  }
0x5: {  	[smem:$0x7FF] =	sst s2;
	s8 =	sand.u32 $0x1, s0;
	s12 =	smul.u32 $0x4E000, s15  }
0x6: {  	s4 =	sadd.s32 $0x16200, s7;
	s6 =	sadd.s32 $0x2800, s7;
	s19 =	smul.u32 $0x2700, s15  }
0x7: {  	s21 =	sadd.s32 $0x124800, s1;
	_ =	strace $0x8000004A;
	s0 =	sshll.u32 s8, $0x4  }
0x8: {  	s3 =	ssub.s32 $0x2, s8;
	[dreg:$0x17] =	wrdreg s21;
	s14 =	smul.u32 $0x27000, s8  }
0x9: {  	s5 =	sor.u32 s15, s0;
	s0 =	sadd.s32 $0x3D400, s7;
	s10 =	sshrl.u32 s3, $0x1  }
0xa: {  	s18 =	sshrl.u32 s12, $0x2;
	s20 =	sadd.s32 s4, s19;
	s7 =	sadd.s32 $0x3AB00, s7  }
0xb: {  	s9 =	smul.u32 $0x4E, s5;
	s11 =	smin.u32 s5, $0x4;
	s3 =	ssub.s32 s3, s10  }
0xc: {  	p0 =	slt.u32 s5, $0x4;
	s5 =	simm.s32 $0x4F;
	[dreg:$0x16] =	wrdreg s20  }
0xd: {  	s10 =	sadd.s32 s18, s1;
	[dreg:$0x18] =	wrdreg s7;
	s7 =	simm.s32 $0x540  }
0xe: {  	s5 =	simm.s32 @!p0 $0x4E;
	[dreg:$0x15] =	wrdreg s10;
	s7 =	simm.s32 @!p0 $0x4E0  }
0xf: {  	s17 =	sshll.u32 s11, $0x7;
	s3 =	smax.u32 s3, $0x1;
	[dreg:$0x8] =	wrdreg s7  }
0x10: {  	p0 =	seq.s32 s15, $0xF;
	s26 =	sadd.s32 $0xFFFFFFFF, s5;
	[smem:$0x7FD] =	sst s3  }
0x11: {  	s9 =	sadd.s32 s11, s9;
	s10 =	sadd.s32 $0xFFFFFFFE, s5;
	[dreg:$0x3] =	wrdreg s26  }
0x12: {  	s13 =	sadd.s32 $0xFFFFFFFD, s5;
	s16 =	sadd.s32 $0xFFFFFFFC, s5;
	[dreg:$0x4] =	wrdreg s10  }
0x13: {  	s21 =	sadd.s32 $0xFFFFFFFB, s5;
	s9 =	sshll.u32 s9, $0x4;
	[dreg:$0x5] =	wrdreg s13  }
0x14: {  	s3 =	simm.s32 $0x2;
	[dreg:$0x6] =	wrdreg s16;
	s9 =	sadd.s32 s6, s9  }
0x15: {  	s13 =	smul.u32 $0x4E0, s8;
	[dreg:$0x7] =	wrdreg s21;
	s22 =	sadd.s32 $0x9C40, s9  }
0x16: {  	s10 =	sadd.s32 s19, s14;
	s23 =	sadd.s32 $0x10, s9;
	[dreg:$0x19] =	wrdreg s22  }
0x17: {  	s14 =	smul.u32 $0x4E, s15;
	s24 =	sadd.s32 $0x9C50, s9;
	[dreg:$0x1a] =	wrdreg s23  }
0x18: {  	s8 =	smul.u32 $0x138800, s8;
	s25 =	sadd.s32 $0x20, s9;
	[dreg:$0x1b] =	wrdreg s24  }
0x19: {  	s7 =	sadd.s32 s17, s10;
	s29 =	sadd.s32 $0x9C60, s9;
	[dreg:$0x1c] =	wrdreg s25  }
0x1a: {  	s18 =	sadd.s32 $0x30, s9;
	s19 =	sadd.s32 $0x9C70, s9;
	[dreg:$0x1d] =	wrdreg s29  }
0x1b: {  	s20 =	sadd.s32 s14, s13;
	s26 =	sadd.s32 $0x4E680, s7;
	[dreg:$0x1e] =	wrdreg s18  }
0x1c: {  	s21 =	sadd.s32 $0x40, s9;
	[dreg:$0x1f] =	wrdreg s19;
	s10 =	sadd.s32 s11, s20  }
0x1d: {  	s22 =	sadd.s32 $0x4E780, s7;
	s23 =	sadd.s32 $0x4E700, s7;
	[smem:$0x7F7] =	sst s21  }
0x1e: {  	s11 =	sshrl.u32 s22, $0x3;
	s10 =	sshll.u32 s10, $0x4;
	s22 =	sadd.s32 $0x9C80, s9  }
0x1f: {  	s12 =	sshrl.u32 s23, $0x3;
	s11 =	sadd.s32 s11, s6;
	[smem:$0x7F8] =	sst s22  }
0x20: {  	s10 =	sadd.s32 s10, s6;
	s25 =	sadd.s32 s12, s6;
	[dreg:$0x9] =	wrdreg s11  }
0x21: {  	s12 =	sshrl.u32 s26, $0x3;
	s26 =	sadd.s32 $0x9C90, s9;
	[dreg:$0xb] =	wrdreg s25  }
0x22: {  	s13 =	sadd.s32 $0x4E600, s7;
	s24 =	sadd.s32 $0xB0, s10;
	[smem:$0x7FB] =	sst s26  }
0x23: {  	s17 =	sadd.s32 $0x4E580, s7;
	s29 =	sadd.s32 $0xA0, s10;
	[dreg:$0xa] =	wrdreg s24  }
0x24: {  	s19 =	smul.u32 $0x13800, s15;
	s12 =	sadd.s32 s12, s6;
	[dreg:$0xc] =	wrdreg s29  }
0x25: {  	s7 =	sadd.s32 $0x4E500, s7;
	s14 =	sadd.s32 $0x90, s10;
	[dreg:$0xd] =	wrdreg s12  }
0x26: {  	s7 =	sshrl.u32 s7, $0x3;
	s18 =	sadd.s32 $0x80, s10;
	[dreg:$0xe] =	wrdreg s14  }
0x27: {  	s20 =	sadd.s32 $0x70, s10;
	s11 =	sadd.s32 s19, s8;
	[dreg:$0x10] =	wrdreg s18  }
0x28: {  	s25 =	sadd.s32 $0x50, s9;
	s26 =	simm.s32 $0x80;
	[dreg:$0x12] =	wrdreg s20  }
0x29: {  	s12 =	sshrl.u32 s13, $0x3;
	[smem:$0x7FA] =	sst s25;
	s29 =	sadd.s32 $0x60, s10  }
0x2a: {  	s11 =	sshrl.u32 s11, $0x3;
	s16 =	sadd.s32 s12, s6;
	[dreg:$0x14] =	wrdreg s29  }
0x2b: {  	s12 =	sshrl.u32 s17, $0x3;
	s23 =	sadd.s32 s0, s11;
	[dreg:$0xf] =	wrdreg s16  }
0x2c: {  	s24 =	sshrl.u32 s8, $0x3;
	s12 =	sadd.s32 s12, s6;
	[smem:$0x7F9] =	sst s23  }
0x2d: {  	s0 =	sadd.s32 s0, s24;
	s6 =	sadd.s32 s7, s6;
	[dreg:$0x11] =	wrdreg s12  }
0x2e: {  	s25 =	simm.s32 $0xB;
	s0 =	sadd.s32 $0x24900, s0;
	[dreg:$0x13] =	wrdreg s6  }
0x2f: {  	[smem:$0x7FC] =	sst s0;
	s0 =	simm.s32 $0xA;
	s6 =	simm.s32 $0x0  }
.LBB2_1:
0x30: {  	s7 =	rddreg [dreg:$0x17]  }
0x31: {  	s8 =	simm.s32 @p0 $0x1FCD;
	s10 =	rddreg [dreg:$0x18];
	s7 =	sshrl.u32 @p0 s7, $0x3  }
0x32: {  	[spmem:s7], [sflag:s8] =	dma.local @p0 [hbm:s10], $0x2800  }
0x33: {  	s8 =	simm.s32 @p0 $0xD  }
0x34: {  	s10 =	stileid.u32;
	_ =	swait.ge @p0 [sflag:s8], $0x2800  }
0x35: {  	s10 =	sshll.u32 @!p0 s10, $0x6;
	[sflag:s8] =	ssyncset.done @p0 $0x0  }
0x36: {  	[sflag:s8] =	ssyncadd.s32 @p0 $0xFFFFD800;
	s8 =	sor.u32 @!p0 $0x1C0D, s10;
	s10 =	rddreg [dreg:$0x15]  }
0x37: {  	s11 =	rddreg [dreg:$0x16];
	s10 =	sshrl.u32 @!p0 s10, $0x3  }
0x38: {  	[spmem:s10], [sflag:s8] =	dma.local @!p0 [hbm:s11], $0x2700  }
0x39: {  	s11 =	simm.s32 @!p0 $0xD  }
0x3a: {  	_ =	swait.ge @!p0 [sflag:s11], $0x2700  }
0x3b: {  	[sflag:s11] =	ssyncset.done @!p0 $0x0  }
0x3c: {  	[sflag:s11] =	ssyncadd.s32 @!p0 $0xFFFFD900  }
0x3d: {  	[bflag:$0x0] =	sbarrier.arrive $0xFFFF  }
0x3e: {  	[tilespmem:s2], [sflag:$0x1] =	stream.linear.gather [hbm4b:s9+s2], $0x80, $0x38;
	[tilespmem:$0x1FE80] =	vst v63  }
0x3f: {  	s18 =	rddreg [dreg:$0x19]  }
0x40: {  	s12 =	simm.s32 $0x300;
	s19 =	rddreg [dreg:$0x1a]  }
0x41: {  	[tilespmem:s12], [sflag:$0x1] =	stream.linear.gather [hbm4b:s18+s2], $0x80, $0x38;
	[tilespmem:$0x1FE80] =	vst v63  }
0x42: {  	s20 =	rddreg [dreg:$0x1b]  }
0x43: {  	[tilespmem:s26], [sflag:$0x2] =	stream.linear.gather [hbm4b:s19+s2], $0x80, $0x38;
	[tilespmem:$0x1FE80] =	vst v63  }
0x44: {  	s21 =	simm.s32 $0x380;
	s22 =	rddreg [dreg:$0x1c]  }
0x45: {  	[tilespmem:s21], [sflag:$0x2] =	stream.linear.gather [hbm4b:s20+s2], $0x80, $0x38;
	[tilespmem:$0x1FE80] =	vst v63  }
0x46: {  	s23 =	rddreg [dreg:$0x1d];
	s12 =	simm.s32 $0x100  }
0x47: {  	[tilespmem:s12], [sflag:$0x3] =	stream.linear.gather [hbm4b:s22+s2], $0x80, $0x38;
	[tilespmem:$0x1FE80] =	vst v63  }
0x48: {  	s13 =	simm.s32 $0x400;
	s24 =	rddreg [dreg:$0x1e]  }
0x49: {  	[tilespmem:s13], [sflag:$0x3] =	stream.linear.gather [hbm4b:s23+s2], $0x80, $0x38;
	[tilespmem:$0x1FE80] =	vst v63  }
0x4a: {  	s29 =	simm.s32 $0x180;
	s15 =	sld [smem:$0x7F7]  }
0x4b: {  	[tilespmem:s29], [sflag:$0x4] =	stream.linear.gather [hbm4b:s24+s2], $0x80, $0x38;
	[tilespmem:$0x1FE80] =	vst v63  }
0x4c: {  	s14 =	simm.s32 $0x480;
	s13 =	rddreg [dreg:$0x1f]  }
0x4d: {  	[tilespmem:s14], [sflag:$0x4] =	stream.linear.gather [hbm4b:s13+s2], $0x80, $0x38;
	[tilespmem:$0x1FE80] =	vst v63  }
0x4e: {  	s16 =	simm.s32 $0x200;
	s17 =	sld [smem:$0x7F8]  }
0x4f: {  	[tilespmem:s16], [sflag:$0x5] =	stream.linear.gather [hbm4b:s15+s2], $0x80, $0x38;
	[tilespmem:$0x1FE80] =	vst v63  }
0x50: {  	s18 =	simm.s32 $0x500;
	s19 =	sld [smem:$0x7FA]  }
0x51: {  	[tilespmem:s18], [sflag:$0x5] =	stream.linear.gather [hbm4b:s17+s2], $0x80, $0x38;
	[tilespmem:$0x1FE80] =	vst v63  }
0x52: {  	s20 =	simm.s32 $0x280;
	s21 =	sld [smem:$0x7FB]  }
0x53: {  	[tilespmem:s20], [sflag:$0x6] =	stream.linear.gather [hbm4b:s19+s2], $0x80, $0x38;
	[tilespmem:$0x1FE80] =	vst v63  }
0x54: {  	s22 =	simm.s32 $0x580  }
0x55: {  	[tilespmem:s22], [sflag:$0x6] =	stream.linear.gather [hbm4b:s21+s2], $0x80, $0x38;
	[tilespmem:$0x1FE80] =	vst v63  }
0x56: {  	_ =	swait.ge [sflag:s31], $0x80  }
0x57: {  	[sflag:s31] =	ssyncset.done $0x0  }
0x58: {  	[sflag:s31] =	ssyncadd.s32 $0xFFFFFF80  }
0x59: {  	_ =	swait.ge [sflag:s31], $0x80  }
0x5a: {  	[sflag:s31] =	ssyncset.done $0x0  }
0x5b: {  	s23 =	simm.s32 $0x600;
	[sflag:s31] =	ssyncadd.s32 $0xFFFFFF80  }
0x5c: {  	[tilespmem:s23], [sflag:$0x7] =	stream.indirect.gather [hbm4b:s4+s26], $0x80, s2, s26, $0xb8;
	[tilespmem:$0x1FE80] =	vst v63  }
0x5d: {  	_ =	swait.ge [sflag:s3], $0x80  }
0x5e: {  	[sflag:s3] =	ssyncset.done $0x0  }
0x5f: {  	[sflag:s3] =	ssyncadd.s32 $0xFFFFFF80  }
0x60: {  	_ =	swait.ge [sflag:s3], $0x80  }
0x61: {  	[sflag:s3] =	ssyncset.done $0x0  }
0x62: {  	s24 =	simm.s32 $0x4600;
	[sflag:s3] =	ssyncadd.s32 $0xFFFFFF80  }
0x63: {  	[tilespmem:s24], [sflag:$0x8] =	stream.indirect.gather [hbm4b:s4+s26], $0x80, s26, s26, $0xb8;
	[tilespmem:$0x1FE80] =	vst v63  }
0x64: {  	_ =	swait.ge [sflag:s28], $0x80  }
0x65: {  	[sflag:s28] =	ssyncset.done $0x0  }
0x66: {  	[sflag:s28] =	ssyncadd.s32 $0xFFFFFF80  }
0x67: {  	_ =	swait.ge [sflag:s28], $0x80  }
0x68: {  	[sflag:s28] =	ssyncset.done $0x0  }
0x69: {  	s29 =	simm.s32 $0x8600;
	[sflag:s28] =	ssyncadd.s32 $0xFFFFFF80  }
0x6a: {  	[tilespmem:s29], [sflag:$0x9] =	stream.indirect.gather [hbm4b:s4+s26], $0x80, s12, s26, $0xb8;
	[tilespmem:$0x1FE80] =	vst v63  }
0x6b: {  	s11 =	simm.s32 $0x0;
	s12 =	simm.s32 $0x0  }
.LBB2_2:
0x6c: {  	p1 =	sge.u32 s12, s5  }
0x6d: {  	s13 =	simm.s32 @!p1 $0x7  }
0x6e: {  	_ =	swait.ge @!p1 [sflag:s13], $0x4000  }
0x6f: {  	s14 =	simm.s32 @!p1 $0x80;
	s15 =	simm.s32 @!p1 $0x300;
	[sflag:s13] =	ssyncset.done @!p1 $0x0  }
0x70: {  	s16 =	simm.s32 @!p1 $0x600;
	s19 =	rddreg [dreg:$0x3];
	[sflag:s13] =	ssyncadd.s32 @!p1 $0xFFFFC000  }
0x71: {  	[spmem:s1] =	stream.indirect.scatter.add.f32 @!p1 [tilespmem:s16], [sflag:$0xA], $0x80, s15, s14, $0xb8;
	[tilespmem:$0x1FE80] =	vst v63  }
0x72: {  	p1 =	sge.u32 s12, s19  }
0x73: {  	s13 =	simm.s32 @!p1 $0x8  }
0x74: {  	_ =	swait.ge @!p1 [sflag:s13], $0x4000  }
0x75: {  	s14 =	simm.s32 @!p1 $0x80;
	s15 =	simm.s32 @!p1 $0x380;
	[sflag:s13] =	ssyncset.done @!p1 $0x0  }
0x76: {  	s16 =	simm.s32 @!p1 $0x4600;
	s20 =	rddreg [dreg:$0x4];
	[sflag:s13] =	ssyncadd.s32 @!p1 $0xFFFFC000  }
0x77: {  	[spmem:s1] =	stream.indirect.scatter.add.f32 @!p1 [tilespmem:s16], [sflag:$0xB], $0x80, s15, s14, $0xb8;
	[tilespmem:$0x1FE80] =	vst v63  }
0x78: {  	p1 =	sge.u32 s12, s20  }
0x79: {  	s13 =	simm.s32 @!p1 $0x9  }
0x7a: {  	s14 =	simm.s32 @!p1 $0x80;
	_ =	swait.ge @!p1 [sflag:s13], $0x4000  }
0x7b: {  	s15 =	simm.s32 @!p1 $0x400;
	[sflag:s13] =	ssyncset.done @!p1 $0x0;
	s21 =	rddreg [dreg:$0x5]  }
0x7c: {  	s16 =	simm.s32 @!p1 $0x8600;
	[sflag:s13] =	ssyncadd.s32 @!p1 $0xFFFFC000;
	p4 =	sge.u32 s12, s21  }
0x7d: {  	[spmem:s1] =	stream.indirect.scatter.add.f32 @!p1 [tilespmem:s16], [sflag:$0xC], $0x80, s15, s14, $0xb8;
	[tilespmem:$0x1FE80] =	vst v63  }
0x7e: {  	s13 =	simm.s32 @!p4 $0xA  }
0x7f: {  	_ =	swait.ge @!p4 [sflag:s13], $0x4000  }
0x80: {  	[sflag:s13] =	ssyncset.done @!p4 $0x0  }
0x81: {  	[sflag:s13] =	ssyncadd.s32 @!p4 $0xFFFFC000;
	s13 =	simm.s32 @!p4 $0x4  }
0x82: {  	_ =	swait.ge @!p4 [sflag:s13], $0x80  }
0x83: {  	[sflag:s13] =	ssyncset.done @!p4 $0x0  }
0x84: {  	[sflag:s13] =	ssyncadd.s32 @!p4 $0xFFFFFF80  }
0x85: {  	_ =	swait.ge @!p4 [sflag:s13], $0x80  }
0x86: {  	s17 =	simm.s32 @!p4 $0x80;
	s18 =	simm.s32 @!p4 $0x600;
	[sflag:s13] =	ssyncset.done @!p4 $0x0  }
0x87: {  	s14 =	rddreg [dreg:$0x14];
	[sflag:s13] =	ssyncadd.s32 @!p4 $0xFFFFFF80;
	s13 =	simm.s32 @!p4 $0x180  }
0x88: {  	[tilespmem:s18], [sflag:$0x7] =	stream.indirect.gather @!p4 [hbm4b:s4+s17], $0x80, s13, s17, $0xb8;
	[tilespmem:$0x1FE80] =	vst v63  }
0x89: {  	s16 =	rddreg [dreg:$0x13];
	s13 =	sadd.s32 $0x6, s12  }
0x8a: {  	s22 =	rddreg [dreg:$0x6];
	p1 =	sge.u32 s13, s5  }
0x8b: {  	p5 =	sge.u32 s12, s22;
	s15 =	sadd.s32 @!p1 s11, s14;
	s14 =	simm.s32 @!p1 $0x0  }
0x8c: {  	[tilespmem:s14], [sflag:$0x1] =	stream.linear.gather @!p1 [hbm4b:s15+s14], $0x80, $0x38;
	[tilespmem:$0x1FE80] =	vst v63  }
0x8d: {  	s16 =	sadd.s32 @!p1 s11, s16;
	s19 =	simm.s32 @!p1 $0x300;
	s15 =	simm.s32 @!p5 $0xB  }
0x8e: {  	[tilespmem:s19], [sflag:$0x1] =	stream.linear.gather @!p1 [hbm4b:s16+s14], $0x80, $0x38;
	[tilespmem:$0x1FE80] =	vst v63  }
0x8f: {  	_ =	swait.ge @!p5 [sflag:s15], $0x4000  }
0x90: {  	[sflag:s15] =	ssyncset.done @!p5 $0x0  }
0x91: {  	[sflag:s15] =	ssyncadd.s32 @!p5 $0xFFFFC000;
	s15 =	simm.s32 @!p5 $0x5  }
0x92: {  	_ =	swait.ge @!p5 [sflag:s15], $0x80  }
0x93: {  	[sflag:s15] =	ssyncset.done @!p5 $0x0  }
0x94: {  	s23 =	sadd.s32 $0x7, s12;
	[sflag:s15] =	ssyncadd.s32 @!p5 $0xFFFFFF80  }
0x95: {  	p2 =	sge.u32 s23, s5;
	s20 =	simm.s32 @!p5 $0x4600;
	_ =	swait.ge @!p5 [sflag:s15], $0x80  }
0x96: {  	s19 =	simm.s32 @!p5 $0x80;
	[sflag:s15] =	ssyncset.done @!p5 $0x0;
	s22 =	rddreg [dreg:$0x11]  }
0x97: {  	s24 =	rddreg [dreg:$0x7];
	[sflag:s15] =	ssyncadd.s32 @!p5 $0xFFFFFF80;
	s15 =	simm.s32 @!p5 $0x200  }
0x98: {  	[tilespmem:s20], [sflag:$0x8] =	stream.indirect.gather @!p5 [hbm4b:s4+s19], $0x80, s15, s19, $0xb8;
	[tilespmem:$0x1FE80] =	vst v63  }
0x99: {  	s21 =	simm.s32 @!p2 $0x0;
	s15 =	rddreg [dreg:$0x12]  }
0x9a: {  	p6 =	sge.u32 s12, s24;
	s16 =	sadd.s32 @!p2 s11, s15;
	s15 =	simm.s32 @!p2 $0x80  }
0x9b: {  	[tilespmem:s15], [sflag:$0x2] =	stream.linear.gather @!p2 [hbm4b:s16+s21], $0x80, $0x38;
	[tilespmem:$0x1FE80] =	vst v63  }
0x9c: {  	s23 =	simm.s32 @!p2 $0x380;
	s22 =	sadd.s32 @!p2 s11, s22;
	s16 =	simm.s32 @!p6 $0xC  }
0x9d: {  	[tilespmem:s23], [sflag:$0x2] =	stream.linear.gather @!p2 [hbm4b:s22+s21], $0x80, $0x38;
	[tilespmem:$0x1FE80] =	vst v63  }
0x9e: {  	_ =	swait.ge @!p6 [sflag:s16], $0x4000  }
0x9f: {  	[sflag:s16] =	ssyncset.done @!p6 $0x0  }
0xa0: {  	[sflag:s16] =	ssyncadd.s32 @!p6 $0xFFFFC000;
	s16 =	simm.s32 @!p6 $0x6  }
0xa1: {  	_ =	swait.ge @!p6 [sflag:s16], $0x80  }
0xa2: {  	[sflag:s16] =	ssyncset.done @!p6 $0x0  }
0xa3: {  	[sflag:s16] =	ssyncadd.s32 @!p6 $0xFFFFFF80  }
0xa4: {  	s29 =	sadd.s32 $0x8, s12;
	_ =	swait.ge @!p6 [sflag:s16], $0x80  }
0xa5: {  	p3 =	sge.u32 s29, s5;
	s21 =	simm.s32 @!p6 $0x80;
	[sflag:s16] =	ssyncset.done @!p6 $0x0  }
0xa6: {  	s22 =	simm.s32 @!p6 $0x8600;
	[sflag:s16] =	ssyncadd.s32 @!p6 $0xFFFFFF80;
	s16 =	simm.s32 @!p6 $0x280  }
0xa7: {  	[tilespmem:s22], [sflag:$0x9] =	stream.indirect.gather @!p6 [hbm4b:s4+s21], $0x80, s16, s21, $0xb8;
	[tilespmem:$0x1FE80] =	vst v63  }
0xa8: {  	s29 =	simm.s32 @!p3 $0x0;
	s16 =	rddreg [dreg:$0x10]  }
0xa9: {  	s23 =	rddreg [dreg:$0xf];
	s24 =	sadd.s32 @!p3 s11, s16;
	s16 =	simm.s32 @!p3 $0x100  }
0xaa: {  	[tilespmem:s16], [sflag:$0x3] =	stream.linear.gather @!p3 [hbm4b:s24+s29], $0x80, $0x38;
	[tilespmem:$0x1FE80] =	vst v63  }
0xab: {  	s23 =	sadd.s32 @!p3 s11, s23;
	s24 =	simm.s32 @!p3 $0x400  }
0xac: {  	[tilespmem:s24], [sflag:$0x3] =	stream.linear.gather @!p3 [hbm4b:s23+s29], $0x80, $0x38;
	[tilespmem:$0x1FE80] =	vst v63  }
0xad: {  	s23 =	simm.s32 @!p4 $0x7  }
0xae: {  	_ =	swait.ge @!p4 [sflag:s23], $0x4000  }
0xaf: {  	[sflag:s23] =	ssyncset.done @!p4 $0x0  }
0xb0: {  	[sflag:s23] =	ssyncadd.s32 @!p4 $0xFFFFC000;
	s23 =	simm.s32 @!p4 $0x480  }
0xb1: {  	[spmem:s1] =	stream.indirect.scatter.add.f32 @!p4 [tilespmem:s18], [sflag:$0xA], $0x80, s23, s17, $0xb8;
	[tilespmem:$0x1FE80] =	vst v63  }
0xb2: {  	s17 =	simm.s32 @!p5 $0x8  }
0xb3: {  	_ =	swait.ge @!p5 [sflag:s17], $0x4000  }
0xb4: {  	[sflag:s17] =	ssyncset.done @!p5 $0x0  }
0xb5: {  	[sflag:s17] =	ssyncadd.s32 @!p5 $0xFFFFC000;
	s17 =	simm.s32 @!p5 $0x500  }
0xb6: {  	[spmem:s1] =	stream.indirect.scatter.add.f32 @!p5 [tilespmem:s20], [sflag:$0xB], $0x80, s17, s19, $0xb8;
	[tilespmem:$0x1FE80] =	vst v63  }
0xb7: {  	s17 =	simm.s32 @!p6 $0x9  }
0xb8: {  	_ =	swait.ge @!p6 [sflag:s17], $0x4000  }
0xb9: {  	[sflag:s17] =	ssyncset.done @!p6 $0x0  }
0xba: {  	[sflag:s17] =	ssyncadd.s32 @!p6 $0xFFFFC000;
	s17 =	simm.s32 @!p6 $0x580  }
0xbb: {  	[spmem:s1] =	stream.indirect.scatter.add.f32 @!p6 [tilespmem:s22], [sflag:$0xC], $0x80, s17, s21, $0xb8;
	[tilespmem:$0x1FE80] =	vst v63  }
0xbc: {  	s17 =	simm.s32 @!p1 $0xA  }
0xbd: {  	_ =	swait.ge @!p1 [sflag:s17], $0x4000  }
0xbe: {  	[sflag:s17] =	ssyncset.done @!p1 $0x0  }
0xbf: {  	[sflag:s17] =	ssyncadd.s32 @!p1 $0xFFFFC000;
	s17 =	simm.s32 @!p1 $0x1  }
0xc0: {  	_ =	swait.ge @!p1 [sflag:s17], $0x80  }
0xc1: {  	[sflag:s17] =	ssyncset.done @!p1 $0x0  }
0xc2: {  	[sflag:s17] =	ssyncadd.s32 @!p1 $0xFFFFFF80  }
0xc3: {  	_ =	swait.ge @!p1 [sflag:s17], $0x80  }
0xc4: {  	[sflag:s17] =	ssyncset.done @!p1 $0x0  }
0xc5: {  	s18 =	simm.s32 @!p1 $0x600;
	[sflag:s17] =	ssyncadd.s32 @!p1 $0xFFFFFF80;
	s17 =	simm.s32 @!p1 $0x80  }
0xc6: {  	[tilespmem:s18], [sflag:$0x7] =	stream.indirect.gather @!p1 [hbm4b:s4+s17], $0x80, s14, s17, $0xb8;
	[tilespmem:$0x1FE80] =	vst v63  }
0xc7: {  	s22 =	sadd.s32 $0x9, s12;
	s14 =	rddreg [dreg:$0xe]  }
0xc8: {  	p1 =	sge.u32 s22, s5;
	s17 =	rddreg [dreg:$0xd]  }
0xc9: {  	s14 =	sadd.s32 @!p1 s11, s14;
	s18 =	simm.s32 @!p1 $0x0;
	s19 =	simm.s32 @!p1 $0x180  }
0xca: {  	[tilespmem:s19], [sflag:$0x4] =	stream.linear.gather @!p1 [hbm4b:s14+s18], $0x80, $0x38;
	[tilespmem:$0x1FE80] =	vst v63  }
0xcb: {  	s14 =	sadd.s32 @!p1 s11, s17;
	s17 =	simm.s32 @!p1 $0x480  }
0xcc: {  	[tilespmem:s17], [sflag:$0x4] =	stream.linear.gather @!p1 [hbm4b:s14+s18], $0x80, $0x38;
	[tilespmem:$0x1FE80] =	vst v63  }
0xcd: {  	s14 =	simm.s32 @!p2 $0xB  }
0xce: {  	_ =	swait.ge @!p2 [sflag:s14], $0x4000  }
0xcf: {  	[sflag:s14] =	ssyncset.done @!p2 $0x0  }
0xd0: {  	[sflag:s14] =	ssyncadd.s32 @!p2 $0xFFFFC000;
	s14 =	simm.s32 @!p2 $0x2  }
0xd1: {  	_ =	swait.ge @!p2 [sflag:s14], $0x80  }
0xd2: {  	[sflag:s14] =	ssyncset.done @!p2 $0x0  }
0xd3: {  	[sflag:s14] =	ssyncadd.s32 @!p2 $0xFFFFFF80  }
0xd4: {  	_ =	swait.ge @!p2 [sflag:s14], $0x80  }
0xd5: {  	s23 =	sadd.s32 $0xA, s12;
	[sflag:s14] =	ssyncset.done @!p2 $0x0  }
0xd6: {  	p1 =	sge.u32 s23, s5;
	[sflag:s14] =	ssyncadd.s32 @!p2 $0xFFFFFF80;
	s14 =	simm.s32 @!p2 $0x4600  }
0xd7: {  	[tilespmem:s14], [sflag:$0x8] =	stream.indirect.gather @!p2 [hbm4b:s4+s15], $0x80, s15, s15, $0xb8;
	[tilespmem:$0x1FE80] =	vst v63  }
0xd8: {  	s17 =	simm.s32 @!p1 $0x0;
	s14 =	rddreg [dreg:$0xc]  }
0xd9: {  	s18 =	simm.s32 @!p1 $0x200;
	s15 =	rddreg [dreg:$0xb];
	s14 =	sadd.s32 @!p1 s11, s14  }
0xda: {  	[tilespmem:s18], [sflag:$0x5] =	stream.linear.gather @!p1 [hbm4b:s14+s17], $0x80, $0x38;
	[tilespmem:$0x1FE80] =	vst v63  }
0xdb: {  	s14 =	sadd.s32 @!p1 s11, s15;
	s15 =	simm.s32 @!p1 $0x500  }
0xdc: {  	[tilespmem:s15], [sflag:$0x5] =	stream.linear.gather @!p1 [hbm4b:s14+s17], $0x80, $0x38;
	[tilespmem:$0x1FE80] =	vst v63  }
0xdd: {  	s14 =	simm.s32 @!p3 $0xC  }
0xde: {  	_ =	swait.ge @!p3 [sflag:s14], $0x4000  }
0xdf: {  	[sflag:s14] =	ssyncset.done @!p3 $0x0  }
0xe0: {  	[sflag:s14] =	ssyncadd.s32 @!p3 $0xFFFFC000;
	s14 =	simm.s32 @!p3 $0x3  }
0xe1: {  	_ =	swait.ge @!p3 [sflag:s14], $0x80  }
0xe2: {  	[sflag:s14] =	ssyncset.done @!p3 $0x0  }
0xe3: {  	[sflag:s14] =	ssyncadd.s32 @!p3 $0xFFFFFF80  }
0xe4: {  	s24 =	sadd.s32 $0xB, s12;
	_ =	swait.ge @!p3 [sflag:s14], $0x80  }
0xe5: {  	s15 =	simm.s32 @!p3 $0x8600;
	[sflag:s14] =	ssyncset.done @!p3 $0x0;
	s12 =	rddreg [dreg:$0x9]  }
0xe6: {  	s29 =	rddreg [dreg:$0x8];
	[sflag:s14] =	ssyncadd.s32 @!p3 $0xFFFFFF80;
	s14 =	simm.s32 @!p3 $0x80  }
0xe7: {  	[tilespmem:s15], [sflag:$0x9] =	stream.indirect.gather @!p3 [hbm4b:s4+s14], $0x80, s16, s14, $0xb8;
	[tilespmem:$0x1FE80] =	vst v63  }
0xe8: {  	p1 =	sge.u32 s24, s5;
	s14 =	rddreg [dreg:$0xa]  }
0xe9: {  	s15 =	simm.s32 @!p1 $0x0;
	s16 =	simm.s32 @!p1 $0x280;
	s14 =	sadd.s32 @!p1 s11, s14  }
0xea: {  	[tilespmem:s16], [sflag:$0x6] =	stream.linear.gather @!p1 [hbm4b:s14+s15], $0x80, $0x38;
	[tilespmem:$0x1FE80] =	vst v63  }
0xeb: {  	s12 =	sadd.s32 @!p1 s11, s12;
	s11 =	sadd.s32 $0x60, s11;
	s14 =	simm.s32 @!p1 $0x580  }
0xec: {  	[tilespmem:s14], [sflag:$0x6] =	stream.linear.gather @!p1 [hbm4b:s12+s15], $0x80, $0x38;
	[tilespmem:$0x1FE80] =	vst v63  }
0xed: {  	p1 =	sne.s32 s29, s11  }
.Ltmp0:
0xee: {  	_ = 	snop;
	(pc) =	sbr.rel @p1 .LBB2_2-.Ltmp0, $2  }
0xef: {  	_ =	sdelay $0x2  }
0xf0: {  	s12 =	smov.u32 s13  }
0xf1: {  	_ =	swait.ge [sflag:s0], $0x4000  }
0xf2: {  	[sflag:s0] =	ssyncset.done $0x0  }
0xf3: {  	[sflag:s0] =	ssyncadd.s32 $0xFFFFC000  }
0xf4: {  	_ =	swait.ge [sflag:s25], $0x4000  }
0xf5: {  	[sflag:s25] =	ssyncset.done $0x0  }
0xf6: {  	[sflag:s25] =	ssyncadd.s32 $0xFFFFC000  }
0xf7: {  	_ =	swait.ge [sflag:s30], $0x4000  }
0xf8: {  	[sflag:s30] =	ssyncset.done $0x0  }
0xf9: {  	[sflag:s30] =	ssyncadd.s32 $0xFFFFC000  }
0xfa: {  	[bflag:$0x0] =	sbarrier.arrive $0xFFFF  }
0xfb: {  	s12 =	sld [smem:$0x7FC];
	_ =	sdelay $0x1  }
0xfc: {  	s11 =	simm.s32 @p0 $0x1FCD  }
0xfd: {  	[hbm:s12], [sflag:s11] =	dma.local @p0 [spmem:s7], $0x2800  }
0xfe: {  	s7 =	simm.s32 @p0 $0xD  }
0xff: {  	_ =	swait.ge @p0 [sflag:s7], $0x2800  }
0x100: {  	[sflag:s7] =	ssyncset.done @p0 $0x0  }
0x101: {  	[sflag:s7] =	ssyncadd.s32 @p0 $0xFFFFD800;
	s7 =	sld [smem:$0x7F9];
	_ =	sdelay $0x2  }
0x102: {  	[hbm:s7], [sflag:s8] =	dma.local @!p0 [spmem:s10], $0x2700  }
0x103: {  	s7 =	simm.s32 @!p0 $0xD  }
0x104: {  	_ =	swait.ge @!p0 [sflag:s7], $0x2700  }
0x105: {  	s29 =	sld [smem:$0x7FD];
	_ =	sdelay $0x1  }
0x106: {  	s6 =	sadd.s32 $0x1, s6  }
0x107: {  	p1 =	sne.s32 s6, s29  }
.Ltmp1:
0x108: {  	_ = 	snop;
	(pc) =	sbr.rel @p1 .LBB2_1-.Ltmp1, $3  }
0x109: {  	_ =	sdelay $0x1  }
0x10a: {  	[sflag:s7] =	ssyncset.done @!p0 $0x0  }
0x10b: {  	[sflag:s7] =	ssyncadd.s32 @!p0 $0xFFFFD900  }
0x10c: {  	_ =	sfence.sel $0x180000  }
0x10d: {  	[bflag:$0x0] =	sbarrier.arrive $0xFFFF  }
0x10e: {  	_ =	strace $0x9000004A  }
0x10f: {  	s0 =	stileid.u32;
	[bflag:$0x2] =	sbarrier.arrive $0xFFFF  }
0x110: {  	p0 =	sne.s32 s0, $0x0;
	s0 =	rddreg [dreg:$0x2]  }
0x111: {  	s0 =	sadd.s32 @!p0 $0x100000, s0  }
0x112: {  	[sflag:s0] =	ssyncadd.tile.s32 @!p0 $0x1;
	_ =	shalt  }
.Lfunc_end2:
_tile_overlayer_lowered:
.L_overlay_start_2:
0x113: {  	(tag) =	ssettag $0x2  }
0x114: {  	s0 =	rddreg [dreg:$0x0];
	s2 =	stileid.u32  }
0x115: {  	s1 =	rddreg [dreg:$0x1];
	p0 =	sne.s32 s2, $0x0  }
0x116: {  	s3 =	rddreg [dreg:$0x2];
	[bflag:$0x3] =	sbarrier.arrive $0xFFFF;
	s2 =	simm.s32 @!p0 $0x1C0D  }
0x117: {  	[timem:s3], [sflag:s2] =	dma.local @!p0 [hbm:s0], s1  }
0x118: {  	s0 =	simm.s32 @!p0 $0xD  }
0x119: {  	_ =	swait.ge @!p0 [sflag:s0], s1  }
0x11a: {  	s1 =	ssub.s32 @!p0 $0x0, s1;
	[sflag:s0] =	ssyncset.done @!p0 $0x0  }
0x11b: {  	[sflag:s0] =	ssyncadd.s32 @!p0 s1  }
0x11c: {  	[bflag:$0x3] =	sbarrier.arrive $0xFFFF  }
0x11d: {  	_ =	shalt  }

// kernel: kernel.15.cloned.1.call-start
scs
__scs_entry_jumppad:
0x0: {  	(pc) =	sbr.rel $0x88, $3  }
0x1: {  	(tag) =	ssettag $0x0;
	lr =	simm.s32 $0x1  }
0x2: {  	[smem:$0x3F95] =	sst lr;
	_ =	strace $0xD0000000  }
0x3: {  	_ = 	snop  }
0x4: {  	_ = 	snop  }
0x5: {  	_ = 	snop  }
0x6: {  	_ = 	snop  }
0x7: {  	_ = 	snop  }
__scs_overlays_trampoline_lowered:
0x8: {  	[smem:$0x3FA4] =	sst s0  }
0x9: {  	[smem:$0x3FA5] =	sst s1  }
0xa: {  	[smem:$0x3FA6] =	sst s2  }
0xb: {  	[smem:$0x3FA7] =	sst s3  }
0xc: {  	[smem:$0x3FA8] =	sst s4  }
0xd: {  	[smem:$0x3FA9] =	sst s5  }
0xe: {  	[smem:$0x3FAA] =	sst s6  }
0xf: {  	[smem:$0x3FAB] =	sst s7  }
0x10: {  	[smem:$0x3FAC] =	sst s8  }
0x11: {  	[smem:$0x3FAD] =	sst s9;
	s0 =	simm.s32 @!p0 $0x0  }
0x12: {  	s1 =	sld [smem:$0x3F93];
	s0 =	simm.s32 @p0 $0x1  }
0x13: {  	[smem:$0x3FAE] =	sst s0;
	s0 =	simm.s32 @!p1 $0x0  }
0x14: {  	s2 =	sld [smem:$0x3F92];
	s0 =	simm.s32 @p1 $0x1  }
0x15: {  	[smem:$0x3FAF] =	sst s0;
	s0 =	simm.s32 @!p2 $0x0  }
0x16: {  	s3 =	sld [smem:$0x3FDB];
	s0 =	simm.s32 @p2 $0x1  }
0x17: {  	s4 =	simm.s32 $0x1BF5;
	[smem:$0x3FB1] =	sst s0  }
0x18: {  	s0 =	sld [smem:$0x3F94];
	_ =	swait.ge [sflag:s4], $0x0  }
0x19: {  	s7 =	sld [smem:$0x3F95]  }
0x1a: {  	s8 =	sadd.s32 $0xFFFFE003, lr  }
0x1b: {  	s9 =	sadd.s32 $0xFFFFFEF7, lr;
	s5 =	simm.s32 $0xFFFFFFFF;
	p2 =	slt.u32 s8, $0xFFFFF086  }
0x1c: {  	p1 =	slt.u32 s9, $0xF7A;
	s5 =	simm.s32 @!p2 $0x0  }
0x1d: {  	s5 =	simm.s32 @p1 $0x1;
	p0 =	seq.s32 s7, s2  }
0x1e: {  	s7 =	smul.u32 @!p0 $0xF7A, s2;
	p2 =	seq.s32 @!p0 s5, $0x0  }
0x1f: {  	s9 =	smul.u32 $0xF7A, s1;
	s8 =	simm.s32 @!p0 $0x1BF5;
	p2 =	por !p2, p0  }
0x20: {  	[sflag:s8] =	ssyncset.s32 @!p0 $0xFFFFF086;
	s6 =	sadd.s32 @!p0 s3, s7;
	s7 =	simm.s32 @!p0 $0x108  }
0x21: {  	s3 =	sadd.s32 s3, s9;
	s6 =	sadd.s32 @!p0 $0x88, s6;
	s7 =	simm.s32 @p2 $0x1082  }
0x22: {  	[simem:s7], [sflag:s8] =	dma.local @!p0 [hbm:s6], $0xF7A  }
0x23: {  	s9 =	sor.u32 $0xD0000000, s2;
	s6 =	simm.s32 $0x108;
	_ =	swait.ge @!p0 [sflag:s8], $0x0  }
0x24: {  	s3 =	sadd.s32 $0x88, s3;
	s6 =	simm.s32 @!p1 $0x1082;
	[sflag:s4] =	ssyncset.s32 $0xFFFFF086  }
0x25: {  	[simem:s6], [sflag:s4] =	dma.local [hbm:s3], $0xF7A  }
0x26: {  	[smem:$0x3F95] =	sst s1;
	(tag) =	ssettag s2;
	_ =	strace s9  }
0x27: {  	s1 =	sld [smem:$0x3FA5]  }
0x28: {  	s2 =	sld [smem:$0x3FA6]  }
0x29: {  	s4 =	sld [smem:$0x3FA8]  }
0x2a: {  	p0 =	seq.s32 s5, $0x0;
	s5 =	sld [smem:$0x3FA9]  }
0x2b: {  	s6 =	sld [smem:$0x3FAA]  }
0x2c: {  	s7 =	sld [smem:$0x3FAB]  }
0x2d: {  	s3 =	simm.s32 $0x108;
	s8 =	sld [smem:$0x3FAC]  }
0x2e: {  	s3 =	simm.s32 @!p0 $0x1082;
	s9 =	sld [smem:$0x3FAD]  }
0x2f: {  	lr =	sadd.s32 s0, s3;
	s0 =	sld [smem:$0x3FA4]  }
0x30: {  	s3 =	sld [smem:$0x3FA7]  }
0x31: {  	[smem:$0x3FB0] =	sst s10  }
0x32: {  	s10 =	sld [smem:$0x3FAE];
	_ =	sdelay $0x3  }
0x33: {  	p0 =	seq.s32 s10, $0x1;
	s10 =	sld [smem:$0x3FB0];
	_ =	sdelay $0x3  }
0x34: {  	[smem:$0x3FB0] =	sst s10  }
0x35: {  	s10 =	sld [smem:$0x3FAF];
	_ =	sdelay $0x3  }
0x36: {  	p1 =	seq.s32 s10, $0x1;
	s10 =	sld [smem:$0x3FB0];
	_ =	sdelay $0x3  }
0x37: {  	[smem:$0x3FB0] =	sst s10  }
0x38: {  	s10 =	sld [smem:$0x3FB1]  }
0x39: {  	_ = 	snop;
	(pc) =	sbr.ind lr, $3  }
0x3a: {  	_ = 	snop  }
0x3b: {  	_ = 	snop  }
0x3c: {  	p2 =	seq.s32 s10, $0x1;
	s10 =	sld [smem:$0x3FB0]  }
0x3d: {  	_ =	shalt  }
0x3e: {  	_ =	shalt  }
0x3f: {  	_ =	shalt  }
0x40: {  	_ =	shalt  }
0x41: {  	_ =	shalt  }
0x42: {  	_ =	shalt  }
0x43: {  	_ =	shalt  }
0x44: {  	_ =	shalt  }
0x45: {  	_ =	shalt  }
0x46: {  	_ =	shalt  }
0x47: {  	_ =	shalt  }
0x48: {  	_ =	shalt  }
0x49: {  	_ =	shalt  }
0x4a: {  	_ =	shalt  }
0x4b: {  	_ =	shalt  }
0x4c: {  	_ =	shalt  }
0x4d: {  	_ =	shalt  }
0x4e: {  	_ =	shalt  }
0x4f: {  	_ =	shalt  }
0x50: {  	_ =	shalt  }
0x51: {  	_ =	shalt  }
0x52: {  	_ =	shalt  }
0x53: {  	_ =	shalt  }
0x54: {  	_ =	shalt  }
0x55: {  	_ =	shalt  }
0x56: {  	_ =	shalt  }
0x57: {  	_ =	shalt  }
0x58: {  	_ =	shalt  }
0x59: {  	_ =	shalt  }
0x5a: {  	_ =	shalt  }
0x5b: {  	_ =	shalt  }
0x5c: {  	_ =	shalt  }
0x5d: {  	_ =	shalt  }
0x5e: {  	_ =	shalt  }
0x5f: {  	_ =	shalt  }
0x60: {  	_ =	shalt  }
0x61: {  	_ =	shalt  }
0x62: {  	_ =	shalt  }
0x63: {  	_ =	shalt  }
0x64: {  	_ =	shalt  }
0x65: {  	_ =	shalt  }
0x66: {  	_ =	shalt  }
0x67: {  	_ =	shalt  }
0x68: {  	_ =	shalt  }
0x69: {  	_ =	shalt  }
0x6a: {  	_ =	shalt  }
0x6b: {  	_ =	shalt  }
0x6c: {  	_ =	shalt  }
0x6d: {  	_ =	shalt  }
0x6e: {  	_ =	shalt  }
0x6f: {  	_ =	shalt  }
0x70: {  	_ =	shalt  }
0x71: {  	_ =	shalt  }
0x72: {  	_ =	shalt  }
0x73: {  	_ =	shalt  }
0x74: {  	_ =	shalt  }
0x75: {  	_ =	shalt  }
0x76: {  	_ =	shalt  }
0x77: {  	_ =	shalt  }
0x78: {  	_ =	shalt  }
0x79: {  	_ =	shalt  }
0x7a: {  	_ =	shalt  }
0x7b: {  	_ =	shalt  }
0x7c: {  	_ =	shalt  }
0x7d: {  	_ =	shalt  }
0x7e: {  	_ =	shalt  }
0x7f: {  	_ =	shalt  }
0x80: {  	_ =	shalt  }
0x81: {  	_ =	shalt  }
0x82: {  	_ =	shalt  }
0x83: {  	_ =	shalt  }
0x84: {  	_ =	shalt  }
0x85: {  	_ =	shalt  }
0x86: {  	_ =	shalt  }
0x87: {  	_ =	shalt  }
.Lfunc_end0:
.L_simem_size_0:
called_computation.2_lowered:
.L_overlay_start_0:
0x88: {  	s2 =	sld [smem:$0x3FD9]  }
0x89: {  	s3 =	sld [smem:$0x3FFE];
	_ =	sdelay $0x1  }
0x8a: {  	s1 =	srdreg.scid  }
0x8b: {  	s0 =	sand.u32 $0x1, s1  }
0x8c: {  	s16 =	sshll.u32 s0, $0xA;
	s2 =	sadd.s32 s3, s2  }
0x8d: {  	s2 =	sadd.s32 s2, s16  }
0x8e: {  	[smem:$0x3FBC] =	sst s2  }
0x8f: {  	_ = 	snop  }
0x90: {  	(tm) =	ssettm $0x1  }
0x91: {  	s17 =	sld [smem:$0x3FFB];
	_ =	sdelay $0x3  }
0x92: {  	_ =	strace s17  }
0x93: {  	s2 =	sld [smem:$0x3FFC];
	_ =	sdelay $0x3  }
0x94: {  	_ =	strace s2  }
0x95: {  	s2 =	sld [smem:$0x3FFD];
	_ =	sdelay $0x3  }
0x96: {  	_ =	strace s2  }
0x97: {  	_ =	strace $0x8FFFFFFF  }
0x98: {  	s18 =	sld [smem:$0x3FDB];
	_ =	sdelay $0x1  }
0x99: {  	s19 =	simm.s32 $_scs_section_size  }
0x9a: {  	s4 =	simm.s32 $_size__tile_overlayer_lowered;
	s5 =	simm.s32 $_tile_overlayer_lowered  }
0x9b: {  	s22 =	simm.s32 $0x1BFF;
	s21 =	sshll.u32 s5, $0x1;
	s2 =	sadd.s32 s19, s18  }
0x9c: {  	s6 =	simm.s32 $0x0;
	s20 =	sshll.u32 s4, $0x1;
	s4 =	sadd.s32 s21, s2  }
0x9d: {  	[timem:s6], [sflag:s22] =	dma.local [hbm:s4], s20  }
0x9e: {  	_ =	swait.ge [sflag:s22], s20  }
0x9f: {  	s3 =	ssub.s32 $0x0, s20;
	[sflag:s22] =	ssyncset.done $0x0  }
0xa0: {  	[sflag:s22] =	ssyncadd.s32 s3;
	_ =	sdelay $0x1  }
0xa1: {  	s23 =	simm.s32 $0x1B8B  }
0xa2: {  	_ =	swait.ge [sflag:s23], $0x1  }
0xa3: {  	[sflag:s23] =	ssyncset.done $0x0  }
0xa4: {  	s25 =	simm.s32 $0x1B8E;
	s24 =	sld [smem:$0x3FFE];
	[sflag:s23] =	ssyncadd.s32 $0xFFFFFFFF  }
0xa5: {  	s26 =	simm.s32 $execute0_lowered;
	[smem:$0x3FD2] =	sst s25  }
0xa6: {  	s4 =	sshll.u32 s26, $0x1;
	_ =	strace $0x8000004C;
	[dreg:$0x1] =	wrdreg $0xFFFFFFFF  }
0xa7: {  	s28 =	simm.s32 $_size_execute0_lowered;
	s2 =	sadd.s32 s2, s4;
	[dreg:$0x0] =	wrdreg $0x0  }
0xa8: {  	s4 =	sshll.u32 s28, $0x1;
	[dreg:$0x2] =	wrdreg s2  }
0xa9: {  	[dreg:$0x3] =	wrdreg s4  }
0xaa: {  	[dreg:$0x4] =	wrdreg $0xC0  }
0xab: {  	_ =	task [dreg:s6], $0x5FFFF  }
0xac: {  	[dreg:$0x1] =	wrdreg $0xFFFFFFFF  }
0xad: {  	[dreg:$0x0] =	wrdreg $0x60  }
0xae: {  	[dreg:$0x2] =	wrdreg s24  }
0xaf: {  	[dreg:$0x3] =	wrdreg $0xC6000  }
0xb0: {  	[dreg:$0x4] =	wrdreg $0x9  }
0xb1: {  	_ =	task.clear_ibuf [dreg:s6], $0x5FFFF;
	_ =	strace $0x9000004C  }
0xb2: {  	s29 =	simm.s32 $0x9;
	_ =	strace $0x8000004E  }
0xb3: {  	_ =	swait.ge [sflag:s29], $0x1  }
0xb4: {  	[sflag:s29] =	ssyncadd.s32 $0xFFFFFFFF  }
0xb5: {  	_ =	strace $0x9000004E  }
0xb6: {  	_ =	sfence  }
0xb7: {  	s30 =	sld [smem:$0x0];
	_ =	sdelay $0x2  }
0xb8: {  	s31 =	sshll.u32 s1, $0xD;
	s1 =	sshrl.u32 s1, $0x2  }
0xb9: {  	s3 =	sand.u32 $0x4000, s31;
	s1 =	sadd.s32 s1, s30  }
0xba: {  	s0 =	sor.u32 s3, s0;
	s1 =	sshll.u32 s1, $0x11  }
0xbb: {  	s0 =	sor.u32 s1, s0  }
0xbc: {  	s0 =	sadd.s32 $0x8F2B, s0  }
0xbd: {  	[sflag:s0] =	ssyncadd.remote.s32 $0x1  }
0xbe: {  	_ =	sfence.sel $0xFFFF  }
0xbf: {  	[dreg:$0x0] =	wrdreg $0xFFFFFFFF;
	(pc) =	sbr.abs _section_cstart, $3  }
0xc0: {  	[dreg:$0x1] =	wrdreg $0xFFFFFFFF  }
0xc1: {  	_ =	task.clear_ibuf [dreg:s6], $0x2FFFF;
	_ =	strace $0x9FFFFFFF  }
0xc2: {  	(tm) =	ssettm $0x7FFFFFFF  }
0xc3: {  	_ =	shalt  }
tec
execute0_lowered:
.L_overlay_start_1:
0x0: {  	(tag) =	ssettag $0x1  }
0x1: {  	s7 =	rddreg [dreg:$0x0]  }
0x2: {  	s1 =	rddreg [dreg:$0x1]  }
0x3: {  	s2 =	simm.s32 $0x0;
	s0 =	srdreg.scid;
	s15 =	stileid.u32  }
0x4: {  	s31 =	simm.s32 $0x1;
	s28 =	simm.s32 $0x3;
	s30 =	simm.s32 $0xC  }
0x5: {  	[smem:$0x7FF] =	sst s2;
	s8 =	sand.u32 $0x1, s0;
	s12 =	smul.u32 $0x4E000, s15  }
0x6: {  	s4 =	sadd.s32 $0x16200, s7;
	s6 =	sadd.s32 $0x2800, s7;
	s19 =	smul.u32 $0x2700, s15  }
0x7: {  	s21 =	sadd.s32 $0x124800, s1;
	_ =	strace $0x8000004D;
	s0 =	sshll.u32 s8, $0x4  }
0x8: {  	s3 =	ssub.s32 $0x2, s8;
	[dreg:$0x17] =	wrdreg s21;
	s14 =	smul.u32 $0x27000, s8  }
0x9: {  	s5 =	sor.u32 s15, s0;
	s0 =	sadd.s32 $0x3D400, s7;
	s10 =	sshrl.u32 s3, $0x1  }
0xa: {  	s18 =	sshrl.u32 s12, $0x2;
	s20 =	sadd.s32 s4, s19;
	s7 =	sadd.s32 $0x3AB00, s7  }
0xb: {  	s9 =	smul.u32 $0x4E, s5;
	s11 =	smin.u32 s5, $0x4;
	s3 =	ssub.s32 s3, s10  }
0xc: {  	p0 =	slt.u32 s5, $0x4;
	s5 =	simm.s32 $0x4F;
	[dreg:$0x16] =	wrdreg s20  }
0xd: {  	s10 =	sadd.s32 s18, s1;
	[dreg:$0x18] =	wrdreg s7;
	s7 =	simm.s32 $0x540  }
0xe: {  	s5 =	simm.s32 @!p0 $0x4E;
	[dreg:$0x15] =	wrdreg s10;
	s7 =	simm.s32 @!p0 $0x4E0  }
0xf: {  	s17 =	sshll.u32 s11, $0x7;
	s3 =	smax.u32 s3, $0x1;
	[dreg:$0x8] =	wrdreg s7  }
0x10: {  	p0 =	seq.s32 s15, $0xF;
	s26 =	sadd.s32 $0xFFFFFFFF, s5;
	[smem:$0x7FD] =	sst s3  }
0x11: {  	s9 =	sadd.s32 s11, s9;
	s10 =	sadd.s32 $0xFFFFFFFE, s5;
	[dreg:$0x3] =	wrdreg s26  }
0x12: {  	s13 =	sadd.s32 $0xFFFFFFFD, s5;
	s16 =	sadd.s32 $0xFFFFFFFC, s5;
	[dreg:$0x4] =	wrdreg s10  }
0x13: {  	s21 =	sadd.s32 $0xFFFFFFFB, s5;
	s9 =	sshll.u32 s9, $0x4;
	[dreg:$0x5] =	wrdreg s13  }
0x14: {  	s3 =	simm.s32 $0x2;
	[dreg:$0x6] =	wrdreg s16;
	s9 =	sadd.s32 s6, s9  }
0x15: {  	s13 =	smul.u32 $0x4E0, s8;
	[dreg:$0x7] =	wrdreg s21;
	s22 =	sadd.s32 $0x9C40, s9  }
0x16: {  	s10 =	sadd.s32 s19, s14;
	s23 =	sadd.s32 $0x10, s9;
	[dreg:$0x19] =	wrdreg s22  }
0x17: {  	s14 =	smul.u32 $0x4E, s15;
	s24 =	sadd.s32 $0x9C50, s9;
	[dreg:$0x1a] =	wrdreg s23  }
0x18: {  	s8 =	smul.u32 $0x138800, s8;
	s25 =	sadd.s32 $0x20, s9;
	[dreg:$0x1b] =	wrdreg s24  }
0x19: {  	s7 =	sadd.s32 s17, s10;
	s29 =	sadd.s32 $0x9C60, s9;
	[dreg:$0x1c] =	wrdreg s25  }
0x1a: {  	s18 =	sadd.s32 $0x30, s9;
	s19 =	sadd.s32 $0x9C70, s9;
	[dreg:$0x1d] =	wrdreg s29  }
0x1b: {  	s20 =	sadd.s32 s14, s13;
	s26 =	sadd.s32 $0x4E680, s7;
	[dreg:$0x1e] =	wrdreg s18  }
0x1c: {  	s21 =	sadd.s32 $0x40, s9;
	[dreg:$0x1f] =	wrdreg s19;
	s10 =	sadd.s32 s11, s20  }
0x1d: {  	s22 =	sadd.s32 $0x4E780, s7;
	s23 =	sadd.s32 $0x4E700, s7;
	[smem:$0x7F7] =	sst s21  }
0x1e: {  	s11 =	sshrl.u32 s22, $0x3;
	s10 =	sshll.u32 s10, $0x4;
	s22 =	sadd.s32 $0x9C80, s9  }
0x1f: {  	s12 =	sshrl.u32 s23, $0x3;
	s11 =	sadd.s32 s11, s6;
	[smem:$0x7F8] =	sst s22  }
0x20: {  	s10 =	sadd.s32 s10, s6;
	s25 =	sadd.s32 s12, s6;
	[dreg:$0x9] =	wrdreg s11  }
0x21: {  	s12 =	sshrl.u32 s26, $0x3;
	s26 =	sadd.s32 $0x9C90, s9;
	[dreg:$0xb] =	wrdreg s25  }
0x22: {  	s13 =	sadd.s32 $0x4E600, s7;
	s24 =	sadd.s32 $0xB0, s10;
	[smem:$0x7FB] =	sst s26  }
0x23: {  	s17 =	sadd.s32 $0x4E580, s7;
	s29 =	sadd.s32 $0xA0, s10;
	[dreg:$0xa] =	wrdreg s24  }
0x24: {  	s19 =	smul.u32 $0x13800, s15;
	s12 =	sadd.s32 s12, s6;
	[dreg:$0xc] =	wrdreg s29  }
0x25: {  	s7 =	sadd.s32 $0x4E500, s7;
	s14 =	sadd.s32 $0x90, s10;
	[dreg:$0xd] =	wrdreg s12  }
0x26: {  	s7 =	sshrl.u32 s7, $0x3;
	s18 =	sadd.s32 $0x80, s10;
	[dreg:$0xe] =	wrdreg s14  }
0x27: {  	s20 =	sadd.s32 $0x70, s10;
	s11 =	sadd.s32 s19, s8;
	[dreg:$0x10] =	wrdreg s18  }
0x28: {  	s25 =	sadd.s32 $0x50, s9;
	s26 =	simm.s32 $0x80;
	[dreg:$0x12] =	wrdreg s20  }
0x29: {  	s12 =	sshrl.u32 s13, $0x3;
	[smem:$0x7FA] =	sst s25;
	s29 =	sadd.s32 $0x60, s10  }
0x2a: {  	s11 =	sshrl.u32 s11, $0x3;
	s16 =	sadd.s32 s12, s6;
	[dreg:$0x14] =	wrdreg s29  }
0x2b: {  	s12 =	sshrl.u32 s17, $0x3;
	s23 =	sadd.s32 s0, s11;
	[dreg:$0xf] =	wrdreg s16  }
0x2c: {  	s24 =	sshrl.u32 s8, $0x3;
	s12 =	sadd.s32 s12, s6;
	[smem:$0x7F9] =	sst s23  }
0x2d: {  	s0 =	sadd.s32 s0, s24;
	s6 =	sadd.s32 s7, s6;
	[dreg:$0x11] =	wrdreg s12  }
0x2e: {  	s25 =	simm.s32 $0xB;
	s0 =	sadd.s32 $0x24900, s0;
	[dreg:$0x13] =	wrdreg s6  }
0x2f: {  	[smem:$0x7FC] =	sst s0;
	s0 =	simm.s32 $0xA;
	s6 =	simm.s32 $0x0  }
.LBB2_1:
0x30: {  	s7 =	rddreg [dreg:$0x17]  }
0x31: {  	s8 =	simm.s32 @p0 $0x1FCD;
	s10 =	rddreg [dreg:$0x18];
	s7 =	sshrl.u32 @p0 s7, $0x3  }
0x32: {  	[spmem:s7], [sflag:s8] =	dma.local @p0 [hbm:s10], $0x2800  }
0x33: {  	s8 =	simm.s32 @p0 $0xD  }
0x34: {  	s10 =	stileid.u32;
	_ =	swait.ge @p0 [sflag:s8], $0x2800  }
0x35: {  	s10 =	sshll.u32 @!p0 s10, $0x6;
	[sflag:s8] =	ssyncset.done @p0 $0x0  }
0x36: {  	[sflag:s8] =	ssyncadd.s32 @p0 $0xFFFFD800;
	s8 =	sor.u32 @!p0 $0x1C0D, s10;
	s10 =	rddreg [dreg:$0x15]  }
0x37: {  	s11 =	rddreg [dreg:$0x16];
	s10 =	sshrl.u32 @!p0 s10, $0x3  }
0x38: {  	[spmem:s10], [sflag:s8] =	dma.local @!p0 [hbm:s11], $0x2700  }
0x39: {  	s11 =	simm.s32 @!p0 $0xD  }
0x3a: {  	_ =	swait.ge @!p0 [sflag:s11], $0x2700  }
0x3b: {  	[sflag:s11] =	ssyncset.done @!p0 $0x0  }
0x3c: {  	[sflag:s11] =	ssyncadd.s32 @!p0 $0xFFFFD900  }
0x3d: {  	[bflag:$0x0] =	sbarrier.arrive $0xFFFF  }
0x3e: {  	[tilespmem:s2], [sflag:$0x1] =	stream.linear.gather [hbm4b:s9+s2], $0x80, $0x38;
	[tilespmem:$0x1FE80] =	vst v63  }
0x3f: {  	s18 =	rddreg [dreg:$0x19]  }
0x40: {  	s12 =	simm.s32 $0x300;
	s19 =	rddreg [dreg:$0x1a]  }
0x41: {  	[tilespmem:s12], [sflag:$0x1] =	stream.linear.gather [hbm4b:s18+s2], $0x80, $0x38;
	[tilespmem:$0x1FE80] =	vst v63  }
0x42: {  	s20 =	rddreg [dreg:$0x1b]  }
0x43: {  	[tilespmem:s26], [sflag:$0x2] =	stream.linear.gather [hbm4b:s19+s2], $0x80, $0x38;
	[tilespmem:$0x1FE80] =	vst v63  }
0x44: {  	s21 =	simm.s32 $0x380;
	s22 =	rddreg [dreg:$0x1c]  }
0x45: {  	[tilespmem:s21], [sflag:$0x2] =	stream.linear.gather [hbm4b:s20+s2], $0x80, $0x38;
	[tilespmem:$0x1FE80] =	vst v63  }
0x46: {  	s23 =	rddreg [dreg:$0x1d];
	s12 =	simm.s32 $0x100  }
0x47: {  	[tilespmem:s12], [sflag:$0x3] =	stream.linear.gather [hbm4b:s22+s2], $0x80, $0x38;
	[tilespmem:$0x1FE80] =	vst v63  }
0x48: {  	s13 =	simm.s32 $0x400;
	s24 =	rddreg [dreg:$0x1e]  }
0x49: {  	[tilespmem:s13], [sflag:$0x3] =	stream.linear.gather [hbm4b:s23+s2], $0x80, $0x38;
	[tilespmem:$0x1FE80] =	vst v63  }
0x4a: {  	s29 =	simm.s32 $0x180;
	s15 =	sld [smem:$0x7F7]  }
0x4b: {  	[tilespmem:s29], [sflag:$0x4] =	stream.linear.gather [hbm4b:s24+s2], $0x80, $0x38;
	[tilespmem:$0x1FE80] =	vst v63  }
0x4c: {  	s14 =	simm.s32 $0x480;
	s13 =	rddreg [dreg:$0x1f]  }
0x4d: {  	[tilespmem:s14], [sflag:$0x4] =	stream.linear.gather [hbm4b:s13+s2], $0x80, $0x38;
	[tilespmem:$0x1FE80] =	vst v63  }
0x4e: {  	s16 =	simm.s32 $0x200;
	s17 =	sld [smem:$0x7F8]  }
0x4f: {  	[tilespmem:s16], [sflag:$0x5] =	stream.linear.gather [hbm4b:s15+s2], $0x80, $0x38;
	[tilespmem:$0x1FE80] =	vst v63  }
0x50: {  	s18 =	simm.s32 $0x500;
	s19 =	sld [smem:$0x7FA]  }
0x51: {  	[tilespmem:s18], [sflag:$0x5] =	stream.linear.gather [hbm4b:s17+s2], $0x80, $0x38;
	[tilespmem:$0x1FE80] =	vst v63  }
0x52: {  	s20 =	simm.s32 $0x280;
	s21 =	sld [smem:$0x7FB]  }
0x53: {  	[tilespmem:s20], [sflag:$0x6] =	stream.linear.gather [hbm4b:s19+s2], $0x80, $0x38;
	[tilespmem:$0x1FE80] =	vst v63  }
0x54: {  	s22 =	simm.s32 $0x580  }
0x55: {  	[tilespmem:s22], [sflag:$0x6] =	stream.linear.gather [hbm4b:s21+s2], $0x80, $0x38;
	[tilespmem:$0x1FE80] =	vst v63  }
0x56: {  	_ =	swait.ge [sflag:s31], $0x80  }
0x57: {  	[sflag:s31] =	ssyncset.done $0x0  }
0x58: {  	[sflag:s31] =	ssyncadd.s32 $0xFFFFFF80  }
0x59: {  	_ =	swait.ge [sflag:s31], $0x80  }
0x5a: {  	[sflag:s31] =	ssyncset.done $0x0  }
0x5b: {  	s23 =	simm.s32 $0x600;
	[sflag:s31] =	ssyncadd.s32 $0xFFFFFF80  }
0x5c: {  	[tilespmem:s23], [sflag:$0x7] =	stream.indirect.gather [hbm4b:s4+s26], $0x80, s2, s26, $0xb8;
	[tilespmem:$0x1FE80] =	vst v63  }
0x5d: {  	_ =	swait.ge [sflag:s3], $0x80  }
0x5e: {  	[sflag:s3] =	ssyncset.done $0x0  }
0x5f: {  	[sflag:s3] =	ssyncadd.s32 $0xFFFFFF80  }
0x60: {  	_ =	swait.ge [sflag:s3], $0x80  }
0x61: {  	[sflag:s3] =	ssyncset.done $0x0  }
0x62: {  	s24 =	simm.s32 $0x4600;
	[sflag:s3] =	ssyncadd.s32 $0xFFFFFF80  }
0x63: {  	[tilespmem:s24], [sflag:$0x8] =	stream.indirect.gather [hbm4b:s4+s26], $0x80, s26, s26, $0xb8;
	[tilespmem:$0x1FE80] =	vst v63  }
0x64: {  	_ =	swait.ge [sflag:s28], $0x80  }
0x65: {  	[sflag:s28] =	ssyncset.done $0x0  }
0x66: {  	[sflag:s28] =	ssyncadd.s32 $0xFFFFFF80  }
0x67: {  	_ =	swait.ge [sflag:s28], $0x80  }
0x68: {  	[sflag:s28] =	ssyncset.done $0x0  }
0x69: {  	s29 =	simm.s32 $0x8600;
	[sflag:s28] =	ssyncadd.s32 $0xFFFFFF80  }
0x6a: {  	[tilespmem:s29], [sflag:$0x9] =	stream.indirect.gather [hbm4b:s4+s26], $0x80, s12, s26, $0xb8;
	[tilespmem:$0x1FE80] =	vst v63  }
0x6b: {  	s11 =	simm.s32 $0x0;
	s12 =	simm.s32 $0x0  }
.LBB2_2:
0x6c: {  	p1 =	sge.u32 s12, s5  }
0x6d: {  	s13 =	simm.s32 @!p1 $0x7  }
0x6e: {  	_ =	swait.ge @!p1 [sflag:s13], $0x4000  }
0x6f: {  	s14 =	simm.s32 @!p1 $0x80;
	s15 =	simm.s32 @!p1 $0x300;
	[sflag:s13] =	ssyncset.done @!p1 $0x0  }
0x70: {  	s16 =	simm.s32 @!p1 $0x600;
	s19 =	rddreg [dreg:$0x3];
	[sflag:s13] =	ssyncadd.s32 @!p1 $0xFFFFC000  }
0x71: {  	[spmem:s1] =	stream.indirect.scatter.add.f32 @!p1 [tilespmem:s16], [sflag:$0xA], $0x80, s15, s14, $0xb8;
	[tilespmem:$0x1FE80] =	vst v63  }
0x72: {  	p1 =	sge.u32 s12, s19  }
0x73: {  	s13 =	simm.s32 @!p1 $0x8  }
0x74: {  	_ =	swait.ge @!p1 [sflag:s13], $0x4000  }
0x75: {  	s14 =	simm.s32 @!p1 $0x80;
	s15 =	simm.s32 @!p1 $0x380;
	[sflag:s13] =	ssyncset.done @!p1 $0x0  }
0x76: {  	s16 =	simm.s32 @!p1 $0x4600;
	s20 =	rddreg [dreg:$0x4];
	[sflag:s13] =	ssyncadd.s32 @!p1 $0xFFFFC000  }
0x77: {  	[spmem:s1] =	stream.indirect.scatter.add.f32 @!p1 [tilespmem:s16], [sflag:$0xB], $0x80, s15, s14, $0xb8;
	[tilespmem:$0x1FE80] =	vst v63  }
0x78: {  	p1 =	sge.u32 s12, s20  }
0x79: {  	s13 =	simm.s32 @!p1 $0x9  }
0x7a: {  	s14 =	simm.s32 @!p1 $0x80;
	_ =	swait.ge @!p1 [sflag:s13], $0x4000  }
0x7b: {  	s15 =	simm.s32 @!p1 $0x400;
	[sflag:s13] =	ssyncset.done @!p1 $0x0;
	s21 =	rddreg [dreg:$0x5]  }
0x7c: {  	s16 =	simm.s32 @!p1 $0x8600;
	[sflag:s13] =	ssyncadd.s32 @!p1 $0xFFFFC000;
	p4 =	sge.u32 s12, s21  }
0x7d: {  	[spmem:s1] =	stream.indirect.scatter.add.f32 @!p1 [tilespmem:s16], [sflag:$0xC], $0x80, s15, s14, $0xb8;
	[tilespmem:$0x1FE80] =	vst v63  }
0x7e: {  	s13 =	simm.s32 @!p4 $0xA  }
0x7f: {  	_ =	swait.ge @!p4 [sflag:s13], $0x4000  }
0x80: {  	[sflag:s13] =	ssyncset.done @!p4 $0x0  }
0x81: {  	[sflag:s13] =	ssyncadd.s32 @!p4 $0xFFFFC000;
	s13 =	simm.s32 @!p4 $0x4  }
0x82: {  	_ =	swait.ge @!p4 [sflag:s13], $0x80  }
0x83: {  	[sflag:s13] =	ssyncset.done @!p4 $0x0  }
0x84: {  	[sflag:s13] =	ssyncadd.s32 @!p4 $0xFFFFFF80  }
0x85: {  	_ =	swait.ge @!p4 [sflag:s13], $0x80  }
0x86: {  	s17 =	simm.s32 @!p4 $0x80;
	s18 =	simm.s32 @!p4 $0x600;
	[sflag:s13] =	ssyncset.done @!p4 $0x0  }
0x87: {  	s14 =	rddreg [dreg:$0x14];
	[sflag:s13] =	ssyncadd.s32 @!p4 $0xFFFFFF80;
	s13 =	simm.s32 @!p4 $0x180  }
0x88: {  	[tilespmem:s18], [sflag:$0x7] =	stream.indirect.gather @!p4 [hbm4b:s4+s17], $0x80, s13, s17, $0xb8;
	[tilespmem:$0x1FE80] =	vst v63  }
0x89: {  	s16 =	rddreg [dreg:$0x13];
	s13 =	sadd.s32 $0x6, s12  }
0x8a: {  	s22 =	rddreg [dreg:$0x6];
	p1 =	sge.u32 s13, s5  }
0x8b: {  	p5 =	sge.u32 s12, s22;
	s15 =	sadd.s32 @!p1 s11, s14;
	s14 =	simm.s32 @!p1 $0x0  }
0x8c: {  	[tilespmem:s14], [sflag:$0x1] =	stream.linear.gather @!p1 [hbm4b:s15+s14], $0x80, $0x38;
	[tilespmem:$0x1FE80] =	vst v63  }
0x8d: {  	s16 =	sadd.s32 @!p1 s11, s16;
	s19 =	simm.s32 @!p1 $0x300;
	s15 =	simm.s32 @!p5 $0xB  }
0x8e: {  	[tilespmem:s19], [sflag:$0x1] =	stream.linear.gather @!p1 [hbm4b:s16+s14], $0x80, $0x38;
	[tilespmem:$0x1FE80] =	vst v63  }
0x8f: {  	_ =	swait.ge @!p5 [sflag:s15], $0x4000  }
0x90: {  	[sflag:s15] =	ssyncset.done @!p5 $0x0  }
0x91: {  	[sflag:s15] =	ssyncadd.s32 @!p5 $0xFFFFC000;
	s15 =	simm.s32 @!p5 $0x5  }
0x92: {  	_ =	swait.ge @!p5 [sflag:s15], $0x80  }
0x93: {  	[sflag:s15] =	ssyncset.done @!p5 $0x0  }
0x94: {  	s23 =	sadd.s32 $0x7, s12;
	[sflag:s15] =	ssyncadd.s32 @!p5 $0xFFFFFF80  }
0x95: {  	p2 =	sge.u32 s23, s5;
	s20 =	simm.s32 @!p5 $0x4600;
	_ =	swait.ge @!p5 [sflag:s15], $0x80  }
0x96: {  	s19 =	simm.s32 @!p5 $0x80;
	[sflag:s15] =	ssyncset.done @!p5 $0x0;
	s22 =	rddreg [dreg:$0x11]  }
0x97: {  	s24 =	rddreg [dreg:$0x7];
	[sflag:s15] =	ssyncadd.s32 @!p5 $0xFFFFFF80;
	s15 =	simm.s32 @!p5 $0x200  }
0x98: {  	[tilespmem:s20], [sflag:$0x8] =	stream.indirect.gather @!p5 [hbm4b:s4+s19], $0x80, s15, s19, $0xb8;
	[tilespmem:$0x1FE80] =	vst v63  }
0x99: {  	s21 =	simm.s32 @!p2 $0x0;
	s15 =	rddreg [dreg:$0x12]  }
0x9a: {  	p6 =	sge.u32 s12, s24;
	s16 =	sadd.s32 @!p2 s11, s15;
	s15 =	simm.s32 @!p2 $0x80  }
0x9b: {  	[tilespmem:s15], [sflag:$0x2] =	stream.linear.gather @!p2 [hbm4b:s16+s21], $0x80, $0x38;
	[tilespmem:$0x1FE80] =	vst v63  }
0x9c: {  	s23 =	simm.s32 @!p2 $0x380;
	s22 =	sadd.s32 @!p2 s11, s22;
	s16 =	simm.s32 @!p6 $0xC  }
0x9d: {  	[tilespmem:s23], [sflag:$0x2] =	stream.linear.gather @!p2 [hbm4b:s22+s21], $0x80, $0x38;
	[tilespmem:$0x1FE80] =	vst v63  }
0x9e: {  	_ =	swait.ge @!p6 [sflag:s16], $0x4000  }
0x9f: {  	[sflag:s16] =	ssyncset.done @!p6 $0x0  }
0xa0: {  	[sflag:s16] =	ssyncadd.s32 @!p6 $0xFFFFC000;
	s16 =	simm.s32 @!p6 $0x6  }
0xa1: {  	_ =	swait.ge @!p6 [sflag:s16], $0x80  }
0xa2: {  	[sflag:s16] =	ssyncset.done @!p6 $0x0  }
0xa3: {  	[sflag:s16] =	ssyncadd.s32 @!p6 $0xFFFFFF80  }
0xa4: {  	s29 =	sadd.s32 $0x8, s12;
	_ =	swait.ge @!p6 [sflag:s16], $0x80  }
0xa5: {  	p3 =	sge.u32 s29, s5;
	s21 =	simm.s32 @!p6 $0x80;
	[sflag:s16] =	ssyncset.done @!p6 $0x0  }
0xa6: {  	s22 =	simm.s32 @!p6 $0x8600;
	[sflag:s16] =	ssyncadd.s32 @!p6 $0xFFFFFF80;
	s16 =	simm.s32 @!p6 $0x280  }
0xa7: {  	[tilespmem:s22], [sflag:$0x9] =	stream.indirect.gather @!p6 [hbm4b:s4+s21], $0x80, s16, s21, $0xb8;
	[tilespmem:$0x1FE80] =	vst v63  }
0xa8: {  	s29 =	simm.s32 @!p3 $0x0;
	s16 =	rddreg [dreg:$0x10]  }
0xa9: {  	s23 =	rddreg [dreg:$0xf];
	s24 =	sadd.s32 @!p3 s11, s16;
	s16 =	simm.s32 @!p3 $0x100  }
0xaa: {  	[tilespmem:s16], [sflag:$0x3] =	stream.linear.gather @!p3 [hbm4b:s24+s29], $0x80, $0x38;
	[tilespmem:$0x1FE80] =	vst v63  }
0xab: {  	s23 =	sadd.s32 @!p3 s11, s23;
	s24 =	simm.s32 @!p3 $0x400  }
0xac: {  	[tilespmem:s24], [sflag:$0x3] =	stream.linear.gather @!p3 [hbm4b:s23+s29], $0x80, $0x38;
	[tilespmem:$0x1FE80] =	vst v63  }
0xad: {  	s23 =	simm.s32 @!p4 $0x7  }
0xae: {  	_ =	swait.ge @!p4 [sflag:s23], $0x4000  }
0xaf: {  	[sflag:s23] =	ssyncset.done @!p4 $0x0  }
0xb0: {  	[sflag:s23] =	ssyncadd.s32 @!p4 $0xFFFFC000;
	s23 =	simm.s32 @!p4 $0x480  }
0xb1: {  	[spmem:s1] =	stream.indirect.scatter.add.f32 @!p4 [tilespmem:s18], [sflag:$0xA], $0x80, s23, s17, $0xb8;
	[tilespmem:$0x1FE80] =	vst v63  }
0xb2: {  	s17 =	simm.s32 @!p5 $0x8  }
0xb3: {  	_ =	swait.ge @!p5 [sflag:s17], $0x4000  }
0xb4: {  	[sflag:s17] =	ssyncset.done @!p5 $0x0  }
0xb5: {  	[sflag:s17] =	ssyncadd.s32 @!p5 $0xFFFFC000;
	s17 =	simm.s32 @!p5 $0x500  }
0xb6: {  	[spmem:s1] =	stream.indirect.scatter.add.f32 @!p5 [tilespmem:s20], [sflag:$0xB], $0x80, s17, s19, $0xb8;
	[tilespmem:$0x1FE80] =	vst v63  }
0xb7: {  	s17 =	simm.s32 @!p6 $0x9  }
0xb8: {  	_ =	swait.ge @!p6 [sflag:s17], $0x4000  }
0xb9: {  	[sflag:s17] =	ssyncset.done @!p6 $0x0  }
0xba: {  	[sflag:s17] =	ssyncadd.s32 @!p6 $0xFFFFC000;
	s17 =	simm.s32 @!p6 $0x580  }
0xbb: {  	[spmem:s1] =	stream.indirect.scatter.add.f32 @!p6 [tilespmem:s22], [sflag:$0xC], $0x80, s17, s21, $0xb8;
	[tilespmem:$0x1FE80] =	vst v63  }
0xbc: {  	s17 =	simm.s32 @!p1 $0xA  }
0xbd: {  	_ =	swait.ge @!p1 [sflag:s17], $0x4000  }
0xbe: {  	[sflag:s17] =	ssyncset.done @!p1 $0x0  }
0xbf: {  	[sflag:s17] =	ssyncadd.s32 @!p1 $0xFFFFC000;
	s17 =	simm.s32 @!p1 $0x1  }
0xc0: {  	_ =	swait.ge @!p1 [sflag:s17], $0x80  }
0xc1: {  	[sflag:s17] =	ssyncset.done @!p1 $0x0  }
0xc2: {  	[sflag:s17] =	ssyncadd.s32 @!p1 $0xFFFFFF80  }
0xc3: {  	_ =	swait.ge @!p1 [sflag:s17], $0x80  }
0xc4: {  	[sflag:s17] =	ssyncset.done @!p1 $0x0  }
0xc5: {  	s18 =	simm.s32 @!p1 $0x600;
	[sflag:s17] =	ssyncadd.s32 @!p1 $0xFFFFFF80;
	s17 =	simm.s32 @!p1 $0x80  }
0xc6: {  	[tilespmem:s18], [sflag:$0x7] =	stream.indirect.gather @!p1 [hbm4b:s4+s17], $0x80, s14, s17, $0xb8;
	[tilespmem:$0x1FE80] =	vst v63  }
0xc7: {  	s22 =	sadd.s32 $0x9, s12;
	s14 =	rddreg [dreg:$0xe]  }
0xc8: {  	p1 =	sge.u32 s22, s5;
	s17 =	rddreg [dreg:$0xd]  }
0xc9: {  	s14 =	sadd.s32 @!p1 s11, s14;
	s18 =	simm.s32 @!p1 $0x0;
	s19 =	simm.s32 @!p1 $0x180  }
0xca: {  	[tilespmem:s19], [sflag:$0x4] =	stream.linear.gather @!p1 [hbm4b:s14+s18], $0x80, $0x38;
	[tilespmem:$0x1FE80] =	vst v63  }
0xcb: {  	s14 =	sadd.s32 @!p1 s11, s17;
	s17 =	simm.s32 @!p1 $0x480  }
0xcc: {  	[tilespmem:s17], [sflag:$0x4] =	stream.linear.gather @!p1 [hbm4b:s14+s18], $0x80, $0x38;
	[tilespmem:$0x1FE80] =	vst v63  }
0xcd: {  	s14 =	simm.s32 @!p2 $0xB  }
0xce: {  	_ =	swait.ge @!p2 [sflag:s14], $0x4000  }
0xcf: {  	[sflag:s14] =	ssyncset.done @!p2 $0x0  }
0xd0: {  	[sflag:s14] =	ssyncadd.s32 @!p2 $0xFFFFC000;
	s14 =	simm.s32 @!p2 $0x2  }
0xd1: {  	_ =	swait.ge @!p2 [sflag:s14], $0x80  }
0xd2: {  	[sflag:s14] =	ssyncset.done @!p2 $0x0  }
0xd3: {  	[sflag:s14] =	ssyncadd.s32 @!p2 $0xFFFFFF80  }
0xd4: {  	_ =	swait.ge @!p2 [sflag:s14], $0x80  }
0xd5: {  	s23 =	sadd.s32 $0xA, s12;
	[sflag:s14] =	ssyncset.done @!p2 $0x0  }
0xd6: {  	p1 =	sge.u32 s23, s5;
	[sflag:s14] =	ssyncadd.s32 @!p2 $0xFFFFFF80;
	s14 =	simm.s32 @!p2 $0x4600  }
0xd7: {  	[tilespmem:s14], [sflag:$0x8] =	stream.indirect.gather @!p2 [hbm4b:s4+s15], $0x80, s15, s15, $0xb8;
	[tilespmem:$0x1FE80] =	vst v63  }
0xd8: {  	s17 =	simm.s32 @!p1 $0x0;
	s14 =	rddreg [dreg:$0xc]  }
0xd9: {  	s18 =	simm.s32 @!p1 $0x200;
	s15 =	rddreg [dreg:$0xb];
	s14 =	sadd.s32 @!p1 s11, s14  }
0xda: {  	[tilespmem:s18], [sflag:$0x5] =	stream.linear.gather @!p1 [hbm4b:s14+s17], $0x80, $0x38;
	[tilespmem:$0x1FE80] =	vst v63  }
0xdb: {  	s14 =	sadd.s32 @!p1 s11, s15;
	s15 =	simm.s32 @!p1 $0x500  }
0xdc: {  	[tilespmem:s15], [sflag:$0x5] =	stream.linear.gather @!p1 [hbm4b:s14+s17], $0x80, $0x38;
	[tilespmem:$0x1FE80] =	vst v63  }
0xdd: {  	s14 =	simm.s32 @!p3 $0xC  }
0xde: {  	_ =	swait.ge @!p3 [sflag:s14], $0x4000  }
0xdf: {  	[sflag:s14] =	ssyncset.done @!p3 $0x0  }
0xe0: {  	[sflag:s14] =	ssyncadd.s32 @!p3 $0xFFFFC000;
	s14 =	simm.s32 @!p3 $0x3  }
0xe1: {  	_ =	swait.ge @!p3 [sflag:s14], $0x80  }
0xe2: {  	[sflag:s14] =	ssyncset.done @!p3 $0x0  }
0xe3: {  	[sflag:s14] =	ssyncadd.s32 @!p3 $0xFFFFFF80  }
0xe4: {  	s24 =	sadd.s32 $0xB, s12;
	_ =	swait.ge @!p3 [sflag:s14], $0x80  }
0xe5: {  	s15 =	simm.s32 @!p3 $0x8600;
	[sflag:s14] =	ssyncset.done @!p3 $0x0;
	s12 =	rddreg [dreg:$0x9]  }
0xe6: {  	s29 =	rddreg [dreg:$0x8];
	[sflag:s14] =	ssyncadd.s32 @!p3 $0xFFFFFF80;
	s14 =	simm.s32 @!p3 $0x80  }
0xe7: {  	[tilespmem:s15], [sflag:$0x9] =	stream.indirect.gather @!p3 [hbm4b:s4+s14], $0x80, s16, s14, $0xb8;
	[tilespmem:$0x1FE80] =	vst v63  }
0xe8: {  	p1 =	sge.u32 s24, s5;
	s14 =	rddreg [dreg:$0xa]  }
0xe9: {  	s15 =	simm.s32 @!p1 $0x0;
	s16 =	simm.s32 @!p1 $0x280;
	s14 =	sadd.s32 @!p1 s11, s14  }
0xea: {  	[tilespmem:s16], [sflag:$0x6] =	stream.linear.gather @!p1 [hbm4b:s14+s15], $0x80, $0x38;
	[tilespmem:$0x1FE80] =	vst v63  }
0xeb: {  	s12 =	sadd.s32 @!p1 s11, s12;
	s11 =	sadd.s32 $0x60, s11;
	s14 =	simm.s32 @!p1 $0x580  }
0xec: {  	[tilespmem:s14], [sflag:$0x6] =	stream.linear.gather @!p1 [hbm4b:s12+s15], $0x80, $0x38;
	[tilespmem:$0x1FE80] =	vst v63  }
0xed: {  	p1 =	sne.s32 s29, s11  }
.Ltmp0:
0xee: {  	_ = 	snop;
	(pc) =	sbr.rel @p1 .LBB2_2-.Ltmp0, $2  }
0xef: {  	_ =	sdelay $0x2  }
0xf0: {  	s12 =	smov.u32 s13  }
0xf1: {  	_ =	swait.ge [sflag:s0], $0x4000  }
0xf2: {  	[sflag:s0] =	ssyncset.done $0x0  }
0xf3: {  	[sflag:s0] =	ssyncadd.s32 $0xFFFFC000  }
0xf4: {  	_ =	swait.ge [sflag:s25], $0x4000  }
0xf5: {  	[sflag:s25] =	ssyncset.done $0x0  }
0xf6: {  	[sflag:s25] =	ssyncadd.s32 $0xFFFFC000  }
0xf7: {  	_ =	swait.ge [sflag:s30], $0x4000  }
0xf8: {  	[sflag:s30] =	ssyncset.done $0x0  }
0xf9: {  	[sflag:s30] =	ssyncadd.s32 $0xFFFFC000  }
0xfa: {  	[bflag:$0x0] =	sbarrier.arrive $0xFFFF  }
0xfb: {  	s12 =	sld [smem:$0x7FC];
	_ =	sdelay $0x1  }
0xfc: {  	s11 =	simm.s32 @p0 $0x1FCD  }
0xfd: {  	[hbm:s12], [sflag:s11] =	dma.local @p0 [spmem:s7], $0x2800  }
0xfe: {  	s7 =	simm.s32 @p0 $0xD  }
0xff: {  	_ =	swait.ge @p0 [sflag:s7], $0x2800  }
0x100: {  	[sflag:s7] =	ssyncset.done @p0 $0x0  }
0x101: {  	[sflag:s7] =	ssyncadd.s32 @p0 $0xFFFFD800;
	s7 =	sld [smem:$0x7F9];
	_ =	sdelay $0x2  }
0x102: {  	[hbm:s7], [sflag:s8] =	dma.local @!p0 [spmem:s10], $0x2700  }
0x103: {  	s7 =	simm.s32 @!p0 $0xD  }
0x104: {  	_ =	swait.ge @!p0 [sflag:s7], $0x2700  }
0x105: {  	s29 =	sld [smem:$0x7FD];
	_ =	sdelay $0x1  }
0x106: {  	s6 =	sadd.s32 $0x1, s6  }
0x107: {  	p1 =	sne.s32 s6, s29  }
.Ltmp1:
0x108: {  	_ = 	snop;
	(pc) =	sbr.rel @p1 .LBB2_1-.Ltmp1, $3  }
0x109: {  	_ =	sdelay $0x1  }
0x10a: {  	[sflag:s7] =	ssyncset.done @!p0 $0x0  }
0x10b: {  	[sflag:s7] =	ssyncadd.s32 @!p0 $0xFFFFD900  }
0x10c: {  	_ =	sfence.sel $0x180000  }
0x10d: {  	[bflag:$0x0] =	sbarrier.arrive $0xFFFF  }
0x10e: {  	_ =	strace $0x9000004D  }
0x10f: {  	s0 =	stileid.u32;
	[bflag:$0x2] =	sbarrier.arrive $0xFFFF  }
0x110: {  	p0 =	sne.s32 s0, $0x0;
	s0 =	rddreg [dreg:$0x2]  }
0x111: {  	s0 =	sadd.s32 @!p0 $0x100000, s0  }
0x112: {  	[sflag:s0] =	ssyncadd.tile.s32 @!p0 $0x1;
	_ =	shalt  }
.Lfunc_end2:
_tile_overlayer_lowered:
.L_overlay_start_2:
0x113: {  	(tag) =	ssettag $0x2  }
0x114: {  	s0 =	rddreg [dreg:$0x0];
	s2 =	stileid.u32  }
0x115: {  	s1 =	rddreg [dreg:$0x1];
	p0 =	sne.s32 s2, $0x0  }
0x116: {  	s3 =	rddreg [dreg:$0x2];
	[bflag:$0x3] =	sbarrier.arrive $0xFFFF;
	s2 =	simm.s32 @!p0 $0x1C0D  }
0x117: {  	[timem:s3], [sflag:s2] =	dma.local @!p0 [hbm:s0], s1  }
0x118: {  	s0 =	simm.s32 @!p0 $0xD  }
0x119: {  	_ =	swait.ge @!p0 [sflag:s0], s1  }
0x11a: {  	s1 =	ssub.s32 @!p0 $0x0, s1;
	[sflag:s0] =	ssyncset.done @!p0 $0x0  }
0x11b: {  	[sflag:s0] =	ssyncadd.s32 @!p0 s1  }
0x11c: {  	[bflag:$0x3] =	sbarrier.arrive $0xFFFF  }
0x11d: {  	_ =	shalt  }

// kernel: kernel.9.cloned.1.call-start
scs
__scs_entry_jumppad:
0x0: {  	(pc) =	sbr.rel $0x88, $3  }
0x1: {  	(tag) =	ssettag $0x0;
	lr =	simm.s32 $0x1  }
0x2: {  	[smem:$0x3F95] =	sst lr;
	_ =	strace $0xD0000000  }
0x3: {  	_ = 	snop  }
0x4: {  	_ = 	snop  }
0x5: {  	_ = 	snop  }
0x6: {  	_ = 	snop  }
0x7: {  	_ = 	snop  }
__scs_overlays_trampoline_lowered:
0x8: {  	[smem:$0x3FA4] =	sst s0  }
0x9: {  	[smem:$0x3FA5] =	sst s1  }
0xa: {  	[smem:$0x3FA6] =	sst s2  }
0xb: {  	[smem:$0x3FA7] =	sst s3  }
0xc: {  	[smem:$0x3FA8] =	sst s4  }
0xd: {  	[smem:$0x3FA9] =	sst s5  }
0xe: {  	[smem:$0x3FAA] =	sst s6  }
0xf: {  	[smem:$0x3FAB] =	sst s7  }
0x10: {  	[smem:$0x3FAC] =	sst s8  }
0x11: {  	[smem:$0x3FAD] =	sst s9;
	s0 =	simm.s32 @!p0 $0x0  }
0x12: {  	s1 =	sld [smem:$0x3F93];
	s0 =	simm.s32 @p0 $0x1  }
0x13: {  	[smem:$0x3FAE] =	sst s0;
	s0 =	simm.s32 @!p1 $0x0  }
0x14: {  	s2 =	sld [smem:$0x3F92];
	s0 =	simm.s32 @p1 $0x1  }
0x15: {  	[smem:$0x3FAF] =	sst s0;
	s0 =	simm.s32 @!p2 $0x0  }
0x16: {  	s3 =	sld [smem:$0x3FDB];
	s0 =	simm.s32 @p2 $0x1  }
0x17: {  	s4 =	simm.s32 $0x1BF5;
	[smem:$0x3FB1] =	sst s0  }
0x18: {  	s0 =	sld [smem:$0x3F94];
	_ =	swait.ge [sflag:s4], $0x0  }
0x19: {  	s7 =	sld [smem:$0x3F95]  }
0x1a: {  	s8 =	sadd.s32 $0xFFFFE003, lr  }
0x1b: {  	s9 =	sadd.s32 $0xFFFFFEF7, lr;
	s5 =	simm.s32 $0xFFFFFFFF;
	p2 =	slt.u32 s8, $0xFFFFF086  }
0x1c: {  	p1 =	slt.u32 s9, $0xF7A;
	s5 =	simm.s32 @!p2 $0x0  }
0x1d: {  	s5 =	simm.s32 @p1 $0x1;
	p0 =	seq.s32 s7, s2  }
0x1e: {  	s7 =	smul.u32 @!p0 $0xF7A, s2;
	p2 =	seq.s32 @!p0 s5, $0x0  }
0x1f: {  	s9 =	smul.u32 $0xF7A, s1;
	s8 =	simm.s32 @!p0 $0x1BF5;
	p2 =	por !p2, p0  }
0x20: {  	[sflag:s8] =	ssyncset.s32 @!p0 $0xFFFFF086;
	s6 =	sadd.s32 @!p0 s3, s7;
	s7 =	simm.s32 @!p0 $0x108  }
0x21: {  	s3 =	sadd.s32 s3, s9;
	s6 =	sadd.s32 @!p0 $0x88, s6;
	s7 =	simm.s32 @p2 $0x1082  }
0x22: {  	[simem:s7], [sflag:s8] =	dma.local @!p0 [hbm:s6], $0xF7A  }
0x23: {  	s9 =	sor.u32 $0xD0000000, s2;
	s6 =	simm.s32 $0x108;
	_ =	swait.ge @!p0 [sflag:s8], $0x0  }
0x24: {  	s3 =	sadd.s32 $0x88, s3;
	s6 =	simm.s32 @!p1 $0x1082;
	[sflag:s4] =	ssyncset.s32 $0xFFFFF086  }
0x25: {  	[simem:s6], [sflag:s4] =	dma.local [hbm:s3], $0xF7A  }
0x26: {  	[smem:$0x3F95] =	sst s1;
	(tag) =	ssettag s2;
	_ =	strace s9  }
0x27: {  	s1 =	sld [smem:$0x3FA5]  }
0x28: {  	s2 =	sld [smem:$0x3FA6]  }
0x29: {  	s4 =	sld [smem:$0x3FA8]  }
0x2a: {  	p0 =	seq.s32 s5, $0x0;
	s5 =	sld [smem:$0x3FA9]  }
0x2b: {  	s6 =	sld [smem:$0x3FAA]  }
0x2c: {  	s7 =	sld [smem:$0x3FAB]  }
0x2d: {  	s3 =	simm.s32 $0x108;
	s8 =	sld [smem:$0x3FAC]  }
0x2e: {  	s3 =	simm.s32 @!p0 $0x1082;
	s9 =	sld [smem:$0x3FAD]  }
0x2f: {  	lr =	sadd.s32 s0, s3;
	s0 =	sld [smem:$0x3FA4]  }
0x30: {  	s3 =	sld [smem:$0x3FA7]  }
0x31: {  	[smem:$0x3FB0] =	sst s10  }
0x32: {  	s10 =	sld [smem:$0x3FAE];
	_ =	sdelay $0x3  }
0x33: {  	p0 =	seq.s32 s10, $0x1;
	s10 =	sld [smem:$0x3FB0];
	_ =	sdelay $0x3  }
0x34: {  	[smem:$0x3FB0] =	sst s10  }
0x35: {  	s10 =	sld [smem:$0x3FAF];
	_ =	sdelay $0x3  }
0x36: {  	p1 =	seq.s32 s10, $0x1;
	s10 =	sld [smem:$0x3FB0];
	_ =	sdelay $0x3  }
0x37: {  	[smem:$0x3FB0] =	sst s10  }
0x38: {  	s10 =	sld [smem:$0x3FB1]  }
0x39: {  	_ = 	snop;
	(pc) =	sbr.ind lr, $3  }
0x3a: {  	_ = 	snop  }
0x3b: {  	_ = 	snop  }
0x3c: {  	p2 =	seq.s32 s10, $0x1;
	s10 =	sld [smem:$0x3FB0]  }
0x3d: {  	_ =	shalt  }
0x3e: {  	_ =	shalt  }
0x3f: {  	_ =	shalt  }
0x40: {  	_ =	shalt  }
0x41: {  	_ =	shalt  }
0x42: {  	_ =	shalt  }
0x43: {  	_ =	shalt  }
0x44: {  	_ =	shalt  }
0x45: {  	_ =	shalt  }
0x46: {  	_ =	shalt  }
0x47: {  	_ =	shalt  }
0x48: {  	_ =	shalt  }
0x49: {  	_ =	shalt  }
0x4a: {  	_ =	shalt  }
0x4b: {  	_ =	shalt  }
0x4c: {  	_ =	shalt  }
0x4d: {  	_ =	shalt  }
0x4e: {  	_ =	shalt  }
0x4f: {  	_ =	shalt  }
0x50: {  	_ =	shalt  }
0x51: {  	_ =	shalt  }
0x52: {  	_ =	shalt  }
0x53: {  	_ =	shalt  }
0x54: {  	_ =	shalt  }
0x55: {  	_ =	shalt  }
0x56: {  	_ =	shalt  }
0x57: {  	_ =	shalt  }
0x58: {  	_ =	shalt  }
0x59: {  	_ =	shalt  }
0x5a: {  	_ =	shalt  }
0x5b: {  	_ =	shalt  }
0x5c: {  	_ =	shalt  }
0x5d: {  	_ =	shalt  }
0x5e: {  	_ =	shalt  }
0x5f: {  	_ =	shalt  }
0x60: {  	_ =	shalt  }
0x61: {  	_ =	shalt  }
0x62: {  	_ =	shalt  }
0x63: {  	_ =	shalt  }
0x64: {  	_ =	shalt  }
0x65: {  	_ =	shalt  }
0x66: {  	_ =	shalt  }
0x67: {  	_ =	shalt  }
0x68: {  	_ =	shalt  }
0x69: {  	_ =	shalt  }
0x6a: {  	_ =	shalt  }
0x6b: {  	_ =	shalt  }
0x6c: {  	_ =	shalt  }
0x6d: {  	_ =	shalt  }
0x6e: {  	_ =	shalt  }
0x6f: {  	_ =	shalt  }
0x70: {  	_ =	shalt  }
0x71: {  	_ =	shalt  }
0x72: {  	_ =	shalt  }
0x73: {  	_ =	shalt  }
0x74: {  	_ =	shalt  }
0x75: {  	_ =	shalt  }
0x76: {  	_ =	shalt  }
0x77: {  	_ =	shalt  }
0x78: {  	_ =	shalt  }
0x79: {  	_ =	shalt  }
0x7a: {  	_ =	shalt  }
0x7b: {  	_ =	shalt  }
0x7c: {  	_ =	shalt  }
0x7d: {  	_ =	shalt  }
0x7e: {  	_ =	shalt  }
0x7f: {  	_ =	shalt  }
0x80: {  	_ =	shalt  }
0x81: {  	_ =	shalt  }
0x82: {  	_ =	shalt  }
0x83: {  	_ =	shalt  }
0x84: {  	_ =	shalt  }
0x85: {  	_ =	shalt  }
0x86: {  	_ =	shalt  }
0x87: {  	_ =	shalt  }
.Lfunc_end0:
.L_simem_size_0:
called_computation_lowered:
.L_overlay_start_0:
0x88: {  	s2 =	sld [smem:$0x3FD9]  }
0x89: {  	s3 =	sld [smem:$0x3FFE];
	_ =	sdelay $0x1  }
0x8a: {  	s1 =	srdreg.scid  }
0x8b: {  	s0 =	sand.u32 $0x1, s1  }
0x8c: {  	s17 =	sshll.u32 s0, $0xA;
	s2 =	sadd.s32 s3, s2  }
0x8d: {  	s2 =	sadd.s32 s2, s17  }
0x8e: {  	[smem:$0x3FBC] =	sst s2  }
0x8f: {  	_ = 	snop  }
0x90: {  	s2 =	sld [smem:$0x3FD0];
	(tm) =	ssettm $0x1  }
0x91: {  	s18 =	sld [smem:$0x3FFB];
	_ =	sdelay $0x3  }
0x92: {  	_ =	strace s18  }
0x93: {  	s3 =	sld [smem:$0x3FFC];
	_ =	sdelay $0x3  }
0x94: {  	_ =	strace s3  }
0x95: {  	s3 =	sld [smem:$0x3FFD];
	_ =	sdelay $0x3  }
0x96: {  	_ =	strace s3  }
0x97: {  	_ =	strace $0x8FFFFFFF  }
0x98: {  	s19 =	sld [smem:$0x3FDB];
	_ =	sdelay $0x1  }
0x99: {  	s4 =	simm.s32 $_scs_section_size  }
0x9a: {  	s5 =	simm.s32 $_size__tile_overlayer_lowered;
	s6 =	simm.s32 $_tile_overlayer_lowered  }
0x9b: {  	s22 =	simm.s32 $0x1BFF;
	s21 =	sshll.u32 s6, $0x1;
	s3 =	sadd.s32 s4, s19  }
0x9c: {  	s7 =	simm.s32 $0x0;
	s20 =	sshll.u32 s5, $0x1;
	s5 =	sadd.s32 s21, s3  }
0x9d: {  	[timem:s7], [sflag:s22] =	dma.local [hbm:s5], s20  }
0x9e: {  	_ =	swait.ge [sflag:s22], s20  }
0x9f: {  	s4 =	ssub.s32 $0x0, s20;
	[sflag:s22] =	ssyncset.done $0x0  }
0xa0: {  	[sflag:s22] =	ssyncadd.s32 s4;
	_ =	sdelay $0x1  }
0xa1: {  	s23 =	simm.s32 $0x1B8B  }
0xa2: {  	_ =	swait.ge [sflag:s23], $0x1  }
0xa3: {  	[sflag:s23] =	ssyncset.done $0x0  }
0xa4: {  	s25 =	simm.s32 $0x1B8E;
	s24 =	sld [smem:$0x3FFE];
	[sflag:s23] =	ssyncadd.s32 $0xFFFFFFFF  }
0xa5: {  	s26 =	simm.s32 $execute0_lowered;
	[smem:$0x3FD2] =	sst s25  }
0xa6: {  	s5 =	sshll.u32 s26, $0x1;
	_ =	strace $0x80000046;
	[dreg:$0x1] =	wrdreg $0xFFFFFFFF  }
0xa7: {  	s28 =	simm.s32 $_size_execute0_lowered;
	s3 =	sadd.s32 s3, s5;
	[dreg:$0x0] =	wrdreg $0x0  }
0xa8: {  	s5 =	sshll.u32 s28, $0x1;
	[dreg:$0x2] =	wrdreg s3  }
0xa9: {  	[dreg:$0x3] =	wrdreg s5  }
0xaa: {  	[dreg:$0x4] =	wrdreg $0xC0  }
0xab: {  	_ =	task [dreg:s7], $0x5FFFF  }
0xac: {  	[dreg:$0x1] =	wrdreg $0xFFFFFFFF  }
0xad: {  	[dreg:$0x0] =	wrdreg $0x60  }
0xae: {  	[dreg:$0x2] =	wrdreg s24  }
0xaf: {  	[dreg:$0x3] =	wrdreg s2  }
0xb0: {  	[dreg:$0x4] =	wrdreg $0x42000  }
0xb1: {  	[dreg:$0x5] =	wrdreg $0x9  }
0xb2: {  	_ =	task.clear_ibuf [dreg:s7], $0x6FFFF;
	_ =	strace $0x90000046  }
0xb3: {  	s29 =	simm.s32 $0x9;
	_ =	strace $0x80000048  }
0xb4: {  	_ =	swait.ge [sflag:s29], $0x1  }
0xb5: {  	[sflag:s29] =	ssyncadd.s32 $0xFFFFFFFF  }
0xb6: {  	_ =	strace $0x90000048  }
0xb7: {  	_ =	sfence  }
0xb8: {  	s30 =	sld [smem:$0x0];
	_ =	sdelay $0x2  }
0xb9: {  	s31 =	sshll.u32 s1, $0xD;
	s1 =	sshrl.u32 s1, $0x2  }
0xba: {  	s3 =	sand.u32 $0x4000, s31;
	s1 =	sadd.s32 s1, s30  }
0xbb: {  	s0 =	sor.u32 s3, s0;
	s1 =	sshll.u32 s1, $0x11  }
0xbc: {  	s0 =	sor.u32 s1, s0  }
0xbd: {  	s0 =	sadd.s32 $0x8F2B, s0  }
0xbe: {  	[sflag:s0] =	ssyncadd.remote.s32 $0x1  }
0xbf: {  	_ =	sfence.sel $0xFFFF  }
0xc0: {  	[dreg:$0x0] =	wrdreg $0xFFFFFFFF;
	(pc) =	sbr.abs _section_cstart, $3  }
0xc1: {  	[dreg:$0x1] =	wrdreg $0xFFFFFFFF  }
0xc2: {  	_ =	task.clear_ibuf [dreg:s7], $0x2FFFF;
	_ =	strace $0x9FFFFFFF  }
0xc3: {  	(tm) =	ssettm $0x7FFFFFFF  }
tec
execute0_lowered:
.L_overlay_start_1:
0x0: {  	(tag) =	ssettag $0x1  }
0x1: {  	s0 =	rddreg [dreg:$0x0]  }
0x2: {  	s2 =	rddreg [dreg:$0x2];
	s1 =	srdreg.scid  }
0x3: {  	s4 =	simm.s32 $0x0;
	s17 =	stileid.u32;
	s18 =	simm.s32 $0x200  }
0x4: {  	s19 =	simm.s32 $0x9;
	s28 =	simm.s32 $0x7;
	s29 =	simm.s32 $0x8  }
0x5: {  	s30 =	simm.s32 $0x0;
	s1 =	sand.u32 $0x1, s1;
	s20 =	smul.u32 $0x4E000, s17  }
0x6: {  	[smem:$0x7FF] =	sst s4;
	s7 =	sadd.s32 $0x2800, s0;
	s16 =	smul.u32 $0x13800, s17  }
0x7: {  	s5 =	sadd.s32 $0x16200, s0;
	s0 =	sadd.s32 $0x18A00, s0;
	s25 =	smul.u32 $0x4E0, s17  }
0x8: {  	s14 =	sadd.s32 $0x124800, s2;
	s3 =	sshll.u32 s1, $0x4;
	s15 =	smul.u32 $0x138800, s1  }
0x9: {  	s8 =	ssub.s32 $0x2, s1;
	s1 =	smul.u32 $0x4E00, s1;
	s3 =	sor.u32 s17, s3  }
0xa: {  	_ =	strace $0x80000047;
	s9 =	sshrl.u32 s8, $0x1;
	s6 =	smul.u32 $0x4E, s3  }
0xb: {  	s12 =	smin.u32 s3, $0x4;
	p0 =	slt.u32 s3, $0x4;
	s13 =	ssub.s32 s8, s9  }
0xc: {  	s3 =	sshrl.u32 s20, $0x2;
	s16 =	sadd.s32 s16, s15;
	s15 =	sshrl.u32 s15, $0x3  }
0xd: {  	s1 =	sadd.s32 s1, s7;
	s20 =	simm.s32 $0x80;
	s3 =	sadd.s32 s3, s2  }
0xe: {  	s24 =	sshrl.u32 s16, $0x3;
	s1 =	sadd.s32 s25, s1;
	s26 =	sshll.u32 s12, $0x4  }
0xf: {  	s13 =	smax.u32 s13, $0x1;
	s25 =	simm.s32 $0x5;
	s10 =	sadd.s32 s12, s6  }
0x10: {  	s6 =	simm.s32 $0x4F;
	s31 =	sadd.s32 s26, s1;
	s26 =	simm.s32 $0x6  }
0x11: {  	s6 =	simm.s32 @!p0 $0x4E;
	s21 =	sshll.u32 s10, $0x4;
	p0 =	seq.s32 s17, $0xF  }
0x12: {  	s10 =	sadd.s32 s7, s21;
	s11 =	sadd.s32 $0xFFFFFFFE, s6;
	s23 =	sadd.s32 $0xFFFFFFFD, s6  }
0x13: {  	s1 =	sshll.u32 @!p0 s17, $0x6;
	s17 =	sshrl.u32 @!p0 s3, $0x3;
	s8 =	sadd.s32 $0x9C40, s10  }
0x14: {  	s22 =	sadd.s32 $0x9C50, s10;
	s9 =	sadd.s32 $0x9C60, s10;
	[dreg:$0x4] =	wrdreg s11  }
0x15: {  	s10 =	sadd.s32 $0x9C70, s10;
	[dreg:$0x5] =	wrdreg s23;
	s11 =	sadd.s32 s0, s24  }
0x16: {  	s0 =	sadd.s32 s0, s15;
	s15 =	sshrl.u32 @p0 s14, $0x3;
	s16 =	sor.u32 @!p0 $0x1C09, s1  }
0x17: {  	s23 =	simm.s32 $0x1;
	s24 =	simm.s32 $0x2;
	[dreg:$0x6] =	wrdreg s8  }
0x18: {  	[dreg:$0x7] =	wrdreg s22;
	s12 =	sadd.s32 $0x24900, s0;
	s0 =	sadd.s32 $0x9C80, s31  }
.LBB2_1:
0x19: {  	s1 =	simm.s32 @p0 $0x1FC9  }
0x1a: {  	[spmem:s15], [sflag:s1] =	dma.local @p0 [hbm:s5], $0x2800  }
0x1b: {  	s1 =	simm.s32 @p0 $0x9  }
0x1c: {  	_ =	swait.ge @p0 [sflag:s1], $0x2800  }
0x1d: {  	[sflag:s1] =	ssyncset.done @p0 $0x0  }
0x1e: {  	[sflag:s1] =	ssyncadd.s32 @p0 $0xFFFFD800;
	s1 =	simm.s32 @!p0 $0x9  }
0x1f: {  	[spmem:s17], [sflag:s16] =	dma.local @!p0 [hbm:s5], $0x2700  }
0x20: {  	_ =	swait.ge @!p0 [sflag:s1], $0x2700  }
0x21: {  	[sflag:s1] =	ssyncset.done @!p0 $0x0  }
0x22: {  	[sflag:s1] =	ssyncadd.s32 @!p0 $0xFFFFD900  }
0x23: {  	s1 =	rddreg [dreg:$0x1]  }
0x24: {  	[tilespmem:s18], [sflag:$0x9] =	stream.linear.gather [hbm4b:s1+s4], $0x4000, $0x38;
	[tilespmem:$0x17A80] =	vst v63  }
0x25: {  	_ =	swait.ge [sflag:s19], $0x4000  }
0x26: {  	[sflag:s19] =	ssyncset.done $0x0  }
0x27: {  	[sflag:s19] =	ssyncadd.s32 $0xFFFFC000  }
0x28: {  	[bflag:$0x0] =	sbarrier.arrive $0xFFFF  }
0x29: {  	s7 =	rddreg [dreg:$0x6]  }
0x2a: {  	[tilespmem:s4], [sflag:$0x1] =	stream.linear.gather [hbm4b:s7+s4], $0x80, $0x38;
	[tilespmem:$0x17A80] =	vst v63  }
0x2b: {  	s8 =	rddreg [dreg:$0x7]  }
0x2c: {  	[tilespmem:s20], [sflag:$0x2] =	stream.linear.gather [hbm4b:s8+s4], $0x80, $0x38;
	[tilespmem:$0x17A80] =	vst v63  }
0x2d: {  	s14 =	simm.s32 $0x100  }
0x2e: {  	[tilespmem:s14], [sflag:$0x3] =	stream.linear.gather [hbm4b:s9+s4], $0x80, $0x38;
	[tilespmem:$0x17A80] =	vst v63  }
0x2f: {  	s21 =	simm.s32 $0x180  }
0x30: {  	[tilespmem:s21], [sflag:$0x4] =	stream.linear.gather [hbm4b:s10+s4], $0x80, $0x38;
	[tilespmem:$0x17A80] =	vst v63  }
0x31: {  	_ =	swait.ge [sflag:s23], $0x80  }
0x32: {  	[sflag:s23] =	ssyncset.done $0x0  }
0x33: {  	[sflag:s23] =	ssyncadd.s32 $0xFFFFFF80  }
0x34: {  	[spmem:s2] =	stream.indirect.scatter.add.f32 [tilespmem:s18], [sflag:$0x5], $0x80, s4, s20, $0xb8;
	[tilespmem:$0x17A80] =	vst v63  }
0x35: {  	_ =	swait.ge [sflag:s24], $0x80  }
0x36: {  	[sflag:s24] =	ssyncset.done $0x0;
	s22 =	rddreg [dreg:$0x4]  }
0x37: {  	[sflag:s24] =	ssyncadd.s32 $0xFFFFFF80;
	p1 =	sle.u32 s22, $0x0  }
0x38: {  	[spmem:s2] =	stream.indirect.scatter.add.f32 [tilespmem:s18], [sflag:$0x6], $0x80, s20, s20, $0xb8;
	[tilespmem:$0x17A80] =	vst v63  }
0x39: {  	s1 =	simm.s32 @!p1 $0x3  }
0x3a: {  	s3 =	simm.s32 @!p1 $0x200;
	_ =	swait.ge @!p1 [sflag:s1], $0x80  }
0x3b: {  	s14 =	simm.s32 @!p1 $0x80;
	[sflag:s1] =	ssyncset.done @!p1 $0x0;
	s7 =	rddreg [dreg:$0x5]  }
0x3c: {  	s21 =	simm.s32 @!p1 $0x100;
	[sflag:s1] =	ssyncadd.s32 @!p1 $0xFFFFFF80;
	p2 =	sle.u32 s7, $0x0  }
0x3d: {  	[spmem:s2] =	stream.indirect.scatter.add.f32 @!p1 [tilespmem:s3], [sflag:$0x7], $0x80, s21, s14, $0xb8;
	[tilespmem:$0x17A80] =	vst v63  }
0x3e: {  	s1 =	simm.s32 @!p2 $0x4  }
0x3f: {  	p1 =	sle.u32 s6, $0x4;
	_ =	swait.ge @!p2 [sflag:s1], $0x80  }
0x40: {  	s3 =	simm.s32 @!p2 $0x200;
	s14 =	simm.s32 @!p2 $0x80;
	[sflag:s1] =	ssyncset.done @!p2 $0x0  }
0x41: {  	s21 =	simm.s32 @!p2 $0x180;
	s7 =	simm.s32 @!p1 $0x5;
	[sflag:s1] =	ssyncadd.s32 @!p2 $0xFFFFFF80  }
0x42: {  	[spmem:s2] =	stream.indirect.scatter.add.f32 @!p2 [tilespmem:s3], [sflag:$0x8], $0x80, s21, s14, $0xb8;
	[tilespmem:$0x17A80] =	vst v63  }
0x43: {  	_ =	swait.ge @!p1 [sflag:s7], $0x4000  }
0x44: {  	p2 =	sle.u32 s6, $0x5;
	[sflag:s7] =	ssyncset.done @!p1 $0x0  }
0x45: {  	s1 =	simm.s32 @!p1 $0x0;
	s3 =	simm.s32 @!p2 $0x6;
	[sflag:s7] =	ssyncadd.s32 @!p1 $0xFFFFC000  }
0x46: {  	[tilespmem:s1], [sflag:$0x1] =	stream.linear.gather @!p1 [hbm4b:s0+s1], $0x80, $0x38;
	[tilespmem:$0x17A80] =	vst v63  }
0x47: {  	_ =	swait.ge @!p2 [sflag:s3], $0x4000  }
0x48: {  	s7 =	sadd.s32 @!p2 $0x10, s0;
	s1 =	simm.s32 @!p2 $0x80;
	[sflag:s3] =	ssyncset.done @!p2 $0x0  }
0x49: {  	p1 =	sle.u32 s6, $0x6;
	[sflag:s3] =	ssyncadd.s32 @!p2 $0xFFFFC000;
	s3 =	simm.s32 @!p2 $0x0  }
0x4a: {  	[tilespmem:s1], [sflag:$0x2] =	stream.linear.gather @!p2 [hbm4b:s7+s3], $0x80, $0x38;
	[tilespmem:$0x17A80] =	vst v63  }
0x4b: {  	s31 =	simm.s32 $0x4;
	s14 =	simm.s32 @!p1 $0x7;
	p2 =	sle.u32 s6, $0x7  }
0x4c: {  	s1 =	simm.s32 @!p1 $0x100;
	s3 =	sadd.s32 @!p1 $0x20, s0;
	_ =	swait.ge @!p1 [sflag:s14], $0x4000  }
0x4d: {  	s7 =	simm.s32 @!p1 $0x0;
	s21 =	simm.s32 @!p2 $0x8;
	[sflag:s14] =	ssyncset.done @!p1 $0x0  }
0x4e: {  	s22 =	simm.s32 @!p2 $0x0;
	[sflag:s14] =	ssyncadd.s32 @!p1 $0xFFFFC000;
	s14 =	smov.u32 s0  }
0x4f: {  	[tilespmem:s1], [sflag:$0x3] =	stream.linear.gather @!p1 [hbm4b:s3+s7], $0x80, $0x38;
	[tilespmem:$0x17A80] =	vst v63  }
0x50: {  	s1 =	sadd.s32 @!p2 $0x30, s0;
	s7 =	simm.s32 @!p2 $0x180;
	_ =	swait.ge @!p2 [sflag:s21], $0x4000  }
.LBB2_2:
0x51: {  	[sflag:s21] =	ssyncset.done @!p2 $0x0  }
0x52: {  	[sflag:s21] =	ssyncadd.s32 @!p2 $0xFFFFC000  }
0x53: {  	[tilespmem:s7], [sflag:$0x4] =	stream.linear.gather @!p2 [hbm4b:s1+s22], $0x80, $0x38;
	[tilespmem:$0x17A80] =	vst v63  }
0x54: {  	_ =	swait.ge [sflag:s23], $0x80  }
0x55: {  	[sflag:s23] =	ssyncset.done $0x0  }
0x56: {  	[sflag:s23] =	ssyncadd.s32 $0xFFFFFF80  }
0x57: {  	[spmem:s2] =	stream.indirect.scatter.add.f32 [tilespmem:s18], [sflag:$0x5], $0x80, s4, s20, $0xb8;
	[tilespmem:$0x17A80] =	vst v63  }
0x58: {  	_ =	swait.ge [sflag:s24], $0x80  }
0x59: {  	s3 =	smov.u32 s31;
	[sflag:s24] =	ssyncset.done $0x0;
	s21 =	rddreg [dreg:$0x4]  }
0x5a: {  	[sflag:s24] =	ssyncadd.s32 $0xFFFFFF80;
	p2 =	sge.u32 s3, s21  }
0x5b: {  	[spmem:s2] =	stream.indirect.scatter.add.f32 [tilespmem:s18], [sflag:$0x6], $0x80, s20, s20, $0xb8;
	[tilespmem:$0x17A80] =	vst v63  }
0x5c: {  	s1 =	simm.s32 @!p2 $0x3  }
0x5d: {  	s7 =	simm.s32 @!p2 $0x200;
	_ =	swait.ge @!p2 [sflag:s1], $0x80  }
0x5e: {  	s21 =	simm.s32 @!p2 $0x80;
	[sflag:s1] =	ssyncset.done @!p2 $0x0;
	s8 =	rddreg [dreg:$0x5]  }
0x5f: {  	s22 =	simm.s32 @!p2 $0x100;
	[sflag:s1] =	ssyncadd.s32 @!p2 $0xFFFFFF80;
	p3 =	sge.u32 s3, s8  }
0x60: {  	[spmem:s2] =	stream.indirect.scatter.add.f32 @!p2 [tilespmem:s7], [sflag:$0x7], $0x80, s22, s21, $0xb8;
	[tilespmem:$0x17A80] =	vst v63  }
0x61: {  	s14 =	sadd.s32 $0x40, s14;
	s31 =	sadd.s32 $0x4, s31;
	s1 =	simm.s32 @!p3 $0x4  }
0x62: {  	p1 =	sne.s32 s31, $0x50;
	p2 =	sge.u32 s31, s6;
	_ =	swait.ge @!p3 [sflag:s1], $0x80  }
0x63: {  	s7 =	simm.s32 @!p3 $0x200;
	s21 =	simm.s32 @!p3 $0x80;
	[sflag:s1] =	ssyncset.done @!p3 $0x0  }
0x64: {  	s22 =	simm.s32 @!p3 $0x180;
	s8 =	simm.s32 @!p2 $0x5;
	[sflag:s1] =	ssyncadd.s32 @!p3 $0xFFFFFF80  }
0x65: {  	[spmem:s2] =	stream.indirect.scatter.add.f32 @!p3 [tilespmem:s7], [sflag:$0x8], $0x80, s22, s21, $0xb8;
	[tilespmem:$0x17A80] =	vst v63  }
0x66: {  	s1 =	sadd.s32 $0x5, s3;
	s7 =	simm.s32 @!p2 $0x0;
	_ =	swait.ge @!p2 [sflag:s8], $0x4000  }
0x67: {  	p3 =	sge.u32 s1, s6;
	s22 =	sadd.s32 $0x6, s3;
	[sflag:s8] =	ssyncset.done @!p2 $0x0  }
0x68: {  	s1 =	simm.s32 @!p3 $0x6;
	p4 =	sge.u32 s22, s6;
	[sflag:s8] =	ssyncadd.s32 @!p2 $0xFFFFC000  }
0x69: {  	[tilespmem:s7], [sflag:$0x1] =	stream.linear.gather @!p2 [hbm4b:s14+s7], $0x80, $0x38;
	[tilespmem:$0x17A80] =	vst v63  }
0x6a: {  	s3 =	sadd.s32 $0x7, s3;
	s8 =	simm.s32 @!p4 $0x7;
	_ =	swait.ge @!p3 [sflag:s1], $0x4000  }
0x6b: {  	s7 =	simm.s32 @!p3 $0x80;
	p2 =	sge.u32 s3, s6;
	[sflag:s1] =	ssyncset.done @!p3 $0x0  }
0x6c: {  	s3 =	sadd.s32 @!p3 $0x10, s14;
	[sflag:s1] =	ssyncadd.s32 @!p3 $0xFFFFC000;
	s1 =	simm.s32 @!p3 $0x0  }
0x6d: {  	[tilespmem:s7], [sflag:$0x2] =	stream.linear.gather @!p3 [hbm4b:s3+s1], $0x80, $0x38;
	[tilespmem:$0x17A80] =	vst v63  }
.Ltmp0:
0x6e: {  	s22 =	simm.s32 @!p4 $0x0;
	_ =	swait.ge @!p4 [sflag:s8], $0x4000;
	(pc) =	sbr.rel @p1 .LBB2_2-.Ltmp0, $4  }
0x6f: {  	s21 =	simm.s32 @!p2 $0x8;
	s3 =	simm.s32 @!p4 $0x100;
	[sflag:s8] =	ssyncset.done @!p4 $0x0  }
0x70: {  	s7 =	sadd.s32 @!p4 $0x20, s14;
	s1 =	sadd.s32 @!p2 $0x30, s14;
	[sflag:s8] =	ssyncadd.s32 @!p4 $0xFFFFC000  }
0x71: {  	[tilespmem:s3], [sflag:$0x3] =	stream.linear.gather @!p4 [hbm4b:s7+s22], $0x80, $0x38;
	[tilespmem:$0x17A80] =	vst v63  }
0x72: {  	s22 =	simm.s32 @!p2 $0x0;
	s7 =	simm.s32 @!p2 $0x180;
	_ =	swait.ge @!p2 [sflag:s21], $0x4000  }
0x73: {  	[sflag:s21] =	ssyncset.done @!p2 $0x0  }
0x74: {  	[sflag:s21] =	ssyncadd.s32 @!p2 $0xFFFFC000  }
0x75: {  	[tilespmem:s7], [sflag:$0x4] =	stream.linear.gather @!p2 [hbm4b:s1+s22], $0x80, $0x38;
	[tilespmem:$0x17A80] =	vst v63  }
0x76: {  	_ =	swait.ge [sflag:s25], $0x4000  }
0x77: {  	[sflag:s25] =	ssyncset.done $0x0  }
0x78: {  	[sflag:s25] =	ssyncadd.s32 $0xFFFFC000  }
0x79: {  	_ =	swait.ge [sflag:s26], $0x4000  }
0x7a: {  	[sflag:s26] =	ssyncset.done $0x0  }
0x7b: {  	[sflag:s26] =	ssyncadd.s32 $0xFFFFC000  }
0x7c: {  	_ =	swait.ge [sflag:s28], $0x4000  }
0x7d: {  	[sflag:s28] =	ssyncset.done $0x0  }
0x7e: {  	[sflag:s28] =	ssyncadd.s32 $0xFFFFC000  }
0x7f: {  	_ =	swait.ge [sflag:s29], $0x4000  }
0x80: {  	[sflag:s29] =	ssyncset.done $0x0  }
0x81: {  	[sflag:s29] =	ssyncadd.s32 $0xFFFFC000  }
0x82: {  	s1 =	simm.s32 @p0 $0x1FC9;
	[bflag:$0x0] =	sbarrier.arrive $0xFFFF  }
0x83: {  	[hbm:s12], [sflag:s1] =	dma.local @p0 [spmem:s15], $0x2800  }
0x84: {  	s1 =	simm.s32 @p0 $0x9  }
0x85: {  	s30 =	sadd.s32 $0x1, s30;
	_ =	swait.ge @p0 [sflag:s1], $0x2800  }
0x86: {  	p1 =	sne.s32 s30, s13;
	[sflag:s1] =	ssyncset.done @p0 $0x0  }
.Ltmp1:
0x87: {  	[sflag:s1] =	ssyncadd.s32 @p0 $0xFFFFD800;
	s1 =	simm.s32 @!p0 $0x9;
	(pc) =	sbr.rel @p1 .LBB2_1-.Ltmp1, $4  }
0x88: {  	[hbm:s11], [sflag:s16] =	dma.local @!p0 [spmem:s17], $0x2700  }
0x89: {  	_ =	swait.ge @!p0 [sflag:s1], $0x2700  }
0x8a: {  	[sflag:s1] =	ssyncset.done @!p0 $0x0  }
0x8b: {  	[sflag:s1] =	ssyncadd.s32 @!p0 $0xFFFFD900  }
0x8c: {  	_ =	sfence.sel $0x180000  }
0x8d: {  	[bflag:$0x0] =	sbarrier.arrive $0xFFFF  }
0x8e: {  	_ =	strace $0x90000047  }
0x8f: {  	s0 =	stileid.u32;
	[bflag:$0x2] =	sbarrier.arrive $0xFFFF  }
0x90: {  	p0 =	sne.s32 s0, $0x0;
	s0 =	rddreg [dreg:$0x3]  }
0x91: {  	s0 =	sadd.s32 @!p0 $0x100000, s0  }
0x92: {  	[sflag:s0] =	ssyncadd.tile.s32 @!p0 $0x1;
	_ =	shalt  }
.Lfunc_end2:
_tile_overlayer_lowered:
.L_overlay_start_2:
0x93: {  	(tag) =	ssettag $0x2  }
0x94: {  	s0 =	rddreg [dreg:$0x0];
	s2 =	stileid.u32  }
0x95: {  	s1 =	rddreg [dreg:$0x1];
	p0 =	sne.s32 s2, $0x0  }
0x96: {  	s3 =	rddreg [dreg:$0x2];
	[bflag:$0x3] =	sbarrier.arrive $0xFFFF;
	s2 =	simm.s32 @!p0 $0x1C09  }
0x97: {  	[timem:s3], [sflag:s2] =	dma.local @!p0 [hbm:s0], s1  }
0x98: {  	s0 =	simm.s32 @!p0 $0x9  }
0x99: {  	_ =	swait.ge @!p0 [sflag:s0], s1  }
0x9a: {  	s1 =	ssub.s32 @!p0 $0x0, s1;
	[sflag:s0] =	ssyncset.done @!p0 $0x0  }
0x9b: {  	[sflag:s0] =	ssyncadd.s32 @!p0 s1  }
0x9c: {  	[bflag:$0x3] =	sbarrier.arrive $0xFFFF  }
0x9d: {  	_ =	shalt  }

</sc_bundles>
